<compile_context>
chip_gen: v7x
topology: tpu7x:2x2x1
jax: 0.10.2.dev20260603
libtpu: 0.0.44.dev20260713+nightly
codegen_flags: <defaults>
</compile_context>

<pallas_src>
import functools

import jax
import jax.numpy as jnp
import numpy as np
from jax import lax
from jax.experimental import pallas as pl
from jax.experimental.pallas import tpu as pltpu
from jax.experimental.pallas import tpu_sc as plsc

N = 10000
E = 320000
D = 128
R = 8

NC = 2
NS = 16
NW = NC * NS
L = 16

EP = E // NW
SEG = N * R
MC = 80
ARS = N // NS


_mesh = functools.partial(
    plsc.VectorSubcoreMesh,
    core_axis_name="c",
    subcore_axis_name="s",
    num_cores=NC,
    num_subcores=NS,
)


@functools.partial(
    pl.kernel,
    out_type=jax.ShapeDtypeStruct((NW * SEG,), jnp.float32),
    mesh=_mesh(),
    compiler_params=pltpu.CompilerParams(needs_layout_passes=False),
    scratch_types=[
        pltpu.VMEM((EP,), jnp.int32),
        pltpu.VMEM((EP,), jnp.int32),
        pltpu.VMEM((SEG,), jnp.float32),
    ],
)
def _count_kernel(dst, et, cnt_out, dst_v, et_v, cnt_v):
    c = lax.axis_index("c")
    s = lax.axis_index("s")
    wid = s * NC + c
    base = wid * EP

    def zero(i, _):
        cnt_v[pl.ds(i * L, L)] = jnp.zeros((L,), jnp.float32)
        return 0

    lax.fori_loop(0, SEG // L, zero, 0)
    pltpu.sync_copy(dst.at[pl.ds(base, EP)], dst_v)
    pltpu.sync_copy(et.at[pl.ds(base, EP)], et_v)

    ones16 = jnp.ones((L,), jnp.float32)

    def lane(i, _):
        off = i * L
        d = dst_v[pl.ds(off, L)]
        t = et_v[pl.ds(off, L)]
        plsc.addupdate_scatter(cnt_v, [d * R + t], ones16)
        return 0

    lax.fori_loop(0, EP // L, lane, 0)
    pltpu.sync_copy(cnt_v, cnt_out.at[pl.ds(wid * SEG, SEG)])


NCH = EP // MC


@functools.partial(
    pl.kernel,
    out_type=jax.ShapeDtypeStruct((NC, N, D), jnp.float32),
    mesh=_mesh(),
    compiler_params=pltpu.CompilerParams(needs_layout_passes=False),
    scratch_types=[
        [pltpu.VMEM((MC,), jnp.int32)] * 2,
        [pltpu.VMEM((MC,), jnp.int32)] * 2,
        [pltpu.VMEM((MC,), jnp.int32)] * 2,
        [pltpu.VMEM((MC,), jnp.int32)] * 2,
        [pltpu.VMEM((MC,), jnp.int32)] * 2,
        [pltpu.VMEM((MC,), jnp.int32)] * 2,
        [pltpu.VMEM((MC,), jnp.float32)] * 2,
        [pltpu.VMEM((MC, D), jnp.float32)] * 2,
        pltpu.VMEM_SHARED((N, D), jnp.float32),
        [pltpu.SemaphoreType.DMA] * 2,
        [pltpu.SemaphoreType.DMA] * 2,
    ],
)
def _main_kernel(src, dst, et, h, inv, acc_out, srcb, dstb, etb, idxhb,
                 segb, dstcb, invgb, rowsb, acc_sh, esem, gsem):
    c = lax.axis_index("c")
    s = lax.axis_index("s")
    wid = s * NC + c
    base = wid * EP

    def zrow(i, _):
        for k in range(D // L):
            rowsb[0][i, pl.ds(k * L, L)] = jnp.zeros((L,), jnp.float32)
        return 0

    lax.fori_loop(0, MC, zrow, 0)

    def zchunk(rep, _):
        ck = s + rep * NS

        @pl.when(ck < N // MC)
        def _():
            pltpu.sync_copy(rowsb[0], acc_sh.at[pl.ds(ck * MC, MC)])

        return 0

    lax.fori_loop(0, (N // MC + NS - 1) // NS, zchunk, 0)
    plsc.subcore_barrier()

    def fire_edges(k, b):
        @pl.when(k < NCH)
        def _():
            bk = base + k * MC
            pltpu.async_copy(src.at[pl.ds(bk, MC)], srcb[b], esem[b])
            pltpu.async_copy(dst.at[pl.ds(bk, MC)], dstb[b], esem[b])
            pltpu.async_copy(et.at[pl.ds(bk, MC)], etb[b], esem[b])

    def wait_edges(b):
        pltpu.make_async_copy(src.at[pl.ds(base, MC)], srcb[b], esem[b]).wait()
        pltpu.make_async_copy(dst.at[pl.ds(base, MC)], dstb[b], esem[b]).wait()
        pltpu.make_async_copy(et.at[pl.ds(base, MC)], etb[b], esem[b]).wait()

    def prep_and_fire_gathers(b):
        def lane(i, _):
            off = i * L
            sv = srcb[b][pl.ds(off, L)]
            d = dstb[b][pl.ds(off, L)]
            t = etb[b][pl.ds(off, L)]
            idxhb[b][pl.ds(off, L)] = t * N + sv
            segb[b][pl.ds(off, L)] = d * R + t
            dstcb[b][pl.ds(off, L)] = d
            return 0

        lax.fori_loop(0, MC // L, lane, 0)
        pltpu.async_copy(h.at[idxhb[b]], rowsb[b], gsem[b])
        pltpu.async_copy(inv.at[segb[b]], invgb[b], gsem[b])

    def wait_gathers(b):
        pltpu.make_async_copy(h.at[idxhb[b]], rowsb[b], gsem[b]).wait()
        pltpu.make_async_copy(inv.at[segb[b]], invgb[b], gsem[b]).wait()

    lane_id = lax.iota(jnp.int32, L)

    def consume(b):
        wait_gathers(b)

        def scale(g, _):
            iv16 = invgb[b][pl.ds(g * L, L)]
            for l in range(L):
                e = g * L + l
                sc = jnp.sum(jnp.where(lane_id == l, iv16, 0.0))
                for k in range(D // L):
                    sl = pl.ds(k * L, L)
                    rowsb[b][e, sl] = rowsb[b][e, sl] * sc
            return 0

        lax.fori_loop(0, MC // L, scale, 0)
        pltpu.sync_copy(rowsb[b], acc_sh.at[dstcb[b]], add=True)

    fire_edges(0, 0)
    fire_edges(1, 1)
    wait_edges(0)
    prep_and_fire_gathers(0)

    def pair(j2, _):
        for b in range(2):
            k = j2 * 2 + b
            fire_edges(k + 2, b)
            ob = 1 - b

            @pl.when(k + 1 < NCH)
            def _():
                wait_edges(ob)
                prep_and_fire_gathers(ob)

            @pl.when(k < NCH)
            def _():
                consume(b)
        return 0

    lax.fori_loop(0, (NCH + 1) // 2, pair, 0)
    plsc.subcore_barrier()

    def dchunk(rep, _):
        ck = s + rep * NS

        @pl.when(ck < N // MC)
        def _():
            pltpu.sync_copy(
                acc_sh.at[pl.ds(ck * MC, MC)], acc_out.at[c, pl.ds(ck * MC, MC)]
            )

        return 0

    lax.fori_loop(0, (N // MC + NS - 1) // NS, dchunk, 0)


BN = 1000


def _hall_body(x_ref, w_ref, o_ref):
    o_ref[0] = jnp.dot(x_ref[...], w_ref[0], preferred_element_type=jnp.float32)


_hall = pl.pallas_call(
    _hall_body,
    grid=(R, N // BN),
    in_specs=[
        pl.BlockSpec((BN, D), lambda r, j: (j, 0)),
        pl.BlockSpec((1, D, D), lambda r, j: (r, 0, 0)),
    ],
    out_specs=pl.BlockSpec((1, BN, D), lambda r, j: (r, j, 0)),
    out_shape=jax.ShapeDtypeStruct((R, N, D), jnp.float32),
)

_CNT_ROWS = SEG // 128
BB = 125


def _inv_body(c_ref, o_ref):
    o_ref[...] = 1.0 / jnp.maximum(c_ref[...].sum(axis=0), 1.0)


_invk = pl.pallas_call(
    _inv_body,
    out_shape=jax.ShapeDtypeStruct((_CNT_ROWS, 128), jnp.float32),
)

BF = 2000


def _final_body(x_ref, w_ref, b_ref, a_ref, o_ref):
    o_ref[...] = (
        jnp.dot(x_ref[...], w_ref[...], preferred_element_type=jnp.float32)
        + b_ref[...]
        + a_ref[0]
        + a_ref[1]
    )


_final = pl.pallas_call(
    _final_body,
    grid=(N // BF,),
    in_specs=[
        pl.BlockSpec((BF, D), lambda j: (j, 0)),
        pl.BlockSpec((D, D), lambda j: (0, 0)),
        pl.BlockSpec((1, D), lambda j: (0, 0)),
        pl.BlockSpec((NC, BF, D), lambda j: (0, j, 0)),
    ],
    out_specs=pl.BlockSpec((BF, D), lambda j: (j, 0)),
    out_shape=jax.ShapeDtypeStruct((N, D), jnp.float32),
)


def kernel(x, edge_index, edge_type, W, W_root, bias):
    src = edge_index[0]
    dst = edge_index[1]
    cnt = _count_kernel(dst, edge_type)
    h_all = _hall(x, W).reshape(R * N, D)
    inv = _invk(cnt.reshape(NW, _CNT_ROWS, 128)).reshape(SEG)
    acc = _main_kernel(src, dst, edge_type, h_all, inv)
    return _final(x, W_root, bias.reshape(1, D), acc)

# --- scband reference (transcript-rebuilt; emitter-appended) ---
"""Pipeline reference for scband-mock-gnn-58239756534035 (READ-ONLY COPY).

The authoritative reference and input builder live on the scoring server;
editing this copy changes nothing except your own understanding.
"""

import jax, jax.numpy as jnp
import numpy as np

N = 10000
E = 320000
D_IN = 128
D_OUT = 128
R = 8


def setup_inputs(seed: int = 0) -> dict:
    key = jax.random.key(seed)
    ks = jax.random.split(key, 6)
    x = jax.random.normal(ks[0], (N, D_IN), dtype=jnp.float32)
    edge_index = jax.random.randint(ks[1], (2, E), 0, N, dtype=jnp.int32)
    edge_type = jax.random.randint(ks[2], (E,), 0, R, dtype=jnp.int32)
    W = jax.random.normal(ks[3], (R, D_IN, D_OUT), dtype=jnp.float32) * (1.0 / np.sqrt(D_IN))
    W_root = jax.random.normal(ks[4], (D_IN, D_OUT), dtype=jnp.float32) * (1.0 / np.sqrt(D_IN))
    bias = jnp.zeros((D_OUT,), dtype=jnp.float32)
    return {"x": x, "edge_index": edge_index, "edge_type": edge_type, "W": W, "W_root": W_root, "bias": bias}


def reference(x, edge_index, edge_type, W, W_root, bias):
    # RGCNConv (PyG semantics, no basis/block decomposition, aggr='mean' per relation):
    # out_i = x_i @ W_root + bias + sum_r mean_{j in N_r(i)} x_j @ W_r
    src = edge_index[0]
    dst = edge_index[1]
    # Per-relation transformed node features: [R, N, D_OUT]
    h_all = jnp.einsum('nd,rdo->rno', x, W)
    # Gather message per edge according to its relation type and source node
    msg = h_all[edge_type, src]  # [E, D_OUT]
    # Composite segment id: per (dst node, relation) bucket for per-relation mean
    seg = dst * R + edge_type
    sums = jax.ops.segment_sum(msg, seg, num_segments=N * R)
    cnts = jax.ops.segment_sum(jnp.ones((E,), jnp.float32), seg, num_segments=N * R)
    mean = sums / jnp.maximum(cnts, 1.0)[:, None]
    agg = mean.reshape(N, R, D_OUT).sum(axis=1)
    out = agg + x @ W_root + bias
    return out

if __name__ == "__main__":
    import jax
    _d = setup_inputs()
    print(jax.jit(kernel)(*tuple(_d.values())))

</pallas_src>

<mosaic_0001>
#map = affine_map<(d0, d1) -> (0)>
module attributes {stable_mosaic.version = 14 : i64} {
  func.func @_count_kernel(%arg0: i32, %arg1: i32, %arg2: memref<320000xi32, #tpu.memory_space<hbm>>, %arg3: memref<320000xi32, #tpu.memory_space<hbm>>, %arg4: memref<2560000xf32, #tpu.memory_space<hbm>>, %arg5: memref<10000xi32, #tpu.memory_space<vmem>>, %arg6: memref<10000xi32, #tpu.memory_space<vmem>>, %arg7: memref<80000xf32, #tpu.memory_space<vmem>>) attributes {dimension_semantics = [#tpu.dimension_semantics<core_parallel>, #tpu.dimension_semantics<subcore_parallel>], iteration_bounds = array<i64: 2, 16>, scalar_prefetch = 0 : i64, scratch_operands = 3 : i64, tpu.core_type = #tpu.core_type<sc_vector_subcore>, window_params = [{transform_indices = #map}, {transform_indices = #map}, {transform_indices = #map}]} {
    %mul3A = arith.constant 2 : i32
    %mul3A_0 = arith.muli %arg1, %mul3A : i32
    %add3A = arith.addi %mul3A_0, %arg0 : i32
    %mul3A_1 = arith.constant 10000 : i32
    %mul3A_2 = arith.muli %add3A, %mul3A_1 : i32
    %scan3A = arith.constant 0 : i32
    %scan3A_3 = arith.constant 0 : i32
    %scan3A_4 = arith.constant 5000 : i32
    %scan3A_5 = arith.addi %scan3A_3, %scan3A_4 : i32
    %scan3A_6 = arith.constant 1 : i32
    %scan3A_7 = scf.for %scan3A_19 = %scan3A_3 to %scan3A_5 step %scan3A_6 iter_args(%scan3A_20 = %scan3A) -> (i32)  : i32 {
      %broadcast_in_dim3A_21 = arith.constant 0.000000e+00 : f32
      %broadcast_in_dim3A_22 = vector.broadcast %broadcast_in_dim3A_21 : f32 to vector<16xf32>
      %mul3A_23 = arith.constant 16 : i32
      %mul3A_24 = arith.muli %scan3A_19, %mul3A_23 : i32
      %swap3A = arith.index_cast %mul3A_24 : i32 to index
      %swap3A_25 = tpu.vector_load %arg7[%swap3A] {strides = array<i32>} : memref<80000xf32, #tpu.memory_space<vmem>>, vector<16xf32>,
      tpu.vector_store %arg7[%swap3A], %broadcast_in_dim3A_22 {strides = array<i32>} : memref<80000xf32, #tpu.memory_space<vmem>>, vector<16xf32>,
      %scan3A_26 = arith.constant 0 : i32
      scf.yield %scan3A_26 : i32
    }
    %scan3A_8 = arith.constant 5000 : i32
    "tpu.region"() ({
      %run_scoped3A = tpu.sem_alloc : memref<!tpu.dma_semaphore, #tpu.memory_space<semaphore_mem>>
      %dma_start3A = tpu.memref_slice %arg2[%mul3A_2] : memref<320000xi32, #tpu.memory_space<hbm>> -> memref<10000xi32, #tpu.memory_space<hbm>>
      %dma_start3A_19 = tpu.memref_slice %arg2[%mul3A_2] : memref<320000xi32, #tpu.memory_space<hbm>> -> memref<10000xi32, #tpu.memory_space<hbm>>
      tpu.enqueue_dma source(%dma_start3A_19 : memref<10000xi32, #tpu.memory_space<hbm>>) target(%arg5 : memref<10000xi32, #tpu.memory_space<vmem>>) target_semaphore(%run_scoped3A : memref<!tpu.dma_semaphore, #tpu.memory_space<semaphore_mem>>)
      %dma_wait3A = tpu.memref_slice %arg2[%mul3A_2] : memref<320000xi32, #tpu.memory_space<hbm>> -> memref<10000xi32, #tpu.memory_space<hbm>>
      %dma_wait3A_20 = tpu.memref_slice %arg2[%mul3A_2] : memref<320000xi32, #tpu.memory_space<hbm>> -> memref<10000xi32, #tpu.memory_space<hbm>>
      tpu.wait_dma2 semaphore(%run_scoped3A : memref<!tpu.dma_semaphore, #tpu.memory_space<semaphore_mem>>) src(%dma_wait3A_20 : memref<10000xi32, #tpu.memory_space<hbm>>) dst(%arg5 : memref<10000xi32, #tpu.memory_space<vmem>>)
      tpu.yield
    }) : () -> ()
    "tpu.region"() ({
      %run_scoped3A = tpu.sem_alloc : memref<!tpu.dma_semaphore, #tpu.memory_space<semaphore_mem>>
      %dma_start3A = tpu.memref_slice %arg3[%mul3A_2] : memref<320000xi32, #tpu.memory_space<hbm>> -> memref<10000xi32, #tpu.memory_space<hbm>>
      %dma_start3A_19 = tpu.memref_slice %arg3[%mul3A_2] : memref<320000xi32, #tpu.memory_space<hbm>> -> memref<10000xi32, #tpu.memory_space<hbm>>
      tpu.enqueue_dma source(%dma_start3A_19 : memref<10000xi32, #tpu.memory_space<hbm>>) target(%arg6 : memref<10000xi32, #tpu.memory_space<vmem>>) target_semaphore(%run_scoped3A : memref<!tpu.dma_semaphore, #tpu.memory_space<semaphore_mem>>)
      %dma_wait3A = tpu.memref_slice %arg3[%mul3A_2] : memref<320000xi32, #tpu.memory_space<hbm>> -> memref<10000xi32, #tpu.memory_space<hbm>>
      %dma_wait3A_20 = tpu.memref_slice %arg3[%mul3A_2] : memref<320000xi32, #tpu.memory_space<hbm>> -> memref<10000xi32, #tpu.memory_space<hbm>>
      tpu.wait_dma2 semaphore(%run_scoped3A : memref<!tpu.dma_semaphore, #tpu.memory_space<semaphore_mem>>) src(%dma_wait3A_20 : memref<10000xi32, #tpu.memory_space<hbm>>) dst(%arg6 : memref<10000xi32, #tpu.memory_space<vmem>>)
      tpu.yield
    }) : () -> ()
    %broadcast_in_dim3A = arith.constant 1.000000e+00 : f32
    %broadcast_in_dim3A_9 = vector.broadcast %broadcast_in_dim3A : f32 to vector<16xf32>
    %scan3A_10 = arith.constant 0 : i32
    %scan3A_11 = arith.constant 0 : i32
    %scan3A_12 = arith.constant 625 : i32
    %scan3A_13 = arith.addi %scan3A_11, %scan3A_12 : i32
    %scan3A_14 = arith.constant 1 : i32
    %scan3A_15 = scf.for %scan3A_19 = %scan3A_11 to %scan3A_13 step %scan3A_14 iter_args(%scan3A_20 = %scan3A_10) -> (i32)  : i32 {
      %mul3A_21 = arith.constant 16 : i32
      %mul3A_22 = arith.muli %scan3A_19, %mul3A_21 : i32
      %get3A = arith.index_cast %mul3A_22 : i32 to index
      %get3A_23 = tpu.vector_load %arg5[%get3A] {strides = array<i32>} : memref<10000xi32, #tpu.memory_space<vmem>>, vector<16xi32>,
      %get3A_24 = arith.index_cast %mul3A_22 : i32 to index
      %get3A_25 = tpu.vector_load %arg6[%get3A_24] {strides = array<i32>} : memref<10000xi32, #tpu.memory_space<vmem>>, vector<16xi32>,
      %mul3A_26 = arith.constant 8 : i32
      %mul3A_27 = vector.broadcast %mul3A_26 : i32 to vector<16xi32>
      %mul3A_28 = arith.muli %get3A_23, %mul3A_27 : vector<16xi32>
      %add3A_29 = arith.addi %mul3A_28, %get3A_25 : vector<16xi32>
      tpu.vector_store_idx %arg7[%add3A_29], %broadcast_in_dim3A_9 {add = true} : memref<80000xf32, #tpu.memory_space<vmem>>[vector<16xi32>], vector<16xf32>,
      %scan3A_30 = arith.constant 0 : i32
      scf.yield %scan3A_30 : i32
    }
    %scan3A_16 = arith.constant 625 : i32
    %mul3A_17 = arith.constant 80000 : i32
    %mul3A_18 = arith.muli %add3A, %mul3A_17 : i32
    "tpu.region"() ({
      %run_scoped3A = tpu.sem_alloc : memref<!tpu.dma_semaphore, #tpu.memory_space<semaphore_mem>>
      %dma_start3A = tpu.memref_slice %arg4[%mul3A_18] : memref<2560000xf32, #tpu.memory_space<hbm>> -> memref<80000xf32, #tpu.memory_space<hbm>>
      %dma_start3A_19 = tpu.memref_slice %arg4[%mul3A_18] : memref<2560000xf32, #tpu.memory_space<hbm>> -> memref<80000xf32, #tpu.memory_space<hbm>>
      tpu.enqueue_dma source(%arg7 : memref<80000xf32, #tpu.memory_space<vmem>>) target(%dma_start3A_19 : memref<80000xf32, #tpu.memory_space<hbm>>) target_semaphore(%run_scoped3A : memref<!tpu.dma_semaphore, #tpu.memory_space<semaphore_mem>>)
      %dma_wait3A = tpu.memref_slice %arg4[%mul3A_18] : memref<2560000xf32, #tpu.memory_space<hbm>> -> memref<80000xf32, #tpu.memory_space<hbm>>
      %dma_wait3A_20 = tpu.memref_slice %arg4[%mul3A_18] : memref<2560000xf32, #tpu.memory_space<hbm>> -> memref<80000xf32, #tpu.memory_space<hbm>>
      tpu.wait_dma2 semaphore(%run_scoped3A : memref<!tpu.dma_semaphore, #tpu.memory_space<semaphore_mem>>) src(%arg7 : memref<80000xf32, #tpu.memory_space<vmem>>) dst(%dma_wait3A_20 : memref<80000xf32, #tpu.memory_space<hbm>>)
      tpu.yield
    }) : () -> ()
    return
  }
}

#map = affine_map<(d0, d1) -> (0)>
#map1 = affine_map<(d0, d1) -> (0, 0)>
#map2 = affine_map<(d0, d1) -> (0, 0, 0)>
module attributes {stable_mosaic.version = 14 : i64} {
  func.func @_main_kernel(%arg0: i32, %arg1: i32, %arg2: memref<320000xi32, #tpu.memory_space<hbm>>, %arg3: memref<320000xi32, #tpu.memory_space<hbm>>, %arg4: memref<320000xi32, #tpu.memory_space<hbm>>, %arg5: memref<80000x128xf32, #tpu.memory_space<hbm>>, %arg6: memref<80000xf32, #tpu.memory_space<hbm>>, %arg7: memref<2x10000x128xf32, #tpu.memory_space<hbm>>, %arg8: memref<80xi32, #tpu.memory_space<vmem>>, %arg9: memref<80xi32, #tpu.memory_space<vmem>>, %arg10: memref<80xi32, #tpu.memory_space<vmem>>, %arg11: memref<80xi32, #tpu.memory_space<vmem>>, %arg12: memref<80xi32, #tpu.memory_space<vmem>>, %arg13: memref<80xi32, #tpu.memory_space<vmem>>, %arg14: memref<80xi32, #tpu.memory_space<vmem>>, %arg15: memref<80xi32, #tpu.memory_space<vmem>>, %arg16: memref<80xi32, #tpu.memory_space<vmem>>, %arg17: memref<80xi32, #tpu.memory_space<vmem>>, %arg18: memref<80xi32, #tpu.memory_space<vmem>>, %arg19: memref<80xi32, #tpu.memory_space<vmem>>, %arg20: memref<80xf32, #tpu.memory_space<vmem>>, %arg21: memref<80xf32, #tpu.memory_space<vmem>>, %arg22: memref<80x128xf32, #tpu.memory_space<vmem>>, %arg23: memref<80x128xf32, #tpu.memory_space<vmem>>, %arg24: memref<10000x128xf32, #tpu.memory_space<vmem_shared>>, %arg25: memref<!tpu.dma_semaphore, #tpu.memory_space<semaphore_mem>>, %arg26: memref<!tpu.dma_semaphore, #tpu.memory_space<semaphore_mem>>, %arg27: memref<!tpu.dma_semaphore, #tpu.memory_space<semaphore_mem>>, %arg28: memref<!tpu.dma_semaphore, #tpu.memory_space<semaphore_mem>>) attributes {dimension_semantics = [#tpu.dimension_semantics<core_parallel>, #tpu.dimension_semantics<subcore_parallel>], iteration_bounds = array<i64: 2, 16>, scalar_prefetch = 0 : i64, scratch_operands = 21 : i64, tpu.core_type = #tpu.core_type<sc_vector_subcore>, window_params = [{transform_indices = #map}, {transform_indices = #map}, {transform_indices = #map}, {transform_indices = #map1}, {transform_indices = #map}, {transform_indices = #map2}]} {
    %mul3A = arith.constant 2 : i32
    %mul3A_0 = arith.muli %arg1, %mul3A : i32
    %add3A = arith.addi %mul3A_0, %arg0 : i32
    %mul3A_1 = arith.constant 10000 : i32
    %mul3A_2 = arith.muli %add3A, %mul3A_1 : i32
    %scan3A = arith.constant 0 : i32
    %scan3A_3 = arith.constant 0 : i32
    %scan3A_4 = arith.constant 80 : i32
    %scan3A_5 = arith.addi %scan3A_3, %scan3A_4 : i32
    %scan3A_6 = arith.constant 1 : i32
    %scan3A_7 = scf.for %scan3A_63 = %scan3A_3 to %scan3A_5 step %scan3A_6 iter_args(%scan3A_64 = %scan3A) -> (i32)  : i32 {
      %broadcast_in_dim3A = arith.constant 0.000000e+00 : f32
      %broadcast_in_dim3A_65 = vector.broadcast %broadcast_in_dim3A : f32 to vector<16xf32>
      %swap3A = arith.index_cast %scan3A_63 : i32 to index
      %swap3A_66 = arith.constant 0 : index
      %swap3A_67 = tpu.vector_load %arg22[%swap3A, %swap3A_66] {strides = array<i32>} : memref<80x128xf32, #tpu.memory_space<vmem>>, vector<16xf32>,
      tpu.vector_store %arg22[%swap3A, %swap3A_66], %broadcast_in_dim3A_65 {strides = array<i32>} : memref<80x128xf32, #tpu.memory_space<vmem>>, vector<16xf32>,
      %broadcast_in_dim3A_68 = arith.constant 0.000000e+00 : f32
      %broadcast_in_dim3A_69 = vector.broadcast %broadcast_in_dim3A_68 : f32 to vector<16xf32>
      %swap3A_70 = arith.index_cast %scan3A_63 : i32 to index
      %swap3A_71 = arith.constant 16 : index
      %swap3A_72 = tpu.vector_load %arg22[%swap3A_70, %swap3A_71] {strides = array<i32>} : memref<80x128xf32, #tpu.memory_space<vmem>>, vector<16xf32>,
      tpu.vector_store %arg22[%swap3A_70, %swap3A_71], %broadcast_in_dim3A_69 {strides = array<i32>} : memref<80x128xf32, #tpu.memory_space<vmem>>, vector<16xf32>,
      %broadcast_in_dim3A_73 = arith.constant 0.000000e+00 : f32
      %broadcast_in_dim3A_74 = vector.broadcast %broadcast_in_dim3A_73 : f32 to vector<16xf32>
      %swap3A_75 = arith.index_cast %scan3A_63 : i32 to index
      %swap3A_76 = arith.constant 32 : index
      %swap3A_77 = tpu.vector_load %arg22[%swap3A_75, %swap3A_76] {strides = array<i32>} : memref<80x128xf32, #tpu.memory_space<vmem>>, vector<16xf32>,
      tpu.vector_store %arg22[%swap3A_75, %swap3A_76], %broadcast_in_dim3A_74 {strides = array<i32>} : memref<80x128xf32, #tpu.memory_space<vmem>>, vector<16xf32>,
      %broadcast_in_dim3A_78 = arith.constant 0.000000e+00 : f32
      %broadcast_in_dim3A_79 = vector.broadcast %broadcast_in_dim3A_78 : f32 to vector<16xf32>
      %swap3A_80 = arith.index_cast %scan3A_63 : i32 to index
      %swap3A_81 = arith.constant 48 : index
      %swap3A_82 = tpu.vector_load %arg22[%swap3A_80, %swap3A_81] {strides = array<i32>} : memref<80x128xf32, #tpu.memory_space<vmem>>, vector<16xf32>,
      tpu.vector_store %arg22[%swap3A_80, %swap3A_81], %broadcast_in_dim3A_79 {strides = array<i32>} : memref<80x128xf32, #tpu.memory_space<vmem>>, vector<16xf32>,
      %broadcast_in_dim3A_83 = arith.constant 0.000000e+00 : f32
      %broadcast_in_dim3A_84 = vector.broadcast %broadcast_in_dim3A_83 : f32 to vector<16xf32>
      %swap3A_85 = arith.index_cast %scan3A_63 : i32 to index
      %swap3A_86 = arith.constant 64 : index
      %swap3A_87 = tpu.vector_load %arg22[%swap3A_85, %swap3A_86] {strides = array<i32>} : memref<80x128xf32, #tpu.memory_space<vmem>>, vector<16xf32>,
      tpu.vector_store %arg22[%swap3A_85, %swap3A_86], %broadcast_in_dim3A_84 {strides = array<i32>} : memref<80x128xf32, #tpu.memory_space<vmem>>, vector<16xf32>,
      %broadcast_in_dim3A_88 = arith.constant 0.000000e+00 : f32
      %broadcast_in_dim3A_89 = vector.broadcast %broadcast_in_dim3A_88 : f32 to vector<16xf32>
      %swap3A_90 = arith.index_cast %scan3A_63 : i32 to index
      %swap3A_91 = arith.constant 80 : index
      %swap3A_92 = tpu.vector_load %arg22[%swap3A_90, %swap3A_91] {strides = array<i32>} : memref<80x128xf32, #tpu.memory_space<vmem>>, vector<16xf32>,
      tpu.vector_store %arg22[%swap3A_90, %swap3A_91], %broadcast_in_dim3A_89 {strides = array<i32>} : memref<80x128xf32, #tpu.memory_space<vmem>>, vector<16xf32>,
      %broadcast_in_dim3A_93 = arith.constant 0.000000e+00 : f32
      %broadcast_in_dim3A_94 = vector.broadcast %broadcast_in_dim3A_93 : f32 to vector<16xf32>
      %swap3A_95 = arith.index_cast %scan3A_63 : i32 to index
      %swap3A_96 = arith.constant 96 : index
      %swap3A_97 = tpu.vector_load %arg22[%swap3A_95, %swap3A_96] {strides = array<i32>} : memref<80x128xf32, #tpu.memory_space<vmem>>, vector<16xf32>,
      tpu.vector_store %arg22[%swap3A_95, %swap3A_96], %broadcast_in_dim3A_94 {strides = array<i32>} : memref<80x128xf32, #tpu.memory_space<vmem>>, vector<16xf32>,
      %broadcast_in_dim3A_98 = arith.constant 0.000000e+00 : f32
      %broadcast_in_dim3A_99 = vector.broadcast %broadcast_in_dim3A_98 : f32 to vector<16xf32>
      %swap3A_100 = arith.index_cast %scan3A_63 : i32 to index
      %swap3A_101 = arith.constant 112 : index
      %swap3A_102 = tpu.vector_load %arg22[%swap3A_100, %swap3A_101] {strides = array<i32>} : memref<80x128xf32, #tpu.memory_space<vmem>>, vector<16xf32>,
      tpu.vector_store %arg22[%swap3A_100, %swap3A_101], %broadcast_in_dim3A_99 {strides = array<i32>} : memref<80x128xf32, #tpu.memory_space<vmem>>, vector<16xf32>,
      %scan3A_103 = arith.constant 0 : i32
      scf.yield %scan3A_103 : i32
    }
    %scan3A_8 = arith.constant 80 : i32
    %scan3A_9 = arith.constant 0 : i32
    %scan3A_10 = arith.constant 0 : i32
    %scan3A_11 = arith.constant 8 : i32
    %scan3A_12 = arith.addi %scan3A_10, %scan3A_11 : i32
    %scan3A_13 = arith.constant 1 : i32
    %scan3A_14 = scf.for %scan3A_63 = %scan3A_10 to %scan3A_12 step %scan3A_13 iter_args(%scan3A_64 = %scan3A_9) -> (i32)  : i32 {
      %mul3A_65 = arith.constant 16 : i32
      %mul3A_66 = arith.muli %scan3A_63, %mul3A_65 : i32
      %add3A_67 = arith.addi %arg1, %mul3A_66 : i32
      %lt3A = arith.constant 125 : i32
      %lt3A_68 = arith.cmpi slt, %add3A_67, %lt3A : i32
      %convert_element_type3A = arith.extui %lt3A_68 : i1 to i32
      %cond3A = arith.constant 0 : i32
      %cond3A_69 = arith.cmpi ne, %convert_element_type3A, %cond3A : i32
      scf.if %cond3A_69 {
        %mul3A_71 = arith.constant 80 : i32
        %mul3A_72 = arith.muli %add3A_67, %mul3A_71 : i32
        "tpu.region"() ({
          %run_scoped3A = tpu.sem_alloc : memref<!tpu.dma_semaphore, #tpu.memory_space<semaphore_mem>>
          %dma_start3A_73 = arith.constant 0 : i32
          %dma_start3A_74 = tpu.memref_slice %arg24[%mul3A_72, %dma_start3A_73] : memref<10000x128xf32, #tpu.memory_space<vmem_shared>> -> memref<80x128xf32, #tpu.memory_space<vmem_shared>>
          %dma_start3A_75 = arith.constant 0 : i32
          %dma_start3A_76 = tpu.memref_slice %arg24[%mul3A_72, %dma_start3A_75] : memref<10000x128xf32, #tpu.memory_space<vmem_shared>> -> memref<80x128xf32, #tpu.memory_space<vmem_shared>>
          tpu.enqueue_dma source(%arg22 : memref<80x128xf32, #tpu.memory_space<vmem>>) target(%dma_start3A_76 : memref<80x128xf32, #tpu.memory_space<vmem_shared>>) target_semaphore(%run_scoped3A : memref<!tpu.dma_semaphore, #tpu.memory_space<semaphore_mem>>)
          %dma_wait3A_77 = arith.constant 0 : i32
          %dma_wait3A_78 = tpu.memref_slice %arg24[%mul3A_72, %dma_wait3A_77] : memref<10000x128xf32, #tpu.memory_space<vmem_shared>> -> memref<80x128xf32, #tpu.memory_space<vmem_shared>>
          %dma_wait3A_79 = arith.constant 0 : i32
          %dma_wait3A_80 = tpu.memref_slice %arg24[%mul3A_72, %dma_wait3A_79] : memref<10000x128xf32, #tpu.memory_space<vmem_shared>> -> memref<80x128xf32, #tpu.memory_space<vmem_shared>>
          tpu.wait_dma2 semaphore(%run_scoped3A : memref<!tpu.dma_semaphore, #tpu.memory_space<semaphore_mem>>) src(%arg22 : memref<80x128xf32, #tpu.memory_space<vmem>>) dst(%dma_wait3A_80 : memref<80x128xf32, #tpu.memory_space<vmem_shared>>)
          tpu.yield
        }) : () -> ()
      } else {
      }
      %scan3A_70 = arith.constant 0 : i32
      scf.yield %scan3A_70 : i32
    }
    %scan3A_15 = arith.constant 8 : i32
    %barrier3A = arith.constant 0 : index
    tpu.barrier barrier_id(%barrier3A)
    %iota3A = tpu.iota {dimensions = array<i32: 0>} : vector<16xi32>
    %add3A_16 = arith.constant 0 : i32
    %add3A_17 = arith.addi %mul3A_2, %add3A_16 : i32
    %dma_start3A = tpu.memref_slice %arg2[%add3A_17] : memref<320000xi32, #tpu.memory_space<hbm>> -> memref<80xi32, #tpu.memory_space<hbm>>
    %dma_start3A_18 = tpu.memref_slice %arg2[%add3A_17] : memref<320000xi32, #tpu.memory_space<hbm>> -> memref<80xi32, #tpu.memory_space<hbm>>
    tpu.enqueue_dma source(%dma_start3A_18 : memref<80xi32, #tpu.memory_space<hbm>>) target(%arg8 : memref<80xi32, #tpu.memory_space<vmem>>) target_semaphore(%arg25 : memref<!tpu.dma_semaphore, #tpu.memory_space<semaphore_mem>>)
    %dma_start3A_19 = tpu.memref_slice %arg3[%add3A_17] : memref<320000xi32, #tpu.memory_space<hbm>> -> memref<80xi32, #tpu.memory_space<hbm>>
    %dma_start3A_20 = tpu.memref_slice %arg3[%add3A_17] : memref<320000xi32, #tpu.memory_space<hbm>> -> memref<80xi32, #tpu.memory_space<hbm>>
    tpu.enqueue_dma source(%dma_start3A_20 : memref<80xi32, #tpu.memory_space<hbm>>) target(%arg10 : memref<80xi32, #tpu.memory_space<vmem>>) target_semaphore(%arg25 : memref<!tpu.dma_semaphore, #tpu.memory_space<semaphore_mem>>)
    %dma_start3A_21 = tpu.memref_slice %arg4[%add3A_17] : memref<320000xi32, #tpu.memory_space<hbm>> -> memref<80xi32, #tpu.memory_space<hbm>>
    %dma_start3A_22 = tpu.memref_slice %arg4[%add3A_17] : memref<320000xi32, #tpu.memory_space<hbm>> -> memref<80xi32, #tpu.memory_space<hbm>>
    tpu.enqueue_dma source(%dma_start3A_22 : memref<80xi32, #tpu.memory_space<hbm>>) target(%arg12 : memref<80xi32, #tpu.memory_space<vmem>>) target_semaphore(%arg25 : memref<!tpu.dma_semaphore, #tpu.memory_space<semaphore_mem>>)
    %add3A_23 = arith.constant 80 : i32
    %add3A_24 = arith.addi %mul3A_2, %add3A_23 : i32
    %dma_start3A_25 = tpu.memref_slice %arg2[%add3A_24] : memref<320000xi32, #tpu.memory_space<hbm>> -> memref<80xi32, #tpu.memory_space<hbm>>
    %dma_start3A_26 = tpu.memref_slice %arg2[%add3A_24] : memref<320000xi32, #tpu.memory_space<hbm>> -> memref<80xi32, #tpu.memory_space<hbm>>
    tpu.enqueue_dma source(%dma_start3A_26 : memref<80xi32, #tpu.memory_space<hbm>>) target(%arg9 : memref<80xi32, #tpu.memory_space<vmem>>) target_semaphore(%arg26 : memref<!tpu.dma_semaphore, #tpu.memory_space<semaphore_mem>>)
    %dma_start3A_27 = tpu.memref_slice %arg3[%add3A_24] : memref<320000xi32, #tpu.memory_space<hbm>> -> memref<80xi32, #tpu.memory_space<hbm>>
    %dma_start3A_28 = tpu.memref_slice %arg3[%add3A_24] : memref<320000xi32, #tpu.memory_space<hbm>> -> memref<80xi32, #tpu.memory_space<hbm>>
    tpu.enqueue_dma source(%dma_start3A_28 : memref<80xi32, #tpu.memory_space<hbm>>) target(%arg11 : memref<80xi32, #tpu.memory_space<vmem>>) target_semaphore(%arg26 : memref<!tpu.dma_semaphore, #tpu.memory_space<semaphore_mem>>)
    %dma_start3A_29 = tpu.memref_slice %arg4[%add3A_24] : memref<320000xi32, #tpu.memory_space<hbm>> -> memref<80xi32, #tpu.memory_space<hbm>>
    %dma_start3A_30 = tpu.memref_slice %arg4[%add3A_24] : memref<320000xi32, #tpu.memory_space<hbm>> -> memref<80xi32, #tpu.memory_space<hbm>>
    tpu.enqueue_dma source(%dma_start3A_30 : memref<80xi32, #tpu.memory_space<hbm>>) target(%arg13 : memref<80xi32, #tpu.memory_space<vmem>>) target_semaphore(%arg26 : memref<!tpu.dma_semaphore, #tpu.memory_space<semaphore_mem>>)
    %dma_wait3A = tpu.memref_slice %arg2[%mul3A_2] : memref<320000xi32, #tpu.memory_space<hbm>> -> memref<80xi32, #tpu.memory_space<hbm>>
    %dma_wait3A_31 = tpu.memref_slice %arg2[%mul3A_2] : memref<320000xi32, #tpu.memory_space<hbm>> -> memref<80xi32, #tpu.memory_space<hbm>>
    tpu.wait_dma2 semaphore(%arg25 : memref<!tpu.dma_semaphore, #tpu.memory_space<semaphore_mem>>) src(%dma_wait3A_31 : memref<80xi32, #tpu.memory_space<hbm>>) dst(%arg8 : memref<80xi32, #tpu.memory_space<vmem>>)
    %dma_wait3A_32 = tpu.memref_slice %arg3[%mul3A_2] : memref<320000xi32, #tpu.memory_space<hbm>> -> memref<80xi32, #tpu.memory_space<hbm>>
    %dma_wait3A_33 = tpu.memref_slice %arg3[%mul3A_2] : memref<320000xi32, #tpu.memory_space<hbm>> -> memref<80xi32, #tpu.memory_space<hbm>>
    tpu.wait_dma2 semaphore(%arg25 : memref<!tpu.dma_semaphore, #tpu.memory_space<semaphore_mem>>) src(%dma_wait3A_33 : memref<80xi32, #tpu.memory_space<hbm>>) dst(%arg10 : memref<80xi32, #tpu.memory_space<vmem>>)
    %dma_wait3A_34 = tpu.memref_slice %arg4[%mul3A_2] : memref<320000xi32, #tpu.memory_space<hbm>> -> memref<80xi32, #tpu.memory_space<hbm>>
    %dma_wait3A_35 = tpu.memref_slice %arg4[%mul3A_2] : memref<320000xi32, #tpu.memory_space<hbm>> -> memref<80xi32, #tpu.memory_space<hbm>>
    tpu.wait_dma2 semaphore(%arg25 : memref<!tpu.dma_semaphore, #tpu.memory_space<semaphore_mem>>) src(%dma_wait3A_35 : memref<80xi32, #tpu.memory_space<hbm>>) dst(%arg12 : memref<80xi32, #tpu.memory_space<vmem>>)
    %scan3A_36 = arith.constant 0 : i32
    %scan3A_37 = arith.constant 0 : i32
    %scan3A_38 = arith.constant 5 : i32
    %scan3A_39 = arith.addi %scan3A_37, %scan3A_38 : i32
    %scan3A_40 = arith.constant 1 : i32
    %scan3A_41 = scf.for %scan3A_63 = %scan3A_37 to %scan3A_39 step %scan3A_40 iter_args(%scan3A_64 = %scan3A_36) -> (i32)  : i32 {
      %mul3A_65 = arith.constant 16 : i32
      %mul3A_66 = arith.muli %scan3A_63, %mul3A_65 : i32
      %get3A = arith.index_cast %mul3A_66 : i32 to index
      %get3A_67 = tpu.vector_load %arg8[%get3A] {strides = array<i32>} : memref<80xi32, #tpu.memory_space<vmem>>, vector<16xi32>,
      %get3A_68 = arith.index_cast %mul3A_66 : i32 to index
      %get3A_69 = tpu.vector_load %arg10[%get3A_68] {strides = array<i32>} : memref<80xi32, #tpu.memory_space<vmem>>, vector<16xi32>,
      %get3A_70 = arith.index_cast %mul3A_66 : i32 to index
      %get3A_71 = tpu.vector_load %arg12[%get3A_70] {strides = array<i32>} : memref<80xi32, #tpu.memory_space<vmem>>, vector<16xi32>,
      %mul3A_72 = arith.constant 10000 : i32
      %mul3A_73 = vector.broadcast %mul3A_72 : i32 to vector<16xi32>
      %mul3A_74 = arith.muli %get3A_71, %mul3A_73 : vector<16xi32>
      %add3A_75 = arith.addi %mul3A_74, %get3A_67 : vector<16xi32>
      %swap3A = arith.index_cast %mul3A_66 : i32 to index
      %swap3A_76 = tpu.vector_load %arg14[%swap3A] {strides = array<i32>} : memref<80xi32, #tpu.memory_space<vmem>>, vector<16xi32>,
      tpu.vector_store %arg14[%swap3A], %add3A_75 {strides = array<i32>} : memref<80xi32, #tpu.memory_space<vmem>>, vector<16xi32>,
      %mul3A_77 = arith.constant 8 : i32
      %mul3A_78 = vector.broadcast %mul3A_77 : i32 to vector<16xi32>
      %mul3A_79 = arith.muli %get3A_69, %mul3A_78 : vector<16xi32>
      %add3A_80 = arith.addi %mul3A_79, %get3A_71 : vector<16xi32>
      %swap3A_81 = arith.index_cast %mul3A_66 : i32 to index
      %swap3A_82 = tpu.vector_load %arg16[%swap3A_81] {strides = array<i32>} : memref<80xi32, #tpu.memory_space<vmem>>, vector<16xi32>,
      tpu.vector_store %arg16[%swap3A_81], %add3A_80 {strides = array<i32>} : memref<80xi32, #tpu.memory_space<vmem>>, vector<16xi32>,
      %swap3A_83 = arith.index_cast %mul3A_66 : i32 to index
      %swap3A_84 = tpu.vector_load %arg18[%swap3A_83] {strides = array<i32>} : memref<80xi32, #tpu.memory_space<vmem>>, vector<16xi32>,
      tpu.vector_store %arg18[%swap3A_83], %get3A_69 {strides = array<i32>} : memref<80xi32, #tpu.memory_space<vmem>>, vector<16xi32>,
      %scan3A_85 = arith.constant 0 : i32
      scf.yield %scan3A_85 : i32
    }
    %scan3A_42 = arith.constant 5 : i32
    %dma_start3A_43 = arith.constant 0 : i32
    %dma_start3A_44 = arith.constant 0 : i32
    %dma_start3A_45 = tpu.memref_slice %arg5[%dma_start3A_43, %dma_start3A_44] : memref<80000x128xf32, #tpu.memory_space<hbm>> -> memref<80000x128xf32, #tpu.memory_space<hbm>>
    tpu.enqueue_indirect_dma source(%dma_start3A_45 : memref<80000x128xf32, #tpu.memory_space<hbm>>) target(%arg22 : memref<80x128xf32, #tpu.memory_space<vmem>>) offsets(%arg14 : memref<80xi32, #tpu.memory_space<vmem>>) semaphore(%arg27 : memref<!tpu.dma_semaphore, #tpu.memory_space<semaphore_mem>>)
    %dma_start3A_46 = arith.constant 0 : i32
    %dma_start3A_47 = tpu.memref_slice %arg6[%dma_start3A_46] : memref<80000xf32, #tpu.memory_space<hbm>> -> memref<80000xf32, #tpu.memory_space<hbm>>
    tpu.enqueue_indirect_dma source(%dma_start3A_47 : memref<80000xf32, #tpu.memory_space<hbm>>) target(%arg20 : memref<80xf32, #tpu.memory_space<vmem>>) offsets(%arg16 : memref<80xi32, #tpu.memory_space<vmem>>) semaphore(%arg27 : memref<!tpu.dma_semaphore, #tpu.memory_space<semaphore_mem>>)
    %scan3A_48 = arith.constant 0 : i32
    %scan3A_49 = arith.constant 0 : i32
    %scan3A_50 = arith.constant 63 : i32
    %scan3A_51 = arith.addi %scan3A_49, %scan3A_50 : i32
    %scan3A_52 = arith.constant 1 : i32
    %scan3A_53 = scf.for %scan3A_63 = %scan3A_49 to %scan3A_51 step %scan3A_52 iter_args(%scan3A_64 = %scan3A_48) -> (i32)  : i32 {
      %mul3A_65 = arith.constant 2 : i32
      %mul3A_66 = arith.muli %scan3A_63, %mul3A_65 : i32
      %add3A_67 = arith.constant 0 : i32
      %add3A_68 = arith.addi %mul3A_66, %add3A_67 : i32
      %add3A_69 = arith.constant 2 : i32
      %add3A_70 = arith.addi %add3A_68, %add3A_69 : i32
      %lt3A = arith.constant 125 : i32
      %lt3A_71 = arith.cmpi slt, %add3A_70, %lt3A : i32
      %convert_element_type3A = arith.extui %lt3A_71 : i1 to i32
      %cond3A = arith.constant 0 : i32
      %cond3A_72 = arith.cmpi ne, %convert_element_type3A, %cond3A : i32
      scf.if %cond3A_72 {
        %mul3A_109 = arith.constant 80 : i32
        %mul3A_110 = arith.muli %add3A_70, %mul3A_109 : i32
        %add3A_111 = arith.addi %mul3A_2, %mul3A_110 : i32
        %dma_start3A_112 = tpu.memref_slice %arg2[%add3A_111] : memref<320000xi32, #tpu.memory_space<hbm>> -> memref<80xi32, #tpu.memory_space<hbm>>
        %dma_start3A_113 = tpu.memref_slice %arg2[%add3A_111] : memref<320000xi32, #tpu.memory_space<hbm>> -> memref<80xi32, #tpu.memory_space<hbm>>
        tpu.enqueue_dma source(%dma_start3A_113 : memref<80xi32, #tpu.memory_space<hbm>>) target(%arg8 : memref<80xi32, #tpu.memory_space<vmem>>) target_semaphore(%arg25 : memref<!tpu.dma_semaphore, #tpu.memory_space<semaphore_mem>>)
        %dma_start3A_114 = tpu.memref_slice %arg3[%add3A_111] : memref<320000xi32, #tpu.memory_space<hbm>> -> memref<80xi32, #tpu.memory_space<hbm>>
        %dma_start3A_115 = tpu.memref_slice %arg3[%add3A_111] : memref<320000xi32, #tpu.memory_space<hbm>> -> memref<80xi32, #tpu.memory_space<hbm>>
        tpu.enqueue_dma source(%dma_start3A_115 : memref<80xi32, #tpu.memory_space<hbm>>) target(%arg10 : memref<80xi32, #tpu.memory_space<vmem>>) target_semaphore(%arg25 : memref<!tpu.dma_semaphore, #tpu.memory_space<semaphore_mem>>)
        %dma_start3A_116 = tpu.memref_slice %arg4[%add3A_111] : memref<320000xi32, #tpu.memory_space<hbm>> -> memref<80xi32, #tpu.memory_space<hbm>>
        %dma_start3A_117 = tpu.memref_slice %arg4[%add3A_111] : memref<320000xi32, #tpu.memory_space<hbm>> -> memref<80xi32, #tpu.memory_space<hbm>>
        tpu.enqueue_dma source(%dma_start3A_117 : memref<80xi32, #tpu.memory_space<hbm>>) target(%arg12 : memref<80xi32, #tpu.memory_space<vmem>>) target_semaphore(%arg25 : memref<!tpu.dma_semaphore, #tpu.memory_space<semaphore_mem>>)
      } else {
      }
      %add3A_73 = arith.constant 1 : i32
      %add3A_74 = arith.addi %add3A_68, %add3A_73 : i32
      %lt3A_75 = arith.constant 125 : i32
      %lt3A_76 = arith.cmpi slt, %add3A_74, %lt3A_75 : i32
      %convert_element_type3A_77 = arith.extui %lt3A_76 : i1 to i32
      %cond3A_78 = arith.constant 0 : i32
      %cond3A_79 = arith.cmpi ne, %convert_element_type3A_77, %cond3A_78 : i32
      scf.if %cond3A_79 {
        %dma_wait3A_109 = tpu.memref_slice %arg2[%mul3A_2] : memref<320000xi32, #tpu.memory_space<hbm>> -> memref<80xi32, #tpu.memory_space<hbm>>
        %dma_wait3A_110 = tpu.memref_slice %arg2[%mul3A_2] : memref<320000xi32, #tpu.memory_space<hbm>> -> memref<80xi32, #tpu.memory_space<hbm>>
        tpu.wait_dma2 semaphore(%arg26 : memref<!tpu.dma_semaphore, #tpu.memory_space<semaphore_mem>>) src(%dma_wait3A_110 : memref<80xi32, #tpu.memory_space<hbm>>) dst(%arg9 : memref<80xi32, #tpu.memory_space<vmem>>)
        %dma_wait3A_111 = tpu.memref_slice %arg3[%mul3A_2] : memref<320000xi32, #tpu.memory_space<hbm>> -> memref<80xi32, #tpu.memory_space<hbm>>
        %dma_wait3A_112 = tpu.memref_slice %arg3[%mul3A_2] : memref<320000xi32, #tpu.memory_space<hbm>> -> memref<80xi32, #tpu.memory_space<hbm>>
        tpu.wait_dma2 semaphore(%arg26 : memref<!tpu.dma_semaphore, #tpu.memory_space<semaphore_mem>>) src(%dma_wait3A_112 : memref<80xi32, #tpu.memory_space<hbm>>) dst(%arg11 : memref<80xi32, #tpu.memory_space<vmem>>)
        %dma_wait3A_113 = tpu.memref_slice %arg4[%mul3A_2] : memref<320000xi32, #tpu.memory_space<hbm>> -> memref<80xi32, #tpu.memory_space<hbm>>
        %dma_wait3A_114 = tpu.memref_slice %arg4[%mul3A_2] : memref<320000xi32, #tpu.memory_space<hbm>> -> memref<80xi32, #tpu.memory_space<hbm>>
        tpu.wait_dma2 semaphore(%arg26 : memref<!tpu.dma_semaphore, #tpu.memory_space<semaphore_mem>>) src(%dma_wait3A_114 : memref<80xi32, #tpu.memory_space<hbm>>) dst(%arg13 : memref<80xi32, #tpu.memory_space<vmem>>)
        %scan3A_115 = arith.constant 0 : i32
        %scan3A_116 = arith.constant 0 : i32
        %scan3A_117 = arith.constant 5 : i32
        %scan3A_118 = arith.addi %scan3A_116, %scan3A_117 : i32
        %scan3A_119 = arith.constant 1 : i32
        %scan3A_120 = scf.for %scan3A_127 = %scan3A_116 to %scan3A_118 step %scan3A_119 iter_args(%scan3A_128 = %scan3A_115) -> (i32)  : i32 {
          %mul3A_129 = arith.constant 16 : i32
          %mul3A_130 = arith.muli %scan3A_127, %mul3A_129 : i32
          %get3A = arith.index_cast %mul3A_130 : i32 to index
          %get3A_131 = tpu.vector_load %arg9[%get3A] {strides = array<i32>} : memref<80xi32, #tpu.memory_space<vmem>>, vector<16xi32>,
          %get3A_132 = arith.index_cast %mul3A_130 : i32 to index
          %get3A_133 = tpu.vector_load %arg11[%get3A_132] {strides = array<i32>} : memref<80xi32, #tpu.memory_space<vmem>>, vector<16xi32>,
          %get3A_134 = arith.index_cast %mul3A_130 : i32 to index
          %get3A_135 = tpu.vector_load %arg13[%get3A_134] {strides = array<i32>} : memref<80xi32, #tpu.memory_space<vmem>>, vector<16xi32>,
          %mul3A_136 = arith.constant 10000 : i32
          %mul3A_137 = vector.broadcast %mul3A_136 : i32 to vector<16xi32>
          %mul3A_138 = arith.muli %get3A_135, %mul3A_137 : vector<16xi32>
          %add3A_139 = arith.addi %mul3A_138, %get3A_131 : vector<16xi32>
          %swap3A = arith.index_cast %mul3A_130 : i32 to index
          %swap3A_140 = tpu.vector_load %arg15[%swap3A] {strides = array<i32>} : memref<80xi32, #tpu.memory_space<vmem>>, vector<16xi32>,
          tpu.vector_store %arg15[%swap3A], %add3A_139 {strides = array<i32>} : memref<80xi32, #tpu.memory_space<vmem>>, vector<16xi32>,
          %mul3A_141 = arith.constant 8 : i32
          %mul3A_142 = vector.broadcast %mul3A_141 : i32 to vector<16xi32>
          %mul3A_143 = arith.muli %get3A_133, %mul3A_142 : vector<16xi32>
          %add3A_144 = arith.addi %mul3A_143, %get3A_135 : vector<16xi32>
          %swap3A_145 = arith.index_cast %mul3A_130 : i32 to index
          %swap3A_146 = tpu.vector_load %arg17[%swap3A_145] {strides = array<i32>} : memref<80xi32, #tpu.memory_space<vmem>>, vector<16xi32>,
          tpu.vector_store %arg17[%swap3A_145], %add3A_144 {strides = array<i32>} : memref<80xi32, #tpu.memory_space<vmem>>, vector<16xi32>,
          %swap3A_147 = arith.index_cast %mul3A_130 : i32 to index
          %swap3A_148 = tpu.vector_load %arg19[%swap3A_147] {strides = array<i32>} : memref<80xi32, #tpu.memory_space<vmem>>, vector<16xi32>,
          tpu.vector_store %arg19[%swap3A_147], %get3A_133 {strides = array<i32>} : memref<80xi32, #tpu.memory_space<vmem>>, vector<16xi32>,
          %scan3A_149 = arith.constant 0 : i32
          scf.yield %scan3A_149 : i32
        }
        %scan3A_121 = arith.constant 5 : i32
        %dma_start3A_122 = arith.constant 0 : i32
        %dma_start3A_123 = arith.constant 0 : i32
        %dma_start3A_124 = tpu.memref_slice %arg5[%dma_start3A_122, %dma_start3A_123] : memref<80000x128xf32, #tpu.memory_space<hbm>> -> memref<80000x128xf32, #tpu.memory_space<hbm>>
        tpu.enqueue_indirect_dma source(%dma_start3A_124 : memref<80000x128xf32, #tpu.memory_space<hbm>>) target(%arg23 : memref<80x128xf32, #tpu.memory_space<vmem>>) offsets(%arg15 : memref<80xi32, #tpu.memory_space<vmem>>) semaphore(%arg28 : memref<!tpu.dma_semaphore, #tpu.memory_space<semaphore_mem>>)
        %dma_start3A_125 = arith.constant 0 : i32
        %dma_start3A_126 = tpu.memref_slice %arg6[%dma_start3A_125] : memref<80000xf32, #tpu.memory_space<hbm>> -> memref<80000xf32, #tpu.memory_space<hbm>>
        tpu.enqueue_indirect_dma source(%dma_start3A_126 : memref<80000xf32, #tpu.memory_space<hbm>>) target(%arg21 : memref<80xf32, #tpu.memory_space<vmem>>) offsets(%arg17 : memref<80xi32, #tpu.memory_space<vmem>>) semaphore(%arg28 : memref<!tpu.dma_semaphore, #tpu.memory_space<semaphore_mem>>)
      } else {
      }
      %lt3A_80 = arith.constant 125 : i32
      %lt3A_81 = arith.cmpi slt, %add3A_68, %lt3A_80 : i32
      %convert_element_type3A_82 = arith.extui %lt3A_81 : i1 to i32
      %cond3A_83 = arith.constant 0 : i32
      %cond3A_84 = arith.cmpi ne, %convert_element_type3A_82, %cond3A_83 : i32
      scf.if %cond3A_84 {
        %dma_wait3A_109 = arith.constant 0 : i32
        %dma_wait3A_110 = arith.constant 0 : i32
        %dma_wait3A_111 = tpu.memref_slice %arg5[%dma_wait3A_109, %dma_wait3A_110] : memref<80000x128xf32, #tpu.memory_space<hbm>> -> memref<80000x128xf32, #tpu.memory_space<hbm>>
        tpu.wait_indirect_dma semaphore(%arg27 : memref<!tpu.dma_semaphore, #tpu.memory_space<semaphore_mem>>) src(%dma_wait3A_111 : memref<80000x128xf32, #tpu.memory_space<hbm>>) dst(%arg22 : memref<80x128xf32, #tpu.memory_space<vmem>>)
        %dma_wait3A_112 = arith.constant 0 : i32
        %dma_wait3A_113 = tpu.memref_slice %arg6[%dma_wait3A_112] : memref<80000xf32, #tpu.memory_space<hbm>> -> memref<80000xf32, #tpu.memory_space<hbm>>
        tpu.wait_indirect_dma semaphore(%arg27 : memref<!tpu.dma_semaphore, #tpu.memory_space<semaphore_mem>>) src(%dma_wait3A_113 : memref<80000xf32, #tpu.memory_space<hbm>>) dst(%arg20 : memref<80xf32, #tpu.memory_space<vmem>>)
        %scan3A_114 = arith.constant 0 : i32
        %scan3A_115 = arith.constant 0 : i32
        %scan3A_116 = arith.constant 5 : i32
        %scan3A_117 = arith.addi %scan3A_115, %scan3A_116 : i32
        %scan3A_118 = arith.constant 1 : i32
        %scan3A_119 = scf.for %scan3A_121 = %scan3A_115 to %scan3A_117 step %scan3A_118 iter_args(%scan3A_122 = %scan3A_114) -> (i32)  : i32 {
          %mul3A_123 = arith.constant 16 : i32
          %mul3A_124 = arith.muli %scan3A_121, %mul3A_123 : i32
          %get3A = arith.index_cast %mul3A_124 : i32 to index
          %get3A_125 = tpu.vector_load %arg20[%get3A] {strides = array<i32>} : memref<80xf32, #tpu.memory_space<vmem>>, vector<16xf32>,
          %mul3A_126 = arith.constant 16 : i32
          %mul3A_127 = arith.muli %scan3A_121, %mul3A_126 : i32
          %add3A_128 = arith.constant 0 : i32
          %add3A_129 = arith.addi %mul3A_127, %add3A_128 : i32
          %eq3A = arith.constant 0 : i32
          %eq3A_130 = vector.broadcast %eq3A : i32 to vector<16xi32>
          %eq3A_131 = arith.cmpi eq, %iota3A, %eq3A_130 : vector<16xi32>
          %jit3A = arith.constant 0.000000e+00 : f32
          %broadcast_in_dim3A = vector.broadcast %jit3A : f32 to vector<16xf32>
          %select_n3A = arith.select %eq3A_131, %get3A_125, %broadcast_in_dim3A : vector<16xi1>, vector<16xf32>
          %reduce_sum3A = arith.constant true
          %reduce_sum3A_132 = vector.broadcast %reduce_sum3A : i1 to vector<16xi1>
          %reduce_sum3A_133 = tpu.scan <sum>, %select_n3A masked %reduce_sum3A_132 : vector<16xf32>, vector<16xi1> -> vector<16xf32>
          %reduce_sum3A_134 = vector.extract %reduce_sum3A_133[15] : f32 from vector<16xf32>
          %get3A_135 = arith.index_cast %add3A_129 : i32 to index
          %get3A_136 = arith.constant 0 : index
          %get3A_137 = tpu.vector_load %arg22[%get3A_135, %get3A_136] {strides = array<i32>} : memref<80x128xf32, #tpu.memory_space<vmem>>, vector<16xf32>,
          %mul3A_138 = vector.broadcast %reduce_sum3A_134 : f32 to vector<16xf32>
          %mul3A_139 = arith.mulf %get3A_137, %mul3A_138 : vector<16xf32>
          %swap3A = arith.index_cast %add3A_129 : i32 to index
          %swap3A_140 = arith.constant 0 : index
          %swap3A_141 = tpu.vector_load %arg22[%swap3A, %swap3A_140] {strides = array<i32>} : memref<80x128xf32, #tpu.memory_space<vmem>>, vector<16xf32>,
          tpu.vector_store %arg22[%swap3A, %swap3A_140], %mul3A_139 {strides = array<i32>} : memref<80x128xf32, #tpu.memory_space<vmem>>, vector<16xf32>,
          %get3A_142 = arith.index_cast %add3A_129 : i32 to index
          %get3A_143 = arith.constant 16 : index
          %get3A_144 = tpu.vector_load %arg22[%get3A_142, %get3A_143] {strides = array<i32>} : memref<80x128xf32, #tpu.memory_space<vmem>>, vector<16xf32>,
          %mul3A_145 = vector.broadcast %reduce_sum3A_134 : f32 to vector<16xf32>
          %mul3A_146 = arith.mulf %get3A_144, %mul3A_145 : vector<16xf32>
          %swap3A_147 = arith.index_cast %add3A_129 : i32 to index
          %swap3A_148 = arith.constant 16 : index
          %swap3A_149 = tpu.vector_load %arg22[%swap3A_147, %swap3A_148] {strides = array<i32>} : memref<80x128xf32, #tpu.memory_space<vmem>>, vector<16xf32>,
          tpu.vector_store %arg22[%swap3A_147, %swap3A_148], %mul3A_146 {strides = array<i32>} : memref<80x128xf32, #tpu.memory_space<vmem>>, vector<16xf32>,
          %get3A_150 = arith.index_cast %add3A_129 : i32 to index
          %get3A_151 = arith.constant 32 : index
          %get3A_152 = tpu.vector_load %arg22[%get3A_150, %get3A_151] {strides = array<i32>} : memref<80x128xf32, #tpu.memory_space<vmem>>, vector<16xf32>,
          %mul3A_153 = vector.broadcast %reduce_sum3A_134 : f32 to vector<16xf32>
          %mul3A_154 = arith.mulf %get3A_152, %mul3A_153 : vector<16xf32>
          %swap3A_155 = arith.index_cast %add3A_129 : i32 to index
          %swap3A_156 = arith.constant 32 : index
          %swap3A_157 = tpu.vector_load %arg22[%swap3A_155, %swap3A_156] {strides = array<i32>} : memref<80x128xf32, #tpu.memory_space<vmem>>, vector<16xf32>,
          tpu.vector_store %arg22[%swap3A_155, %swap3A_156], %mul3A_154 {strides = array<i32>} : memref<80x128xf32, #tpu.memory_space<vmem>>, vector<16xf32>,
          %get3A_158 = arith.index_cast %add3A_129 : i32 to index
          %get3A_159 = arith.constant 48 : index
          %get3A_160 = tpu.vector_load %arg22[%get3A_158, %get3A_159] {strides = array<i32>} : memref<80x128xf32, #tpu.memory_space<vmem>>, vector<16xf32>,
          %mul3A_161 = vector.broadcast %reduce_sum3A_134 : f32 to vector<16xf32>
          %mul3A_162 = arith.mulf %get3A_160, %mul3A_161 : vector<16xf32>
          %swap3A_163 = arith.index_cast %add3A_129 : i32 to index
          %swap3A_164 = arith.constant 48 : index
          %swap3A_165 = tpu.vector_load %arg22[%swap3A_163, %swap3A_164] {strides = array<i32>} : memref<80x128xf32, #tpu.memory_space<vmem>>, vector<16xf32>,
          tpu.vector_store %arg22[%swap3A_163, %swap3A_164], %mul3A_162 {strides = array<i32>} : memref<80x128xf32, #tpu.memory_space<vmem>>, vector<16xf32>,
          %get3A_166 = arith.index_cast %add3A_129 : i32 to index
          %get3A_167 = arith.constant 64 : index
          %get3A_168 = tpu.vector_load %arg22[%get3A_166, %get3A_167] {strides = array<i32>} : memref<80x128xf32, #tpu.memory_space<vmem>>, vector<16xf32>,
          %mul3A_169 = vector.broadcast %reduce_sum3A_134 : f32 to vector<16xf32>
          %mul3A_170 = arith.mulf %get3A_168, %mul3A_169 : vector<16xf32>
          %swap3A_171 = arith.index_cast %add3A_129 : i32 to index
          %swap3A_172 = arith.constant 64 : index
          %swap3A_173 = tpu.vector_load %arg22[%swap3A_171, %swap3A_172] {strides = array<i32>} : memref<80x128xf32, #tpu.memory_space<vmem>>, vector<16xf32>,
          tpu.vector_store %arg22[%swap3A_171, %swap3A_172], %mul3A_170 {strides = array<i32>} : memref<80x128xf32, #tpu.memory_space<vmem>>, vector<16xf32>,
          %get3A_174 = arith.index_cast %add3A_129 : i32 to index
          %get3A_175 = arith.constant 80 : index
          %get3A_176 = tpu.vector_load %arg22[%get3A_174, %get3A_175] {strides = array<i32>} : memref<80x128xf32, #tpu.memory_space<vmem>>, vector<16xf32>,
          %mul3A_177 = vector.broadcast %reduce_sum3A_134 : f32 to vector<16xf32>
          %mul3A_178 = arith.mulf %get3A_176, %mul3A_177 : vector<16xf32>
          %swap3A_179 = arith.index_cast %add3A_129 : i32 to index
          %swap3A_180 = arith.constant 80 : index
          %swap3A_181 = tpu.vector_load %arg22[%swap3A_179, %swap3A_180] {strides = array<i32>} : memref<80x128xf32, #tpu.memory_space<vmem>>, vector<16xf32>,
          tpu.vector_store %arg22[%swap3A_179, %swap3A_180], %mul3A_178 {strides = array<i32>} : memref<80x128xf32, #tpu.memory_space<vmem>>, vector<16xf32>,
          %get3A_182 = arith.index_cast %add3A_129 : i32 to index
          %get3A_183 = arith.constant 96 : index
          %get3A_184 = tpu.vector_load %arg22[%get3A_182, %get3A_183] {strides = array<i32>} : memref<80x128xf32, #tpu.memory_space<vmem>>, vector<16xf32>,
          %mul3A_185 = vector.broadcast %reduce_sum3A_134 : f32 to vector<16xf32>
          %mul3A_186 = arith.mulf %get3A_184, %mul3A_185 : vector<16xf32>
          %swap3A_187 = arith.index_cast %add3A_129 : i32 to index
          %swap3A_188 = arith.constant 96 : index
          %swap3A_189 = tpu.vector_load %arg22[%swap3A_187, %swap3A_188] {strides = array<i32>} : memref<80x128xf32, #tpu.memory_space<vmem>>, vector<16xf32>,
          tpu.vector_store %arg22[%swap3A_187, %swap3A_188], %mul3A_186 {strides = array<i32>} : memref<80x128xf32, #tpu.memory_space<vmem>>, vector<16xf32>,
          %get3A_190 = arith.index_cast %add3A_129 : i32 to index
          %get3A_191 = arith.constant 112 : index
          %get3A_192 = tpu.vector_load %arg22[%get3A_190, %get3A_191] {strides = array<i32>} : memref<80x128xf32, #tpu.memory_space<vmem>>, vector<16xf32>,
          %mul3A_193 = vector.broadcast %reduce_sum3A_134 : f32 to vector<16xf32>
          %mul3A_194 = arith.mulf %get3A_192, %mul3A_193 : vector<16xf32>
          %swap3A_195 = arith.index_cast %add3A_129 : i32 to index
          %swap3A_196 = arith.constant 112 : index
          %swap3A_197 = tpu.vector_load %arg22[%swap3A_195, %swap3A_196] {strides = array<i32>} : memref<80x128xf32, #tpu.memory_space<vmem>>, vector<16xf32>,
          tpu.vector_store %arg22[%swap3A_195, %swap3A_196], %mul3A_194 {strides = array<i32>} : memref<80x128xf32, #tpu.memory_space<vmem>>, vector<16xf32>,
          %mul3A_198 = arith.constant 16 : i32
          %mul3A_199 = arith.muli %scan3A_121, %mul3A_198 : i32
          %add3A_200 = arith.constant 1 : i32
          %add3A_201 = arith.addi %mul3A_199, %add3A_200 : i32
          %eq3A_202 = arith.constant 1 : i32
          %eq3A_203 = vector.broadcast %eq3A_202 : i32 to vector<16xi32>
          %eq3A_204 = arith.cmpi eq, %iota3A, %eq3A_203 : vector<16xi32>
          %jit3A_205 = arith.constant 0.000000e+00 : f32
          %broadcast_in_dim3A_206 = vector.broadcast %jit3A_205 : f32 to vector<16xf32>
          %select_n3A_207 = arith.select %eq3A_204, %get3A_125, %broadcast_in_dim3A_206 : vector<16xi1>, vector<16xf32>
          %reduce_sum3A_208 = arith.constant true
          %reduce_sum3A_209 = vector.broadcast %reduce_sum3A_208 : i1 to vector<16xi1>
          %reduce_sum3A_210 = tpu.scan <sum>, %select_n3A_207 masked %reduce_sum3A_209 : vector<16xf32>, vector<16xi1> -> vector<16xf32>
          %reduce_sum3A_211 = vector.extract %reduce_sum3A_210[15] : f32 from vector<16xf32>
          %get3A_212 = arith.index_cast %add3A_201 : i32 to index
          %get3A_213 = arith.constant 0 : index
          %get3A_214 = tpu.vector_load %arg22[%get3A_212, %get3A_213] {strides = array<i32>} : memref<80x128xf32, #tpu.memory_space<vmem>>, vector<16xf32>,
          %mul3A_215 = vector.broadcast %reduce_sum3A_211 : f32 to vector<16xf32>
          %mul3A_216 = arith.mulf %get3A_214, %mul3A_215 : vector<16xf32>
          %swap3A_217 = arith.index_cast %add3A_201 : i32 to index
          %swap3A_218 = arith.constant 0 : index
          %swap3A_219 = tpu.vector_load %arg22[%swap3A_217, %swap3A_218] {strides = array<i32>} : memref<80x128xf32, #tpu.memory_space<vmem>>, vector<16xf32>,
          tpu.vector_store %arg22[%swap3A_217, %swap3A_218], %mul3A_216 {strides = array<i32>} : memref<80x128xf32, #tpu.memory_space<vmem>>, vector<16xf32>,
          %get3A_220 = arith.index_cast %add3A_201 : i32 to index
          %get3A_221 = arith.constant 16 : index
          %get3A_222 = tpu.vector_load %arg22[%get3A_220, %get3A_221] {strides = array<i32>} : memref<80x128xf32, #tpu.memory_space<vmem>>, vector<16xf32>,
          %mul3A_223 = vector.broadcast %reduce_sum3A_211 : f32 to vector<16xf32>
          %mul3A_224 = arith.mulf %get3A_222, %mul3A_223 : vector<16xf32>
          %swap3A_225 = arith.index_cast %add3A_201 : i32 to index
          %swap3A_226 = arith.constant 16 : index
          %swap3A_227 = tpu.vector_load %arg22[%swap3A_225, %swap3A_226] {strides = array<i32>} : memref<80x128xf32, #tpu.memory_space<vmem>>, vector<16xf32>,
          tpu.vector_store %arg22[%swap3A_225, %swap3A_226], %mul3A_224 {strides = array<i32>} : memref<80x128xf32, #tpu.memory_space<vmem>>, vector<16xf32>,
          %get3A_228 = arith.index_cast %add3A_201 : i32 to index
          %get3A_229 = arith.constant 32 : index
          %get3A_230 = tpu.vector_load %arg22[%get3A_228, %get3A_229] {strides = array<i32>} : memref<80x128xf32, #tpu.memory_space<vmem>>, vector<16xf32>,
          %mul3A_231 = vector.broadcast %reduce_sum3A_211 : f32 to vector<16xf32>
          %mul3A_232 = arith.mulf %get3A_230, %mul3A_231 : vector<16xf32>
          %swap3A_233 = arith.index_cast %add3A_201 : i32 to index
          %swap3A_234 = arith.constant 32 : index
          %swap3A_235 = tpu.vector_load %arg22[%swap3A_233, %swap3A_234] {strides = array<i32>} : memref<80x128xf32, #tpu.memory_space<vmem>>, vector<16xf32>,
          tpu.vector_store %arg22[%swap3A_233, %swap3A_234], %mul3A_232 {strides = array<i32>} : memref<80x128xf32, #tpu.memory_space<vmem>>, vector<16xf32>,
          %get3A_236 = arith.index_cast %add3A_201 : i32 to index
          %get3A_237 = arith.constant 48 : index
          %get3A_238 = tpu.vector_load %arg22[%get3A_236, %get3A_237] {strides = array<i32>} : memref<80x128xf32, #tpu.memory_space<vmem>>, vector<16xf32>,
          %mul3A_239 = vector.broadcast %reduce_sum3A_211 : f32 to vector<16xf32>
          %mul3A_240 = arith.mulf %get3A_238, %mul3A_239 : vector<16xf32>
          %swap3A_241 = arith.index_cast %add3A_201 : i32 to index
          %swap3A_242 = arith.constant 48 : index
          %swap3A_243 = tpu.vector_load %arg22[%swap3A_241, %swap3A_242] {strides = array<i32>} : memref<80x128xf32, #tpu.memory_space<vmem>>, vector<16xf32>,
          tpu.vector_store %arg22[%swap3A_241, %swap3A_242], %mul3A_240 {strides = array<i32>} : memref<80x128xf32, #tpu.memory_space<vmem>>, vector<16xf32>,
          %get3A_244 = arith.index_cast %add3A_201 : i32 to index
          %get3A_245 = arith.constant 64 : index
          %get3A_246 = tpu.vector_load %arg22[%get3A_244, %get3A_245] {strides = array<i32>} : memref<80x128xf32, #tpu.memory_space<vmem>>, vector<16xf32>,
          %mul3A_247 = vector.broadcast %reduce_sum3A_211 : f32 to vector<16xf32>
          %mul3A_248 = arith.mulf %get3A_246, %mul3A_247 : vector<16xf32>
          %swap3A_249 = arith.index_cast %add3A_201 : i32 to index
          %swap3A_250 = arith.constant 64 : index
          %swap3A_251 = tpu.vector_load %arg22[%swap3A_249, %swap3A_250] {strides = array<i32>} : memref<80x128xf32, #tpu.memory_space<vmem>>, vector<16xf32>,
          tpu.vector_store %arg22[%swap3A_249, %swap3A_250], %mul3A_248 {strides = array<i32>} : memref<80x128xf32, #tpu.memory_space<vmem>>, vector<16xf32>,
          %get3A_252 = arith.index_cast %add3A_201 : i32 to index
          %get3A_253 = arith.constant 80 : index
          %get3A_254 = tpu.vector_load %arg22[%get3A_252, %get3A_253] {strides = array<i32>} : memref<80x128xf32, #tpu.memory_space<vmem>>, vector<16xf32>,
          %mul3A_255 = vector.broadcast %reduce_sum3A_211 : f32 to vector<16xf32>
          %mul3A_256 = arith.mulf %get3A_254, %mul3A_255 : vector<16xf32>
          %swap3A_257 = arith.index_cast %add3A_201 : i32 to index
          %swap3A_258 = arith.constant 80 : index
          %swap3A_259 = tpu.vector_load %arg22[%swap3A_257, %swap3A_258] {strides = array<i32>} : memref<80x128xf32, #tpu.memory_space<vmem>>, vector<16xf32>,
          tpu.vector_store %arg22[%swap3A_257, %swap3A_258], %mul3A_256 {strides = array<i32>} : memref<80x128xf32, #tpu.memory_space<vmem>>, vector<16xf32>,
          %get3A_260 = arith.index_cast %add3A_201 : i32 to index
          %get3A_261 = arith.constant 96 : index
          %get3A_262 = tpu.vector_load %arg22[%get3A_260, %get3A_261] {strides = array<i32>} : memref<80x128xf32, #tpu.memory_space<vmem>>, vector<16xf32>,
          %mul3A_263 = vector.broadcast %reduce_sum3A_211 : f32 to vector<16xf32>
          %mul3A_264 = arith.mulf %get3A_262, %mul3A_263 : vector<16xf32>
          %swap3A_265 = arith.index_cast %add3A_201 : i32 to index
          %swap3A_266 = arith.constant 96 : index
          %swap3A_267 = tpu.vector_load %arg22[%swap3A_265, %swap3A_266] {strides = array<i32>} : memref<80x128xf32, #tpu.memory_space<vmem>>, vector<16xf32>,
          tpu.vector_store %arg22[%swap3A_265, %swap3A_266], %mul3A_264 {strides = array<i32>} : memref<80x128xf32, #tpu.memory_space<vmem>>, vector<16xf32>,
          %get3A_268 = arith.index_cast %add3A_201 : i32 to index
          %get3A_269 = arith.constant 112 : index
          %get3A_270 = tpu.vector_load %arg22[%get3A_268, %get3A_269] {strides = array<i32>} : memref<80x128xf32, #tpu.memory_space<vmem>>, vector<16xf32>,
          %mul3A_271 = vector.broadcast %reduce_sum3A_211 : f32 to vector<16xf32>
          %mul3A_272 = arith.mulf %get3A_270, %mul3A_271 : vector<16xf32>
          %swap3A_273 = arith.index_cast %add3A_201 : i32 to index
          %swap3A_274 = arith.constant 112 : index
          %swap3A_275 = tpu.vector_load %arg22[%swap3A_273, %swap3A_274] {strides = array<i32>} : memref<80x128xf32, #tpu.memory_space<vmem>>, vector<16xf32>,
          tpu.vector_store %arg22[%swap3A_273, %swap3A_274], %mul3A_272 {strides = array<i32>} : memref<80x128xf32, #tpu.memory_space<vmem>>, vector<16xf32>,
          %mul3A_276 = arith.constant 16 : i32
          %mul3A_277 = arith.muli %scan3A_121, %mul3A_276 : i32
          %add3A_278 = arith.constant 2 : i32
          %add3A_279 = arith.addi %mul3A_277, %add3A_278 : i32
          %eq3A_280 = arith.constant 2 : i32
          %eq3A_281 = vector.broadcast %eq3A_280 : i32 to vector<16xi32>
          %eq3A_282 = arith.cmpi eq, %iota3A, %eq3A_281 : vector<16xi32>
          %jit3A_283 = arith.constant 0.000000e+00 : f32
          %broadcast_in_dim3A_284 = vector.broadcast %jit3A_283 : f32 to vector<16xf32>
          %select_n3A_285 = arith.select %eq3A_282, %get3A_125, %broadcast_in_dim3A_284 : vector<16xi1>, vector<16xf32>
          %reduce_sum3A_286 = arith.constant true
          %reduce_sum3A_287 = vector.broadcast %reduce_sum3A_286 : i1 to vector<16xi1>
          %reduce_sum3A_288 = tpu.scan <sum>, %select_n3A_285 masked %reduce_sum3A_287 : vector<16xf32>, vector<16xi1> -> vector<16xf32>
          %reduce_sum3A_289 = vector.extract %reduce_sum3A_288[15] : f32 from vector<16xf32>
          %get3A_290 = arith.index_cast %add3A_279 : i32 to index
          %get3A_291 = arith.constant 0 : index
          %get3A_292 = tpu.vector_load %arg22[%get3A_290, %get3A_291] {strides = array<i32>} : memref<80x128xf32, #tpu.memory_space<vmem>>, vector<16xf32>,
          %mul3A_293 = vector.broadcast %reduce_sum3A_289 : f32 to vector<16xf32>
          %mul3A_294 = arith.mulf %get3A_292, %mul3A_293 : vector<16xf32>
          %swap3A_295 = arith.index_cast %add3A_279 : i32 to index
          %swap3A_296 = arith.constant 0 : index
          %swap3A_297 = tpu.vector_load %arg22[%swap3A_295, %swap3A_296] {strides = array<i32>} : memref<80x128xf32, #tpu.memory_space<vmem>>, vector<16xf32>,
          tpu.vector_store %arg22[%swap3A_295, %swap3A_296], %mul3A_294 {strides = array<i32>} : memref<80x128xf32, #tpu.memory_space<vmem>>, vector<16xf32>,
          %get3A_298 = arith.index_cast %add3A_279 : i32 to index
          %get3A_299 = arith.constant 16 : index
          %get3A_300 = tpu.vector_load %arg22[%get3A_298, %get3A_299] {strides = array<i32>} : memref<80x128xf32, #tpu.memory_space<vmem>>, vector<16xf32>,
          %mul3A_301 = vector.broadcast %reduce_sum3A_289 : f32 to vector<16xf32>
          %mul3A_302 = arith.mulf %get3A_300, %mul3A_301 : vector<16xf32>
          %swap3A_303 = arith.index_cast %add3A_279 : i32 to index
          %swap3A_304 = arith.constant 16 : index
          %swap3A_305 = tpu.vector_load %arg22[%swap3A_303, %swap3A_304] {strides = array<i32>} : memref<80x128xf32, #tpu.memory_space<vmem>>, vector<16xf32>,
          tpu.vector_store %arg22[%swap3A_303, %swap3A_304], %mul3A_302 {strides = array<i32>} : memref<80x128xf32, #tpu.memory_space<vmem>>, vector<16xf32>,
          %get3A_306 = arith.index_cast %add3A_279 : i32 to index
          %get3A_307 = arith.constant 32 : index
          %get3A_308 = tpu.vector_load %arg22[%get3A_306, %get3A_307] {strides = array<i32>} : memref<80x128xf32, #tpu.memory_space<vmem>>, vector<16xf32>,
          %mul3A_309 = vector.broadcast %reduce_sum3A_289 : f32 to vector<16xf32>
          %mul3A_310 = arith.mulf %get3A_308, %mul3A_309 : vector<16xf32>
          %swap3A_311 = arith.index_cast %add3A_279 : i32 to index
          %swap3A_312 = arith.constant 32 : index
          %swap3A_313 = tpu.vector_load %arg22[%swap3A_311, %swap3A_312] {strides = array<i32>} : memref<80x128xf32, #tpu.memory_space<vmem>>, vector<16xf32>,
          tpu.vector_store %arg22[%swap3A_311, %swap3A_312], %mul3A_310 {strides = array<i32>} : memref<80x128xf32, #tpu.memory_space<vmem>>, vector<16xf32>,
          %get3A_314 = arith.index_cast %add3A_279 : i32 to index
          %get3A_315 = arith.constant 48 : index
          %get3A_316 = tpu.vector_load %arg22[%get3A_314, %get3A_315] {strides = array<i32>} : memref<80x128xf32, #tpu.memory_space<vmem>>, vector<16xf32>,
          %mul3A_317 = vector.broadcast %reduce_sum3A_289 : f32 to vector<16xf32>
          %mul3A_318 = arith.mulf %get3A_316, %mul3A_317 : vector<16xf32>
          %swap3A_319 = arith.index_cast %add3A_279 : i32 to index
          %swap3A_320 = arith.constant 48 : index
          %swap3A_321 = tpu.vector_load %arg22[%swap3A_319, %swap3A_320] {strides = array<i32>} : memref<80x128xf32, #tpu.memory_space<vmem>>, vector<16xf32>,
          tpu.vector_store %arg22[%swap3A_319, %swap3A_320], %mul3A_318 {strides = array<i32>} : memref<80x128xf32, #tpu.memory_space<vmem>>, vector<16xf32>,
          %get3A_322 = arith.index_cast %add3A_279 : i32 to index
          %get3A_323 = arith.constant 64 : index
          %get3A_324 = tpu.vector_load %arg22[%get3A_322, %get3A_323] {strides = array<i32>} : memref<80x128xf32, #tpu.memory_space<vmem>>, vector<16xf32>,
          %mul3A_325 = vector.broadcast %reduce_sum3A_289 : f32 to vector<16xf32>
          %mul3A_326 = arith.mulf %get3A_324, %mul3A_325 : vector<16xf32>
          %swap3A_327 = arith.index_cast %add3A_279 : i32 to index
          %swap3A_328 = arith.constant 64 : index
          %swap3A_329 = tpu.vector_load %arg22[%swap3A_327, %swap3A_328] {strides = array<i32>} : memref<80x128xf32, #tpu.memory_space<vmem>>, vector<16xf32>,
          tpu.vector_store %arg22[%swap3A_327, %swap3A_328], %mul3A_326 {strides = array<i32>} : memref<80x128xf32, #tpu.memory_space<vmem>>, vector<16xf32>,
          %get3A_330 = arith.index_cast %add3A_279 : i32 to index
          %get3A_331 = arith.constant 80 : index
          %get3A_332 = tpu.vector_load %arg22[%get3A_330, %get3A_331] {strides = array<i32>} : memref<80x128xf32, #tpu.memory_space<vmem>>, vector<16xf32>,
          %mul3A_333 = vector.broadcast %reduce_sum3A_289 : f32 to vector<16xf32>
          %mul3A_334 = arith.mulf %get3A_332, %mul3A_333 : vector<16xf32>
          %swap3A_335 = arith.index_cast %add3A_279 : i32 to index
          %swap3A_336 = arith.constant 80 : index
          %swap3A_337 = tpu.vector_load %arg22[%swap3A_335, %swap3A_336] {strides = array<i32>} : memref<80x128xf32, #tpu.memory_space<vmem>>, vector<16xf32>,
          tpu.vector_store %arg22[%swap3A_335, %swap3A_336], %mul3A_334 {strides = array<i32>} : memref<80x128xf32, #tpu.memory_space<vmem>>, vector<16xf32>,
          %get3A_338 = arith.index_cast %add3A_279 : i32 to index
          %get3A_339 = arith.constant 96 : index
          %get3A_340 = tpu.vector_load %arg22[%get3A_338, %get3A_339] {strides = array<i32>} : memref<80x128xf32, #tpu.memory_space<vmem>>, vector<16xf32>,
          %mul3A_341 = vector.broadcast %reduce_sum3A_289 : f32 to vector<16xf32>
          %mul3A_342 = arith.mulf %get3A_340, %mul3A_341 : vector<16xf32>
          %swap3A_343 = arith.index_cast %add3A_279 : i32 to index
          %swap3A_344 = arith.constant 96 : index
          %swap3A_345 = tpu.vector_load %arg22[%swap3A_343, %swap3A_344] {strides = array<i32>} : memref<80x128xf32, #tpu.memory_space<vmem>>, vector<16xf32>,
          tpu.vector_store %arg22[%swap3A_343, %swap3A_344], %mul3A_342 {strides = array<i32>} : memref<80x128xf32, #tpu.memory_space<vmem>>, vector<16xf32>,
          %get3A_346 = arith.index_cast %add3A_279 : i32 to index
          %get3A_347 = arith.constant 112 : index
          %get3A_348 = tpu.vector_load %arg22[%get3A_346, %get3A_347] {strides = array<i32>} : memref<80x128xf32, #tpu.memory_space<vmem>>, vector<16xf32>,
          %mul3A_349 = vector.broadcast %reduce_sum3A_289 : f32 to vector<16xf32>
          %mul3A_350 = arith.mulf %get3A_348, %mul3A_349 : vector<16xf32>
          %swap3A_351 = arith.index_cast %add3A_279 : i32 to index
          %swap3A_352 = arith.constant 112 : index
          %swap3A_353 = tpu.vector_load %arg22[%swap3A_351, %swap3A_352] {strides = array<i32>} : memref<80x128xf32, #tpu.memory_space<vmem>>, vector<16xf32>,
          tpu.vector_store %arg22[%swap3A_351, %swap3A_352], %mul3A_350 {strides = array<i32>} : memref<80x128xf32, #tpu.memory_space<vmem>>, vector<16xf32>,
          %mul3A_354 = arith.constant 16 : i32
          %mul3A_355 = arith.muli %scan3A_121, %mul3A_354 : i32
          %add3A_356 = arith.constant 3 : i32
          %add3A_357 = arith.addi %mul3A_355, %add3A_356 : i32
          %eq3A_358 = arith.constant 3 : i32
          %eq3A_359 = vector.broadcast %eq3A_358 : i32 to vector<16xi32>
          %eq3A_360 = arith.cmpi eq, %iota3A, %eq3A_359 : vector<16xi32>
          %jit3A_361 = arith.constant 0.000000e+00 : f32
          %broadcast_in_dim3A_362 = vector.broadcast %jit3A_361 : f32 to vector<16xf32>
          %select_n3A_363 = arith.select %eq3A_360, %get3A_125, %broadcast_in_dim3A_362 : vector<16xi1>, vector<16xf32>
          %reduce_sum3A_364 = arith.constant true
          %reduce_sum3A_365 = vector.broadcast %reduce_sum3A_364 : i1 to vector<16xi1>
          %reduce_sum3A_366 = tpu.scan <sum>, %select_n3A_363 masked %reduce_sum3A_365 : vector<16xf32>, vector<16xi1> -> vector<16xf32>
          %reduce_sum3A_367 = vector.extract %reduce_sum3A_366[15] : f32 from vector<16xf32>
          %get3A_368 = arith.index_cast %add3A_357 : i32 to index
          %get3A_369 = arith.constant 0 : index
          %get3A_370 = tpu.vector_load %arg22[%get3A_368, %get3A_369] {strides = array<i32>} : memref<80x128xf32, #tpu.memory_space<vmem>>, vector<16xf32>,
          %mul3A_371 = vector.broadcast %reduce_sum3A_367 : f32 to vector<16xf32>
          %mul3A_372 = arith.mulf %get3A_370, %mul3A_371 : vector<16xf32>
          %swap3A_373 = arith.index_cast %add3A_357 : i32 to index
          %swap3A_374 = arith.constant 0 : index
          %swap3A_375 = tpu.vector_load %arg22[%swap3A_373, %swap3A_374] {strides = array<i32>} : memref<80x128xf32, #tpu.memory_space<vmem>>, vector<16xf32>,
          tpu.vector_store %arg22[%swap3A_373, %swap3A_374], %mul3A_372 {strides = array<i32>} : memref<80x128xf32, #tpu.memory_space<vmem>>, vector<16xf32>,
          %get3A_376 = arith.index_cast %add3A_357 : i32 to index
          %get3A_377 = arith.constant 16 : index
          %get3A_378 = tpu.vector_load %arg22[%get3A_376, %get3A_377] {strides = array<i32>} : memref<80x128xf32, #tpu.memory_space<vmem>>, vector<16xf32>,
          %mul3A_379 = vector.broadcast %reduce_sum3A_367 : f32 to vector<16xf32>
          %mul3A_380 = arith.mulf %get3A_378, %mul3A_379 : vector<16xf32>
          %swap3A_381 = arith.index_cast %add3A_357 : i32 to index
          %swap3A_382 = arith.constant 16 : index
          %swap3A_383 = tpu.vector_load %arg22[%swap3A_381, %swap3A_382] {strides = array<i32>} : memref<80x128xf32, #tpu.memory_space<vmem>>, vector<16xf32>,
          tpu.vector_store %arg22[%swap3A_381, %swap3A_382], %mul3A_380 {strides = array<i32>} : memref<80x128xf32, #tpu.memory_space<vmem>>, vector<16xf32>,
          %get3A_384 = arith.index_cast %add3A_357 : i32 to index
          %get3A_385 = arith.constant 32 : index
          %get3A_386 = tpu.vector_load %arg22[%get3A_384, %get3A_385] {strides = array<i32>} : memref<80x128xf32, #tpu.memory_space<vmem>>, vector<16xf32>,
          %mul3A_387 = vector.broadcast %reduce_sum3A_367 : f32 to vector<16xf32>
          %mul3A_388 = arith.mulf %get3A_386, %mul3A_387 : vector<16xf32>
          %swap3A_389 = arith.index_cast %add3A_357 : i32 to index
          %swap3A_390 = arith.constant 32 : index
          %swap3A_391 = tpu.vector_load %arg22[%swap3A_389, %swap3A_390] {strides = array<i32>} : memref<80x128xf32, #tpu.memory_space<vmem>>, vector<16xf32>,
          tpu.vector_store %arg22[%swap3A_389, %swap3A_390], %mul3A_388 {strides = array<i32>} : memref<80x128xf32, #tpu.memory_space<vmem>>, vector<16xf32>,
          %get3A_392 = arith.index_cast %add3A_357 : i32 to index
          %get3A_393 = arith.constant 48 : index
          %get3A_394 = tpu.vector_load %arg22[%get3A_392, %get3A_393] {strides = array<i32>} : memref<80x128xf32, #tpu.memory_space<vmem>>, vector<16xf32>,
          %mul3A_395 = vector.broadcast %reduce_sum3A_367 : f32 to vector<16xf32>
          %mul3A_396 = arith.mulf %get3A_394, %mul3A_395 : vector<16xf32>
          %swap3A_397 = arith.index_cast %add3A_357 : i32 to index
          %swap3A_398 = arith.constant 48 : index
          %swap3A_399 = tpu.vector_load %arg22[%swap3A_397, %swap3A_398] {strides = array<i32>} : memref<80x128xf32, #tpu.memory_space<vmem>>, vector<16xf32>,
          tpu.vector_store %arg22[%swap3A_397, %swap3A_398], %mul3A_396 {strides = array<i32>} : memref<80x128xf32, #tpu.memory_space<vmem>>, vector<16xf32>,
          %get3A_400 = arith.index_cast %add3A_357 : i32 to index
          %get3A_401 = arith.constant 64 : index
          %get3A_402 = tpu.vector_load %arg22[%get3A_400, %get3A_401] {strides = array<i32>} : memref<80x128xf32, #tpu.memory_space<vmem>>, vector<16xf32>,
          %mul3A_403 = vector.broadcast %reduce_sum3A_367 : f32 to vector<16xf32>
          %mul3A_404 = arith.mulf %get3A_402, %mul3A_403 : vector<16xf32>
          %swap3A_405 = arith.index_cast %add3A_357 : i32 to index
          %swap3A_406 = arith.constant 64 : index
          %swap3A_407 = tpu.vector_load %arg22[%swap3A_405, %swap3A_406] {strides = array<i32>} : memref<80x128xf32, #tpu.memory_space<vmem>>, vector<16xf32>,
          tpu.vector_store %arg22[%swap3A_405, %swap3A_406], %mul3A_404 {strides = array<i32>} : memref<80x128xf32, #tpu.memory_space<vmem>>, vector<16xf32>,
          %get3A_408 = arith.index_cast %add3A_357 : i32 to index
          %get3A_409 = arith.constant 80 : index
          %get3A_410 = tpu.vector_load %arg22[%get3A_408, %get3A_409] {strides = array<i32>} : memref<80x128xf32, #tpu.memory_space<vmem>>, vector<16xf32>,
          %mul3A_411 = vector.broadcast %reduce_sum3A_367 : f32 to vector<16xf32>
          %mul3A_412 = arith.mulf %get3A_410, %mul3A_411 : vector<16xf32>
          %swap3A_413 = arith.index_cast %add3A_357 : i32 to index
          %swap3A_414 = arith.constant 80 : index
          %swap3A_415 = tpu.vector_load %arg22[%swap3A_413, %swap3A_414] {strides = array<i32>} : memref<80x128xf32, #tpu.memory_space<vmem>>, vector<16xf32>,
          tpu.vector_store %arg22[%swap3A_413, %swap3A_414], %mul3A_412 {strides = array<i32>} : memref<80x128xf32, #tpu.memory_space<vmem>>, vector<16xf32>,
          %get3A_416 = arith.index_cast %add3A_357 : i32 to index
          %get3A_417 = arith.constant 96 : index
          %get3A_418 = tpu.vector_load %arg22[%get3A_416, %get3A_417] {strides = array<i32>} : memref<80x128xf32, #tpu.memory_space<vmem>>, vector<16xf32>,
          %mul3A_419 = vector.broadcast %reduce_sum3A_367 : f32 to vector<16xf32>
          %mul3A_420 = arith.mulf %get3A_418, %mul3A_419 : vector<16xf32>
          %swap3A_421 = arith.index_cast %add3A_357 : i32 to index
          %swap3A_422 = arith.constant 96 : index
          %swap3A_423 = tpu.vector_load %arg22[%swap3A_421, %swap3A_422] {strides = array<i32>} : memref<80x128xf32, #tpu.memory_space<vmem>>, vector<16xf32>,
          tpu.vector_store %arg22[%swap3A_421, %swap3A_422], %mul3A_420 {strides = array<i32>} : memref<80x128xf32, #tpu.memory_space<vmem>>, vector<16xf32>,
          %get3A_424 = arith.index_cast %add3A_357 : i32 to index
          %get3A_425 = arith.constant 112 : index
          %get3A_426 = tpu.vector_load %arg22[%get3A_424, %get3A_425] {strides = array<i32>} : memref<80x128xf32, #tpu.memory_space<vmem>>, vector<16xf32>,
          %mul3A_427 = vector.broadcast %reduce_sum3A_367 : f32 to vector<16xf32>
          %mul3A_428 = arith.mulf %get3A_426, %mul3A_427 : vector<16xf32>
          %swap3A_429 = arith.index_cast %add3A_357 : i32 to index
          %swap3A_430 = arith.constant 112 : index
          %swap3A_431 = tpu.vector_load %arg22[%swap3A_429, %swap3A_430] {strides = array<i32>} : memref<80x128xf32, #tpu.memory_space<vmem>>, vector<16xf32>,
          tpu.vector_store %arg22[%swap3A_429, %swap3A_430], %mul3A_428 {strides = array<i32>} : memref<80x128xf32, #tpu.memory_space<vmem>>, vector<16xf32>,
          %mul3A_432 = arith.constant 16 : i32
          %mul3A_433 = arith.muli %scan3A_121, %mul3A_432 : i32
          %add3A_434 = arith.constant 4 : i32
          %add3A_435 = arith.addi %mul3A_433, %add3A_434 : i32
          %eq3A_436 = arith.constant 4 : i32
          %eq3A_437 = vector.broadcast %eq3A_436 : i32 to vector<16xi32>
          %eq3A_438 = arith.cmpi eq, %iota3A, %eq3A_437 : vector<16xi32>
          %jit3A_439 = arith.constant 0.000000e+00 : f32
          %broadcast_in_dim3A_440 = vector.broadcast %jit3A_439 : f32 to vector<16xf32>
          %select_n3A_441 = arith.select %eq3A_438, %get3A_125, %broadcast_in_dim3A_440 : vector<16xi1>, vector<16xf32>
          %reduce_sum3A_442 = arith.constant true
          %reduce_sum3A_443 = vector.broadcast %reduce_sum3A_442 : i1 to vector<16xi1>
          %reduce_sum3A_444 = tpu.scan <sum>, %select_n3A_441 masked %reduce_sum3A_443 : vector<16xf32>, vector<16xi1> -> vector<16xf32>
          %reduce_sum3A_445 = vector.extract %reduce_sum3A_444[15] : f32 from vector<16xf32>
          %get3A_446 = arith.index_cast %add3A_435 : i32 to index
          %get3A_447 = arith.constant 0 : index
          %get3A_448 = tpu.vector_load %arg22[%get3A_446, %get3A_447] {strides = array<i32>} : memref<80x128xf32, #tpu.memory_space<vmem>>, vector<16xf32>,
          %mul3A_449 = vector.broadcast %reduce_sum3A_445 : f32 to vector<16xf32>
          %mul3A_450 = arith.mulf %get3A_448, %mul3A_449 : vector<16xf32>
          %swap3A_451 = arith.index_cast %add3A_435 : i32 to index
          %swap3A_452 = arith.constant 0 : index
          %swap3A_453 = tpu.vector_load %arg22[%swap3A_451, %swap3A_452] {strides = array<i32>} : memref<80x128xf32, #tpu.memory_space<vmem>>, vector<16xf32>,
          tpu.vector_store %arg22[%swap3A_451, %swap3A_452], %mul3A_450 {strides = array<i32>} : memref<80x128xf32, #tpu.memory_space<vmem>>, vector<16xf32>,
          %get3A_454 = arith.index_cast %add3A_435 : i32 to index
          %get3A_455 = arith.constant 16 : index
          %get3A_456 = tpu.vector_load %arg22[%get3A_454, %get3A_455] {strides = array<i32>} : memref<80x128xf32, #tpu.memory_space<vmem>>, vector<16xf32>,
          %mul3A_457 = vector.broadcast %reduce_sum3A_445 : f32 to vector<16xf32>
          %mul3A_458 = arith.mulf %get3A_456, %mul3A_457 : vector<16xf32>
          %swap3A_459 = arith.index_cast %add3A_435 : i32 to index
          %swap3A_460 = arith.constant 16 : index
          %swap3A_461 = tpu.vector_load %arg22[%swap3A_459, %swap3A_460] {strides = array<i32>} : memref<80x128xf32, #tpu.memory_space<vmem>>, vector<16xf32>,
          tpu.vector_store %arg22[%swap3A_459, %swap3A_460], %mul3A_458 {strides = array<i32>} : memref<80x128xf32, #tpu.memory_space<vmem>>, vector<16xf32>,
          %get3A_462 = arith.index_cast %add3A_435 : i32 to index
          %get3A_463 = arith.constant 32 : index
          %get3A_464 = tpu.vector_load %arg22[%get3A_462, %get3A_463] {strides = array<i32>} : memref<80x128xf32, #tpu.memory_space<vmem>>, vector<16xf32>,
          %mul3A_465 = vector.broadcast %reduce_sum3A_445 : f32 to vector<16xf32>
          %mul3A_466 = arith.mulf %get3A_464, %mul3A_465 : vector<16xf32>
          %swap3A_467 = arith.index_cast %add3A_435 : i32 to index
          %swap3A_468 = arith.constant 32 : index
          %swap3A_469 = tpu.vector_load %arg22[%swap3A_467, %swap3A_468] {strides = array<i32>} : memref<80x128xf32, #tpu.memory_space<vmem>>, vector<16xf32>,
          tpu.vector_store %arg22[%swap3A_467, %swap3A_468], %mul3A_466 {strides = array<i32>} : memref<80x128xf32, #tpu.memory_space<vmem>>, vector<16xf32>,
          %get3A_470 = arith.index_cast %add3A_435 : i32 to index
          %get3A_471 = arith.constant 48 : index
          %get3A_472 = tpu.vector_load %arg22[%get3A_470, %get3A_471] {strides = array<i32>} : memref<80x128xf32, #tpu.memory_space<vmem>>, vector<16xf32>,
          %mul3A_473 = vector.broadcast %reduce_sum3A_445 : f32 to vector<16xf32>
          %mul3A_474 = arith.mulf %get3A_472, %mul3A_473 : vector<16xf32>
          %swap3A_475 = arith.index_cast %add3A_435 : i32 to index
          %swap3A_476 = arith.constant 48 : index
          %swap3A_477 = tpu.vector_load %arg22[%swap3A_475, %swap3A_476] {strides = array<i32>} : memref<80x128xf32, #tpu.memory_space<vmem>>, vector<16xf32>,
          tpu.vector_store %arg22[%swap3A_475, %swap3A_476], %mul3A_474 {strides = array<i32>} : memref<80x128xf32, #tpu.memory_space<vmem>>, vector<16xf32>,
          %get3A_478 = arith.index_cast %add3A_435 : i32 to index
          %get3A_479 = arith.constant 64 : index
          %get3A_480 = tpu.vector_load %arg22[%get3A_478, %get3A_479] {strides = array<i32>} : memref<80x128xf32, #tpu.memory_space<vmem>>, vector<16xf32>,
          %mul3A_481 = vector.broadcast %reduce_sum3A_445 : f32 to vector<16xf32>
          %mul3A_482 = arith.mulf %get3A_480, %mul3A_481 : vector<16xf32>
          %swap3A_483 = arith.index_cast %add3A_435 : i32 to index
          %swap3A_484 = arith.constant 64 : index
          %swap3A_485 = tpu.vector_load %arg22[%swap3A_483, %swap3A_484] {strides = array<i32>} : memref<80x128xf32, #tpu.memory_space<vmem>>, vector<16xf32>,
          tpu.vector_store %arg22[%swap3A_483, %swap3A_484], %mul3A_482 {strides = array<i32>} : memref<80x128xf32, #tpu.memory_space<vmem>>, vector<16xf32>,
          %get3A_486 = arith.index_cast %add3A_435 : i32 to index
          %get3A_487 = arith.constant 80 : index
          %get3A_488 = tpu.vector_load %arg22[%get3A_486, %get3A_487] {strides = array<i32>} : memref<80x128xf32, #tpu.memory_space<vmem>>, vector<16xf32>,
          %mul3A_489 = vector.broadcast %reduce_sum3A_445 : f32 to vector<16xf32>
          %mul3A_490 = arith.mulf %get3A_488, %mul3A_489 : vector<16xf32>
          %swap3A_491 = arith.index_cast %add3A_435 : i32 to index
          %swap3A_492 = arith.constant 80 : index
          %swap3A_493 = tpu.vector_load %arg22[%swap3A_491, %swap3A_492] {strides = array<i32>} : memref<80x128xf32, #tpu.memory_space<vmem>>, vector<16xf32>,
          tpu.vector_store %arg22[%swap3A_491, %swap3A_492], %mul3A_490 {strides = array<i32>} : memref<80x128xf32, #tpu.memory_space<vmem>>, vector<16xf32>,
          %get3A_494 = arith.index_cast %add3A_435 : i32 to index
          %get3A_495 = arith.constant 96 : index
          %get3A_496 = tpu.vector_load %arg22[%get3A_494, %get3A_495] {strides = array<i32>} : memref<80x128xf32, #tpu.memory_space<vmem>>, vector<16xf32>,
          %mul3A_497 = vector.broadcast %reduce_sum3A_445 : f32 to vector<16xf32>
          %mul3A_498 = arith.mulf %get3A_496, %mul3A_497 : vector<16xf32>
          %swap3A_499 = arith.index_cast %add3A_435 : i32 to index
          %swap3A_500 = arith.constant 96 : index
          %swap3A_501 = tpu.vector_load %arg22[%swap3A_499, %swap3A_500] {strides = array<i32>} : memref<80x128xf32, #tpu.memory_space<vmem>>, vector<16xf32>,
          tpu.vector_store %arg22[%swap3A_499, %swap3A_500], %mul3A_498 {strides = array<i32>} : memref<80x128xf32, #tpu.memory_space<vmem>>, vector<16xf32>,
          %get3A_502 = arith.index_cast %add3A_435 : i32 to index
          %get3A_503 = arith.constant 112 : index
          %get3A_504 = tpu.vector_load %arg22[%get3A_502, %get3A_503] {strides = array<i32>} : memref<80x128xf32, #tpu.memory_space<vmem>>, vector<16xf32>,
          %mul3A_505 = vector.broadcast %reduce_sum3A_445 : f32 to vector<16xf32>
          %mul3A_506 = arith.mulf %get3A_504, %mul3A_505 : vector<16xf32>
          %swap3A_507 = arith.index_cast %add3A_435 : i32 to index
          %swap3A_508 = arith.constant 112 : index
          %swap3A_509 = tpu.vector_load %arg22[%swap3A_507, %swap3A_508] {strides = array<i32>} : memref<80x128xf32, #tpu.memory_space<vmem>>, vector<16xf32>,
          tpu.vector_store %arg22[%swap3A_507, %swap3A_508], %mul3A_506 {strides = array<i32>} : memref<80x128xf32, #tpu.memory_space<vmem>>, vector<16xf32>,
          %mul3A_510 = arith.constant 16 : i32
          %mul3A_511 = arith.muli %scan3A_121, %mul3A_510 : i32
          %add3A_512 = arith.constant 5 : i32
          %add3A_513 = arith.addi %mul3A_511, %add3A_512 : i32
          %eq3A_514 = arith.constant 5 : i32
          %eq3A_515 = vector.broadcast %eq3A_514 : i32 to vector<16xi32>
          %eq3A_516 = arith.cmpi eq, %iota3A, %eq3A_515 : vector<16xi32>
          %jit3A_517 = arith.constant 0.000000e+00 : f32
          %broadcast_in_dim3A_518 = vector.broadcast %jit3A_517 : f32 to vector<16xf32>
          %select_n3A_519 = arith.select %eq3A_516, %get3A_125, %broadcast_in_dim3A_518 : vector<16xi1>, vector<16xf32>
          %reduce_sum3A_520 = arith.constant true
          %reduce_sum3A_521 = vector.broadcast %reduce_sum3A_520 : i1 to vector<16xi1>
          %reduce_sum3A_522 = tpu.scan <sum>, %select_n3A_519 masked %reduce_sum3A_521 : vector<16xf32>, vector<16xi1> -> vector<16xf32>
          %reduce_sum3A_523 = vector.extract %reduce_sum3A_522[15] : f32 from vector<16xf32>
          %get3A_524 = arith.index_cast %add3A_513 : i32 to index
          %get3A_525 = arith.constant 0 : index
          %get3A_526 = tpu.vector_load %arg22[%get3A_524, %get3A_525] {strides = array<i32>} : memref<80x128xf32, #tpu.memory_space<vmem>>, vector<16xf32>,
          %mul3A_527 = vector.broadcast %reduce_sum3A_523 : f32 to vector<16xf32>
          %mul3A_528 = arith.mulf %get3A_526, %mul3A_527 : vector<16xf32>
          %swap3A_529 = arith.index_cast %add3A_513 : i32 to index
          %swap3A_530 = arith.constant 0 : index
          %swap3A_531 = tpu.vector_load %arg22[%swap3A_529, %swap3A_530] {strides = array<i32>} : memref<80x128xf32, #tpu.memory_space<vmem>>, vector<16xf32>,
          tpu.vector_store %arg22[%swap3A_529, %swap3A_530], %mul3A_528 {strides = array<i32>} : memref<80x128xf32, #tpu.memory_space<vmem>>, vector<16xf32>,
          %get3A_532 = arith.index_cast %add3A_513 : i32 to index
          %get3A_533 = arith.constant 16 : index
          %get3A_534 = tpu.vector_load %arg22[%get3A_532, %get3A_533] {strides = array<i32>} : memref<80x128xf32, #tpu.memory_space<vmem>>, vector<16xf32>,
          %mul3A_535 = vector.broadcast %reduce_sum3A_523 : f32 to vector<16xf32>
          %mul3A_536 = arith.mulf %get3A_534, %mul3A_535 : vector<16xf32>
          %swap3A_537 = arith.index_cast %add3A_513 : i32 to index
          %swap3A_538 = arith.constant 16 : index
          %swap3A_539 = tpu.vector_load %arg22[%swap3A_537, %swap3A_538] {strides = array<i32>} : memref<80x128xf32, #tpu.memory_space<vmem>>, vector<16xf32>,
          tpu.vector_store %arg22[%swap3A_537, %swap3A_538], %mul3A_536 {strides = array<i32>} : memref<80x128xf32, #tpu.memory_space<vmem>>, vector<16xf32>,
          %get3A_540 = arith.index_cast %add3A_513 : i32 to index
          %get3A_541 = arith.constant 32 : index
          %get3A_542 = tpu.vector_load %arg22[%get3A_540, %get3A_541] {strides = array<i32>} : memref<80x128xf32, #tpu.memory_space<vmem>>, vector<16xf32>,
          %mul3A_543 = vector.broadcast %reduce_sum3A_523 : f32 to vector<16xf32>
          %mul3A_544 = arith.mulf %get3A_542, %mul3A_543 : vector<16xf32>
          %swap3A_545 = arith.index_cast %add3A_513 : i32 to index
          %swap3A_546 = arith.constant 32 : index
          %swap3A_547 = tpu.vector_load %arg22[%swap3A_545, %swap3A_546] {strides = array<i32>} : memref<80x128xf32, #tpu.memory_space<vmem>>, vector<16xf32>,
          tpu.vector_store %arg22[%swap3A_545, %swap3A_546], %mul3A_544 {strides = array<i32>} : memref<80x128xf32, #tpu.memory_space<vmem>>, vector<16xf32>,
          %get3A_548 = arith.index_cast %add3A_513 : i32 to index
          %get3A_549 = arith.constant 48 : index
          %get3A_550 = tpu.vector_load %arg22[%get3A_548, %get3A_549] {strides = array<i32>} : memref<80x128xf32, #tpu.memory_space<vmem>>, vector<16xf32>,
          %mul3A_551 = vector.broadcast %reduce_sum3A_523 : f32 to vector<16xf32>
          %mul3A_552 = arith.mulf %get3A_550, %mul3A_551 : vector<16xf32>
          %swap3A_553 = arith.index_cast %add3A_513 : i32 to index
          %swap3A_554 = arith.constant 48 : index
          %swap3A_555 = tpu.vector_load %arg22[%swap3A_553, %swap3A_554] {strides = array<i32>} : memref<80x128xf32, #tpu.memory_space<vmem>>, vector<16xf32>,
          tpu.vector_store %arg22[%swap3A_553, %swap3A_554], %mul3A_552 {strides = array<i32>} : memref<80x128xf32, #tpu.memory_space<vmem>>, vector<16xf32>,
          %get3A_556 = arith.index_cast %add3A_513 : i32 to index
          %get3A_557 = arith.constant 64 : index
          %get3A_558 = tpu.vector_load %arg22[%get3A_556, %get3A_557] {strides = array<i32>} : memref<80x128xf32, #tpu.memory_space<vmem>>, vector<16xf32>,
          %mul3A_559 = vector.broadcast %reduce_sum3A_523 : f32 to vector<16xf32>
          %mul3A_560 = arith.mulf %get3A_558, %mul3A_559 : vector<16xf32>
          %swap3A_561 = arith.index_cast %add3A_513 : i32 to index
          %swap3A_562 = arith.constant 64 : index
          %swap3A_563 = tpu.vector_load %arg22[%swap3A_561, %swap3A_562] {strides = array<i32>} : memref<80x128xf32, #tpu.memory_space<vmem>>, vector<16xf32>,
          tpu.vector_store %arg22[%swap3A_561, %swap3A_562], %mul3A_560 {strides = array<i32>} : memref<80x128xf32, #tpu.memory_space<vmem>>, vector<16xf32>,
          %get3A_564 = arith.index_cast %add3A_513 : i32 to index
          %get3A_565 = arith.constant 80 : index
          %get3A_566 = tpu.vector_load %arg22[%get3A_564, %get3A_565] {strides = array<i32>} : memref<80x128xf32, #tpu.memory_space<vmem>>, vector<16xf32>,
          %mul3A_567 = vector.broadcast %reduce_sum3A_523 : f32 to vector<16xf32>
          %mul3A_568 = arith.mulf %get3A_566, %mul3A_567 : vector<16xf32>
          %swap3A_569 = arith.index_cast %add3A_513 : i32 to index
          %swap3A_570 = arith.constant 80 : index
          %swap3A_571 = tpu.vector_load %arg22[%swap3A_569, %swap3A_570] {strides = array<i32>} : memref<80x128xf32, #tpu.memory_space<vmem>>, vector<16xf32>,
          tpu.vector_store %arg22[%swap3A_569, %swap3A_570], %mul3A_568 {strides = array<i32>} : memref<80x128xf32, #tpu.memory_space<vmem>>, vector<16xf32>,
          %get3A_572 = arith.index_cast %add3A_513 : i32 to index
          %get3A_573 = arith.constant 96 : index
          %get3A_574 = tpu.vector_load %arg22[%get3A_572, %get3A_573] {strides = array<i32>} : memref<80x128xf32, #tpu.memory_space<vmem>>, vector<16xf32>,
          %mul3A_575 = vector.broadcast %reduce_sum3A_523 : f32 to vector<16xf32>
          %mul3A_576 = arith.mulf %get3A_574, %mul3A_575 : vector<16xf32>
          %swap3A_577 = arith.index_cast %add3A_513 : i32 to index
          %swap3A_578 = arith.constant 96 : index
          %swap3A_579 = tpu.vector_load %arg22[%swap3A_577, %swap3A_578] {strides = array<i32>} : memref<80x128xf32, #tpu.memory_space<vmem>>, vector<16xf32>,
          tpu.vector_store %arg22[%swap3A_577, %swap3A_578], %mul3A_576 {strides = array<i32>} : memref<80x128xf32, #tpu.memory_space<vmem>>, vector<16xf32>,
          %get3A_580 = arith.index_cast %add3A_513 : i32 to index
          %get3A_581 = arith.constant 112 : index
          %get3A_582 = tpu.vector_load %arg22[%get3A_580, %get3A_581] {strides = array<i32>} : memref<80x128xf32, #tpu.memory_space<vmem>>, vector<16xf32>,
          %mul3A_583 = vector.broadcast %reduce_sum3A_523 : f32 to vector<16xf32>
          %mul3A_584 = arith.mulf %get3A_582, %mul3A_583 : vector<16xf32>
          %swap3A_585 = arith.index_cast %add3A_513 : i32 to index
          %swap3A_586 = arith.constant 112 : index
          %swap3A_587 = tpu.vector_load %arg22[%swap3A_585, %swap3A_586] {strides = array<i32>} : memref<80x128xf32, #tpu.memory_space<vmem>>, vector<16xf32>,
          tpu.vector_store %arg22[%swap3A_585, %swap3A_586], %mul3A_584 {strides = array<i32>} : memref<80x128xf32, #tpu.memory_space<vmem>>, vector<16xf32>,
          %mul3A_588 = arith.constant 16 : i32
          %mul3A_589 = arith.muli %scan3A_121, %mul3A_588 : i32
          %add3A_590 = arith.constant 6 : i32
          %add3A_591 = arith.addi %mul3A_589, %add3A_590 : i32
          %eq3A_592 = arith.constant 6 : i32
          %eq3A_593 = vector.broadcast %eq3A_592 : i32 to vector<16xi32>
          %eq3A_594 = arith.cmpi eq, %iota3A, %eq3A_593 : vector<16xi32>
          %jit3A_595 = arith.constant 0.000000e+00 : f32
          %broadcast_in_dim3A_596 = vector.broadcast %jit3A_595 : f32 to vector<16xf32>
          %select_n3A_597 = arith.select %eq3A_594, %get3A_125, %broadcast_in_dim3A_596 : vector<16xi1>, vector<16xf32>
          %reduce_sum3A_598 = arith.constant true
          %reduce_sum3A_599 = vector.broadcast %reduce_sum3A_598 : i1 to vector<16xi1>
          %reduce_sum3A_600 = tpu.scan <sum>, %select_n3A_597 masked %reduce_sum3A_599 : vector<16xf32>, vector<16xi1> -> vector<16xf32>
          %reduce_sum3A_601 = vector.extract %reduce_sum3A_600[15] : f32 from vector<16xf32>
          %get3A_602 = arith.index_cast %add3A_591 : i32 to index
          %get3A_603 = arith.constant 0 : index
          %get3A_604 = tpu.vector_load %arg22[%get3A_602, %get3A_603] {strides = array<i32>} : memref<80x128xf32, #tpu.memory_space<vmem>>, vector<16xf32>,
          %mul3A_605 = vector.broadcast %reduce_sum3A_601 : f32 to vector<16xf32>
          %mul3A_606 = arith.mulf %get3A_604, %mul3A_605 : vector<16xf32>
          %swap3A_607 = arith.index_cast %add3A_591 : i32 to index
          %swap3A_608 = arith.constant 0 : index
          %swap3A_609 = tpu.vector_load %arg22[%swap3A_607, %swap3A_608] {strides = array<i32>} : memref<80x128xf32, #tpu.memory_space<vmem>>, vector<16xf32>,
          tpu.vector_store %arg22[%swap3A_607, %swap3A_608], %mul3A_606 {strides = array<i32>} : memref<80x128xf32, #tpu.memory_space<vmem>>, vector<16xf32>,
          %get3A_610 = arith.index_cast %add3A_591 : i32 to index
          %get3A_611 = arith.constant 16 : index
          %get3A_612 = tpu.vector_load %arg22[%get3A_610, %get3A_611] {strides = array<i32>} : memref<80x128xf32, #tpu.memory_space<vmem>>, vector<16xf32>,
          %mul3A_613 = vector.broadcast %reduce_sum3A_601 : f32 to vector<16xf32>
          %mul3A_614 = arith.mulf %get3A_612, %mul3A_613 : vector<16xf32>
          %swap3A_615 = arith.index_cast %add3A_591 : i32 to index
          %swap3A_616 = arith.constant 16 : index
          %swap3A_617 = tpu.vector_load %arg22[%swap3A_615, %swap3A_616] {strides = array<i32>} : memref<80x128xf32, #tpu.memory_space<vmem>>, vector<16xf32>,
          tpu.vector_store %arg22[%swap3A_615, %swap3A_616], %mul3A_614 {strides = array<i32>} : memref<80x128xf32, #tpu.memory_space<vmem>>, vector<16xf32>,
          %get3A_618 = arith.index_cast %add3A_591 : i32 to index
          %get3A_619 = arith.constant 32 : index
          %get3A_620 = tpu.vector_load %arg22[%get3A_618, %get3A_619] {strides = array<i32>} : memref<80x128xf32, #tpu.memory_space<vmem>>, vector<16xf32>,
          %mul3A_621 = vector.broadcast %reduce_sum3A_601 : f32 to vector<16xf32>
          %mul3A_622 = arith.mulf %get3A_620, %mul3A_621 : vector<16xf32>
          %swap3A_623 = arith.index_cast %add3A_591 : i32 to index
          %swap3A_624 = arith.constant 32 : index
          %swap3A_625 = tpu.vector_load %arg22[%swap3A_623, %swap3A_624] {strides = array<i32>} : memref<80x128xf32, #tpu.memory_space<vmem>>, vector<16xf32>,
          tpu.vector_store %arg22[%swap3A_623, %swap3A_624], %mul3A_622 {strides = array<i32>} : memref<80x128xf32, #tpu.memory_space<vmem>>, vector<16xf32>,
          %get3A_626 = arith.index_cast %add3A_591 : i32 to index
          %get3A_627 = arith.constant 48 : index
          %get3A_628 = tpu.vector_load %arg22[%get3A_626, %get3A_627] {strides = array<i32>} : memref<80x128xf32, #tpu.memory_space<vmem>>, vector<16xf32>,
          %mul3A_629 = vector.broadcast %reduce_sum3A_601 : f32 to vector<16xf32>
          %mul3A_630 = arith.mulf %get3A_628, %mul3A_629 : vector<16xf32>
          %swap3A_631 = arith.index_cast %add3A_591 : i32 to index
          %swap3A_632 = arith.constant 48 : index
          %swap3A_633 = tpu.vector_load %arg22[%swap3A_631, %swap3A_632] {strides = array<i32>} : memref<80x128xf32, #tpu.memory_space<vmem>>, vector<16xf32>,
          tpu.vector_store %arg22[%swap3A_631, %swap3A_632], %mul3A_630 {strides = array<i32>} : memref<80x128xf32, #tpu.memory_space<vmem>>, vector<16xf32>,
          %get3A_634 = arith.index_cast %add3A_591 : i32 to index
          %get3A_635 = arith.constant 64 : index
          %get3A_636 = tpu.vector_load %arg22[%get3A_634, %get3A_635] {strides = array<i32>} : memref<80x128xf32, #tpu.memory_space<vmem>>, vector<16xf32>,
          %mul3A_637 = vector.broadcast %reduce_sum3A_601 : f32 to vector<16xf32>
          %mul3A_638 = arith.mulf %get3A_636, %mul3A_637 : vector<16xf32>
          %swap3A_639 = arith.index_cast %add3A_591 : i32 to index
          %swap3A_640 = arith.constant 64 : index
          %swap3A_641 = tpu.vector_load %arg22[%swap3A_639, %swap3A_640] {strides = array<i32>} : memref<80x128xf32, #tpu.memory_space<vmem>>, vector<16xf32>,
          tpu.vector_store %arg22[%swap3A_639, %swap3A_640], %mul3A_638 {strides = array<i32>} : memref<80x128xf32, #tpu.memory_space<vmem>>, vector<16xf32>,
          %get3A_642 = arith.index_cast %add3A_591 : i32 to index
          %get3A_643 = arith.constant 80 : index
          %get3A_644 = tpu.vector_load %arg22[%get3A_642, %get3A_643] {strides = array<i32>} : memref<80x128xf32, #tpu.memory_space<vmem>>, vector<16xf32>,
          %mul3A_645 = vector.broadcast %reduce_sum3A_601 : f32 to vector<16xf32>
          %mul3A_646 = arith.mulf %get3A_644, %mul3A_645 : vector<16xf32>
          %swap3A_647 = arith.index_cast %add3A_591 : i32 to index
          %swap3A_648 = arith.constant 80 : index
          %swap3A_649 = tpu.vector_load %arg22[%swap3A_647, %swap3A_648] {strides = array<i32>} : memref<80x128xf32, #tpu.memory_space<vmem>>, vector<16xf32>,
          tpu.vector_store %arg22[%swap3A_647, %swap3A_648], %mul3A_646 {strides = array<i32>} : memref<80x128xf32, #tpu.memory_space<vmem>>, vector<16xf32>,
          %get3A_650 = arith.index_cast %add3A_591 : i32 to index
          %get3A_651 = arith.constant 96 : index
          %get3A_652 = tpu.vector_load %arg22[%get3A_650, %get3A_651] {strides = array<i32>} : memref<80x128xf32, #tpu.memory_space<vmem>>, vector<16xf32>,
          %mul3A_653 = vector.broadcast %reduce_sum3A_601 : f32 to vector<16xf32>
          %mul3A_654 = arith.mulf %get3A_652, %mul3A_653 : vector<16xf32>
          %swap3A_655 = arith.index_cast %add3A_591 : i32 to index
          %swap3A_656 = arith.constant 96 : index
          %swap3A_657 = tpu.vector_load %arg22[%swap3A_655, %swap3A_656] {strides = array<i32>} : memref<80x128xf32, #tpu.memory_space<vmem>>, vector<16xf32>,
          tpu.vector_store %arg22[%swap3A_655, %swap3A_656], %mul3A_654 {strides = array<i32>} : memref<80x128xf32, #tpu.memory_space<vmem>>, vector<16xf32>,
          %get3A_658 = arith.index_cast %add3A_591 : i32 to index
          %get3A_659 = arith.constant 112 : index
          %get3A_660 = tpu.vector_load %arg22[%get3A_658, %get3A_659] {strides = array<i32>} : memref<80x128xf32, #tpu.memory_space<vmem>>, vector<16xf32>,
          %mul3A_661 = vector.broadcast %reduce_sum3A_601 : f32 to vector<16xf32>
          %mul3A_662 = arith.mulf %get3A_660, %mul3A_661 : vector<16xf32>
          %swap3A_663 = arith.index_cast %add3A_591 : i32 to index
          %swap3A_664 = arith.constant 112 : index
          %swap3A_665 = tpu.vector_load %arg22[%swap3A_663, %swap3A_664] {strides = array<i32>} : memref<80x128xf32, #tpu.memory_space<vmem>>, vector<16xf32>,
          tpu.vector_store %arg22[%swap3A_663, %swap3A_664], %mul3A_662 {strides = array<i32>} : memref<80x128xf32, #tpu.memory_space<vmem>>, vector<16xf32>,
          %mul3A_666 = arith.constant 16 : i32
          %mul3A_667 = arith.muli %scan3A_121, %mul3A_666 : i32
          %add3A_668 = arith.constant 7 : i32
          %add3A_669 = arith.addi %mul3A_667, %add3A_668 : i32
          %eq3A_670 = arith.constant 7 : i32
          %eq3A_671 = vector.broadcast %eq3A_670 : i32 to vector<16xi32>
          %eq3A_672 = arith.cmpi eq, %iota3A, %eq3A_671 : vector<16xi32>
          %jit3A_673 = arith.constant 0.000000e+00 : f32
          %broadcast_in_dim3A_674 = vector.broadcast %jit3A_673 : f32 to vector<16xf32>
          %select_n3A_675 = arith.select %eq3A_672, %get3A_125, %broadcast_in_dim3A_674 : vector<16xi1>, vector<16xf32>
          %reduce_sum3A_676 = arith.constant true
          %reduce_sum3A_677 = vector.broadcast %reduce_sum3A_676 : i1 to vector<16xi1>
          %reduce_sum3A_678 = tpu.scan <sum>, %select_n3A_675 masked %reduce_sum3A_677 : vector<16xf32>, vector<16xi1> -> vector<16xf32>
          %reduce_sum3A_679 = vector.extract %reduce_sum3A_678[15] : f32 from vector<16xf32>
          %get3A_680 = arith.index_cast %add3A_669 : i32 to index
          %get3A_681 = arith.constant 0 : index
          %get3A_682 = tpu.vector_load %arg22[%get3A_680, %get3A_681] {strides = array<i32>} : memref<80x128xf32, #tpu.memory_space<vmem>>, vector<16xf32>,
          %mul3A_683 = vector.broadcast %reduce_sum3A_679 : f32 to vector<16xf32>
          %mul3A_684 = arith.mulf %get3A_682, %mul3A_683 : vector<16xf32>
          %swap3A_685 = arith.index_cast %add3A_669 : i32 to index
          %swap3A_686 = arith.constant 0 : index
          %swap3A_687 = tpu.vector_load %arg22[%swap3A_685, %swap3A_686] {strides = array<i32>} : memref<80x128xf32, #tpu.memory_space<vmem>>, vector<16xf32>,
          tpu.vector_store %arg22[%swap3A_685, %swap3A_686], %mul3A_684 {strides = array<i32>} : memref<80x128xf32, #tpu.memory_space<vmem>>, vector<16xf32>,
          %get3A_688 = arith.index_cast %add3A_669 : i32 to index
          %get3A_689 = arith.constant 16 : index
          %get3A_690 = tpu.vector_load %arg22[%get3A_688, %get3A_689] {strides = array<i32>} : memref<80x128xf32, #tpu.memory_space<vmem>>, vector<16xf32>,
          %mul3A_691 = vector.broadcast %reduce_sum3A_679 : f32 to vector<16xf32>
          %mul3A_692 = arith.mulf %get3A_690, %mul3A_691 : vector<16xf32>
          %swap3A_693 = arith.index_cast %add3A_669 : i32 to index
          %swap3A_694 = arith.constant 16 : index
          %swap3A_695 = tpu.vector_load %arg22[%swap3A_693, %swap3A_694] {strides = array<i32>} : memref<80x128xf32, #tpu.memory_space<vmem>>, vector<16xf32>,
          tpu.vector_store %arg22[%swap3A_693, %swap3A_694], %mul3A_692 {strides = array<i32>} : memref<80x128xf32, #tpu.memory_space<vmem>>, vector<16xf32>,
          %get3A_696 = arith.index_cast %add3A_669 : i32 to index
          %get3A_697 = arith.constant 32 : index
          %get3A_698 = tpu.vector_load %arg22[%get3A_696, %get3A_697] {strides = array<i32>} : memref<80x128xf32, #tpu.memory_space<vmem>>, vector<16xf32>,
          %mul3A_699 = vector.broadcast %reduce_sum3A_679 : f32 to vector<16xf32>
          %mul3A_700 = arith.mulf %get3A_698, %mul3A_699 : vector<16xf32>
          %swap3A_701 = arith.index_cast %add3A_669 : i32 to index
          %swap3A_702 = arith.constant 32 : index
          %swap3A_703 = tpu.vector_load %arg22[%swap3A_701, %swap3A_702] {strides = array<i32>} : memref<80x128xf32, #tpu.memory_space<vmem>>, vector<16xf32>,
          tpu.vector_store %arg22[%swap3A_701, %swap3A_702], %mul3A_700 {strides = array<i32>} : memref<80x128xf32, #tpu.memory_space<vmem>>, vector<16xf32>,
          %get3A_704 = arith.index_cast %add3A_669 : i32 to index
          %get3A_705 = arith.constant 48 : index
          %get3A_706 = tpu.vector_load %arg22[%get3A_704, %get3A_705] {strides = array<i32>} : memref<80x128xf32, #tpu.memory_space<vmem>>, vector<16xf32>,
          %mul3A_707 = vector.broadcast %reduce_sum3A_679 : f32 to vector<16xf32>
          %mul3A_708 = arith.mulf %get3A_706, %mul3A_707 : vector<16xf32>
          %swap3A_709 = arith.index_cast %add3A_669 : i32 to index
          %swap3A_710 = arith.constant 48 : index
          %swap3A_711 = tpu.vector_load %arg22[%swap3A_709, %swap3A_710] {strides = array<i32>} : memref<80x128xf32, #tpu.memory_space<vmem>>, vector<16xf32>,
          tpu.vector_store %arg22[%swap3A_709, %swap3A_710], %mul3A_708 {strides = array<i32>} : memref<80x128xf32, #tpu.memory_space<vmem>>, vector<16xf32>,
          %get3A_712 = arith.index_cast %add3A_669 : i32 to index
          %get3A_713 = arith.constant 64 : index
          %get3A_714 = tpu.vector_load %arg22[%get3A_712, %get3A_713] {strides = array<i32>} : memref<80x128xf32, #tpu.memory_space<vmem>>, vector<16xf32>,
          %mul3A_715 = vector.broadcast %reduce_sum3A_679 : f32 to vector<16xf32>
          %mul3A_716 = arith.mulf %get3A_714, %mul3A_715 : vector<16xf32>
          %swap3A_717 = arith.index_cast %add3A_669 : i32 to index
          %swap3A_718 = arith.constant 64 : index
          %swap3A_719 = tpu.vector_load %arg22[%swap3A_717, %swap3A_718] {strides = array<i32>} : memref<80x128xf32, #tpu.memory_space<vmem>>, vector<16xf32>,
          tpu.vector_store %arg22[%swap3A_717, %swap3A_718], %mul3A_716 {strides = array<i32>} : memref<80x128xf32, #tpu.memory_space<vmem>>, vector<16xf32>,
          %get3A_720 = arith.index_cast %add3A_669 : i32 to index
          %get3A_721 = arith.constant 80 : index
          %get3A_722 = tpu.vector_load %arg22[%get3A_720, %get3A_721] {strides = array<i32>} : memref<80x128xf32, #tpu.memory_space<vmem>>, vector<16xf32>,
          %mul3A_723 = vector.broadcast %reduce_sum3A_679 : f32 to vector<16xf32>
          %mul3A_724 = arith.mulf %get3A_722, %mul3A_723 : vector<16xf32>
          %swap3A_725 = arith.index_cast %add3A_669 : i32 to index
          %swap3A_726 = arith.constant 80 : index
          %swap3A_727 = tpu.vector_load %arg22[%swap3A_725, %swap3A_726] {strides = array<i32>} : memref<80x128xf32, #tpu.memory_space<vmem>>, vector<16xf32>,
          tpu.vector_store %arg22[%swap3A_725, %swap3A_726], %mul3A_724 {strides = array<i32>} : memref<80x128xf32, #tpu.memory_space<vmem>>, vector<16xf32>,
          %get3A_728 = arith.index_cast %add3A_669 : i32 to index
          %get3A_729 = arith.constant 96 : index
          %get3A_730 = tpu.vector_load %arg22[%get3A_728, %get3A_729] {strides = array<i32>} : memref<80x128xf32, #tpu.memory_space<vmem>>, vector<16xf32>,
          %mul3A_731 = vector.broadcast %reduce_sum3A_679 : f32 to vector<16xf32>
          %mul3A_732 = arith.mulf %get3A_730, %mul3A_731 : vector<16xf32>
          %swap3A_733 = arith.index_cast %add3A_669 : i32 to index
          %swap3A_734 = arith.constant 96 : index
          %swap3A_735 = tpu.vector_load %arg22[%swap3A_733, %swap3A_734] {strides = array<i32>} : memref<80x128xf32, #tpu.memory_space<vmem>>, vector<16xf32>,
          tpu.vector_store %arg22[%swap3A_733, %swap3A_734], %mul3A_732 {strides = array<i32>} : memref<80x128xf32, #tpu.memory_space<vmem>>, vector<16xf32>,
          %get3A_736 = arith.index_cast %add3A_669 : i32 to index
          %get3A_737 = arith.constant 112 : index
          %get3A_738 = tpu.vector_load %arg22[%get3A_736, %get3A_737] {strides = array<i32>} : memref<80x128xf32, #tpu.memory_space<vmem>>, vector<16xf32>,
          %mul3A_739 = vector.broadcast %reduce_sum3A_679 : f32 to vector<16xf32>
          %mul3A_740 = arith.mulf %get3A_738, %mul3A_739 : vector<16xf32>
          %swap3A_741 = arith.index_cast %add3A_669 : i32 to index
          %swap3A_742 = arith.constant 112 : index
          %swap3A_743 = tpu.vector_load %arg22[%swap3A_741, %swap3A_742] {strides = array<i32>} : memref<80x128xf32, #tpu.memory_space<vmem>>, vector<16xf32>,
          tpu.vector_store %arg22[%swap3A_741, %swap3A_742], %mul3A_740 {strides = array<i32>} : memref<80x128xf32, #tpu.memory_space<vmem>>, vector<16xf32>,
          %mul3A_744 = arith.constant 16 : i32
          %mul3A_745 = arith.muli %scan3A_121, %mul3A_744 : i32
          %add3A_746 = arith.constant 8 : i32
          %add3A_747 = arith.addi %mul3A_745, %add3A_746 : i32
          %eq3A_748 = arith.constant 8 : i32
          %eq3A_749 = vector.broadcast %eq3A_748 : i32 to vector<16xi32>
          %eq3A_750 = arith.cmpi eq, %iota3A, %eq3A_749 : vector<16xi32>
          %jit3A_751 = arith.constant 0.000000e+00 : f32
          %broadcast_in_dim3A_752 = vector.broadcast %jit3A_751 : f32 to vector<16xf32>
          %select_n3A_753 = arith.select %eq3A_750, %get3A_125, %broadcast_in_dim3A_752 : vector<16xi1>, vector<16xf32>
          %reduce_sum3A_754 = arith.constant true
          %reduce_sum3A_755 = vector.broadcast %reduce_sum3A_754 : i1 to vector<16xi1>
          %reduce_sum3A_756 = tpu.scan <sum>, %select_n3A_753 masked %reduce_sum3A_755 : vector<16xf32>, vector<16xi1> -> vector<16xf32>
          %reduce_sum3A_757 = vector.extract %reduce_sum3A_756[15] : f32 from vector<16xf32>
          %get3A_758 = arith.index_cast %add3A_747 : i32 to index
          %get3A_759 = arith.constant 0 : index
          %get3A_760 = tpu.vector_load %arg22[%get3A_758, %get3A_759] {strides = array<i32>} : memref<80x128xf32, #tpu.memory_space<vmem>>, vector<16xf32>,
          %mul3A_761 = vector.broadcast %reduce_sum3A_757 : f32 to vector<16xf32>
          %mul3A_762 = arith.mulf %get3A_760, %mul3A_761 : vector<16xf32>
          %swap3A_763 = arith.index_cast %add3A_747 : i32 to index
          %swap3A_764 = arith.constant 0 : index
          %swap3A_765 = tpu.vector_load %arg22[%swap3A_763, %swap3A_764] {strides = array<i32>} : memref<80x128xf32, #tpu.memory_space<vmem>>, vector<16xf32>,
          tpu.vector_store %arg22[%swap3A_763, %swap3A_764], %mul3A_762 {strides = array<i32>} : memref<80x128xf32, #tpu.memory_space<vmem>>, vector<16xf32>,
          %get3A_766 = arith.index_cast %add3A_747 : i32 to index
          %get3A_767 = arith.constant 16 : index
          %get3A_768 = tpu.vector_load %arg22[%get3A_766, %get3A_767] {strides = array<i32>} : memref<80x128xf32, #tpu.memory_space<vmem>>, vector<16xf32>,
          %mul3A_769 = vector.broadcast %reduce_sum3A_757 : f32 to vector<16xf32>
          %mul3A_770 = arith.mulf %get3A_768, %mul3A_769 : vector<16xf32>
          %swap3A_771 = arith.index_cast %add3A_747 : i32 to index
          %swap3A_772 = arith.constant 16 : index
          %swap3A_773 = tpu.vector_load %arg22[%swap3A_771, %swap3A_772] {strides = array<i32>} : memref<80x128xf32, #tpu.memory_space<vmem>>, vector<16xf32>,
          tpu.vector_store %arg22[%swap3A_771, %swap3A_772], %mul3A_770 {strides = array<i32>} : memref<80x128xf32, #tpu.memory_space<vmem>>, vector<16xf32>,
          %get3A_774 = arith.index_cast %add3A_747 : i32 to index
          %get3A_775 = arith.constant 32 : index
          %get3A_776 = tpu.vector_load %arg22[%get3A_774, %get3A_775] {strides = array<i32>} : memref<80x128xf32, #tpu.memory_space<vmem>>, vector<16xf32>,
          %mul3A_777 = vector.broadcast %reduce_sum3A_757 : f32 to vector<16xf32>
          %mul3A_778 = arith.mulf %get3A_776, %mul3A_777 : vector<16xf32>
          %swap3A_779 = arith.index_cast %add3A_747 : i32 to index
          %swap3A_780 = arith.constant 32 : index
          %swap3A_781 = tpu.vector_load %arg22[%swap3A_779, %swap3A_780] {strides = array<i32>} : memref<80x128xf32, #tpu.memory_space<vmem>>, vector<16xf32>,
          tpu.vector_store %arg22[%swap3A_779, %swap3A_780], %mul3A_778 {strides = array<i32>} : memref<80x128xf32, #tpu.memory_space<vmem>>, vector<16xf32>,
          %get3A_782 = arith.index_cast %add3A_747 : i32 to index
          %get3A_783 = arith.constant 48 : index
          %get3A_784 = tpu.vector_load %arg22[%get3A_782, %get3A_783] {strides = array<i32>} : memref<80x128xf32, #tpu.memory_space<vmem>>, vector<16xf32>,
          %mul3A_785 = vector.broadcast %reduce_sum3A_757 : f32 to vector<16xf32>
          %mul3A_786 = arith.mulf %get3A_784, %mul3A_785 : vector<16xf32>
          %swap3A_787 = arith.index_cast %add3A_747 : i32 to index
          %swap3A_788 = arith.constant 48 : index
          %swap3A_789 = tpu.vector_load %arg22[%swap3A_787, %swap3A_788] {strides = array<i32>} : memref<80x128xf32, #tpu.memory_space<vmem>>, vector<16xf32>,
          tpu.vector_store %arg22[%swap3A_787, %swap3A_788], %mul3A_786 {strides = array<i32>} : memref<80x128xf32, #tpu.memory_space<vmem>>, vector<16xf32>,
          %get3A_790 = arith.index_cast %add3A_747 : i32 to index
          %get3A_791 = arith.constant 64 : index
          %get3A_792 = tpu.vector_load %arg22[%get3A_790, %get3A_791] {strides = array<i32>} : memref<80x128xf32, #tpu.memory_space<vmem>>, vector<16xf32>,
          %mul3A_793 = vector.broadcast %reduce_sum3A_757 : f32 to vector<16xf32>
          %mul3A_794 = arith.mulf %get3A_792, %mul3A_793 : vector<16xf32>
          %swap3A_795 = arith.index_cast %add3A_747 : i32 to index
          %swap3A_796 = arith.constant 64 : index
          %swap3A_797 = tpu.vector_load %arg22[%swap3A_795, %swap3A_796] {strides = array<i32>} : memref<80x128xf32, #tpu.memory_space<vmem>>, vector<16xf32>,
          tpu.vector_store %arg22[%swap3A_795, %swap3A_796], %mul3A_794 {strides = array<i32>} : memref<80x128xf32, #tpu.memory_space<vmem>>, vector<16xf32>,
          %get3A_798 = arith.index_cast %add3A_747 : i32 to index
          %get3A_799 = arith.constant 80 : index
          %get3A_800 = tpu.vector_load %arg22[%get3A_798, %get3A_799] {strides = array<i32>} : memref<80x128xf32, #tpu.memory_space<vmem>>, vector<16xf32>,
          %mul3A_801 = vector.broadcast %reduce_sum3A_757 : f32 to vector<16xf32>
          %mul3A_802 = arith.mulf %get3A_800, %mul3A_801 : vector<16xf32>
          %swap3A_803 = arith.index_cast %add3A_747 : i32 to index
          %swap3A_804 = arith.constant 80 : index
          %swap3A_805 = tpu.vector_load %arg22[%swap3A_803, %swap3A_804] {strides = array<i32>} : memref<80x128xf32, #tpu.memory_space<vmem>>, vector<16xf32>,
          tpu.vector_store %arg22[%swap3A_803, %swap3A_804], %mul3A_802 {strides = array<i32>} : memref<80x128xf32, #tpu.memory_space<vmem>>, vector<16xf32>,
          %get3A_806 = arith.index_cast %add3A_747 : i32 to index
          %get3A_807 = arith.constant 96 : index
          %get3A_808 = tpu.vector_load %arg22[%get3A_806, %get3A_807] {strides = array<i32>} : memref<80x128xf32, #tpu.memory_space<vmem>>, vector<16xf32>,
          %mul3A_809 = vector.broadcast %reduce_sum3A_757 : f32 to vector<16xf32>
          %mul3A_810 = arith.mulf %get3A_808, %mul3A_809 : vector<16xf32>
          %swap3A_811 = arith.index_cast %add3A_747 : i32 to index
          %swap3A_812 = arith.constant 96 : index
          %swap3A_813 = tpu.vector_load %arg22[%swap3A_811, %swap3A_812] {strides = array<i32>} : memref<80x128xf32, #tpu.memory_space<vmem>>, vector<16xf32>,
          tpu.vector_store %arg22[%swap3A_811, %swap3A_812], %mul3A_810 {strides = array<i32>} : memref<80x128xf32, #tpu.memory_space<vmem>>, vector<16xf32>,
          %get3A_814 = arith.index_cast %add3A_747 : i32 to index
          %get3A_815 = arith.constant 112 : index
          %get3A_816 = tpu.vector_load %arg22[%get3A_814, %get3A_815] {strides = array<i32>} : memref<80x128xf32, #tpu.memory_space<vmem>>, vector<16xf32>,
          %mul3A_817 = vector.broadcast %reduce_sum3A_757 : f32 to vector<16xf32>
          %mul3A_818 = arith.mulf %get3A_816, %mul3A_817 : vector<16xf32>
          %swap3A_819 = arith.index_cast %add3A_747 : i32 to index
          %swap3A_820 = arith.constant 112 : index
          %swap3A_821 = tpu.vector_load %arg22[%swap3A_819, %swap3A_820] {strides = array<i32>} : memref<80x128xf32, #tpu.memory_space<vmem>>, vector<16xf32>,
          tpu.vector_store %arg22[%swap3A_819, %swap3A_820], %mul3A_818 {strides = array<i32>} : memref<80x128xf32, #tpu.memory_space<vmem>>, vector<16xf32>,
          %mul3A_822 = arith.constant 16 : i32
          %mul3A_823 = arith.muli %scan3A_121, %mul3A_822 : i32
          %add3A_824 = arith.constant 9 : i32
          %add3A_825 = arith.addi %mul3A_823, %add3A_824 : i32
          %eq3A_826 = arith.constant 9 : i32
          %eq3A_827 = vector.broadcast %eq3A_826 : i32 to vector<16xi32>
          %eq3A_828 = arith.cmpi eq, %iota3A, %eq3A_827 : vector<16xi32>
          %jit3A_829 = arith.constant 0.000000e+00 : f32
          %broadcast_in_dim3A_830 = vector.broadcast %jit3A_829 : f32 to vector<16xf32>
          %select_n3A_831 = arith.select %eq3A_828, %get3A_125, %broadcast_in_dim3A_830 : vector<16xi1>, vector<16xf32>
          %reduce_sum3A_832 = arith.constant true
          %reduce_sum3A_833 = vector.broadcast %reduce_sum3A_832 : i1 to vector<16xi1>
          %reduce_sum3A_834 = tpu.scan <sum>, %select_n3A_831 masked %reduce_sum3A_833 : vector<16xf32>, vector<16xi1> -> vector<16xf32>
          %reduce_sum3A_835 = vector.extract %reduce_sum3A_834[15] : f32 from vector<16xf32>
          %get3A_836 = arith.index_cast %add3A_825 : i32 to index
          %get3A_837 = arith.constant 0 : index
          %get3A_838 = tpu.vector_load %arg22[%get3A_836, %get3A_837] {strides = array<i32>} : memref<80x128xf32, #tpu.memory_space<vmem>>, vector<16xf32>,
          %mul3A_839 = vector.broadcast %reduce_sum3A_835 : f32 to vector<16xf32>
          %mul3A_840 = arith.mulf %get3A_838, %mul3A_839 : vector<16xf32>
          %swap3A_841 = arith.index_cast %add3A_825 : i32 to index
          %swap3A_842 = arith.constant 0 : index
          %swap3A_843 = tpu.vector_load %arg22[%swap3A_841, %swap3A_842] {strides = array<i32>} : memref<80x128xf32, #tpu.memory_space<vmem>>, vector<16xf32>,
          tpu.vector_store %arg22[%swap3A_841, %swap3A_842], %mul3A_840 {strides = array<i32>} : memref<80x128xf32, #tpu.memory_space<vmem>>, vector<16xf32>,
          %get3A_844 = arith.index_cast %add3A_825 : i32 to index
          %get3A_845 = arith.constant 16 : index
          %get3A_846 = tpu.vector_load %arg22[%get3A_844, %get3A_845] {strides = array<i32>} : memref<80x128xf32, #tpu.memory_space<vmem>>, vector<16xf32>,
          %mul3A_847 = vector.broadcast %reduce_sum3A_835 : f32 to vector<16xf32>
          %mul3A_848 = arith.mulf %get3A_846, %mul3A_847 : vector<16xf32>
          %swap3A_849 = arith.index_cast %add3A_825 : i32 to index
          %swap3A_850 = arith.constant 16 : index
          %swap3A_851 = tpu.vector_load %arg22[%swap3A_849, %swap3A_850] {strides = array<i32>} : memref<80x128xf32, #tpu.memory_space<vmem>>, vector<16xf32>,
          tpu.vector_store %arg22[%swap3A_849, %swap3A_850], %mul3A_848 {strides = array<i32>} : memref<80x128xf32, #tpu.memory_space<vmem>>, vector<16xf32>,
          %get3A_852 = arith.index_cast %add3A_825 : i32 to index
          %get3A_853 = arith.constant 32 : index
          %get3A_854 = tpu.vector_load %arg22[%get3A_852, %get3A_853] {strides = array<i32>} : memref<80x128xf32, #tpu.memory_space<vmem>>, vector<16xf32>,
          %mul3A_855 = vector.broadcast %reduce_sum3A_835 : f32 to vector<16xf32>
          %mul3A_856 = arith.mulf %get3A_854, %mul3A_855 : vector<16xf32>
          %swap3A_857 = arith.index_cast %add3A_825 : i32 to index
          %swap3A_858 = arith.constant 32 : index
          %swap3A_859 = tpu.vector_load %arg22[%swap3A_857, %swap3A_858] {strides = array<i32>} : memref<80x128xf32, #tpu.memory_space<vmem>>, vector<16xf32>,
          tpu.vector_store %arg22[%swap3A_857, %swap3A_858], %mul3A_856 {strides = array<i32>} : memref<80x128xf32, #tpu.memory_space<vmem>>, vector<16xf32>,
          %get3A_860 = arith.index_cast %add3A_825 : i32 to index
          %get3A_861 = arith.constant 48 : index
          %get3A_862 = tpu.vector_load %arg22[%get3A_860, %get3A_861] {strides = array<i32>} : memref<80x128xf32, #tpu.memory_space<vmem>>, vector<16xf32>,
          %mul3A_863 = vector.broadcast %reduce_sum3A_835 : f32 to vector<16xf32>
          %mul3A_864 = arith.mulf %get3A_862, %mul3A_863 : vector<16xf32>
          %swap3A_865 = arith.index_cast %add3A_825 : i32 to index
          %swap3A_866 = arith.constant 48 : index
          %swap3A_867 = tpu.vector_load %arg22[%swap3A_865, %swap3A_866] {strides = array<i32>} : memref<80x128xf32, #tpu.memory_space<vmem>>, vector<16xf32>,
          tpu.vector_store %arg22[%swap3A_865, %swap3A_866], %mul3A_864 {strides = array<i32>} : memref<80x128xf32, #tpu.memory_space<vmem>>, vector<16xf32>,
          %get3A_868 = arith.index_cast %add3A_825 : i32 to index
          %get3A_869 = arith.constant 64 : index
          %get3A_870 = tpu.vector_load %arg22[%get3A_868, %get3A_869] {strides = array<i32>} : memref<80x128xf32, #tpu.memory_space<vmem>>, vector<16xf32>,
          %mul3A_871 = vector.broadcast %reduce_sum3A_835 : f32 to vector<16xf32>
          %mul3A_872 = arith.mulf %get3A_870, %mul3A_871 : vector<16xf32>
          %swap3A_873 = arith.index_cast %add3A_825 : i32 to index
          %swap3A_874 = arith.constant 64 : index
          %swap3A_875 = tpu.vector_load %arg22[%swap3A_873, %swap3A_874] {strides = array<i32>} : memref<80x128xf32, #tpu.memory_space<vmem>>, vector<16xf32>,
          tpu.vector_store %arg22[%swap3A_873, %swap3A_874], %mul3A_872 {strides = array<i32>} : memref<80x128xf32, #tpu.memory_space<vmem>>, vector<16xf32>,
          %get3A_876 = arith.index_cast %add3A_825 : i32 to index
          %get3A_877 = arith.constant 80 : index
          %get3A_878 = tpu.vector_load %arg22[%get3A_876, %get3A_877] {strides = array<i32>} : memref<80x128xf32, #tpu.memory_space<vmem>>, vector<16xf32>,
          %mul3A_879 = vector.broadcast %reduce_sum3A_835 : f32 to vector<16xf32>
          %mul3A_880 = arith.mulf %get3A_878, %mul3A_879 : vector<16xf32>
          %swap3A_881 = arith.index_cast %add3A_825 : i32 to index
          %swap3A_882 = arith.constant 80 : index
          %swap3A_883 = tpu.vector_load %arg22[%swap3A_881, %swap3A_882] {strides = array<i32>} : memref<80x128xf32, #tpu.memory_space<vmem>>, vector<16xf32>,
          tpu.vector_store %arg22[%swap3A_881, %swap3A_882], %mul3A_880 {strides = array<i32>} : memref<80x128xf32, #tpu.memory_space<vmem>>, vector<16xf32>,
          %get3A_884 = arith.index_cast %add3A_825 : i32 to index
          %get3A_885 = arith.constant 96 : index
          %get3A_886 = tpu.vector_load %arg22[%get3A_884, %get3A_885] {strides = array<i32>} : memref<80x128xf32, #tpu.memory_space<vmem>>, vector<16xf32>,
          %mul3A_887 = vector.broadcast %reduce_sum3A_835 : f32 to vector<16xf32>
          %mul3A_888 = arith.mulf %get3A_886, %mul3A_887 : vector<16xf32>
          %swap3A_889 = arith.index_cast %add3A_825 : i32 to index
          %swap3A_890 = arith.constant 96 : index
          %swap3A_891 = tpu.vector_load %arg22[%swap3A_889, %swap3A_890] {strides = array<i32>} : memref<80x128xf32, #tpu.memory_space<vmem>>, vector<16xf32>,
          tpu.vector_store %arg22[%swap3A_889, %swap3A_890], %mul3A_888 {strides = array<i32>} : memref<80x128xf32, #tpu.memory_space<vmem>>, vector<16xf32>,
          %get3A_892 = arith.index_cast %add3A_825 : i32 to index
          %get3A_893 = arith.constant 112 : index
          %get3A_894 = tpu.vector_load %arg22[%get3A_892, %get3A_893] {strides = array<i32>} : memref<80x128xf32, #tpu.memory_space<vmem>>, vector<16xf32>,
          %mul3A_895 = vector.broadcast %reduce_sum3A_835 : f32 to vector<16xf32>
          %mul3A_896 = arith.mulf %get3A_894, %mul3A_895 : vector<16xf32>
          %swap3A_897 = arith.index_cast %add3A_825 : i32 to index
          %swap3A_898 = arith.constant 112 : index
          %swap3A_899 = tpu.vector_load %arg22[%swap3A_897, %swap3A_898] {strides = array<i32>} : memref<80x128xf32, #tpu.memory_space<vmem>>, vector<16xf32>,
          tpu.vector_store %arg22[%swap3A_897, %swap3A_898], %mul3A_896 {strides = array<i32>} : memref<80x128xf32, #tpu.memory_space<vmem>>, vector<16xf32>,
          %mul3A_900 = arith.constant 16 : i32
          %mul3A_901 = arith.muli %scan3A_121, %mul3A_900 : i32
          %add3A_902 = arith.constant 10 : i32
          %add3A_903 = arith.addi %mul3A_901, %add3A_902 : i32
          %eq3A_904 = arith.constant 10 : i32
          %eq3A_905 = vector.broadcast %eq3A_904 : i32 to vector<16xi32>
          %eq3A_906 = arith.cmpi eq, %iota3A, %eq3A_905 : vector<16xi32>
          %jit3A_907 = arith.constant 0.000000e+00 : f32
          %broadcast_in_dim3A_908 = vector.broadcast %jit3A_907 : f32 to vector<16xf32>
          %select_n3A_909 = arith.select %eq3A_906, %get3A_125, %broadcast_in_dim3A_908 : vector<16xi1>, vector<16xf32>
          %reduce_sum3A_910 = arith.constant true
          %reduce_sum3A_911 = vector.broadcast %reduce_sum3A_910 : i1 to vector<16xi1>
          %reduce_sum3A_912 = tpu.scan <sum>, %select_n3A_909 masked %reduce_sum3A_911 : vector<16xf32>, vector<16xi1> -> vector<16xf32>
          %reduce_sum3A_913 = vector.extract %reduce_sum3A_912[15] : f32 from vector<16xf32>
          %get3A_914 = arith.index_cast %add3A_903 : i32 to index
          %get3A_915 = arith.constant 0 : index
          %get3A_916 = tpu.vector_load %arg22[%get3A_914, %get3A_915] {strides = array<i32>} : memref<80x128xf32, #tpu.memory_space<vmem>>, vector<16xf32>,
          %mul3A_917 = vector.broadcast %reduce_sum3A_913 : f32 to vector<16xf32>
          %mul3A_918 = arith.mulf %get3A_916, %mul3A_917 : vector<16xf32>
          %swap3A_919 = arith.index_cast %add3A_903 : i32 to index
          %swap3A_920 = arith.constant 0 : index
          %swap3A_921 = tpu.vector_load %arg22[%swap3A_919, %swap3A_920] {strides = array<i32>} : memref<80x128xf32, #tpu.memory_space<vmem>>, vector<16xf32>,
          tpu.vector_store %arg22[%swap3A_919, %swap3A_920], %mul3A_918 {strides = array<i32>} : memref<80x128xf32, #tpu.memory_space<vmem>>, vector<16xf32>,
          %get3A_922 = arith.index_cast %add3A_903 : i32 to index
          %get3A_923 = arith.constant 16 : index
          %get3A_924 = tpu.vector_load %arg22[%get3A_922, %get3A_923] {strides = array<i32>} : memref<80x128xf32, #tpu.memory_space<vmem>>, vector<16xf32>,
          %mul3A_925 = vector.broadcast %reduce_sum3A_913 : f32 to vector<16xf32>
          %mul3A_926 = arith.mulf %get3A_924, %mul3A_925 : vector<16xf32>
          %swap3A_927 = arith.index_cast %add3A_903 : i32 to index
          %swap3A_928 = arith.constant 16 : index
          %swap3A_929 = tpu.vector_load %arg22[%swap3A_927, %swap3A_928] {strides = array<i32>} : memref<80x128xf32, #tpu.memory_space<vmem>>, vector<16xf32>,
          tpu.vector_store %arg22[%swap3A_927, %swap3A_928], %mul3A_926 {strides = array<i32>} : memref<80x128xf32, #tpu.memory_space<vmem>>, vector<16xf32>,
          %get3A_930 = arith.index_cast %add3A_903 : i32 to index
          %get3A_931 = arith.constant 32 : index
          %get3A_932 = tpu.vector_load %arg22[%get3A_930, %get3A_931] {strides = array<i32>} : memref<80x128xf32, #tpu.memory_space<vmem>>, vector<16xf32>,
          %mul3A_933 = vector.broadcast %reduce_sum3A_913 : f32 to vector<16xf32>
          %mul3A_934 = arith.mulf %get3A_932, %mul3A_933 : vector<16xf32>
          %swap3A_935 = arith.index_cast %add3A_903 : i32 to index
          %swap3A_936 = arith.constant 32 : index
          %swap3A_937 = tpu.vector_load %arg22[%swap3A_935, %swap3A_936] {strides = array<i32>} : memref<80x128xf32, #tpu.memory_space<vmem>>, vector<16xf32>,
          tpu.vector_store %arg22[%swap3A_935, %swap3A_936], %mul3A_934 {strides = array<i32>} : memref<80x128xf32, #tpu.memory_space<vmem>>, vector<16xf32>,
          %get3A_938 = arith.index_cast %add3A_903 : i32 to index
          %get3A_939 = arith.constant 48 : index
          %get3A_940 = tpu.vector_load %arg22[%get3A_938, %get3A_939] {strides = array<i32>} : memref<80x128xf32, #tpu.memory_space<vmem>>, vector<16xf32>,
          %mul3A_941 = vector.broadcast %reduce_sum3A_913 : f32 to vector<16xf32>
          %mul3A_942 = arith.mulf %get3A_940, %mul3A_941 : vector<16xf32>
          %swap3A_943 = arith.index_cast %add3A_903 : i32 to index
          %swap3A_944 = arith.constant 48 : index
          %swap3A_945 = tpu.vector_load %arg22[%swap3A_943, %swap3A_944] {strides = array<i32>} : memref<80x128xf32, #tpu.memory_space<vmem>>, vector<16xf32>,
          tpu.vector_store %arg22[%swap3A_943, %swap3A_944], %mul3A_942 {strides = array<i32>} : memref<80x128xf32, #tpu.memory_space<vmem>>, vector<16xf32>,
          %get3A_946 = arith.index_cast %add3A_903 : i32 to index
          %get3A_947 = arith.constant 64 : index
          %get3A_948 = tpu.vector_load %arg22[%get3A_946, %get3A_947] {strides = array<i32>} : memref<80x128xf32, #tpu.memory_space<vmem>>, vector<16xf32>,
          %mul3A_949 = vector.broadcast %reduce_sum3A_913 : f32 to vector<16xf32>
          %mul3A_950 = arith.mulf %get3A_948, %mul3A_949 : vector<16xf32>
          %swap3A_951 = arith.index_cast %add3A_903 : i32 to index
          %swap3A_952 = arith.constant 64 : index
          %swap3A_953 = tpu.vector_load %arg22[%swap3A_951, %swap3A_952] {strides = array<i32>} : memref<80x128xf32, #tpu.memory_space<vmem>>, vector<16xf32>,
          tpu.vector_store %arg22[%swap3A_951, %swap3A_952], %mul3A_950 {strides = array<i32>} : memref<80x128xf32, #tpu.memory_space<vmem>>, vector<16xf32>,
          %get3A_954 = arith.index_cast %add3A_903 : i32 to index
          %get3A_955 = arith.constant 80 : index
          %get3A_956 = tpu.vector_load %arg22[%get3A_954, %get3A_955] {strides = array<i32>} : memref<80x128xf32, #tpu.memory_space<vmem>>, vector<16xf32>,
          %mul3A_957 = vector.broadcast %reduce_sum3A_913 : f32 to vector<16xf32>
          %mul3A_958 = arith.mulf %get3A_956, %mul3A_957 : vector<16xf32>
          %swap3A_959 = arith.index_cast %add3A_903 : i32 to index
          %swap3A_960 = arith.constant 80 : index
          %swap3A_961 = tpu.vector_load %arg22[%swap3A_959, %swap3A_960] {strides = array<i32>} : memref<80x128xf32, #tpu.memory_space<vmem>>, vector<16xf32>,
          tpu.vector_store %arg22[%swap3A_959, %swap3A_960], %mul3A_958 {strides = array<i32>} : memref<80x128xf32, #tpu.memory_space<vmem>>, vector<16xf32>,
          %get3A_962 = arith.index_cast %add3A_903 : i32 to index
          %get3A_963 = arith.constant 96 : index
          %get3A_964 = tpu.vector_load %arg22[%get3A_962, %get3A_963] {strides = array<i32>} : memref<80x128xf32, #tpu.memory_space<vmem>>, vector<16xf32>,
          %mul3A_965 = vector.broadcast %reduce_sum3A_913 : f32 to vector<16xf32>
          %mul3A_966 = arith.mulf %get3A_964, %mul3A_965 : vector<16xf32>
          %swap3A_967 = arith.index_cast %add3A_903 : i32 to index
          %swap3A_968 = arith.constant 96 : index
          %swap3A_969 = tpu.vector_load %arg22[%swap3A_967, %swap3A_968] {strides = array<i32>} : memref<80x128xf32, #tpu.memory_space<vmem>>, vector<16xf32>,
          tpu.vector_store %arg22[%swap3A_967, %swap3A_968], %mul3A_966 {strides = array<i32>} : memref<80x128xf32, #tpu.memory_space<vmem>>, vector<16xf32>,
          %get3A_970 = arith.index_cast %add3A_903 : i32 to index
          %get3A_971 = arith.constant 112 : index
          %get3A_972 = tpu.vector_load %arg22[%get3A_970, %get3A_971] {strides = array<i32>} : memref<80x128xf32, #tpu.memory_space<vmem>>, vector<16xf32>,
          %mul3A_973 = vector.broadcast %reduce_sum3A_913 : f32 to vector<16xf32>
          %mul3A_974 = arith.mulf %get3A_972, %mul3A_973 : vector<16xf32>
          %swap3A_975 = arith.index_cast %add3A_903 : i32 to index
          %swap3A_976 = arith.constant 112 : index
          %swap3A_977 = tpu.vector_load %arg22[%swap3A_975, %swap3A_976] {strides = array<i32>} : memref<80x128xf32, #tpu.memory_space<vmem>>, vector<16xf32>,
          tpu.vector_store %arg22[%swap3A_975, %swap3A_976], %mul3A_974 {strides = array<i32>} : memref<80x128xf32, #tpu.memory_space<vmem>>, vector<16xf32>,
          %mul3A_978 = arith.constant 16 : i32
          %mul3A_979 = arith.muli %scan3A_121, %mul3A_978 : i32
          %add3A_980 = arith.constant 11 : i32
          %add3A_981 = arith.addi %mul3A_979, %add3A_980 : i32
          %eq3A_982 = arith.constant 11 : i32
          %eq3A_983 = vector.broadcast %eq3A_982 : i32 to vector<16xi32>
          %eq3A_984 = arith.cmpi eq, %iota3A, %eq3A_983 : vector<16xi32>
          %jit3A_985 = arith.constant 0.000000e+00 : f32
          %broadcast_in_dim3A_986 = vector.broadcast %jit3A_985 : f32 to vector<16xf32>
          %select_n3A_987 = arith.select %eq3A_984, %get3A_125, %broadcast_in_dim3A_986 : vector<16xi1>, vector<16xf32>
          %reduce_sum3A_988 = arith.constant true
          %reduce_sum3A_989 = vector.broadcast %reduce_sum3A_988 : i1 to vector<16xi1>
          %reduce_sum3A_990 = tpu.scan <sum>, %select_n3A_987 masked %reduce_sum3A_989 : vector<16xf32>, vector<16xi1> -> vector<16xf32>
          %reduce_sum3A_991 = vector.extract %reduce_sum3A_990[15] : f32 from vector<16xf32>
          %get3A_992 = arith.index_cast %add3A_981 : i32 to index
          %get3A_993 = arith.constant 0 : index
          %get3A_994 = tpu.vector_load %arg22[%get3A_992, %get3A_993] {strides = array<i32>} : memref<80x128xf32, #tpu.memory_space<vmem>>, vector<16xf32>,
          %mul3A_995 = vector.broadcast %reduce_sum3A_991 : f32 to vector<16xf32>
          %mul3A_996 = arith.mulf %get3A_994, %mul3A_995 : vector<16xf32>
          %swap3A_997 = arith.index_cast %add3A_981 : i32 to index
          %swap3A_998 = arith.constant 0 : index
          %swap3A_999 = tpu.vector_load %arg22[%swap3A_997, %swap3A_998] {strides = array<i32>} : memref<80x128xf32, #tpu.memory_space<vmem>>, vector<16xf32>,
          tpu.vector_store %arg22[%swap3A_997, %swap3A_998], %mul3A_996 {strides = array<i32>} : memref<80x128xf32, #tpu.memory_space<vmem>>, vector<16xf32>,
          %get3A_1000 = arith.index_cast %add3A_981 : i32 to index
          %get3A_1001 = arith.constant 16 : index
          %get3A_1002 = tpu.vector_load %arg22[%get3A_1000, %get3A_1001] {strides = array<i32>} : memref<80x128xf32, #tpu.memory_space<vmem>>, vector<16xf32>,
          %mul3A_1003 = vector.broadcast %reduce_sum3A_991 : f32 to vector<16xf32>
          %mul3A_1004 = arith.mulf %get3A_1002, %mul3A_1003 : vector<16xf32>
          %swap3A_1005 = arith.index_cast %add3A_981 : i32 to index
          %swap3A_1006 = arith.constant 16 : index
          %swap3A_1007 = tpu.vector_load %arg22[%swap3A_1005, %swap3A_1006] {strides = array<i32>} : memref<80x128xf32, #tpu.memory_space<vmem>>, vector<16xf32>,
          tpu.vector_store %arg22[%swap3A_1005, %swap3A_1006], %mul3A_1004 {strides = array<i32>} : memref<80x128xf32, #tpu.memory_space<vmem>>, vector<16xf32>,
          %get3A_1008 = arith.index_cast %add3A_981 : i32 to index
          %get3A_1009 = arith.constant 32 : index
          %get3A_1010 = tpu.vector_load %arg22[%get3A_1008, %get3A_1009] {strides = array<i32>} : memref<80x128xf32, #tpu.memory_space<vmem>>, vector<16xf32>,
          %mul3A_1011 = vector.broadcast %reduce_sum3A_991 : f32 to vector<16xf32>
          %mul3A_1012 = arith.mulf %get3A_1010, %mul3A_1011 : vector<16xf32>
          %swap3A_1013 = arith.index_cast %add3A_981 : i32 to index
          %swap3A_1014 = arith.constant 32 : index
          %swap3A_1015 = tpu.vector_load %arg22[%swap3A_1013, %swap3A_1014] {strides = array<i32>} : memref<80x128xf32, #tpu.memory_space<vmem>>, vector<16xf32>,
          tpu.vector_store %arg22[%swap3A_1013, %swap3A_1014], %mul3A_1012 {strides = array<i32>} : memref<80x128xf32, #tpu.memory_space<vmem>>, vector<16xf32>,
          %get3A_1016 = arith.index_cast %add3A_981 : i32 to index
          %get3A_1017 = arith.constant 48 : index
          %get3A_1018 = tpu.vector_load %arg22[%get3A_1016, %get3A_1017] {strides = array<i32>} : memref<80x128xf32, #tpu.memory_space<vmem>>, vector<16xf32>,
          %mul3A_1019 = vector.broadcast %reduce_sum3A_991 : f32 to vector<16xf32>
          %mul3A_1020 = arith.mulf %get3A_1018, %mul3A_1019 : vector<16xf32>
          %swap3A_1021 = arith.index_cast %add3A_981 : i32 to index
          %swap3A_1022 = arith.constant 48 : index
          %swap3A_1023 = tpu.vector_load %arg22[%swap3A_1021, %swap3A_1022] {strides = array<i32>} : memref<80x128xf32, #tpu.memory_space<vmem>>, vector<16xf32>,
          tpu.vector_store %arg22[%swap3A_1021, %swap3A_1022], %mul3A_1020 {strides = array<i32>} : memref<80x128xf32, #tpu.memory_space<vmem>>, vector<16xf32>,
          %get3A_1024 = arith.index_cast %add3A_981 : i32 to index
          %get3A_1025 = arith.constant 64 : index
          %get3A_1026 = tpu.vector_load %arg22[%get3A_1024, %get3A_1025] {strides = array<i32>} : memref<80x128xf32, #tpu.memory_space<vmem>>, vector<16xf32>,
          %mul3A_1027 = vector.broadcast %reduce_sum3A_991 : f32 to vector<16xf32>
          %mul3A_1028 = arith.mulf %get3A_1026, %mul3A_1027 : vector<16xf32>
          %swap3A_1029 = arith.index_cast %add3A_981 : i32 to index
          %swap3A_1030 = arith.constant 64 : index
          %swap3A_1031 = tpu.vector_load %arg22[%swap3A_1029, %swap3A_1030] {strides = array<i32>} : memref<80x128xf32, #tpu.memory_space<vmem>>, vector<16xf32>,
          tpu.vector_store %arg22[%swap3A_1029, %swap3A_1030], %mul3A_1028 {strides = array<i32>} : memref<80x128xf32, #tpu.memory_space<vmem>>, vector<16xf32>,
          %get3A_1032 = arith.index_cast %add3A_981 : i32 to index
          %get3A_1033 = arith.constant 80 : index
          %get3A_1034 = tpu.vector_load %arg22[%get3A_1032, %get3A_1033] {strides = array<i32>} : memref<80x128xf32, #tpu.memory_space<vmem>>, vector<16xf32>,
          %mul3A_1035 = vector.broadcast %reduce_sum3A_991 : f32 to vector<16xf32>
          %mul3A_1036 = arith.mulf %get3A_1034, %mul3A_1035 : vector<16xf32>
          %swap3A_1037 = arith.index_cast %add3A_981 : i32 to index
          %swap3A_1038 = arith.constant 80 : index
          %swap3A_1039 = tpu.vector_load %arg22[%swap3A_1037, %swap3A_1038] {strides = array<i32>} : memref<80x128xf32, #tpu.memory_space<vmem>>, vector<16xf32>,
          tpu.vector_store %arg22[%swap3A_1037, %swap3A_1038], %mul3A_1036 {strides = array<i32>} : memref<80x128xf32, #tpu.memory_space<vmem>>, vector<16xf32>,
          %get3A_1040 = arith.index_cast %add3A_981 : i32 to index
          %get3A_1041 = arith.constant 96 : index
          %get3A_1042 = tpu.vector_load %arg22[%get3A_1040, %get3A_1041] {strides = array<i32>} : memref<80x128xf32, #tpu.memory_space<vmem>>, vector<16xf32>,
          %mul3A_1043 = vector.broadcast %reduce_sum3A_991 : f32 to vector<16xf32>
          %mul3A_1044 = arith.mulf %get3A_1042, %mul3A_1043 : vector<16xf32>
          %swap3A_1045 = arith.index_cast %add3A_981 : i32 to index
          %swap3A_1046 = arith.constant 96 : index
          %swap3A_1047 = tpu.vector_load %arg22[%swap3A_1045, %swap3A_1046] {strides = array<i32>} : memref<80x128xf32, #tpu.memory_space<vmem>>, vector<16xf32>,
          tpu.vector_store %arg22[%swap3A_1045, %swap3A_1046], %mul3A_1044 {strides = array<i32>} : memref<80x128xf32, #tpu.memory_space<vmem>>, vector<16xf32>,
          %get3A_1048 = arith.index_cast %add3A_981 : i32 to index
          %get3A_1049 = arith.constant 112 : index
          %get3A_1050 = tpu.vector_load %arg22[%get3A_1048, %get3A_1049] {strides = array<i32>} : memref<80x128xf32, #tpu.memory_space<vmem>>, vector<16xf32>,
          %mul3A_1051 = vector.broadcast %reduce_sum3A_991 : f32 to vector<16xf32>
          %mul3A_1052 = arith.mulf %get3A_1050, %mul3A_1051 : vector<16xf32>
          %swap3A_1053 = arith.index_cast %add3A_981 : i32 to index
          %swap3A_1054 = arith.constant 112 : index
          %swap3A_1055 = tpu.vector_load %arg22[%swap3A_1053, %swap3A_1054] {strides = array<i32>} : memref<80x128xf32, #tpu.memory_space<vmem>>, vector<16xf32>,
          tpu.vector_store %arg22[%swap3A_1053, %swap3A_1054], %mul3A_1052 {strides = array<i32>} : memref<80x128xf32, #tpu.memory_space<vmem>>, vector<16xf32>,
          %mul3A_1056 = arith.constant 16 : i32
          %mul3A_1057 = arith.muli %scan3A_121, %mul3A_1056 : i32
          %add3A_1058 = arith.constant 12 : i32
          %add3A_1059 = arith.addi %mul3A_1057, %add3A_1058 : i32
          %eq3A_1060 = arith.constant 12 : i32
          %eq3A_1061 = vector.broadcast %eq3A_1060 : i32 to vector<16xi32>
          %eq3A_1062 = arith.cmpi eq, %iota3A, %eq3A_1061 : vector<16xi32>
          %jit3A_1063 = arith.constant 0.000000e+00 : f32
          %broadcast_in_dim3A_1064 = vector.broadcast %jit3A_1063 : f32 to vector<16xf32>
          %select_n3A_1065 = arith.select %eq3A_1062, %get3A_125, %broadcast_in_dim3A_1064 : vector<16xi1>, vector<16xf32>
          %reduce_sum3A_1066 = arith.constant true
          %reduce_sum3A_1067 = vector.broadcast %reduce_sum3A_1066 : i1 to vector<16xi1>
          %reduce_sum3A_1068 = tpu.scan <sum>, %select_n3A_1065 masked %reduce_sum3A_1067 : vector<16xf32>, vector<16xi1> -> vector<16xf32>
          %reduce_sum3A_1069 = vector.extract %reduce_sum3A_1068[15] : f32 from vector<16xf32>
          %get3A_1070 = arith.index_cast %add3A_1059 : i32 to index
          %get3A_1071 = arith.constant 0 : index
          %get3A_1072 = tpu.vector_load %arg22[%get3A_1070, %get3A_1071] {strides = array<i32>} : memref<80x128xf32, #tpu.memory_space<vmem>>, vector<16xf32>,
          %mul3A_1073 = vector.broadcast %reduce_sum3A_1069 : f32 to vector<16xf32>
          %mul3A_1074 = arith.mulf %get3A_1072, %mul3A_1073 : vector<16xf32>
          %swap3A_1075 = arith.index_cast %add3A_1059 : i32 to index
          %swap3A_1076 = arith.constant 0 : index
          %swap3A_1077 = tpu.vector_load %arg22[%swap3A_1075, %swap3A_1076] {strides = array<i32>} : memref<80x128xf32, #tpu.memory_space<vmem>>, vector<16xf32>,
          tpu.vector_store %arg22[%swap3A_1075, %swap3A_1076], %mul3A_1074 {strides = array<i32>} : memref<80x128xf32, #tpu.memory_space<vmem>>, vector<16xf32>,
          %get3A_1078 = arith.index_cast %add3A_1059 : i32 to index
          %get3A_1079 = arith.constant 16 : index
          %get3A_1080 = tpu.vector_load %arg22[%get3A_1078, %get3A_1079] {strides = array<i32>} : memref<80x128xf32, #tpu.memory_space<vmem>>, vector<16xf32>,
          %mul3A_1081 = vector.broadcast %reduce_sum3A_1069 : f32 to vector<16xf32>
          %mul3A_1082 = arith.mulf %get3A_1080, %mul3A_1081 : vector<16xf32>
          %swap3A_1083 = arith.index_cast %add3A_1059 : i32 to index
          %swap3A_1084 = arith.constant 16 : index
          %swap3A_1085 = tpu.vector_load %arg22[%swap3A_1083, %swap3A_1084] {strides = array<i32>} : memref<80x128xf32, #tpu.memory_space<vmem>>, vector<16xf32>,
          tpu.vector_store %arg22[%swap3A_1083, %swap3A_1084], %mul3A_1082 {strides = array<i32>} : memref<80x128xf32, #tpu.memory_space<vmem>>, vector<16xf32>,
          %get3A_1086 = arith.index_cast %add3A_1059 : i32 to index
          %get3A_1087 = arith.constant 32 : index
          %get3A_1088 = tpu.vector_load %arg22[%get3A_1086, %get3A_1087] {strides = array<i32>} : memref<80x128xf32, #tpu.memory_space<vmem>>, vector<16xf32>,
          %mul3A_1089 = vector.broadcast %reduce_sum3A_1069 : f32 to vector<16xf32>
          %mul3A_1090 = arith.mulf %get3A_1088, %mul3A_1089 : vector<16xf32>
          %swap3A_1091 = arith.index_cast %add3A_1059 : i32 to index
          %swap3A_1092 = arith.constant 32 : index
          %swap3A_1093 = tpu.vector_load %arg22[%swap3A_1091, %swap3A_1092] {strides = array<i32>} : memref<80x128xf32, #tpu.memory_space<vmem>>, vector<16xf32>,
          tpu.vector_store %arg22[%swap3A_1091, %swap3A_1092], %mul3A_1090 {strides = array<i32>} : memref<80x128xf32, #tpu.memory_space<vmem>>, vector<16xf32>,
          %get3A_1094 = arith.index_cast %add3A_1059 : i32 to index
          %get3A_1095 = arith.constant 48 : index
          %get3A_1096 = tpu.vector_load %arg22[%get3A_1094, %get3A_1095] {strides = array<i32>} : memref<80x128xf32, #tpu.memory_space<vmem>>, vector<16xf32>,
          %mul3A_1097 = vector.broadcast %reduce_sum3A_1069 : f32 to vector<16xf32>
          %mul3A_1098 = arith.mulf %get3A_1096, %mul3A_1097 : vector<16xf32>
          %swap3A_1099 = arith.index_cast %add3A_1059 : i32 to index
          %swap3A_1100 = arith.constant 48 : index
          %swap3A_1101 = tpu.vector_load %arg22[%swap3A_1099, %swap3A_1100] {strides = array<i32>} : memref<80x128xf32, #tpu.memory_space<vmem>>, vector<16xf32>,
          tpu.vector_store %arg22[%swap3A_1099, %swap3A_1100], %mul3A_1098 {strides = array<i32>} : memref<80x128xf32, #tpu.memory_space<vmem>>, vector<16xf32>,
          %get3A_1102 = arith.index_cast %add3A_1059 : i32 to index
          %get3A_1103 = arith.constant 64 : index
          %get3A_1104 = tpu.vector_load %arg22[%get3A_1102, %get3A_1103] {strides = array<i32>} : memref<80x128xf32, #tpu.memory_space<vmem>>, vector<16xf32>,
          %mul3A_1105 = vector.broadcast %reduce_sum3A_1069 : f32 to vector<16xf32>
          %mul3A_1106 = arith.mulf %get3A_1104, %mul3A_1105 : vector<16xf32>
          %swap3A_1107 = arith.index_cast %add3A_1059 : i32 to index
          %swap3A_1108 = arith.constant 64 : index
          %swap3A_1109 = tpu.vector_load %arg22[%swap3A_1107, %swap3A_1108] {strides = array<i32>} : memref<80x128xf32, #tpu.memory_space<vmem>>, vector<16xf32>,
          tpu.vector_store %arg22[%swap3A_1107, %swap3A_1108], %mul3A_1106 {strides = array<i32>} : memref<80x128xf32, #tpu.memory_space<vmem>>, vector<16xf32>,
          %get3A_1110 = arith.index_cast %add3A_1059 : i32 to index
          %get3A_1111 = arith.constant 80 : index
          %get3A_1112 = tpu.vector_load %arg22[%get3A_1110, %get3A_1111] {strides = array<i32>} : memref<80x128xf32, #tpu.memory_space<vmem>>, vector<16xf32>,
          %mul3A_1113 = vector.broadcast %reduce_sum3A_1069 : f32 to vector<16xf32>
          %mul3A_1114 = arith.mulf %get3A_1112, %mul3A_1113 : vector<16xf32>
          %swap3A_1115 = arith.index_cast %add3A_1059 : i32 to index
          %swap3A_1116 = arith.constant 80 : index
          %swap3A_1117 = tpu.vector_load %arg22[%swap3A_1115, %swap3A_1116] {strides = array<i32>} : memref<80x128xf32, #tpu.memory_space<vmem>>, vector<16xf32>,
          tpu.vector_store %arg22[%swap3A_1115, %swap3A_1116], %mul3A_1114 {strides = array<i32>} : memref<80x128xf32, #tpu.memory_space<vmem>>, vector<16xf32>,
          %get3A_1118 = arith.index_cast %add3A_1059 : i32 to index
          %get3A_1119 = arith.constant 96 : index
          %get3A_1120 = tpu.vector_load %arg22[%get3A_1118, %get3A_1119] {strides = array<i32>} : memref<80x128xf32, #tpu.memory_space<vmem>>, vector<16xf32>,
          %mul3A_1121 = vector.broadcast %reduce_sum3A_1069 : f32 to vector<16xf32>
          %mul3A_1122 = arith.mulf %get3A_1120, %mul3A_1121 : vector<16xf32>
          %swap3A_1123 = arith.index_cast %add3A_1059 : i32 to index
          %swap3A_1124 = arith.constant 96 : index
          %swap3A_1125 = tpu.vector_load %arg22[%swap3A_1123, %swap3A_1124] {strides = array<i32>} : memref<80x128xf32, #tpu.memory_space<vmem>>, vector<16xf32>,
          tpu.vector_store %arg22[%swap3A_1123, %swap3A_1124], %mul3A_1122 {strides = array<i32>} : memref<80x128xf32, #tpu.memory_space<vmem>>, vector<16xf32>,
          %get3A_1126 = arith.index_cast %add3A_1059 : i32 to index
          %get3A_1127 = arith.constant 112 : index
          %get3A_1128 = tpu.vector_load %arg22[%get3A_1126, %get3A_1127] {strides = array<i32>} : memref<80x128xf32, #tpu.memory_space<vmem>>, vector<16xf32>,
          %mul3A_1129 = vector.broadcast %reduce_sum3A_1069 : f32 to vector<16xf32>
          %mul3A_1130 = arith.mulf %get3A_1128, %mul3A_1129 : vector<16xf32>
          %swap3A_1131 = arith.index_cast %add3A_1059 : i32 to index
          %swap3A_1132 = arith.constant 112 : index
          %swap3A_1133 = tpu.vector_load %arg22[%swap3A_1131, %swap3A_1132] {strides = array<i32>} : memref<80x128xf32, #tpu.memory_space<vmem>>, vector<16xf32>,
          tpu.vector_store %arg22[%swap3A_1131, %swap3A_1132], %mul3A_1130 {strides = array<i32>} : memref<80x128xf32, #tpu.memory_space<vmem>>, vector<16xf32>,
          %mul3A_1134 = arith.constant 16 : i32
          %mul3A_1135 = arith.muli %scan3A_121, %mul3A_1134 : i32
          %add3A_1136 = arith.constant 13 : i32
          %add3A_1137 = arith.addi %mul3A_1135, %add3A_1136 : i32
          %eq3A_1138 = arith.constant 13 : i32
          %eq3A_1139 = vector.broadcast %eq3A_1138 : i32 to vector<16xi32>
          %eq3A_1140 = arith.cmpi eq, %iota3A, %eq3A_1139 : vector<16xi32>
          %jit3A_1141 = arith.constant 0.000000e+00 : f32
          %broadcast_in_dim3A_1142 = vector.broadcast %jit3A_1141 : f32 to vector<16xf32>
          %select_n3A_1143 = arith.select %eq3A_1140, %get3A_125, %broadcast_in_dim3A_1142 : vector<16xi1>, vector<16xf32>
          %reduce_sum3A_1144 = arith.constant true
          %reduce_sum3A_1145 = vector.broadcast %reduce_sum3A_1144 : i1 to vector<16xi1>
          %reduce_sum3A_1146 = tpu.scan <sum>, %select_n3A_1143 masked %reduce_sum3A_1145 : vector<16xf32>, vector<16xi1> -> vector<16xf32>
          %reduce_sum3A_1147 = vector.extract %reduce_sum3A_1146[15] : f32 from vector<16xf32>
          %get3A_1148 = arith.index_cast %add3A_1137 : i32 to index
          %get3A_1149 = arith.constant 0 : index
          %get3A_1150 = tpu.vector_load %arg22[%get3A_1148, %get3A_1149] {strides = array<i32>} : memref<80x128xf32, #tpu.memory_space<vmem>>, vector<16xf32>,
          %mul3A_1151 = vector.broadcast %reduce_sum3A_1147 : f32 to vector<16xf32>
          %mul3A_1152 = arith.mulf %get3A_1150, %mul3A_1151 : vector<16xf32>
          %swap3A_1153 = arith.index_cast %add3A_1137 : i32 to index
          %swap3A_1154 = arith.constant 0 : index
          %swap3A_1155 = tpu.vector_load %arg22[%swap3A_1153, %swap3A_1154] {strides = array<i32>} : memref<80x128xf32, #tpu.memory_space<vmem>>, vector<16xf32>,
          tpu.vector_store %arg22[%swap3A_1153, %swap3A_1154], %mul3A_1152 {strides = array<i32>} : memref<80x128xf32, #tpu.memory_space<vmem>>, vector<16xf32>,
          %get3A_1156 = arith.index_cast %add3A_1137 : i32 to index
          %get3A_1157 = arith.constant 16 : index
          %get3A_1158 = tpu.vector_load %arg22[%get3A_1156, %get3A_1157] {strides = array<i32>} : memref<80x128xf32, #tpu.memory_space<vmem>>, vector<16xf32>,
          %mul3A_1159 = vector.broadcast %reduce_sum3A_1147 : f32 to vector<16xf32>
          %mul3A_1160 = arith.mulf %get3A_1158, %mul3A_1159 : vector<16xf32>
          %swap3A_1161 = arith.index_cast %add3A_1137 : i32 to index
          %swap3A_1162 = arith.constant 16 : index
          %swap3A_1163 = tpu.vector_load %arg22[%swap3A_1161, %swap3A_1162] {strides = array<i32>} : memref<80x128xf32, #tpu.memory_space<vmem>>, vector<16xf32>,
          tpu.vector_store %arg22[%swap3A_1161, %swap3A_1162], %mul3A_1160 {strides = array<i32>} : memref<80x128xf32, #tpu.memory_space<vmem>>, vector<16xf32>,
          %get3A_1164 = arith.index_cast %add3A_1137 : i32 to index
          %get3A_1165 = arith.constant 32 : index
          %get3A_1166 = tpu.vector_load %arg22[%get3A_1164, %get3A_1165] {strides = array<i32>} : memref<80x128xf32, #tpu.memory_space<vmem>>, vector<16xf32>,
          %mul3A_1167 = vector.broadcast %reduce_sum3A_1147 : f32 to vector<16xf32>
          %mul3A_1168 = arith.mulf %get3A_1166, %mul3A_1167 : vector<16xf32>
          %swap3A_1169 = arith.index_cast %add3A_1137 : i32 to index
          %swap3A_1170 = arith.constant 32 : index
          %swap3A_1171 = tpu.vector_load %arg22[%swap3A_1169, %swap3A_1170] {strides = array<i32>} : memref<80x128xf32, #tpu.memory_space<vmem>>, vector<16xf32>,
          tpu.vector_store %arg22[%swap3A_1169, %swap3A_1170], %mul3A_1168 {strides = array<i32>} : memref<80x128xf32, #tpu.memory_space<vmem>>, vector<16xf32>,
          %get3A_1172 = arith.index_cast %add3A_1137 : i32 to index
          %get3A_1173 = arith.constant 48 : index
          %get3A_1174 = tpu.vector_load %arg22[%get3A_1172, %get3A_1173] {strides = array<i32>} : memref<80x128xf32, #tpu.memory_space<vmem>>, vector<16xf32>,
          %mul3A_1175 = vector.broadcast %reduce_sum3A_1147 : f32 to vector<16xf32>
          %mul3A_1176 = arith.mulf %get3A_1174, %mul3A_1175 : vector<16xf32>
          %swap3A_1177 = arith.index_cast %add3A_1137 : i32 to index
          %swap3A_1178 = arith.constant 48 : index
          %swap3A_1179 = tpu.vector_load %arg22[%swap3A_1177, %swap3A_1178] {strides = array<i32>} : memref<80x128xf32, #tpu.memory_space<vmem>>, vector<16xf32>,
          tpu.vector_store %arg22[%swap3A_1177, %swap3A_1178], %mul3A_1176 {strides = array<i32>} : memref<80x128xf32, #tpu.memory_space<vmem>>, vector<16xf32>,
          %get3A_1180 = arith.index_cast %add3A_1137 : i32 to index
          %get3A_1181 = arith.constant 64 : index
          %get3A_1182 = tpu.vector_load %arg22[%get3A_1180, %get3A_1181] {strides = array<i32>} : memref<80x128xf32, #tpu.memory_space<vmem>>, vector<16xf32>,
          %mul3A_1183 = vector.broadcast %reduce_sum3A_1147 : f32 to vector<16xf32>
          %mul3A_1184 = arith.mulf %get3A_1182, %mul3A_1183 : vector<16xf32>
          %swap3A_1185 = arith.index_cast %add3A_1137 : i32 to index
          %swap3A_1186 = arith.constant 64 : index
          %swap3A_1187 = tpu.vector_load %arg22[%swap3A_1185, %swap3A_1186] {strides = array<i32>} : memref<80x128xf32, #tpu.memory_space<vmem>>, vector<16xf32>,
          tpu.vector_store %arg22[%swap3A_1185, %swap3A_1186], %mul3A_1184 {strides = array<i32>} : memref<80x128xf32, #tpu.memory_space<vmem>>, vector<16xf32>,
          %get3A_1188 = arith.index_cast %add3A_1137 : i32 to index
          %get3A_1189 = arith.constant 80 : index
          %get3A_1190 = tpu.vector_load %arg22[%get3A_1188, %get3A_1189] {strides = array<i32>} : memref<80x128xf32, #tpu.memory_space<vmem>>, vector<16xf32>,
          %mul3A_1191 = vector.broadcast %reduce_sum3A_1147 : f32 to vector<16xf32>
          %mul3A_1192 = arith.mulf %get3A_1190, %mul3A_1191 : vector<16xf32>
          %swap3A_1193 = arith.index_cast %add3A_1137 : i32 to index
          %swap3A_1194 = arith.constant 80 : index
          %swap3A_1195 = tpu.vector_load %arg22[%swap3A_1193, %swap3A_1194] {strides = array<i32>} : memref<80x128xf32, #tpu.memory_space<vmem>>, vector<16xf32>,
          tpu.vector_store %arg22[%swap3A_1193, %swap3A_1194], %mul3A_1192 {strides = array<i32>} : memref<80x128xf32, #tpu.memory_space<vmem>>, vector<16xf32>,
          %get3A_1196 = arith.index_cast %add3A_1137 : i32 to index
          %get3A_1197 = arith.constant 96 : index
          %get3A_1198 = tpu.vector_load %arg22[%get3A_1196, %get3A_1197] {strides = array<i32>} : memref<80x128xf32, #tpu.memory_space<vmem>>, vector<16xf32>,
          %mul3A_1199 = vector.broadcast %reduce_sum3A_1147 : f32 to vector<16xf32>
          %mul3A_1200 = arith.mulf %get3A_1198, %mul3A_1199 : vector<16xf32>
          %swap3A_1201 = arith.index_cast %add3A_1137 : i32 to index
          %swap3A_1202 = arith.constant 96 : index
          %swap3A_1203 = tpu.vector_load %arg22[%swap3A_1201, %swap3A_1202] {strides = array<i32>} : memref<80x128xf32, #tpu.memory_space<vmem>>, vector<16xf32>,
          tpu.vector_store %arg22[%swap3A_1201, %swap3A_1202], %mul3A_1200 {strides = array<i32>} : memref<80x128xf32, #tpu.memory_space<vmem>>, vector<16xf32>,
          %get3A_1204 = arith.index_cast %add3A_1137 : i32 to index
          %get3A_1205 = arith.constant 112 : index
          %get3A_1206 = tpu.vector_load %arg22[%get3A_1204, %get3A_1205] {strides = array<i32>} : memref<80x128xf32, #tpu.memory_space<vmem>>, vector<16xf32>,
          %mul3A_1207 = vector.broadcast %reduce_sum3A_1147 : f32 to vector<16xf32>
          %mul3A_1208 = arith.mulf %get3A_1206, %mul3A_1207 : vector<16xf32>
          %swap3A_1209 = arith.index_cast %add3A_1137 : i32 to index
          %swap3A_1210 = arith.constant 112 : index
          %swap3A_1211 = tpu.vector_load %arg22[%swap3A_1209, %swap3A_1210] {strides = array<i32>} : memref<80x128xf32, #tpu.memory_space<vmem>>, vector<16xf32>,
          tpu.vector_store %arg22[%swap3A_1209, %swap3A_1210], %mul3A_1208 {strides = array<i32>} : memref<80x128xf32, #tpu.memory_space<vmem>>, vector<16xf32>,
          %mul3A_1212 = arith.constant 16 : i32
          %mul3A_1213 = arith.muli %scan3A_121, %mul3A_1212 : i32
          %add3A_1214 = arith.constant 14 : i32
          %add3A_1215 = arith.addi %mul3A_1213, %add3A_1214 : i32
          %eq3A_1216 = arith.constant 14 : i32
          %eq3A_1217 = vector.broadcast %eq3A_1216 : i32 to vector<16xi32>
          %eq3A_1218 = arith.cmpi eq, %iota3A, %eq3A_1217 : vector<16xi32>
          %jit3A_1219 = arith.constant 0.000000e+00 : f32
          %broadcast_in_dim3A_1220 = vector.broadcast %jit3A_1219 : f32 to vector<16xf32>
          %select_n3A_1221 = arith.select %eq3A_1218, %get3A_125, %broadcast_in_dim3A_1220 : vector<16xi1>, vector<16xf32>
          %reduce_sum3A_1222 = arith.constant true
          %reduce_sum3A_1223 = vector.broadcast %reduce_sum3A_1222 : i1 to vector<16xi1>
          %reduce_sum3A_1224 = tpu.scan <sum>, %select_n3A_1221 masked %reduce_sum3A_1223 : vector<16xf32>, vector<16xi1> -> vector<16xf32>
          %reduce_sum3A_1225 = vector.extract %reduce_sum3A_1224[15] : f32 from vector<16xf32>
          %get3A_1226 = arith.index_cast %add3A_1215 : i32 to index
          %get3A_1227 = arith.constant 0 : index
          %get3A_1228 = tpu.vector_load %arg22[%get3A_1226, %get3A_1227] {strides = array<i32>} : memref<80x128xf32, #tpu.memory_space<vmem>>, vector<16xf32>,
          %mul3A_1229 = vector.broadcast %reduce_sum3A_1225 : f32 to vector<16xf32>
          %mul3A_1230 = arith.mulf %get3A_1228, %mul3A_1229 : vector<16xf32>
          %swap3A_1231 = arith.index_cast %add3A_1215 : i32 to index
          %swap3A_1232 = arith.constant 0 : index
          %swap3A_1233 = tpu.vector_load %arg22[%swap3A_1231, %swap3A_1232] {strides = array<i32>} : memref<80x128xf32, #tpu.memory_space<vmem>>, vector<16xf32>,
          tpu.vector_store %arg22[%swap3A_1231, %swap3A_1232], %mul3A_1230 {strides = array<i32>} : memref<80x128xf32, #tpu.memory_space<vmem>>, vector<16xf32>,
          %get3A_1234 = arith.index_cast %add3A_1215 : i32 to index
          %get3A_1235 = arith.constant 16 : index
          %get3A_1236 = tpu.vector_load %arg22[%get3A_1234, %get3A_1235] {strides = array<i32>} : memref<80x128xf32, #tpu.memory_space<vmem>>, vector<16xf32>,
          %mul3A_1237 = vector.broadcast %reduce_sum3A_1225 : f32 to vector<16xf32>
          %mul3A_1238 = arith.mulf %get3A_1236, %mul3A_1237 : vector<16xf32>
          %swap3A_1239 = arith.index_cast %add3A_1215 : i32 to index
          %swap3A_1240 = arith.constant 16 : index
          %swap3A_1241 = tpu.vector_load %arg22[%swap3A_1239, %swap3A_1240] {strides = array<i32>} : memref<80x128xf32, #tpu.memory_space<vmem>>, vector<16xf32>,
          tpu.vector_store %arg22[%swap3A_1239, %swap3A_1240], %mul3A_1238 {strides = array<i32>} : memref<80x128xf32, #tpu.memory_space<vmem>>, vector<16xf32>,
          %get3A_1242 = arith.index_cast %add3A_1215 : i32 to index
          %get3A_1243 = arith.constant 32 : index
          %get3A_1244 = tpu.vector_load %arg22[%get3A_1242, %get3A_1243] {strides = array<i32>} : memref<80x128xf32, #tpu.memory_space<vmem>>, vector<16xf32>,
          %mul3A_1245 = vector.broadcast %reduce_sum3A_1225 : f32 to vector<16xf32>
          %mul3A_1246 = arith.mulf %get3A_1244, %mul3A_1245 : vector<16xf32>
          %swap3A_1247 = arith.index_cast %add3A_1215 : i32 to index
          %swap3A_1248 = arith.constant 32 : index
          %swap3A_1249 = tpu.vector_load %arg22[%swap3A_1247, %swap3A_1248] {strides = array<i32>} : memref<80x128xf32, #tpu.memory_space<vmem>>, vector<16xf32>,
          tpu.vector_store %arg22[%swap3A_1247, %swap3A_1248], %mul3A_1246 {strides = array<i32>} : memref<80x128xf32, #tpu.memory_space<vmem>>, vector<16xf32>,
          %get3A_1250 = arith.index_cast %add3A_1215 : i32 to index
          %get3A_1251 = arith.constant 48 : index
          %get3A_1252 = tpu.vector_load %arg22[%get3A_1250, %get3A_1251] {strides = array<i32>} : memref<80x128xf32, #tpu.memory_space<vmem>>, vector<16xf32>,
          %mul3A_1253 = vector.broadcast %reduce_sum3A_1225 : f32 to vector<16xf32>
          %mul3A_1254 = arith.mulf %get3A_1252, %mul3A_1253 : vector<16xf32>
          %swap3A_1255 = arith.index_cast %add3A_1215 : i32 to index
          %swap3A_1256 = arith.constant 48 : index
          %swap3A_1257 = tpu.vector_load %arg22[%swap3A_1255, %swap3A_1256] {strides = array<i32>} : memref<80x128xf32, #tpu.memory_space<vmem>>, vector<16xf32>,
          tpu.vector_store %arg22[%swap3A_1255, %swap3A_1256], %mul3A_1254 {strides = array<i32>} : memref<80x128xf32, #tpu.memory_space<vmem>>, vector<16xf32>,
          %get3A_1258 = arith.index_cast %add3A_1215 : i32 to index
          %get3A_1259 = arith.constant 64 : index
          %get3A_1260 = tpu.vector_load %arg22[%get3A_1258, %get3A_1259] {strides = array<i32>} : memref<80x128xf32, #tpu.memory_space<vmem>>, vector<16xf32>,
          %mul3A_1261 = vector.broadcast %reduce_sum3A_1225 : f32 to vector<16xf32>
          %mul3A_1262 = arith.mulf %get3A_1260, %mul3A_1261 : vector<16xf32>
          %swap3A_1263 = arith.index_cast %add3A_1215 : i32 to index
          %swap3A_1264 = arith.constant 64 : index
          %swap3A_1265 = tpu.vector_load %arg22[%swap3A_1263, %swap3A_1264] {strides = array<i32>} : memref<80x128xf32, #tpu.memory_space<vmem>>, vector<16xf32>,
          tpu.vector_store %arg22[%swap3A_1263, %swap3A_1264], %mul3A_1262 {strides = array<i32>} : memref<80x128xf32, #tpu.memory_space<vmem>>, vector<16xf32>,
          %get3A_1266 = arith.index_cast %add3A_1215 : i32 to index
          %get3A_1267 = arith.constant 80 : index
          %get3A_1268 = tpu.vector_load %arg22[%get3A_1266, %get3A_1267] {strides = array<i32>} : memref<80x128xf32, #tpu.memory_space<vmem>>, vector<16xf32>,
          %mul3A_1269 = vector.broadcast %reduce_sum3A_1225 : f32 to vector<16xf32>
          %mul3A_1270 = arith.mulf %get3A_1268, %mul3A_1269 : vector<16xf32>
          %swap3A_1271 = arith.index_cast %add3A_1215 : i32 to index
          %swap3A_1272 = arith.constant 80 : index
          %swap3A_1273 = tpu.vector_load %arg22[%swap3A_1271, %swap3A_1272] {strides = array<i32>} : memref<80x128xf32, #tpu.memory_space<vmem>>, vector<16xf32>,
          tpu.vector_store %arg22[%swap3A_1271, %swap3A_1272], %mul3A_1270 {strides = array<i32>} : memref<80x128xf32, #tpu.memory_space<vmem>>, vector<16xf32>,
          %get3A_1274 = arith.index_cast %add3A_1215 : i32 to index
          %get3A_1275 = arith.constant 96 : index
          %get3A_1276 = tpu.vector_load %arg22[%get3A_1274, %get3A_1275] {strides = array<i32>} : memref<80x128xf32, #tpu.memory_space<vmem>>, vector<16xf32>,
          %mul3A_1277 = vector.broadcast %reduce_sum3A_1225 : f32 to vector<16xf32>
          %mul3A_1278 = arith.mulf %get3A_1276, %mul3A_1277 : vector<16xf32>
          %swap3A_1279 = arith.index_cast %add3A_1215 : i32 to index
          %swap3A_1280 = arith.constant 96 : index
          %swap3A_1281 = tpu.vector_load %arg22[%swap3A_1279, %swap3A_1280] {strides = array<i32>} : memref<80x128xf32, #tpu.memory_space<vmem>>, vector<16xf32>,
          tpu.vector_store %arg22[%swap3A_1279, %swap3A_1280], %mul3A_1278 {strides = array<i32>} : memref<80x128xf32, #tpu.memory_space<vmem>>, vector<16xf32>,
          %get3A_1282 = arith.index_cast %add3A_1215 : i32 to index
          %get3A_1283 = arith.constant 112 : index
          %get3A_1284 = tpu.vector_load %arg22[%get3A_1282, %get3A_1283] {strides = array<i32>} : memref<80x128xf32, #tpu.memory_space<vmem>>, vector<16xf32>,
          %mul3A_1285 = vector.broadcast %reduce_sum3A_1225 : f32 to vector<16xf32>
          %mul3A_1286 = arith.mulf %get3A_1284, %mul3A_1285 : vector<16xf32>
          %swap3A_1287 = arith.index_cast %add3A_1215 : i32 to index
          %swap3A_1288 = arith.constant 112 : index
          %swap3A_1289 = tpu.vector_load %arg22[%swap3A_1287, %swap3A_1288] {strides = array<i32>} : memref<80x128xf32, #tpu.memory_space<vmem>>, vector<16xf32>,
          tpu.vector_store %arg22[%swap3A_1287, %swap3A_1288], %mul3A_1286 {strides = array<i32>} : memref<80x128xf32, #tpu.memory_space<vmem>>, vector<16xf32>,
          %mul3A_1290 = arith.constant 16 : i32
          %mul3A_1291 = arith.muli %scan3A_121, %mul3A_1290 : i32
          %add3A_1292 = arith.constant 15 : i32
          %add3A_1293 = arith.addi %mul3A_1291, %add3A_1292 : i32
          %eq3A_1294 = arith.constant 15 : i32
          %eq3A_1295 = vector.broadcast %eq3A_1294 : i32 to vector<16xi32>
          %eq3A_1296 = arith.cmpi eq, %iota3A, %eq3A_1295 : vector<16xi32>
          %jit3A_1297 = arith.constant 0.000000e+00 : f32
          %broadcast_in_dim3A_1298 = vector.broadcast %jit3A_1297 : f32 to vector<16xf32>
          %select_n3A_1299 = arith.select %eq3A_1296, %get3A_125, %broadcast_in_dim3A_1298 : vector<16xi1>, vector<16xf32>
          %reduce_sum3A_1300 = arith.constant true
          %reduce_sum3A_1301 = vector.broadcast %reduce_sum3A_1300 : i1 to vector<16xi1>
          %reduce_sum3A_1302 = tpu.scan <sum>, %select_n3A_1299 masked %reduce_sum3A_1301 : vector<16xf32>, vector<16xi1> -> vector<16xf32>
          %reduce_sum3A_1303 = vector.extract %reduce_sum3A_1302[15] : f32 from vector<16xf32>
          %get3A_1304 = arith.index_cast %add3A_1293 : i32 to index
          %get3A_1305 = arith.constant 0 : index
          %get3A_1306 = tpu.vector_load %arg22[%get3A_1304, %get3A_1305] {strides = array<i32>} : memref<80x128xf32, #tpu.memory_space<vmem>>, vector<16xf32>,
          %mul3A_1307 = vector.broadcast %reduce_sum3A_1303 : f32 to vector<16xf32>
          %mul3A_1308 = arith.mulf %get3A_1306, %mul3A_1307 : vector<16xf32>
          %swap3A_1309 = arith.index_cast %add3A_1293 : i32 to index
          %swap3A_1310 = arith.constant 0 : index
          %swap3A_1311 = tpu.vector_load %arg22[%swap3A_1309, %swap3A_1310] {strides = array<i32>} : memref<80x128xf32, #tpu.memory_space<vmem>>, vector<16xf32>,
          tpu.vector_store %arg22[%swap3A_1309, %swap3A_1310], %mul3A_1308 {strides = array<i32>} : memref<80x128xf32, #tpu.memory_space<vmem>>, vector<16xf32>,
          %get3A_1312 = arith.index_cast %add3A_1293 : i32 to index
          %get3A_1313 = arith.constant 16 : index
          %get3A_1314 = tpu.vector_load %arg22[%get3A_1312, %get3A_1313] {strides = array<i32>} : memref<80x128xf32, #tpu.memory_space<vmem>>, vector<16xf32>,
          %mul3A_1315 = vector.broadcast %reduce_sum3A_1303 : f32 to vector<16xf32>
          %mul3A_1316 = arith.mulf %get3A_1314, %mul3A_1315 : vector<16xf32>
          %swap3A_1317 = arith.index_cast %add3A_1293 : i32 to index
          %swap3A_1318 = arith.constant 16 : index
          %swap3A_1319 = tpu.vector_load %arg22[%swap3A_1317, %swap3A_1318] {strides = array<i32>} : memref<80x128xf32, #tpu.memory_space<vmem>>, vector<16xf32>,
          tpu.vector_store %arg22[%swap3A_1317, %swap3A_1318], %mul3A_1316 {strides = array<i32>} : memref<80x128xf32, #tpu.memory_space<vmem>>, vector<16xf32>,
          %get3A_1320 = arith.index_cast %add3A_1293 : i32 to index
          %get3A_1321 = arith.constant 32 : index
          %get3A_1322 = tpu.vector_load %arg22[%get3A_1320, %get3A_1321] {strides = array<i32>} : memref<80x128xf32, #tpu.memory_space<vmem>>, vector<16xf32>,
          %mul3A_1323 = vector.broadcast %reduce_sum3A_1303 : f32 to vector<16xf32>
          %mul3A_1324 = arith.mulf %get3A_1322, %mul3A_1323 : vector<16xf32>
          %swap3A_1325 = arith.index_cast %add3A_1293 : i32 to index
          %swap3A_1326 = arith.constant 32 : index
          %swap3A_1327 = tpu.vector_load %arg22[%swap3A_1325, %swap3A_1326] {strides = array<i32>} : memref<80x128xf32, #tpu.memory_space<vmem>>, vector<16xf32>,
          tpu.vector_store %arg22[%swap3A_1325, %swap3A_1326], %mul3A_1324 {strides = array<i32>} : memref<80x128xf32, #tpu.memory_space<vmem>>, vector<16xf32>,
          %get3A_1328 = arith.index_cast %add3A_1293 : i32 to index
          %get3A_1329 = arith.constant 48 : index
          %get3A_1330 = tpu.vector_load %arg22[%get3A_1328, %get3A_1329] {strides = array<i32>} : memref<80x128xf32, #tpu.memory_space<vmem>>, vector<16xf32>,
          %mul3A_1331 = vector.broadcast %reduce_sum3A_1303 : f32 to vector<16xf32>
          %mul3A_1332 = arith.mulf %get3A_1330, %mul3A_1331 : vector<16xf32>
          %swap3A_1333 = arith.index_cast %add3A_1293 : i32 to index
          %swap3A_1334 = arith.constant 48 : index
          %swap3A_1335 = tpu.vector_load %arg22[%swap3A_1333, %swap3A_1334] {strides = array<i32>} : memref<80x128xf32, #tpu.memory_space<vmem>>, vector<16xf32>,
          tpu.vector_store %arg22[%swap3A_1333, %swap3A_1334], %mul3A_1332 {strides = array<i32>} : memref<80x128xf32, #tpu.memory_space<vmem>>, vector<16xf32>,
          %get3A_1336 = arith.index_cast %add3A_1293 : i32 to index
          %get3A_1337 = arith.constant 64 : index
          %get3A_1338 = tpu.vector_load %arg22[%get3A_1336, %get3A_1337] {strides = array<i32>} : memref<80x128xf32, #tpu.memory_space<vmem>>, vector<16xf32>,
          %mul3A_1339 = vector.broadcast %reduce_sum3A_1303 : f32 to vector<16xf32>
          %mul3A_1340 = arith.mulf %get3A_1338, %mul3A_1339 : vector<16xf32>
          %swap3A_1341 = arith.index_cast %add3A_1293 : i32 to index
          %swap3A_1342 = arith.constant 64 : index
          %swap3A_1343 = tpu.vector_load %arg22[%swap3A_1341, %swap3A_1342] {strides = array<i32>} : memref<80x128xf32, #tpu.memory_space<vmem>>, vector<16xf32>,
          tpu.vector_store %arg22[%swap3A_1341, %swap3A_1342], %mul3A_1340 {strides = array<i32>} : memref<80x128xf32, #tpu.memory_space<vmem>>, vector<16xf32>,
          %get3A_1344 = arith.index_cast %add3A_1293 : i32 to index
          %get3A_1345 = arith.constant 80 : index
          %get3A_1346 = tpu.vector_load %arg22[%get3A_1344, %get3A_1345] {strides = array<i32>} : memref<80x128xf32, #tpu.memory_space<vmem>>, vector<16xf32>,
          %mul3A_1347 = vector.broadcast %reduce_sum3A_1303 : f32 to vector<16xf32>
          %mul3A_1348 = arith.mulf %get3A_1346, %mul3A_1347 : vector<16xf32>
          %swap3A_1349 = arith.index_cast %add3A_1293 : i32 to index
          %swap3A_1350 = arith.constant 80 : index
          %swap3A_1351 = tpu.vector_load %arg22[%swap3A_1349, %swap3A_1350] {strides = array<i32>} : memref<80x128xf32, #tpu.memory_space<vmem>>, vector<16xf32>,
          tpu.vector_store %arg22[%swap3A_1349, %swap3A_1350], %mul3A_1348 {strides = array<i32>} : memref<80x128xf32, #tpu.memory_space<vmem>>, vector<16xf32>,
          %get3A_1352 = arith.index_cast %add3A_1293 : i32 to index
          %get3A_1353 = arith.constant 96 : index
          %get3A_1354 = tpu.vector_load %arg22[%get3A_1352, %get3A_1353] {strides = array<i32>} : memref<80x128xf32, #tpu.memory_space<vmem>>, vector<16xf32>,
          %mul3A_1355 = vector.broadcast %reduce_sum3A_1303 : f32 to vector<16xf32>
          %mul3A_1356 = arith.mulf %get3A_1354, %mul3A_1355 : vector<16xf32>
          %swap3A_1357 = arith.index_cast %add3A_1293 : i32 to index
          %swap3A_1358 = arith.constant 96 : index
          %swap3A_1359 = tpu.vector_load %arg22[%swap3A_1357, %swap3A_1358] {strides = array<i32>} : memref<80x128xf32, #tpu.memory_space<vmem>>, vector<16xf32>,
          tpu.vector_store %arg22[%swap3A_1357, %swap3A_1358], %mul3A_1356 {strides = array<i32>} : memref<80x128xf32, #tpu.memory_space<vmem>>, vector<16xf32>,
          %get3A_1360 = arith.index_cast %add3A_1293 : i32 to index
          %get3A_1361 = arith.constant 112 : index
          %get3A_1362 = tpu.vector_load %arg22[%get3A_1360, %get3A_1361] {strides = array<i32>} : memref<80x128xf32, #tpu.memory_space<vmem>>, vector<16xf32>,
          %mul3A_1363 = vector.broadcast %reduce_sum3A_1303 : f32 to vector<16xf32>
          %mul3A_1364 = arith.mulf %get3A_1362, %mul3A_1363 : vector<16xf32>
          %swap3A_1365 = arith.index_cast %add3A_1293 : i32 to index
          %swap3A_1366 = arith.constant 112 : index
          %swap3A_1367 = tpu.vector_load %arg22[%swap3A_1365, %swap3A_1366] {strides = array<i32>} : memref<80x128xf32, #tpu.memory_space<vmem>>, vector<16xf32>,
          tpu.vector_store %arg22[%swap3A_1365, %swap3A_1366], %mul3A_1364 {strides = array<i32>} : memref<80x128xf32, #tpu.memory_space<vmem>>, vector<16xf32>,
          %scan3A_1368 = arith.constant 0 : i32
          scf.yield %scan3A_1368 : i32
        }
        %scan3A_120 = arith.constant 5 : i32
        "tpu.region"() ({
          %run_scoped3A = tpu.sem_alloc : memref<!tpu.dma_semaphore, #tpu.memory_space<semaphore_mem>>
          %dma_start3A_121 = arith.constant 0 : i32
          %dma_start3A_122 = arith.constant 0 : i32
          %dma_start3A_123 = tpu.memref_slice %arg24[%dma_start3A_121, %dma_start3A_122] : memref<10000x128xf32, #tpu.memory_space<vmem_shared>> -> memref<10000x128xf32, #tpu.memory_space<vmem_shared>>
          tpu.enqueue_indirect_dma source(%arg22 : memref<80x128xf32, #tpu.memory_space<vmem>>) target(%dma_start3A_123 : memref<10000x128xf32, #tpu.memory_space<vmem_shared>>) offsets(%arg18 : memref<80xi32, #tpu.memory_space<vmem>>) semaphore(%run_scoped3A : memref<!tpu.dma_semaphore, #tpu.memory_space<semaphore_mem>>) {add = true}
          %dma_wait3A_124 = arith.constant 0 : i32
          %dma_wait3A_125 = arith.constant 0 : i32
          %dma_wait3A_126 = tpu.memref_slice %arg24[%dma_wait3A_124, %dma_wait3A_125] : memref<10000x128xf32, #tpu.memory_space<vmem_shared>> -> memref<10000x128xf32, #tpu.memory_space<vmem_shared>>
          tpu.wait_indirect_dma semaphore(%run_scoped3A : memref<!tpu.dma_semaphore, #tpu.memory_space<semaphore_mem>>) src(%arg22 : memref<80x128xf32, #tpu.memory_space<vmem>>) dst(%dma_wait3A_126 : memref<10000x128xf32, #tpu.memory_space<vmem_shared>>)
          tpu.yield
        }) : () -> ()
      } else {
      }
      %mul3A_85 = arith.constant 2 : i32
      %mul3A_86 = arith.muli %scan3A_63, %mul3A_85 : i32
      %add3A_87 = arith.constant 1 : i32
      %add3A_88 = arith.addi %mul3A_86, %add3A_87 : i32
      %add3A_89 = arith.constant 2 : i32
      %add3A_90 = arith.addi %add3A_88, %add3A_89 : i32
      %lt3A_91 = arith.constant 125 : i32
      %lt3A_92 = arith.cmpi slt, %add3A_90, %lt3A_91 : i32
      %convert_element_type3A_93 = arith.extui %lt3A_92 : i1 to i32
      %cond3A_94 = arith.constant 0 : i32
      %cond3A_95 = arith.cmpi ne, %convert_element_type3A_93, %cond3A_94 : i32
      scf.if %cond3A_95 {
        %mul3A_109 = arith.constant 80 : i32
        %mul3A_110 = arith.muli %add3A_90, %mul3A_109 : i32
        %add3A_111 = arith.addi %mul3A_2, %mul3A_110 : i32
        %dma_start3A_112 = tpu.memref_slice %arg2[%add3A_111] : memref<320000xi32, #tpu.memory_space<hbm>> -> memref<80xi32, #tpu.memory_space<hbm>>
        %dma_start3A_113 = tpu.memref_slice %arg2[%add3A_111] : memref<320000xi32, #tpu.memory_space<hbm>> -> memref<80xi32, #tpu.memory_space<hbm>>
        tpu.enqueue_dma source(%dma_start3A_113 : memref<80xi32, #tpu.memory_space<hbm>>) target(%arg9 : memref<80xi32, #tpu.memory_space<vmem>>) target_semaphore(%arg26 : memref<!tpu.dma_semaphore, #tpu.memory_space<semaphore_mem>>)
        %dma_start3A_114 = tpu.memref_slice %arg3[%add3A_111] : memref<320000xi32, #tpu.memory_space<hbm>> -> memref<80xi32, #tpu.memory_space<hbm>>
        %dma_start3A_115 = tpu.memref_slice %arg3[%add3A_111] : memref<320000xi32, #tpu.memory_space<hbm>> -> memref<80xi32, #tpu.memory_space<hbm>>
        tpu.enqueue_dma source(%dma_start3A_115 : memref<80xi32, #tpu.memory_space<hbm>>) target(%arg11 : memref<80xi32, #tpu.memory_space<vmem>>) target_semaphore(%arg26 : memref<!tpu.dma_semaphore, #tpu.memory_space<semaphore_mem>>)
        %dma_start3A_116 = tpu.memref_slice %arg4[%add3A_111] : memref<320000xi32, #tpu.memory_space<hbm>> -> memref<80xi32, #tpu.memory_space<hbm>>
        %dma_start3A_117 = tpu.memref_slice %arg4[%add3A_111] : memref<320000xi32, #tpu.memory_space<hbm>> -> memref<80xi32, #tpu.memory_space<hbm>>
        tpu.enqueue_dma source(%dma_start3A_117 : memref<80xi32, #tpu.memory_space<hbm>>) target(%arg13 : memref<80xi32, #tpu.memory_space<vmem>>) target_semaphore(%arg26 : memref<!tpu.dma_semaphore, #tpu.memory_space<semaphore_mem>>)
      } else {
      }
      %add3A_96 = arith.constant 1 : i32
      %add3A_97 = arith.addi %add3A_88, %add3A_96 : i32
      %lt3A_98 = arith.constant 125 : i32
      %lt3A_99 = arith.cmpi slt, %add3A_97, %lt3A_98 : i32
      %convert_element_type3A_100 = arith.extui %lt3A_99 : i1 to i32
      %cond3A_101 = arith.constant 0 : i32
      %cond3A_102 = arith.cmpi ne, %convert_element_type3A_100, %cond3A_101 : i32
      scf.if %cond3A_102 {
        %dma_wait3A_109 = tpu.memref_slice %arg2[%mul3A_2] : memref<320000xi32, #tpu.memory_space<hbm>> -> memref<80xi32, #tpu.memory_space<hbm>>
        %dma_wait3A_110 = tpu.memref_slice %arg2[%mul3A_2] : memref<320000xi32, #tpu.memory_space<hbm>> -> memref<80xi32, #tpu.memory_space<hbm>>
        tpu.wait_dma2 semaphore(%arg25 : memref<!tpu.dma_semaphore, #tpu.memory_space<semaphore_mem>>) src(%dma_wait3A_110 : memref<80xi32, #tpu.memory_space<hbm>>) dst(%arg8 : memref<80xi32, #tpu.memory_space<vmem>>)
        %dma_wait3A_111 = tpu.memref_slice %arg3[%mul3A_2] : memref<320000xi32, #tpu.memory_space<hbm>> -> memref<80xi32, #tpu.memory_space<hbm>>
        %dma_wait3A_112 = tpu.memref_slice %arg3[%mul3A_2] : memref<320000xi32, #tpu.memory_space<hbm>> -> memref<80xi32, #tpu.memory_space<hbm>>
        tpu.wait_dma2 semaphore(%arg25 : memref<!tpu.dma_semaphore, #tpu.memory_space<semaphore_mem>>) src(%dma_wait3A_112 : memref<80xi32, #tpu.memory_space<hbm>>) dst(%arg10 : memref<80xi32, #tpu.memory_space<vmem>>)
        %dma_wait3A_113 = tpu.memref_slice %arg4[%mul3A_2] : memref<320000xi32, #tpu.memory_space<hbm>> -> memref<80xi32, #tpu.memory_space<hbm>>
        %dma_wait3A_114 = tpu.memref_slice %arg4[%mul3A_2] : memref<320000xi32, #tpu.memory_space<hbm>> -> memref<80xi32, #tpu.memory_space<hbm>>
        tpu.wait_dma2 semaphore(%arg25 : memref<!tpu.dma_semaphore, #tpu.memory_space<semaphore_mem>>) src(%dma_wait3A_114 : memref<80xi32, #tpu.memory_space<hbm>>) dst(%arg12 : memref<80xi32, #tpu.memory_space<vmem>>)
        %scan3A_115 = arith.constant 0 : i32
        %scan3A_116 = arith.constant 0 : i32
        %scan3A_117 = arith.constant 5 : i32
        %scan3A_118 = arith.addi %scan3A_116, %scan3A_117 : i32
        %scan3A_119 = arith.constant 1 : i32
        %scan3A_120 = scf.for %scan3A_127 = %scan3A_116 to %scan3A_118 step %scan3A_119 iter_args(%scan3A_128 = %scan3A_115) -> (i32)  : i32 {
          %mul3A_129 = arith.constant 16 : i32
          %mul3A_130 = arith.muli %scan3A_127, %mul3A_129 : i32
          %get3A = arith.index_cast %mul3A_130 : i32 to index
          %get3A_131 = tpu.vector_load %arg8[%get3A] {strides = array<i32>} : memref<80xi32, #tpu.memory_space<vmem>>, vector<16xi32>,
          %get3A_132 = arith.index_cast %mul3A_130 : i32 to index
          %get3A_133 = tpu.vector_load %arg10[%get3A_132] {strides = array<i32>} : memref<80xi32, #tpu.memory_space<vmem>>, vector<16xi32>,
          %get3A_134 = arith.index_cast %mul3A_130 : i32 to index
          %get3A_135 = tpu.vector_load %arg12[%get3A_134] {strides = array<i32>} : memref<80xi32, #tpu.memory_space<vmem>>, vector<16xi32>,
          %mul3A_136 = arith.constant 10000 : i32
          %mul3A_137 = vector.broadcast %mul3A_136 : i32 to vector<16xi32>
          %mul3A_138 = arith.muli %get3A_135, %mul3A_137 : vector<16xi32>
          %add3A_139 = arith.addi %mul3A_138, %get3A_131 : vector<16xi32>
          %swap3A = arith.index_cast %mul3A_130 : i32 to index
          %swap3A_140 = tpu.vector_load %arg14[%swap3A] {strides = array<i32>} : memref<80xi32, #tpu.memory_space<vmem>>, vector<16xi32>,
          tpu.vector_store %arg14[%swap3A], %add3A_139 {strides = array<i32>} : memref<80xi32, #tpu.memory_space<vmem>>, vector<16xi32>,
          %mul3A_141 = arith.constant 8 : i32
          %mul3A_142 = vector.broadcast %mul3A_141 : i32 to vector<16xi32>
          %mul3A_143 = arith.muli %get3A_133, %mul3A_142 : vector<16xi32>
          %add3A_144 = arith.addi %mul3A_143, %get3A_135 : vector<16xi32>
          %swap3A_145 = arith.index_cast %mul3A_130 : i32 to index
          %swap3A_146 = tpu.vector_load %arg16[%swap3A_145] {strides = array<i32>} : memref<80xi32, #tpu.memory_space<vmem>>, vector<16xi32>,
          tpu.vector_store %arg16[%swap3A_145], %add3A_144 {strides = array<i32>} : memref<80xi32, #tpu.memory_space<vmem>>, vector<16xi32>,
          %swap3A_147 = arith.index_cast %mul3A_130 : i32 to index
          %swap3A_148 = tpu.vector_load %arg18[%swap3A_147] {strides = array<i32>} : memref<80xi32, #tpu.memory_space<vmem>>, vector<16xi32>,
          tpu.vector_store %arg18[%swap3A_147], %get3A_133 {strides = array<i32>} : memref<80xi32, #tpu.memory_space<vmem>>, vector<16xi32>,
          %scan3A_149 = arith.constant 0 : i32
          scf.yield %scan3A_149 : i32
        }
        %scan3A_121 = arith.constant 5 : i32
        %dma_start3A_122 = arith.constant 0 : i32
        %dma_start3A_123 = arith.constant 0 : i32
        %dma_start3A_124 = tpu.memref_slice %arg5[%dma_start3A_122, %dma_start3A_123] : memref<80000x128xf32, #tpu.memory_space<hbm>> -> memref<80000x128xf32, #tpu.memory_space<hbm>>
        tpu.enqueue_indirect_dma source(%dma_start3A_124 : memref<80000x128xf32, #tpu.memory_space<hbm>>) target(%arg22 : memref<80x128xf32, #tpu.memory_space<vmem>>) offsets(%arg14 : memref<80xi32, #tpu.memory_space<vmem>>) semaphore(%arg27 : memref<!tpu.dma_semaphore, #tpu.memory_space<semaphore_mem>>)
        %dma_start3A_125 = arith.constant 0 : i32
        %dma_start3A_126 = tpu.memref_slice %arg6[%dma_start3A_125] : memref<80000xf32, #tpu.memory_space<hbm>> -> memref<80000xf32, #tpu.memory_space<hbm>>
        tpu.enqueue_indirect_dma source(%dma_start3A_126 : memref<80000xf32, #tpu.memory_space<hbm>>) target(%arg20 : memref<80xf32, #tpu.memory_space<vmem>>) offsets(%arg16 : memref<80xi32, #tpu.memory_space<vmem>>) semaphore(%arg27 : memref<!tpu.dma_semaphore, #tpu.memory_space<semaphore_mem>>)
      } else {
      }
      %lt3A_103 = arith.constant 125 : i32
      %lt3A_104 = arith.cmpi slt, %add3A_88, %lt3A_103 : i32
      %convert_element_type3A_105 = arith.extui %lt3A_104 : i1 to i32
      %cond3A_106 = arith.constant 0 : i32
      %cond3A_107 = arith.cmpi ne, %convert_element_type3A_105, %cond3A_106 : i32
      scf.if %cond3A_107 {
        %dma_wait3A_109 = arith.constant 0 : i32
        %dma_wait3A_110 = arith.constant 0 : i32
        %dma_wait3A_111 = tpu.memref_slice %arg5[%dma_wait3A_109, %dma_wait3A_110] : memref<80000x128xf32, #tpu.memory_space<hbm>> -> memref<80000x128xf32, #tpu.memory_space<hbm>>
        tpu.wait_indirect_dma semaphore(%arg28 : memref<!tpu.dma_semaphore, #tpu.memory_space<semaphore_mem>>) src(%dma_wait3A_111 : memref<80000x128xf32, #tpu.memory_space<hbm>>) dst(%arg23 : memref<80x128xf32, #tpu.memory_space<vmem>>)
        %dma_wait3A_112 = arith.constant 0 : i32
        %dma_wait3A_113 = tpu.memref_slice %arg6[%dma_wait3A_112] : memref<80000xf32, #tpu.memory_space<hbm>> -> memref<80000xf32, #tpu.memory_space<hbm>>
        tpu.wait_indirect_dma semaphore(%arg28 : memref<!tpu.dma_semaphore, #tpu.memory_space<semaphore_mem>>) src(%dma_wait3A_113 : memref<80000xf32, #tpu.memory_space<hbm>>) dst(%arg21 : memref<80xf32, #tpu.memory_space<vmem>>)
        %scan3A_114 = arith.constant 0 : i32
        %scan3A_115 = arith.constant 0 : i32
        %scan3A_116 = arith.constant 5 : i32
        %scan3A_117 = arith.addi %scan3A_115, %scan3A_116 : i32
        %scan3A_118 = arith.constant 1 : i32
        %scan3A_119 = scf.for %scan3A_121 = %scan3A_115 to %scan3A_117 step %scan3A_118 iter_args(%scan3A_122 = %scan3A_114) -> (i32)  : i32 {
          %mul3A_123 = arith.constant 16 : i32
          %mul3A_124 = arith.muli %scan3A_121, %mul3A_123 : i32
          %get3A = arith.index_cast %mul3A_124 : i32 to index
          %get3A_125 = tpu.vector_load %arg21[%get3A] {strides = array<i32>} : memref<80xf32, #tpu.memory_space<vmem>>, vector<16xf32>,
          %mul3A_126 = arith.constant 16 : i32
          %mul3A_127 = arith.muli %scan3A_121, %mul3A_126 : i32
          %add3A_128 = arith.constant 0 : i32
          %add3A_129 = arith.addi %mul3A_127, %add3A_128 : i32
          %eq3A = arith.constant 0 : i32
          %eq3A_130 = vector.broadcast %eq3A : i32 to vector<16xi32>
          %eq3A_131 = arith.cmpi eq, %iota3A, %eq3A_130 : vector<16xi32>
          %jit3A = arith.constant 0.000000e+00 : f32
          %broadcast_in_dim3A = vector.broadcast %jit3A : f32 to vector<16xf32>
          %select_n3A = arith.select %eq3A_131, %get3A_125, %broadcast_in_dim3A : vector<16xi1>, vector<16xf32>
          %reduce_sum3A = arith.constant true
          %reduce_sum3A_132 = vector.broadcast %reduce_sum3A : i1 to vector<16xi1>
          %reduce_sum3A_133 = tpu.scan <sum>, %select_n3A masked %reduce_sum3A_132 : vector<16xf32>, vector<16xi1> -> vector<16xf32>
          %reduce_sum3A_134 = vector.extract %reduce_sum3A_133[15] : f32 from vector<16xf32>
          %get3A_135 = arith.index_cast %add3A_129 : i32 to index
          %get3A_136 = arith.constant 0 : index
          %get3A_137 = tpu.vector_load %arg23[%get3A_135, %get3A_136] {strides = array<i32>} : memref<80x128xf32, #tpu.memory_space<vmem>>, vector<16xf32>,
          %mul3A_138 = vector.broadcast %reduce_sum3A_134 : f32 to vector<16xf32>
          %mul3A_139 = arith.mulf %get3A_137, %mul3A_138 : vector<16xf32>
          %swap3A = arith.index_cast %add3A_129 : i32 to index
          %swap3A_140 = arith.constant 0 : index
          %swap3A_141 = tpu.vector_load %arg23[%swap3A, %swap3A_140] {strides = array<i32>} : memref<80x128xf32, #tpu.memory_space<vmem>>, vector<16xf32>,
          tpu.vector_store %arg23[%swap3A, %swap3A_140], %mul3A_139 {strides = array<i32>} : memref<80x128xf32, #tpu.memory_space<vmem>>, vector<16xf32>,
          %get3A_142 = arith.index_cast %add3A_129 : i32 to index
          %get3A_143 = arith.constant 16 : index
          %get3A_144 = tpu.vector_load %arg23[%get3A_142, %get3A_143] {strides = array<i32>} : memref<80x128xf32, #tpu.memory_space<vmem>>, vector<16xf32>,
          %mul3A_145 = vector.broadcast %reduce_sum3A_134 : f32 to vector<16xf32>
          %mul3A_146 = arith.mulf %get3A_144, %mul3A_145 : vector<16xf32>
          %swap3A_147 = arith.index_cast %add3A_129 : i32 to index
          %swap3A_148 = arith.constant 16 : index
          %swap3A_149 = tpu.vector_load %arg23[%swap3A_147, %swap3A_148] {strides = array<i32>} : memref<80x128xf32, #tpu.memory_space<vmem>>, vector<16xf32>,
          tpu.vector_store %arg23[%swap3A_147, %swap3A_148], %mul3A_146 {strides = array<i32>} : memref<80x128xf32, #tpu.memory_space<vmem>>, vector<16xf32>,
          %get3A_150 = arith.index_cast %add3A_129 : i32 to index
          %get3A_151 = arith.constant 32 : index
          %get3A_152 = tpu.vector_load %arg23[%get3A_150, %get3A_151] {strides = array<i32>} : memref<80x128xf32, #tpu.memory_space<vmem>>, vector<16xf32>,
          %mul3A_153 = vector.broadcast %reduce_sum3A_134 : f32 to vector<16xf32>
          %mul3A_154 = arith.mulf %get3A_152, %mul3A_153 : vector<16xf32>
          %swap3A_155 = arith.index_cast %add3A_129 : i32 to index
          %swap3A_156 = arith.constant 32 : index
          %swap3A_157 = tpu.vector_load %arg23[%swap3A_155, %swap3A_156] {strides = array<i32>} : memref<80x128xf32, #tpu.memory_space<vmem>>, vector<16xf32>,
          tpu.vector_store %arg23[%swap3A_155, %swap3A_156], %mul3A_154 {strides = array<i32>} : memref<80x128xf32, #tpu.memory_space<vmem>>, vector<16xf32>,
          %get3A_158 = arith.index_cast %add3A_129 : i32 to index
          %get3A_159 = arith.constant 48 : index
          %get3A_160 = tpu.vector_load %arg23[%get3A_158, %get3A_159] {strides = array<i32>} : memref<80x128xf32, #tpu.memory_space<vmem>>, vector<16xf32>,
          %mul3A_161 = vector.broadcast %reduce_sum3A_134 : f32 to vector<16xf32>
          %mul3A_162 = arith.mulf %get3A_160, %mul3A_161 : vector<16xf32>
          %swap3A_163 = arith.index_cast %add3A_129 : i32 to index
          %swap3A_164 = arith.constant 48 : index
          %swap3A_165 = tpu.vector_load %arg23[%swap3A_163, %swap3A_164] {strides = array<i32>} : memref<80x128xf32, #tpu.memory_space<vmem>>, vector<16xf32>,
          tpu.vector_store %arg23[%swap3A_163, %swap3A_164], %mul3A_162 {strides = array<i32>} : memref<80x128xf32, #tpu.memory_space<vmem>>, vector<16xf32>,
          %get3A_166 = arith.index_cast %add3A_129 : i32 to index
          %get3A_167 = arith.constant 64 : index
          %get3A_168 = tpu.vector_load %arg23[%get3A_166, %get3A_167] {strides = array<i32>} : memref<80x128xf32, #tpu.memory_space<vmem>>, vector<16xf32>,
          %mul3A_169 = vector.broadcast %reduce_sum3A_134 : f32 to vector<16xf32>
          %mul3A_170 = arith.mulf %get3A_168, %mul3A_169 : vector<16xf32>
          %swap3A_171 = arith.index_cast %add3A_129 : i32 to index
          %swap3A_172 = arith.constant 64 : index
          %swap3A_173 = tpu.vector_load %arg23[%swap3A_171, %swap3A_172] {strides = array<i32>} : memref<80x128xf32, #tpu.memory_space<vmem>>, vector<16xf32>,
          tpu.vector_store %arg23[%swap3A_171, %swap3A_172], %mul3A_170 {strides = array<i32>} : memref<80x128xf32, #tpu.memory_space<vmem>>, vector<16xf32>,
          %get3A_174 = arith.index_cast %add3A_129 : i32 to index
          %get3A_175 = arith.constant 80 : index
          %get3A_176 = tpu.vector_load %arg23[%get3A_174, %get3A_175] {strides = array<i32>} : memref<80x128xf32, #tpu.memory_space<vmem>>, vector<16xf32>,
          %mul3A_177 = vector.broadcast %reduce_sum3A_134 : f32 to vector<16xf32>
          %mul3A_178 = arith.mulf %get3A_176, %mul3A_177 : vector<16xf32>
          %swap3A_179 = arith.index_cast %add3A_129 : i32 to index
          %swap3A_180 = arith.constant 80 : index
          %swap3A_181 = tpu.vector_load %arg23[%swap3A_179, %swap3A_180] {strides = array<i32>} : memref<80x128xf32, #tpu.memory_space<vmem>>, vector<16xf32>,
          tpu.vector_store %arg23[%swap3A_179, %swap3A_180], %mul3A_178 {strides = array<i32>} : memref<80x128xf32, #tpu.memory_space<vmem>>, vector<16xf32>,
          %get3A_182 = arith.index_cast %add3A_129 : i32 to index
          %get3A_183 = arith.constant 96 : index
          %get3A_184 = tpu.vector_load %arg23[%get3A_182, %get3A_183] {strides = array<i32>} : memref<80x128xf32, #tpu.memory_space<vmem>>, vector<16xf32>,
          %mul3A_185 = vector.broadcast %reduce_sum3A_134 : f32 to vector<16xf32>
          %mul3A_186 = arith.mulf %get3A_184, %mul3A_185 : vector<16xf32>
          %swap3A_187 = arith.index_cast %add3A_129 : i32 to index
          %swap3A_188 = arith.constant 96 : index
          %swap3A_189 = tpu.vector_load %arg23[%swap3A_187, %swap3A_188] {strides = array<i32>} : memref<80x128xf32, #tpu.memory_space<vmem>>, vector<16xf32>,
          tpu.vector_store %arg23[%swap3A_187, %swap3A_188], %mul3A_186 {strides = array<i32>} : memref<80x128xf32, #tpu.memory_space<vmem>>, vector<16xf32>,
          %get3A_190 = arith.index_cast %add3A_129 : i32 to index
          %get3A_191 = arith.constant 112 : index
          %get3A_192 = tpu.vector_load %arg23[%get3A_190, %get3A_191] {strides = array<i32>} : memref<80x128xf32, #tpu.memory_space<vmem>>, vector<16xf32>,
          %mul3A_193 = vector.broadcast %reduce_sum3A_134 : f32 to vector<16xf32>
          %mul3A_194 = arith.mulf %get3A_192, %mul3A_193 : vector<16xf32>
          %swap3A_195 = arith.index_cast %add3A_129 : i32 to index
          %swap3A_196 = arith.constant 112 : index
          %swap3A_197 = tpu.vector_load %arg23[%swap3A_195, %swap3A_196] {strides = array<i32>} : memref<80x128xf32, #tpu.memory_space<vmem>>, vector<16xf32>,
          tpu.vector_store %arg23[%swap3A_195, %swap3A_196], %mul3A_194 {strides = array<i32>} : memref<80x128xf32, #tpu.memory_space<vmem>>, vector<16xf32>,
          %mul3A_198 = arith.constant 16 : i32
          %mul3A_199 = arith.muli %scan3A_121, %mul3A_198 : i32
          %add3A_200 = arith.constant 1 : i32
          %add3A_201 = arith.addi %mul3A_199, %add3A_200 : i32
          %eq3A_202 = arith.constant 1 : i32
          %eq3A_203 = vector.broadcast %eq3A_202 : i32 to vector<16xi32>
          %eq3A_204 = arith.cmpi eq, %iota3A, %eq3A_203 : vector<16xi32>
          %jit3A_205 = arith.constant 0.000000e+00 : f32
          %broadcast_in_dim3A_206 = vector.broadcast %jit3A_205 : f32 to vector<16xf32>
          %select_n3A_207 = arith.select %eq3A_204, %get3A_125, %broadcast_in_dim3A_206 : vector<16xi1>, vector<16xf32>
          %reduce_sum3A_208 = arith.constant true
          %reduce_sum3A_209 = vector.broadcast %reduce_sum3A_208 : i1 to vector<16xi1>
          %reduce_sum3A_210 = tpu.scan <sum>, %select_n3A_207 masked %reduce_sum3A_209 : vector<16xf32>, vector<16xi1> -> vector<16xf32>
          %reduce_sum3A_211 = vector.extract %reduce_sum3A_210[15] : f32 from vector<16xf32>
          %get3A_212 = arith.index_cast %add3A_201 : i32 to index
          %get3A_213 = arith.constant 0 : index
          %get3A_214 = tpu.vector_load %arg23[%get3A_212, %get3A_213] {strides = array<i32>} : memref<80x128xf32, #tpu.memory_space<vmem>>, vector<16xf32>,
          %mul3A_215 = vector.broadcast %reduce_sum3A_211 : f32 to vector<16xf32>
          %mul3A_216 = arith.mulf %get3A_214, %mul3A_215 : vector<16xf32>
          %swap3A_217 = arith.index_cast %add3A_201 : i32 to index
          %swap3A_218 = arith.constant 0 : index
          %swap3A_219 = tpu.vector_load %arg23[%swap3A_217, %swap3A_218] {strides = array<i32>} : memref<80x128xf32, #tpu.memory_space<vmem>>, vector<16xf32>,
          tpu.vector_store %arg23[%swap3A_217, %swap3A_218], %mul3A_216 {strides = array<i32>} : memref<80x128xf32, #tpu.memory_space<vmem>>, vector<16xf32>,
          %get3A_220 = arith.index_cast %add3A_201 : i32 to index
          %get3A_221 = arith.constant 16 : index
          %get3A_222 = tpu.vector_load %arg23[%get3A_220, %get3A_221] {strides = array<i32>} : memref<80x128xf32, #tpu.memory_space<vmem>>, vector<16xf32>,
          %mul3A_223 = vector.broadcast %reduce_sum3A_211 : f32 to vector<16xf32>
          %mul3A_224 = arith.mulf %get3A_222, %mul3A_223 : vector<16xf32>
          %swap3A_225 = arith.index_cast %add3A_201 : i32 to index
          %swap3A_226 = arith.constant 16 : index
          %swap3A_227 = tpu.vector_load %arg23[%swap3A_225, %swap3A_226] {strides = array<i32>} : memref<80x128xf32, #tpu.memory_space<vmem>>, vector<16xf32>,
          tpu.vector_store %arg23[%swap3A_225, %swap3A_226], %mul3A_224 {strides = array<i32>} : memref<80x128xf32, #tpu.memory_space<vmem>>, vector<16xf32>,
          %get3A_228 = arith.index_cast %add3A_201 : i32 to index
          %get3A_229 = arith.constant 32 : index
          %get3A_230 = tpu.vector_load %arg23[%get3A_228, %get3A_229] {strides = array<i32>} : memref<80x128xf32, #tpu.memory_space<vmem>>, vector<16xf32>,
          %mul3A_231 = vector.broadcast %reduce_sum3A_211 : f32 to vector<16xf32>
          %mul3A_232 = arith.mulf %get3A_230, %mul3A_231 : vector<16xf32>
          %swap3A_233 = arith.index_cast %add3A_201 : i32 to index
          %swap3A_234 = arith.constant 32 : index
          %swap3A_235 = tpu.vector_load %arg23[%swap3A_233, %swap3A_234] {strides = array<i32>} : memref<80x128xf32, #tpu.memory_space<vmem>>, vector<16xf32>,
          tpu.vector_store %arg23[%swap3A_233, %swap3A_234], %mul3A_232 {strides = array<i32>} : memref<80x128xf32, #tpu.memory_space<vmem>>, vector<16xf32>,
          %get3A_236 = arith.index_cast %add3A_201 : i32 to index
          %get3A_237 = arith.constant 48 : index
          %get3A_238 = tpu.vector_load %arg23[%get3A_236, %get3A_237] {strides = array<i32>} : memref<80x128xf32, #tpu.memory_space<vmem>>, vector<16xf32>,
          %mul3A_239 = vector.broadcast %reduce_sum3A_211 : f32 to vector<16xf32>
          %mul3A_240 = arith.mulf %get3A_238, %mul3A_239 : vector<16xf32>
          %swap3A_241 = arith.index_cast %add3A_201 : i32 to index
          %swap3A_242 = arith.constant 48 : index
          %swap3A_243 = tpu.vector_load %arg23[%swap3A_241, %swap3A_242] {strides = array<i32>} : memref<80x128xf32, #tpu.memory_space<vmem>>, vector<16xf32>,
          tpu.vector_store %arg23[%swap3A_241, %swap3A_242], %mul3A_240 {strides = array<i32>} : memref<80x128xf32, #tpu.memory_space<vmem>>, vector<16xf32>,
          %get3A_244 = arith.index_cast %add3A_201 : i32 to index
          %get3A_245 = arith.constant 64 : index
          %get3A_246 = tpu.vector_load %arg23[%get3A_244, %get3A_245] {strides = array<i32>} : memref<80x128xf32, #tpu.memory_space<vmem>>, vector<16xf32>,
          %mul3A_247 = vector.broadcast %reduce_sum3A_211 : f32 to vector<16xf32>
          %mul3A_248 = arith.mulf %get3A_246, %mul3A_247 : vector<16xf32>
          %swap3A_249 = arith.index_cast %add3A_201 : i32 to index
          %swap3A_250 = arith.constant 64 : index
          %swap3A_251 = tpu.vector_load %arg23[%swap3A_249, %swap3A_250] {strides = array<i32>} : memref<80x128xf32, #tpu.memory_space<vmem>>, vector<16xf32>,
          tpu.vector_store %arg23[%swap3A_249, %swap3A_250], %mul3A_248 {strides = array<i32>} : memref<80x128xf32, #tpu.memory_space<vmem>>, vector<16xf32>,
          %get3A_252 = arith.index_cast %add3A_201 : i32 to index
          %get3A_253 = arith.constant 80 : index
          %get3A_254 = tpu.vector_load %arg23[%get3A_252, %get3A_253] {strides = array<i32>} : memref<80x128xf32, #tpu.memory_space<vmem>>, vector<16xf32>,
          %mul3A_255 = vector.broadcast %reduce_sum3A_211 : f32 to vector<16xf32>
          %mul3A_256 = arith.mulf %get3A_254, %mul3A_255 : vector<16xf32>
          %swap3A_257 = arith.index_cast %add3A_201 : i32 to index
          %swap3A_258 = arith.constant 80 : index
          %swap3A_259 = tpu.vector_load %arg23[%swap3A_257, %swap3A_258] {strides = array<i32>} : memref<80x128xf32, #tpu.memory_space<vmem>>, vector<16xf32>,
          tpu.vector_store %arg23[%swap3A_257, %swap3A_258], %mul3A_256 {strides = array<i32>} : memref<80x128xf32, #tpu.memory_space<vmem>>, vector<16xf32>,
          %get3A_260 = arith.index_cast %add3A_201 : i32 to index
          %get3A_261 = arith.constant 96 : index
          %get3A_262 = tpu.vector_load %arg23[%get3A_260, %get3A_261] {strides = array<i32>} : memref<80x128xf32, #tpu.memory_space<vmem>>, vector<16xf32>,
          %mul3A_263 = vector.broadcast %reduce_sum3A_211 : f32 to vector<16xf32>
          %mul3A_264 = arith.mulf %get3A_262, %mul3A_263 : vector<16xf32>
          %swap3A_265 = arith.index_cast %add3A_201 : i32 to index
          %swap3A_266 = arith.constant 96 : index
          %swap3A_267 = tpu.vector_load %arg23[%swap3A_265, %swap3A_266] {strides = array<i32>} : memref<80x128xf32, #tpu.memory_space<vmem>>, vector<16xf32>,
          tpu.vector_store %arg23[%swap3A_265, %swap3A_266], %mul3A_264 {strides = array<i32>} : memref<80x128xf32, #tpu.memory_space<vmem>>, vector<16xf32>,
          %get3A_268 = arith.index_cast %add3A_201 : i32 to index
          %get3A_269 = arith.constant 112 : index
          %get3A_270 = tpu.vector_load %arg23[%get3A_268, %get3A_269] {strides = array<i32>} : memref<80x128xf32, #tpu.memory_space<vmem>>, vector<16xf32>,
          %mul3A_271 = vector.broadcast %reduce_sum3A_211 : f32 to vector<16xf32>
          %mul3A_272 = arith.mulf %get3A_270, %mul3A_271 : vector<16xf32>
          %swap3A_273 = arith.index_cast %add3A_201 : i32 to index
          %swap3A_274 = arith.constant 112 : index
          %swap3A_275 = tpu.vector_load %arg23[%swap3A_273, %swap3A_274] {strides = array<i32>} : memref<80x128xf32, #tpu.memory_space<vmem>>, vector<16xf32>,
          tpu.vector_store %arg23[%swap3A_273, %swap3A_274], %mul3A_272 {strides = array<i32>} : memref<80x128xf32, #tpu.memory_space<vmem>>, vector<16xf32>,
          %mul3A_276 = arith.constant 16 : i32
          %mul3A_277 = arith.muli %scan3A_121, %mul3A_276 : i32
          %add3A_278 = arith.constant 2 : i32
          %add3A_279 = arith.addi %mul3A_277, %add3A_278 : i32
          %eq3A_280 = arith.constant 2 : i32
          %eq3A_281 = vector.broadcast %eq3A_280 : i32 to vector<16xi32>
          %eq3A_282 = arith.cmpi eq, %iota3A, %eq3A_281 : vector<16xi32>
          %jit3A_283 = arith.constant 0.000000e+00 : f32
          %broadcast_in_dim3A_284 = vector.broadcast %jit3A_283 : f32 to vector<16xf32>
          %select_n3A_285 = arith.select %eq3A_282, %get3A_125, %broadcast_in_dim3A_284 : vector<16xi1>, vector<16xf32>
          %reduce_sum3A_286 = arith.constant true
          %reduce_sum3A_287 = vector.broadcast %reduce_sum3A_286 : i1 to vector<16xi1>
          %reduce_sum3A_288 = tpu.scan <sum>, %select_n3A_285 masked %reduce_sum3A_287 : vector<16xf32>, vector<16xi1> -> vector<16xf32>
          %reduce_sum3A_289 = vector.extract %reduce_sum3A_288[15] : f32 from vector<16xf32>
          %get3A_290 = arith.index_cast %add3A_279 : i32 to index
          %get3A_291 = arith.constant 0 : index
          %get3A_292 = tpu.vector_load %arg23[%get3A_290, %get3A_291] {strides = array<i32>} : memref<80x128xf32, #tpu.memory_space<vmem>>, vector<16xf32>,
          %mul3A_293 = vector.broadcast %reduce_sum3A_289 : f32 to vector<16xf32>
          %mul3A_294 = arith.mulf %get3A_292, %mul3A_293 : vector<16xf32>
          %swap3A_295 = arith.index_cast %add3A_279 : i32 to index
          %swap3A_296 = arith.constant 0 : index
          %swap3A_297 = tpu.vector_load %arg23[%swap3A_295, %swap3A_296] {strides = array<i32>} : memref<80x128xf32, #tpu.memory_space<vmem>>, vector<16xf32>,
          tpu.vector_store %arg23[%swap3A_295, %swap3A_296], %mul3A_294 {strides = array<i32>} : memref<80x128xf32, #tpu.memory_space<vmem>>, vector<16xf32>,
          %get3A_298 = arith.index_cast %add3A_279 : i32 to index
          %get3A_299 = arith.constant 16 : index
          %get3A_300 = tpu.vector_load %arg23[%get3A_298, %get3A_299] {strides = array<i32>} : memref<80x128xf32, #tpu.memory_space<vmem>>, vector<16xf32>,
          %mul3A_301 = vector.broadcast %reduce_sum3A_289 : f32 to vector<16xf32>
          %mul3A_302 = arith.mulf %get3A_300, %mul3A_301 : vector<16xf32>
          %swap3A_303 = arith.index_cast %add3A_279 : i32 to index
          %swap3A_304 = arith.constant 16 : index
          %swap3A_305 = tpu.vector_load %arg23[%swap3A_303, %swap3A_304] {strides = array<i32>} : memref<80x128xf32, #tpu.memory_space<vmem>>, vector<16xf32>,
          tpu.vector_store %arg23[%swap3A_303, %swap3A_304], %mul3A_302 {strides = array<i32>} : memref<80x128xf32, #tpu.memory_space<vmem>>, vector<16xf32>,
          %get3A_306 = arith.index_cast %add3A_279 : i32 to index
          %get3A_307 = arith.constant 32 : index
          %get3A_308 = tpu.vector_load %arg23[%get3A_306, %get3A_307] {strides = array<i32>} : memref<80x128xf32, #tpu.memory_space<vmem>>, vector<16xf32>,
          %mul3A_309 = vector.broadcast %reduce_sum3A_289 : f32 to vector<16xf32>
          %mul3A_310 = arith.mulf %get3A_308, %mul3A_309 : vector<16xf32>
          %swap3A_311 = arith.index_cast %add3A_279 : i32 to index
          %swap3A_312 = arith.constant 32 : index
          %swap3A_313 = tpu.vector_load %arg23[%swap3A_311, %swap3A_312] {strides = array<i32>} : memref<80x128xf32, #tpu.memory_space<vmem>>, vector<16xf32>,
          tpu.vector_store %arg23[%swap3A_311, %swap3A_312], %mul3A_310 {strides = array<i32>} : memref<80x128xf32, #tpu.memory_space<vmem>>, vector<16xf32>,
          %get3A_314 = arith.index_cast %add3A_279 : i32 to index
          %get3A_315 = arith.constant 48 : index
          %get3A_316 = tpu.vector_load %arg23[%get3A_314, %get3A_315] {strides = array<i32>} : memref<80x128xf32, #tpu.memory_space<vmem>>, vector<16xf32>,
          %mul3A_317 = vector.broadcast %reduce_sum3A_289 : f32 to vector<16xf32>
          %mul3A_318 = arith.mulf %get3A_316, %mul3A_317 : vector<16xf32>
          %swap3A_319 = arith.index_cast %add3A_279 : i32 to index
          %swap3A_320 = arith.constant 48 : index
          %swap3A_321 = tpu.vector_load %arg23[%swap3A_319, %swap3A_320] {strides = array<i32>} : memref<80x128xf32, #tpu.memory_space<vmem>>, vector<16xf32>,
          tpu.vector_store %arg23[%swap3A_319, %swap3A_320], %mul3A_318 {strides = array<i32>} : memref<80x128xf32, #tpu.memory_space<vmem>>, vector<16xf32>,
          %get3A_322 = arith.index_cast %add3A_279 : i32 to index
          %get3A_323 = arith.constant 64 : index
          %get3A_324 = tpu.vector_load %arg23[%get3A_322, %get3A_323] {strides = array<i32>} : memref<80x128xf32, #tpu.memory_space<vmem>>, vector<16xf32>,
          %mul3A_325 = vector.broadcast %reduce_sum3A_289 : f32 to vector<16xf32>
          %mul3A_326 = arith.mulf %get3A_324, %mul3A_325 : vector<16xf32>
          %swap3A_327 = arith.index_cast %add3A_279 : i32 to index
          %swap3A_328 = arith.constant 64 : index
          %swap3A_329 = tpu.vector_load %arg23[%swap3A_327, %swap3A_328] {strides = array<i32>} : memref<80x128xf32, #tpu.memory_space<vmem>>, vector<16xf32>,
          tpu.vector_store %arg23[%swap3A_327, %swap3A_328], %mul3A_326 {strides = array<i32>} : memref<80x128xf32, #tpu.memory_space<vmem>>, vector<16xf32>,
          %get3A_330 = arith.index_cast %add3A_279 : i32 to index
          %get3A_331 = arith.constant 80 : index
          %get3A_332 = tpu.vector_load %arg23[%get3A_330, %get3A_331] {strides = array<i32>} : memref<80x128xf32, #tpu.memory_space<vmem>>, vector<16xf32>,
          %mul3A_333 = vector.broadcast %reduce_sum3A_289 : f32 to vector<16xf32>
          %mul3A_334 = arith.mulf %get3A_332, %mul3A_333 : vector<16xf32>
          %swap3A_335 = arith.index_cast %add3A_279 : i32 to index
          %swap3A_336 = arith.constant 80 : index
          %swap3A_337 = tpu.vector_load %arg23[%swap3A_335, %swap3A_336] {strides = array<i32>} : memref<80x128xf32, #tpu.memory_space<vmem>>, vector<16xf32>,
          tpu.vector_store %arg23[%swap3A_335, %swap3A_336], %mul3A_334 {strides = array<i32>} : memref<80x128xf32, #tpu.memory_space<vmem>>, vector<16xf32>,
          %get3A_338 = arith.index_cast %add3A_279 : i32 to index
          %get3A_339 = arith.constant 96 : index
          %get3A_340 = tpu.vector_load %arg23[%get3A_338, %get3A_339] {strides = array<i32>} : memref<80x128xf32, #tpu.memory_space<vmem>>, vector<16xf32>,
          %mul3A_341 = vector.broadcast %reduce_sum3A_289 : f32 to vector<16xf32>
          %mul3A_342 = arith.mulf %get3A_340, %mul3A_341 : vector<16xf32>
          %swap3A_343 = arith.index_cast %add3A_279 : i32 to index
          %swap3A_344 = arith.constant 96 : index
          %swap3A_345 = tpu.vector_load %arg23[%swap3A_343, %swap3A_344] {strides = array<i32>} : memref<80x128xf32, #tpu.memory_space<vmem>>, vector<16xf32>,
          tpu.vector_store %arg23[%swap3A_343, %swap3A_344], %mul3A_342 {strides = array<i32>} : memref<80x128xf32, #tpu.memory_space<vmem>>, vector<16xf32>,
          %get3A_346 = arith.index_cast %add3A_279 : i32 to index
          %get3A_347 = arith.constant 112 : index
          %get3A_348 = tpu.vector_load %arg23[%get3A_346, %get3A_347] {strides = array<i32>} : memref<80x128xf32, #tpu.memory_space<vmem>>, vector<16xf32>,
          %mul3A_349 = vector.broadcast %reduce_sum3A_289 : f32 to vector<16xf32>
          %mul3A_350 = arith.mulf %get3A_348, %mul3A_349 : vector<16xf32>
          %swap3A_351 = arith.index_cast %add3A_279 : i32 to index
          %swap3A_352 = arith.constant 112 : index
          %swap3A_353 = tpu.vector_load %arg23[%swap3A_351, %swap3A_352] {strides = array<i32>} : memref<80x128xf32, #tpu.memory_space<vmem>>, vector<16xf32>,
          tpu.vector_store %arg23[%swap3A_351, %swap3A_352], %mul3A_350 {strides = array<i32>} : memref<80x128xf32, #tpu.memory_space<vmem>>, vector<16xf32>,
          %mul3A_354 = arith.constant 16 : i32
          %mul3A_355 = arith.muli %scan3A_121, %mul3A_354 : i32
          %add3A_356 = arith.constant 3 : i32
          %add3A_357 = arith.addi %mul3A_355, %add3A_356 : i32
          %eq3A_358 = arith.constant 3 : i32
          %eq3A_359 = vector.broadcast %eq3A_358 : i32 to vector<16xi32>
          %eq3A_360 = arith.cmpi eq, %iota3A, %eq3A_359 : vector<16xi32>
          %jit3A_361 = arith.constant 0.000000e+00 : f32
          %broadcast_in_dim3A_362 = vector.broadcast %jit3A_361 : f32 to vector<16xf32>
          %select_n3A_363 = arith.select %eq3A_360, %get3A_125, %broadcast_in_dim3A_362 : vector<16xi1>, vector<16xf32>
          %reduce_sum3A_364 = arith.constant true
          %reduce_sum3A_365 = vector.broadcast %reduce_sum3A_364 : i1 to vector<16xi1>
          %reduce_sum3A_366 = tpu.scan <sum>, %select_n3A_363 masked %reduce_sum3A_365 : vector<16xf32>, vector<16xi1> -> vector<16xf32>
          %reduce_sum3A_367 = vector.extract %reduce_sum3A_366[15] : f32 from vector<16xf32>
          %get3A_368 = arith.index_cast %add3A_357 : i32 to index
          %get3A_369 = arith.constant 0 : index
          %get3A_370 = tpu.vector_load %arg23[%get3A_368, %get3A_369] {strides = array<i32>} : memref<80x128xf32, #tpu.memory_space<vmem>>, vector<16xf32>,
          %mul3A_371 = vector.broadcast %reduce_sum3A_367 : f32 to vector<16xf32>
          %mul3A_372 = arith.mulf %get3A_370, %mul3A_371 : vector<16xf32>
          %swap3A_373 = arith.index_cast %add3A_357 : i32 to index
          %swap3A_374 = arith.constant 0 : index
          %swap3A_375 = tpu.vector_load %arg23[%swap3A_373, %swap3A_374] {strides = array<i32>} : memref<80x128xf32, #tpu.memory_space<vmem>>, vector<16xf32>,
          tpu.vector_store %arg23[%swap3A_373, %swap3A_374], %mul3A_372 {strides = array<i32>} : memref<80x128xf32, #tpu.memory_space<vmem>>, vector<16xf32>,
          %get3A_376 = arith.index_cast %add3A_357 : i32 to index
          %get3A_377 = arith.constant 16 : index
          %get3A_378 = tpu.vector_load %arg23[%get3A_376, %get3A_377] {strides = array<i32>} : memref<80x128xf32, #tpu.memory_space<vmem>>, vector<16xf32>,
          %mul3A_379 = vector.broadcast %reduce_sum3A_367 : f32 to vector<16xf32>
          %mul3A_380 = arith.mulf %get3A_378, %mul3A_379 : vector<16xf32>
          %swap3A_381 = arith.index_cast %add3A_357 : i32 to index
          %swap3A_382 = arith.constant 16 : index
          %swap3A_383 = tpu.vector_load %arg23[%swap3A_381, %swap3A_382] {strides = array<i32>} : memref<80x128xf32, #tpu.memory_space<vmem>>, vector<16xf32>,
          tpu.vector_store %arg23[%swap3A_381, %swap3A_382], %mul3A_380 {strides = array<i32>} : memref<80x128xf32, #tpu.memory_space<vmem>>, vector<16xf32>,
          %get3A_384 = arith.index_cast %add3A_357 : i32 to index
          %get3A_385 = arith.constant 32 : index
          %get3A_386 = tpu.vector_load %arg23[%get3A_384, %get3A_385] {strides = array<i32>} : memref<80x128xf32, #tpu.memory_space<vmem>>, vector<16xf32>,
          %mul3A_387 = vector.broadcast %reduce_sum3A_367 : f32 to vector<16xf32>
          %mul3A_388 = arith.mulf %get3A_386, %mul3A_387 : vector<16xf32>
          %swap3A_389 = arith.index_cast %add3A_357 : i32 to index
          %swap3A_390 = arith.constant 32 : index
          %swap3A_391 = tpu.vector_load %arg23[%swap3A_389, %swap3A_390] {strides = array<i32>} : memref<80x128xf32, #tpu.memory_space<vmem>>, vector<16xf32>,
          tpu.vector_store %arg23[%swap3A_389, %swap3A_390], %mul3A_388 {strides = array<i32>} : memref<80x128xf32, #tpu.memory_space<vmem>>, vector<16xf32>,
          %get3A_392 = arith.index_cast %add3A_357 : i32 to index
          %get3A_393 = arith.constant 48 : index
          %get3A_394 = tpu.vector_load %arg23[%get3A_392, %get3A_393] {strides = array<i32>} : memref<80x128xf32, #tpu.memory_space<vmem>>, vector<16xf32>,
          %mul3A_395 = vector.broadcast %reduce_sum3A_367 : f32 to vector<16xf32>
          %mul3A_396 = arith.mulf %get3A_394, %mul3A_395 : vector<16xf32>
          %swap3A_397 = arith.index_cast %add3A_357 : i32 to index
          %swap3A_398 = arith.constant 48 : index
          %swap3A_399 = tpu.vector_load %arg23[%swap3A_397, %swap3A_398] {strides = array<i32>} : memref<80x128xf32, #tpu.memory_space<vmem>>, vector<16xf32>,
          tpu.vector_store %arg23[%swap3A_397, %swap3A_398], %mul3A_396 {strides = array<i32>} : memref<80x128xf32, #tpu.memory_space<vmem>>, vector<16xf32>,
          %get3A_400 = arith.index_cast %add3A_357 : i32 to index
          %get3A_401 = arith.constant 64 : index
          %get3A_402 = tpu.vector_load %arg23[%get3A_400, %get3A_401] {strides = array<i32>} : memref<80x128xf32, #tpu.memory_space<vmem>>, vector<16xf32>,
          %mul3A_403 = vector.broadcast %reduce_sum3A_367 : f32 to vector<16xf32>
          %mul3A_404 = arith.mulf %get3A_402, %mul3A_403 : vector<16xf32>
          %swap3A_405 = arith.index_cast %add3A_357 : i32 to index
          %swap3A_406 = arith.constant 64 : index
          %swap3A_407 = tpu.vector_load %arg23[%swap3A_405, %swap3A_406] {strides = array<i32>} : memref<80x128xf32, #tpu.memory_space<vmem>>, vector<16xf32>,
          tpu.vector_store %arg23[%swap3A_405, %swap3A_406], %mul3A_404 {strides = array<i32>} : memref<80x128xf32, #tpu.memory_space<vmem>>, vector<16xf32>,
          %get3A_408 = arith.index_cast %add3A_357 : i32 to index
          %get3A_409 = arith.constant 80 : index
          %get3A_410 = tpu.vector_load %arg23[%get3A_408, %get3A_409] {strides = array<i32>} : memref<80x128xf32, #tpu.memory_space<vmem>>, vector<16xf32>,
          %mul3A_411 = vector.broadcast %reduce_sum3A_367 : f32 to vector<16xf32>
          %mul3A_412 = arith.mulf %get3A_410, %mul3A_411 : vector<16xf32>
          %swap3A_413 = arith.index_cast %add3A_357 : i32 to index
          %swap3A_414 = arith.constant 80 : index
          %swap3A_415 = tpu.vector_load %arg23[%swap3A_413, %swap3A_414] {strides = array<i32>} : memref<80x128xf32, #tpu.memory_space<vmem>>, vector<16xf32>,
          tpu.vector_store %arg23[%swap3A_413, %swap3A_414], %mul3A_412 {strides = array<i32>} : memref<80x128xf32, #tpu.memory_space<vmem>>, vector<16xf32>,
          %get3A_416 = arith.index_cast %add3A_357 : i32 to index
          %get3A_417 = arith.constant 96 : index
          %get3A_418 = tpu.vector_load %arg23[%get3A_416, %get3A_417] {strides = array<i32>} : memref<80x128xf32, #tpu.memory_space<vmem>>, vector<16xf32>,
          %mul3A_419 = vector.broadcast %reduce_sum3A_367 : f32 to vector<16xf32>
          %mul3A_420 = arith.mulf %get3A_418, %mul3A_419 : vector<16xf32>
          %swap3A_421 = arith.index_cast %add3A_357 : i32 to index
          %swap3A_422 = arith.constant 96 : index
          %swap3A_423 = tpu.vector_load %arg23[%swap3A_421, %swap3A_422] {strides = array<i32>} : memref<80x128xf32, #tpu.memory_space<vmem>>, vector<16xf32>,
          tpu.vector_store %arg23[%swap3A_421, %swap3A_422], %mul3A_420 {strides = array<i32>} : memref<80x128xf32, #tpu.memory_space<vmem>>, vector<16xf32>,
          %get3A_424 = arith.index_cast %add3A_357 : i32 to index
          %get3A_425 = arith.constant 112 : index
          %get3A_426 = tpu.vector_load %arg23[%get3A_424, %get3A_425] {strides = array<i32>} : memref<80x128xf32, #tpu.memory_space<vmem>>, vector<16xf32>,
          %mul3A_427 = vector.broadcast %reduce_sum3A_367 : f32 to vector<16xf32>
          %mul3A_428 = arith.mulf %get3A_426, %mul3A_427 : vector<16xf32>
          %swap3A_429 = arith.index_cast %add3A_357 : i32 to index
          %swap3A_430 = arith.constant 112 : index
          %swap3A_431 = tpu.vector_load %arg23[%swap3A_429, %swap3A_430] {strides = array<i32>} : memref<80x128xf32, #tpu.memory_space<vmem>>, vector<16xf32>,
          tpu.vector_store %arg23[%swap3A_429, %swap3A_430], %mul3A_428 {strides = array<i32>} : memref<80x128xf32, #tpu.memory_space<vmem>>, vector<16xf32>,
          %mul3A_432 = arith.constant 16 : i32
          %mul3A_433 = arith.muli %scan3A_121, %mul3A_432 : i32
          %add3A_434 = arith.constant 4 : i32
          %add3A_435 = arith.addi %mul3A_433, %add3A_434 : i32
          %eq3A_436 = arith.constant 4 : i32
          %eq3A_437 = vector.broadcast %eq3A_436 : i32 to vector<16xi32>
          %eq3A_438 = arith.cmpi eq, %iota3A, %eq3A_437 : vector<16xi32>
          %jit3A_439 = arith.constant 0.000000e+00 : f32
          %broadcast_in_dim3A_440 = vector.broadcast %jit3A_439 : f32 to vector<16xf32>
          %select_n3A_441 = arith.select %eq3A_438, %get3A_125, %broadcast_in_dim3A_440 : vector<16xi1>, vector<16xf32>
          %reduce_sum3A_442 = arith.constant true
          %reduce_sum3A_443 = vector.broadcast %reduce_sum3A_442 : i1 to vector<16xi1>
          %reduce_sum3A_444 = tpu.scan <sum>, %select_n3A_441 masked %reduce_sum3A_443 : vector<16xf32>, vector<16xi1> -> vector<16xf32>
          %reduce_sum3A_445 = vector.extract %reduce_sum3A_444[15] : f32 from vector<16xf32>
          %get3A_446 = arith.index_cast %add3A_435 : i32 to index
          %get3A_447 = arith.constant 0 : index
          %get3A_448 = tpu.vector_load %arg23[%get3A_446, %get3A_447] {strides = array<i32>} : memref<80x128xf32, #tpu.memory_space<vmem>>, vector<16xf32>,
          %mul3A_449 = vector.broadcast %reduce_sum3A_445 : f32 to vector<16xf32>
          %mul3A_450 = arith.mulf %get3A_448, %mul3A_449 : vector<16xf32>
          %swap3A_451 = arith.index_cast %add3A_435 : i32 to index
          %swap3A_452 = arith.constant 0 : index
          %swap3A_453 = tpu.vector_load %arg23[%swap3A_451, %swap3A_452] {strides = array<i32>} : memref<80x128xf32, #tpu.memory_space<vmem>>, vector<16xf32>,
          tpu.vector_store %arg23[%swap3A_451, %swap3A_452], %mul3A_450 {strides = array<i32>} : memref<80x128xf32, #tpu.memory_space<vmem>>, vector<16xf32>,
          %get3A_454 = arith.index_cast %add3A_435 : i32 to index
          %get3A_455 = arith.constant 16 : index
          %get3A_456 = tpu.vector_load %arg23[%get3A_454, %get3A_455] {strides = array<i32>} : memref<80x128xf32, #tpu.memory_space<vmem>>, vector<16xf32>,
          %mul3A_457 = vector.broadcast %reduce_sum3A_445 : f32 to vector<16xf32>
          %mul3A_458 = arith.mulf %get3A_456, %mul3A_457 : vector<16xf32>
          %swap3A_459 = arith.index_cast %add3A_435 : i32 to index
          %swap3A_460 = arith.constant 16 : index
          %swap3A_461 = tpu.vector_load %arg23[%swap3A_459, %swap3A_460] {strides = array<i32>} : memref<80x128xf32, #tpu.memory_space<vmem>>, vector<16xf32>,
          tpu.vector_store %arg23[%swap3A_459, %swap3A_460], %mul3A_458 {strides = array<i32>} : memref<80x128xf32, #tpu.memory_space<vmem>>, vector<16xf32>,
          %get3A_462 = arith.index_cast %add3A_435 : i32 to index
          %get3A_463 = arith.constant 32 : index
          %get3A_464 = tpu.vector_load %arg23[%get3A_462, %get3A_463] {strides = array<i32>} : memref<80x128xf32, #tpu.memory_space<vmem>>, vector<16xf32>,
          %mul3A_465 = vector.broadcast %reduce_sum3A_445 : f32 to vector<16xf32>
          %mul3A_466 = arith.mulf %get3A_464, %mul3A_465 : vector<16xf32>
          %swap3A_467 = arith.index_cast %add3A_435 : i32 to index
          %swap3A_468 = arith.constant 32 : index
          %swap3A_469 = tpu.vector_load %arg23[%swap3A_467, %swap3A_468] {strides = array<i32>} : memref<80x128xf32, #tpu.memory_space<vmem>>, vector<16xf32>,
          tpu.vector_store %arg23[%swap3A_467, %swap3A_468], %mul3A_466 {strides = array<i32>} : memref<80x128xf32, #tpu.memory_space<vmem>>, vector<16xf32>,
          %get3A_470 = arith.index_cast %add3A_435 : i32 to index
          %get3A_471 = arith.constant 48 : index
          %get3A_472 = tpu.vector_load %arg23[%get3A_470, %get3A_471] {strides = array<i32>} : memref<80x128xf32, #tpu.memory_space<vmem>>, vector<16xf32>,
          %mul3A_473 = vector.broadcast %reduce_sum3A_445 : f32 to vector<16xf32>
          %mul3A_474 = arith.mulf %get3A_472, %mul3A_473 : vector<16xf32>
          %swap3A_475 = arith.index_cast %add3A_435 : i32 to index
          %swap3A_476 = arith.constant 48 : index
          %swap3A_477 = tpu.vector_load %arg23[%swap3A_475, %swap3A_476] {strides = array<i32>} : memref<80x128xf32, #tpu.memory_space<vmem>>, vector<16xf32>,
          tpu.vector_store %arg23[%swap3A_475, %swap3A_476], %mul3A_474 {strides = array<i32>} : memref<80x128xf32, #tpu.memory_space<vmem>>, vector<16xf32>,
          %get3A_478 = arith.index_cast %add3A_435 : i32 to index
          %get3A_479 = arith.constant 64 : index
          %get3A_480 = tpu.vector_load %arg23[%get3A_478, %get3A_479] {strides = array<i32>} : memref<80x128xf32, #tpu.memory_space<vmem>>, vector<16xf32>,
          %mul3A_481 = vector.broadcast %reduce_sum3A_445 : f32 to vector<16xf32>
          %mul3A_482 = arith.mulf %get3A_480, %mul3A_481 : vector<16xf32>
          %swap3A_483 = arith.index_cast %add3A_435 : i32 to index
          %swap3A_484 = arith.constant 64 : index
          %swap3A_485 = tpu.vector_load %arg23[%swap3A_483, %swap3A_484] {strides = array<i32>} : memref<80x128xf32, #tpu.memory_space<vmem>>, vector<16xf32>,
          tpu.vector_store %arg23[%swap3A_483, %swap3A_484], %mul3A_482 {strides = array<i32>} : memref<80x128xf32, #tpu.memory_space<vmem>>, vector<16xf32>,
          %get3A_486 = arith.index_cast %add3A_435 : i32 to index
          %get3A_487 = arith.constant 80 : index
          %get3A_488 = tpu.vector_load %arg23[%get3A_486, %get3A_487] {strides = array<i32>} : memref<80x128xf32, #tpu.memory_space<vmem>>, vector<16xf32>,
          %mul3A_489 = vector.broadcast %reduce_sum3A_445 : f32 to vector<16xf32>
          %mul3A_490 = arith.mulf %get3A_488, %mul3A_489 : vector<16xf32>
          %swap3A_491 = arith.index_cast %add3A_435 : i32 to index
          %swap3A_492 = arith.constant 80 : index
          %swap3A_493 = tpu.vector_load %arg23[%swap3A_491, %swap3A_492] {strides = array<i32>} : memref<80x128xf32, #tpu.memory_space<vmem>>, vector<16xf32>,
          tpu.vector_store %arg23[%swap3A_491, %swap3A_492], %mul3A_490 {strides = array<i32>} : memref<80x128xf32, #tpu.memory_space<vmem>>, vector<16xf32>,
          %get3A_494 = arith.index_cast %add3A_435 : i32 to index
          %get3A_495 = arith.constant 96 : index
          %get3A_496 = tpu.vector_load %arg23[%get3A_494, %get3A_495] {strides = array<i32>} : memref<80x128xf32, #tpu.memory_space<vmem>>, vector<16xf32>,
          %mul3A_497 = vector.broadcast %reduce_sum3A_445 : f32 to vector<16xf32>
          %mul3A_498 = arith.mulf %get3A_496, %mul3A_497 : vector<16xf32>
          %swap3A_499 = arith.index_cast %add3A_435 : i32 to index
          %swap3A_500 = arith.constant 96 : index
          %swap3A_501 = tpu.vector_load %arg23[%swap3A_499, %swap3A_500] {strides = array<i32>} : memref<80x128xf32, #tpu.memory_space<vmem>>, vector<16xf32>,
          tpu.vector_store %arg23[%swap3A_499, %swap3A_500], %mul3A_498 {strides = array<i32>} : memref<80x128xf32, #tpu.memory_space<vmem>>, vector<16xf32>,
          %get3A_502 = arith.index_cast %add3A_435 : i32 to index
          %get3A_503 = arith.constant 112 : index
          %get3A_504 = tpu.vector_load %arg23[%get3A_502, %get3A_503] {strides = array<i32>} : memref<80x128xf32, #tpu.memory_space<vmem>>, vector<16xf32>,
          %mul3A_505 = vector.broadcast %reduce_sum3A_445 : f32 to vector<16xf32>
          %mul3A_506 = arith.mulf %get3A_504, %mul3A_505 : vector<16xf32>
          %swap3A_507 = arith.index_cast %add3A_435 : i32 to index
          %swap3A_508 = arith.constant 112 : index
          %swap3A_509 = tpu.vector_load %arg23[%swap3A_507, %swap3A_508] {strides = array<i32>} : memref<80x128xf32, #tpu.memory_space<vmem>>, vector<16xf32>,
          tpu.vector_store %arg23[%swap3A_507, %swap3A_508], %mul3A_506 {strides = array<i32>} : memref<80x128xf32, #tpu.memory_space<vmem>>, vector<16xf32>,
          %mul3A_510 = arith.constant 16 : i32
          %mul3A_511 = arith.muli %scan3A_121, %mul3A_510 : i32
          %add3A_512 = arith.constant 5 : i32
          %add3A_513 = arith.addi %mul3A_511, %add3A_512 : i32
          %eq3A_514 = arith.constant 5 : i32
          %eq3A_515 = vector.broadcast %eq3A_514 : i32 to vector<16xi32>
          %eq3A_516 = arith.cmpi eq, %iota3A, %eq3A_515 : vector<16xi32>
          %jit3A_517 = arith.constant 0.000000e+00 : f32
          %broadcast_in_dim3A_518 = vector.broadcast %jit3A_517 : f32 to vector<16xf32>
          %select_n3A_519 = arith.select %eq3A_516, %get3A_125, %broadcast_in_dim3A_518 : vector<16xi1>, vector<16xf32>
          %reduce_sum3A_520 = arith.constant true
          %reduce_sum3A_521 = vector.broadcast %reduce_sum3A_520 : i1 to vector<16xi1>
          %reduce_sum3A_522 = tpu.scan <sum>, %select_n3A_519 masked %reduce_sum3A_521 : vector<16xf32>, vector<16xi1> -> vector<16xf32>
          %reduce_sum3A_523 = vector.extract %reduce_sum3A_522[15] : f32 from vector<16xf32>
          %get3A_524 = arith.index_cast %add3A_513 : i32 to index
          %get3A_525 = arith.constant 0 : index
          %get3A_526 = tpu.vector_load %arg23[%get3A_524, %get3A_525] {strides = array<i32>} : memref<80x128xf32, #tpu.memory_space<vmem>>, vector<16xf32>,
          %mul3A_527 = vector.broadcast %reduce_sum3A_523 : f32 to vector<16xf32>
          %mul3A_528 = arith.mulf %get3A_526, %mul3A_527 : vector<16xf32>
          %swap3A_529 = arith.index_cast %add3A_513 : i32 to index
          %swap3A_530 = arith.constant 0 : index
          %swap3A_531 = tpu.vector_load %arg23[%swap3A_529, %swap3A_530] {strides = array<i32>} : memref<80x128xf32, #tpu.memory_space<vmem>>, vector<16xf32>,
          tpu.vector_store %arg23[%swap3A_529, %swap3A_530], %mul3A_528 {strides = array<i32>} : memref<80x128xf32, #tpu.memory_space<vmem>>, vector<16xf32>,
          %get3A_532 = arith.index_cast %add3A_513 : i32 to index
          %get3A_533 = arith.constant 16 : index
          %get3A_534 = tpu.vector_load %arg23[%get3A_532, %get3A_533] {strides = array<i32>} : memref<80x128xf32, #tpu.memory_space<vmem>>, vector<16xf32>,
          %mul3A_535 = vector.broadcast %reduce_sum3A_523 : f32 to vector<16xf32>
          %mul3A_536 = arith.mulf %get3A_534, %mul3A_535 : vector<16xf32>
          %swap3A_537 = arith.index_cast %add3A_513 : i32 to index
          %swap3A_538 = arith.constant 16 : index
          %swap3A_539 = tpu.vector_load %arg23[%swap3A_537, %swap3A_538] {strides = array<i32>} : memref<80x128xf32, #tpu.memory_space<vmem>>, vector<16xf32>,
          tpu.vector_store %arg23[%swap3A_537, %swap3A_538], %mul3A_536 {strides = array<i32>} : memref<80x128xf32, #tpu.memory_space<vmem>>, vector<16xf32>,
          %get3A_540 = arith.index_cast %add3A_513 : i32 to index
          %get3A_541 = arith.constant 32 : index
          %get3A_542 = tpu.vector_load %arg23[%get3A_540, %get3A_541] {strides = array<i32>} : memref<80x128xf32, #tpu.memory_space<vmem>>, vector<16xf32>,
          %mul3A_543 = vector.broadcast %reduce_sum3A_523 : f32 to vector<16xf32>
          %mul3A_544 = arith.mulf %get3A_542, %mul3A_543 : vector<16xf32>
          %swap3A_545 = arith.index_cast %add3A_513 : i32 to index
          %swap3A_546 = arith.constant 32 : index
          %swap3A_547 = tpu.vector_load %arg23[%swap3A_545, %swap3A_546] {strides = array<i32>} : memref<80x128xf32, #tpu.memory_space<vmem>>, vector<16xf32>,
          tpu.vector_store %arg23[%swap3A_545, %swap3A_546], %mul3A_544 {strides = array<i32>} : memref<80x128xf32, #tpu.memory_space<vmem>>, vector<16xf32>,
          %get3A_548 = arith.index_cast %add3A_513 : i32 to index
          %get3A_549 = arith.constant 48 : index
          %get3A_550 = tpu.vector_load %arg23[%get3A_548, %get3A_549] {strides = array<i32>} : memref<80x128xf32, #tpu.memory_space<vmem>>, vector<16xf32>,
          %mul3A_551 = vector.broadcast %reduce_sum3A_523 : f32 to vector<16xf32>
          %mul3A_552 = arith.mulf %get3A_550, %mul3A_551 : vector<16xf32>
          %swap3A_553 = arith.index_cast %add3A_513 : i32 to index
          %swap3A_554 = arith.constant 48 : index
          %swap3A_555 = tpu.vector_load %arg23[%swap3A_553, %swap3A_554] {strides = array<i32>} : memref<80x128xf32, #tpu.memory_space<vmem>>, vector<16xf32>,
          tpu.vector_store %arg23[%swap3A_553, %swap3A_554], %mul3A_552 {strides = array<i32>} : memref<80x128xf32, #tpu.memory_space<vmem>>, vector<16xf32>,
          %get3A_556 = arith.index_cast %add3A_513 : i32 to index
          %get3A_557 = arith.constant 64 : index
          %get3A_558 = tpu.vector_load %arg23[%get3A_556, %get3A_557] {strides = array<i32>} : memref<80x128xf32, #tpu.memory_space<vmem>>, vector<16xf32>,
          %mul3A_559 = vector.broadcast %reduce_sum3A_523 : f32 to vector<16xf32>
          %mul3A_560 = arith.mulf %get3A_558, %mul3A_559 : vector<16xf32>
          %swap3A_561 = arith.index_cast %add3A_513 : i32 to index
          %swap3A_562 = arith.constant 64 : index
          %swap3A_563 = tpu.vector_load %arg23[%swap3A_561, %swap3A_562] {strides = array<i32>} : memref<80x128xf32, #tpu.memory_space<vmem>>, vector<16xf32>,
          tpu.vector_store %arg23[%swap3A_561, %swap3A_562], %mul3A_560 {strides = array<i32>} : memref<80x128xf32, #tpu.memory_space<vmem>>, vector<16xf32>,
          %get3A_564 = arith.index_cast %add3A_513 : i32 to index
          %get3A_565 = arith.constant 80 : index
          %get3A_566 = tpu.vector_load %arg23[%get3A_564, %get3A_565] {strides = array<i32>} : memref<80x128xf32, #tpu.memory_space<vmem>>, vector<16xf32>,
          %mul3A_567 = vector.broadcast %reduce_sum3A_523 : f32 to vector<16xf32>
          %mul3A_568 = arith.mulf %get3A_566, %mul3A_567 : vector<16xf32>
          %swap3A_569 = arith.index_cast %add3A_513 : i32 to index
          %swap3A_570 = arith.constant 80 : index
          %swap3A_571 = tpu.vector_load %arg23[%swap3A_569, %swap3A_570] {strides = array<i32>} : memref<80x128xf32, #tpu.memory_space<vmem>>, vector<16xf32>,
          tpu.vector_store %arg23[%swap3A_569, %swap3A_570], %mul3A_568 {strides = array<i32>} : memref<80x128xf32, #tpu.memory_space<vmem>>, vector<16xf32>,
          %get3A_572 = arith.index_cast %add3A_513 : i32 to index
          %get3A_573 = arith.constant 96 : index
          %get3A_574 = tpu.vector_load %arg23[%get3A_572, %get3A_573] {strides = array<i32>} : memref<80x128xf32, #tpu.memory_space<vmem>>, vector<16xf32>,
          %mul3A_575 = vector.broadcast %reduce_sum3A_523 : f32 to vector<16xf32>
          %mul3A_576 = arith.mulf %get3A_574, %mul3A_575 : vector<16xf32>
          %swap3A_577 = arith.index_cast %add3A_513 : i32 to index
          %swap3A_578 = arith.constant 96 : index
          %swap3A_579 = tpu.vector_load %arg23[%swap3A_577, %swap3A_578] {strides = array<i32>} : memref<80x128xf32, #tpu.memory_space<vmem>>, vector<16xf32>,
          tpu.vector_store %arg23[%swap3A_577, %swap3A_578], %mul3A_576 {strides = array<i32>} : memref<80x128xf32, #tpu.memory_space<vmem>>, vector<16xf32>,
          %get3A_580 = arith.index_cast %add3A_513 : i32 to index
          %get3A_581 = arith.constant 112 : index
          %get3A_582 = tpu.vector_load %arg23[%get3A_580, %get3A_581] {strides = array<i32>} : memref<80x128xf32, #tpu.memory_space<vmem>>, vector<16xf32>,
          %mul3A_583 = vector.broadcast %reduce_sum3A_523 : f32 to vector<16xf32>
          %mul3A_584 = arith.mulf %get3A_582, %mul3A_583 : vector<16xf32>
          %swap3A_585 = arith.index_cast %add3A_513 : i32 to index
          %swap3A_586 = arith.constant 112 : index
          %swap3A_587 = tpu.vector_load %arg23[%swap3A_585, %swap3A_586] {strides = array<i32>} : memref<80x128xf32, #tpu.memory_space<vmem>>, vector<16xf32>,
          tpu.vector_store %arg23[%swap3A_585, %swap3A_586], %mul3A_584 {strides = array<i32>} : memref<80x128xf32, #tpu.memory_space<vmem>>, vector<16xf32>,
          %mul3A_588 = arith.constant 16 : i32
          %mul3A_589 = arith.muli %scan3A_121, %mul3A_588 : i32
          %add3A_590 = arith.constant 6 : i32
          %add3A_591 = arith.addi %mul3A_589, %add3A_590 : i32
          %eq3A_592 = arith.constant 6 : i32
          %eq3A_593 = vector.broadcast %eq3A_592 : i32 to vector<16xi32>
          %eq3A_594 = arith.cmpi eq, %iota3A, %eq3A_593 : vector<16xi32>
          %jit3A_595 = arith.constant 0.000000e+00 : f32
          %broadcast_in_dim3A_596 = vector.broadcast %jit3A_595 : f32 to vector<16xf32>
          %select_n3A_597 = arith.select %eq3A_594, %get3A_125, %broadcast_in_dim3A_596 : vector<16xi1>, vector<16xf32>
          %reduce_sum3A_598 = arith.constant true
          %reduce_sum3A_599 = vector.broadcast %reduce_sum3A_598 : i1 to vector<16xi1>
          %reduce_sum3A_600 = tpu.scan <sum>, %select_n3A_597 masked %reduce_sum3A_599 : vector<16xf32>, vector<16xi1> -> vector<16xf32>
          %reduce_sum3A_601 = vector.extract %reduce_sum3A_600[15] : f32 from vector<16xf32>
          %get3A_602 = arith.index_cast %add3A_591 : i32 to index
          %get3A_603 = arith.constant 0 : index
          %get3A_604 = tpu.vector_load %arg23[%get3A_602, %get3A_603] {strides = array<i32>} : memref<80x128xf32, #tpu.memory_space<vmem>>, vector<16xf32>,
          %mul3A_605 = vector.broadcast %reduce_sum3A_601 : f32 to vector<16xf32>
          %mul3A_606 = arith.mulf %get3A_604, %mul3A_605 : vector<16xf32>
          %swap3A_607 = arith.index_cast %add3A_591 : i32 to index
          %swap3A_608 = arith.constant 0 : index
          %swap3A_609 = tpu.vector_load %arg23[%swap3A_607, %swap3A_608] {strides = array<i32>} : memref<80x128xf32, #tpu.memory_space<vmem>>, vector<16xf32>,
          tpu.vector_store %arg23[%swap3A_607, %swap3A_608], %mul3A_606 {strides = array<i32>} : memref<80x128xf32, #tpu.memory_space<vmem>>, vector<16xf32>,
          %get3A_610 = arith.index_cast %add3A_591 : i32 to index
          %get3A_611 = arith.constant 16 : index
          %get3A_612 = tpu.vector_load %arg23[%get3A_610, %get3A_611] {strides = array<i32>} : memref<80x128xf32, #tpu.memory_space<vmem>>, vector<16xf32>,
          %mul3A_613 = vector.broadcast %reduce_sum3A_601 : f32 to vector<16xf32>
          %mul3A_614 = arith.mulf %get3A_612, %mul3A_613 : vector<16xf32>
          %swap3A_615 = arith.index_cast %add3A_591 : i32 to index
          %swap3A_616 = arith.constant 16 : index
          %swap3A_617 = tpu.vector_load %arg23[%swap3A_615, %swap3A_616] {strides = array<i32>} : memref<80x128xf32, #tpu.memory_space<vmem>>, vector<16xf32>,
          tpu.vector_store %arg23[%swap3A_615, %swap3A_616], %mul3A_614 {strides = array<i32>} : memref<80x128xf32, #tpu.memory_space<vmem>>, vector<16xf32>,
          %get3A_618 = arith.index_cast %add3A_591 : i32 to index
          %get3A_619 = arith.constant 32 : index
          %get3A_620 = tpu.vector_load %arg23[%get3A_618, %get3A_619] {strides = array<i32>} : memref<80x128xf32, #tpu.memory_space<vmem>>, vector<16xf32>,
          %mul3A_621 = vector.broadcast %reduce_sum3A_601 : f32 to vector<16xf32>
          %mul3A_622 = arith.mulf %get3A_620, %mul3A_621 : vector<16xf32>
          %swap3A_623 = arith.index_cast %add3A_591 : i32 to index
          %swap3A_624 = arith.constant 32 : index
          %swap3A_625 = tpu.vector_load %arg23[%swap3A_623, %swap3A_624] {strides = array<i32>} : memref<80x128xf32, #tpu.memory_space<vmem>>, vector<16xf32>,
          tpu.vector_store %arg23[%swap3A_623, %swap3A_624], %mul3A_622 {strides = array<i32>} : memref<80x128xf32, #tpu.memory_space<vmem>>, vector<16xf32>,
          %get3A_626 = arith.index_cast %add3A_591 : i32 to index
          %get3A_627 = arith.constant 48 : index
          %get3A_628 = tpu.vector_load %arg23[%get3A_626, %get3A_627] {strides = array<i32>} : memref<80x128xf32, #tpu.memory_space<vmem>>, vector<16xf32>,
          %mul3A_629 = vector.broadcast %reduce_sum3A_601 : f32 to vector<16xf32>
          %mul3A_630 = arith.mulf %get3A_628, %mul3A_629 : vector<16xf32>
          %swap3A_631 = arith.index_cast %add3A_591 : i32 to index
          %swap3A_632 = arith.constant 48 : index
          %swap3A_633 = tpu.vector_load %arg23[%swap3A_631, %swap3A_632] {strides = array<i32>} : memref<80x128xf32, #tpu.memory_space<vmem>>, vector<16xf32>,
          tpu.vector_store %arg23[%swap3A_631, %swap3A_632], %mul3A_630 {strides = array<i32>} : memref<80x128xf32, #tpu.memory_space<vmem>>, vector<16xf32>,
          %get3A_634 = arith.index_cast %add3A_591 : i32 to index
          %get3A_635 = arith.constant 64 : index
          %get3A_636 = tpu.vector_load %arg23[%get3A_634, %get3A_635] {strides = array<i32>} : memref<80x128xf32, #tpu.memory_space<vmem>>, vector<16xf32>,
          %mul3A_637 = vector.broadcast %reduce_sum3A_601 : f32 to vector<16xf32>
          %mul3A_638 = arith.mulf %get3A_636, %mul3A_637 : vector<16xf32>
          %swap3A_639 = arith.index_cast %add3A_591 : i32 to index
          %swap3A_640 = arith.constant 64 : index
          %swap3A_641 = tpu.vector_load %arg23[%swap3A_639, %swap3A_640] {strides = array<i32>} : memref<80x128xf32, #tpu.memory_space<vmem>>, vector<16xf32>,
          tpu.vector_store %arg23[%swap3A_639, %swap3A_640], %mul3A_638 {strides = array<i32>} : memref<80x128xf32, #tpu.memory_space<vmem>>, vector<16xf32>,
          %get3A_642 = arith.index_cast %add3A_591 : i32 to index
          %get3A_643 = arith.constant 80 : index
          %get3A_644 = tpu.vector_load %arg23[%get3A_642, %get3A_643] {strides = array<i32>} : memref<80x128xf32, #tpu.memory_space<vmem>>, vector<16xf32>,
          %mul3A_645 = vector.broadcast %reduce_sum3A_601 : f32 to vector<16xf32>
          %mul3A_646 = arith.mulf %get3A_644, %mul3A_645 : vector<16xf32>
          %swap3A_647 = arith.index_cast %add3A_591 : i32 to index
          %swap3A_648 = arith.constant 80 : index
          %swap3A_649 = tpu.vector_load %arg23[%swap3A_647, %swap3A_648] {strides = array<i32>} : memref<80x128xf32, #tpu.memory_space<vmem>>, vector<16xf32>,
          tpu.vector_store %arg23[%swap3A_647, %swap3A_648], %mul3A_646 {strides = array<i32>} : memref<80x128xf32, #tpu.memory_space<vmem>>, vector<16xf32>,
          %get3A_650 = arith.index_cast %add3A_591 : i32 to index
          %get3A_651 = arith.constant 96 : index
          %get3A_652 = tpu.vector_load %arg23[%get3A_650, %get3A_651] {strides = array<i32>} : memref<80x128xf32, #tpu.memory_space<vmem>>, vector<16xf32>,
          %mul3A_653 = vector.broadcast %reduce_sum3A_601 : f32 to vector<16xf32>
          %mul3A_654 = arith.mulf %get3A_652, %mul3A_653 : vector<16xf32>
          %swap3A_655 = arith.index_cast %add3A_591 : i32 to index
          %swap3A_656 = arith.constant 96 : index
          %swap3A_657 = tpu.vector_load %arg23[%swap3A_655, %swap3A_656] {strides = array<i32>} : memref<80x128xf32, #tpu.memory_space<vmem>>, vector<16xf32>,
          tpu.vector_store %arg23[%swap3A_655, %swap3A_656], %mul3A_654 {strides = array<i32>} : memref<80x128xf32, #tpu.memory_space<vmem>>, vector<16xf32>,
          %get3A_658 = arith.index_cast %add3A_591 : i32 to index
          %get3A_659 = arith.constant 112 : index
          %get3A_660 = tpu.vector_load %arg23[%get3A_658, %get3A_659] {strides = array<i32>} : memref<80x128xf32, #tpu.memory_space<vmem>>, vector<16xf32>,
          %mul3A_661 = vector.broadcast %reduce_sum3A_601 : f32 to vector<16xf32>
          %mul3A_662 = arith.mulf %get3A_660, %mul3A_661 : vector<16xf32>
          %swap3A_663 = arith.index_cast %add3A_591 : i32 to index
          %swap3A_664 = arith.constant 112 : index
          %swap3A_665 = tpu.vector_load %arg23[%swap3A_663, %swap3A_664] {strides = array<i32>} : memref<80x128xf32, #tpu.memory_space<vmem>>, vector<16xf32>,
          tpu.vector_store %arg23[%swap3A_663, %swap3A_664], %mul3A_662 {strides = array<i32>} : memref<80x128xf32, #tpu.memory_space<vmem>>, vector<16xf32>,
          %mul3A_666 = arith.constant 16 : i32
          %mul3A_667 = arith.muli %scan3A_121, %mul3A_666 : i32
          %add3A_668 = arith.constant 7 : i32
          %add3A_669 = arith.addi %mul3A_667, %add3A_668 : i32
          %eq3A_670 = arith.constant 7 : i32
          %eq3A_671 = vector.broadcast %eq3A_670 : i32 to vector<16xi32>
          %eq3A_672 = arith.cmpi eq, %iota3A, %eq3A_671 : vector<16xi32>
          %jit3A_673 = arith.constant 0.000000e+00 : f32
          %broadcast_in_dim3A_674 = vector.broadcast %jit3A_673 : f32 to vector<16xf32>
          %select_n3A_675 = arith.select %eq3A_672, %get3A_125, %broadcast_in_dim3A_674 : vector<16xi1>, vector<16xf32>
          %reduce_sum3A_676 = arith.constant true
          %reduce_sum3A_677 = vector.broadcast %reduce_sum3A_676 : i1 to vector<16xi1>
          %reduce_sum3A_678 = tpu.scan <sum>, %select_n3A_675 masked %reduce_sum3A_677 : vector<16xf32>, vector<16xi1> -> vector<16xf32>
          %reduce_sum3A_679 = vector.extract %reduce_sum3A_678[15] : f32 from vector<16xf32>
          %get3A_680 = arith.index_cast %add3A_669 : i32 to index
          %get3A_681 = arith.constant 0 : index
          %get3A_682 = tpu.vector_load %arg23[%get3A_680, %get3A_681] {strides = array<i32>} : memref<80x128xf32, #tpu.memory_space<vmem>>, vector<16xf32>,
          %mul3A_683 = vector.broadcast %reduce_sum3A_679 : f32 to vector<16xf32>
          %mul3A_684 = arith.mulf %get3A_682, %mul3A_683 : vector<16xf32>
          %swap3A_685 = arith.index_cast %add3A_669 : i32 to index
          %swap3A_686 = arith.constant 0 : index
          %swap3A_687 = tpu.vector_load %arg23[%swap3A_685, %swap3A_686] {strides = array<i32>} : memref<80x128xf32, #tpu.memory_space<vmem>>, vector<16xf32>,
          tpu.vector_store %arg23[%swap3A_685, %swap3A_686], %mul3A_684 {strides = array<i32>} : memref<80x128xf32, #tpu.memory_space<vmem>>, vector<16xf32>,
          %get3A_688 = arith.index_cast %add3A_669 : i32 to index
          %get3A_689 = arith.constant 16 : index
          %get3A_690 = tpu.vector_load %arg23[%get3A_688, %get3A_689] {strides = array<i32>} : memref<80x128xf32, #tpu.memory_space<vmem>>, vector<16xf32>,
          %mul3A_691 = vector.broadcast %reduce_sum3A_679 : f32 to vector<16xf32>
          %mul3A_692 = arith.mulf %get3A_690, %mul3A_691 : vector<16xf32>
          %swap3A_693 = arith.index_cast %add3A_669 : i32 to index
          %swap3A_694 = arith.constant 16 : index
          %swap3A_695 = tpu.vector_load %arg23[%swap3A_693, %swap3A_694] {strides = array<i32>} : memref<80x128xf32, #tpu.memory_space<vmem>>, vector<16xf32>,
          tpu.vector_store %arg23[%swap3A_693, %swap3A_694], %mul3A_692 {strides = array<i32>} : memref<80x128xf32, #tpu.memory_space<vmem>>, vector<16xf32>,
          %get3A_696 = arith.index_cast %add3A_669 : i32 to index
          %get3A_697 = arith.constant 32 : index
          %get3A_698 = tpu.vector_load %arg23[%get3A_696, %get3A_697] {strides = array<i32>} : memref<80x128xf32, #tpu.memory_space<vmem>>, vector<16xf32>,
          %mul3A_699 = vector.broadcast %reduce_sum3A_679 : f32 to vector<16xf32>
          %mul3A_700 = arith.mulf %get3A_698, %mul3A_699 : vector<16xf32>
          %swap3A_701 = arith.index_cast %add3A_669 : i32 to index
          %swap3A_702 = arith.constant 32 : index
          %swap3A_703 = tpu.vector_load %arg23[%swap3A_701, %swap3A_702] {strides = array<i32>} : memref<80x128xf32, #tpu.memory_space<vmem>>, vector<16xf32>,
          tpu.vector_store %arg23[%swap3A_701, %swap3A_702], %mul3A_700 {strides = array<i32>} : memref<80x128xf32, #tpu.memory_space<vmem>>, vector<16xf32>,
          %get3A_704 = arith.index_cast %add3A_669 : i32 to index
          %get3A_705 = arith.constant 48 : index
          %get3A_706 = tpu.vector_load %arg23[%get3A_704, %get3A_705] {strides = array<i32>} : memref<80x128xf32, #tpu.memory_space<vmem>>, vector<16xf32>,
          %mul3A_707 = vector.broadcast %reduce_sum3A_679 : f32 to vector<16xf32>
          %mul3A_708 = arith.mulf %get3A_706, %mul3A_707 : vector<16xf32>
          %swap3A_709 = arith.index_cast %add3A_669 : i32 to index
          %swap3A_710 = arith.constant 48 : index
          %swap3A_711 = tpu.vector_load %arg23[%swap3A_709, %swap3A_710] {strides = array<i32>} : memref<80x128xf32, #tpu.memory_space<vmem>>, vector<16xf32>,
          tpu.vector_store %arg23[%swap3A_709, %swap3A_710], %mul3A_708 {strides = array<i32>} : memref<80x128xf32, #tpu.memory_space<vmem>>, vector<16xf32>,
          %get3A_712 = arith.index_cast %add3A_669 : i32 to index
          %get3A_713 = arith.constant 64 : index
          %get3A_714 = tpu.vector_load %arg23[%get3A_712, %get3A_713] {strides = array<i32>} : memref<80x128xf32, #tpu.memory_space<vmem>>, vector<16xf32>,
          %mul3A_715 = vector.broadcast %reduce_sum3A_679 : f32 to vector<16xf32>
          %mul3A_716 = arith.mulf %get3A_714, %mul3A_715 : vector<16xf32>
          %swap3A_717 = arith.index_cast %add3A_669 : i32 to index
          %swap3A_718 = arith.constant 64 : index
          %swap3A_719 = tpu.vector_load %arg23[%swap3A_717, %swap3A_718] {strides = array<i32>} : memref<80x128xf32, #tpu.memory_space<vmem>>, vector<16xf32>,
          tpu.vector_store %arg23[%swap3A_717, %swap3A_718], %mul3A_716 {strides = array<i32>} : memref<80x128xf32, #tpu.memory_space<vmem>>, vector<16xf32>,
          %get3A_720 = arith.index_cast %add3A_669 : i32 to index
          %get3A_721 = arith.constant 80 : index
          %get3A_722 = tpu.vector_load %arg23[%get3A_720, %get3A_721] {strides = array<i32>} : memref<80x128xf32, #tpu.memory_space<vmem>>, vector<16xf32>,
          %mul3A_723 = vector.broadcast %reduce_sum3A_679 : f32 to vector<16xf32>
          %mul3A_724 = arith.mulf %get3A_722, %mul3A_723 : vector<16xf32>
          %swap3A_725 = arith.index_cast %add3A_669 : i32 to index
          %swap3A_726 = arith.constant 80 : index
          %swap3A_727 = tpu.vector_load %arg23[%swap3A_725, %swap3A_726] {strides = array<i32>} : memref<80x128xf32, #tpu.memory_space<vmem>>, vector<16xf32>,
          tpu.vector_store %arg23[%swap3A_725, %swap3A_726], %mul3A_724 {strides = array<i32>} : memref<80x128xf32, #tpu.memory_space<vmem>>, vector<16xf32>,
          %get3A_728 = arith.index_cast %add3A_669 : i32 to index
          %get3A_729 = arith.constant 96 : index
          %get3A_730 = tpu.vector_load %arg23[%get3A_728, %get3A_729] {strides = array<i32>} : memref<80x128xf32, #tpu.memory_space<vmem>>, vector<16xf32>,
          %mul3A_731 = vector.broadcast %reduce_sum3A_679 : f32 to vector<16xf32>
          %mul3A_732 = arith.mulf %get3A_730, %mul3A_731 : vector<16xf32>
          %swap3A_733 = arith.index_cast %add3A_669 : i32 to index
          %swap3A_734 = arith.constant 96 : index
          %swap3A_735 = tpu.vector_load %arg23[%swap3A_733, %swap3A_734] {strides = array<i32>} : memref<80x128xf32, #tpu.memory_space<vmem>>, vector<16xf32>,
          tpu.vector_store %arg23[%swap3A_733, %swap3A_734], %mul3A_732 {strides = array<i32>} : memref<80x128xf32, #tpu.memory_space<vmem>>, vector<16xf32>,
          %get3A_736 = arith.index_cast %add3A_669 : i32 to index
          %get3A_737 = arith.constant 112 : index
          %get3A_738 = tpu.vector_load %arg23[%get3A_736, %get3A_737] {strides = array<i32>} : memref<80x128xf32, #tpu.memory_space<vmem>>, vector<16xf32>,
          %mul3A_739 = vector.broadcast %reduce_sum3A_679 : f32 to vector<16xf32>
          %mul3A_740 = arith.mulf %get3A_738, %mul3A_739 : vector<16xf32>
          %swap3A_741 = arith.index_cast %add3A_669 : i32 to index
          %swap3A_742 = arith.constant 112 : index
          %swap3A_743 = tpu.vector_load %arg23[%swap3A_741, %swap3A_742] {strides = array<i32>} : memref<80x128xf32, #tpu.memory_space<vmem>>, vector<16xf32>,
          tpu.vector_store %arg23[%swap3A_741, %swap3A_742], %mul3A_740 {strides = array<i32>} : memref<80x128xf32, #tpu.memory_space<vmem>>, vector<16xf32>,
          %mul3A_744 = arith.constant 16 : i32
          %mul3A_745 = arith.muli %scan3A_121, %mul3A_744 : i32
          %add3A_746 = arith.constant 8 : i32
          %add3A_747 = arith.addi %mul3A_745, %add3A_746 : i32
          %eq3A_748 = arith.constant 8 : i32
          %eq3A_749 = vector.broadcast %eq3A_748 : i32 to vector<16xi32>
          %eq3A_750 = arith.cmpi eq, %iota3A, %eq3A_749 : vector<16xi32>
          %jit3A_751 = arith.constant 0.000000e+00 : f32
          %broadcast_in_dim3A_752 = vector.broadcast %jit3A_751 : f32 to vector<16xf32>
          %select_n3A_753 = arith.select %eq3A_750, %get3A_125, %broadcast_in_dim3A_752 : vector<16xi1>, vector<16xf32>
          %reduce_sum3A_754 = arith.constant true
          %reduce_sum3A_755 = vector.broadcast %reduce_sum3A_754 : i1 to vector<16xi1>
          %reduce_sum3A_756 = tpu.scan <sum>, %select_n3A_753 masked %reduce_sum3A_755 : vector<16xf32>, vector<16xi1> -> vector<16xf32>
          %reduce_sum3A_757 = vector.extract %reduce_sum3A_756[15] : f32 from vector<16xf32>
          %get3A_758 = arith.index_cast %add3A_747 : i32 to index
          %get3A_759 = arith.constant 0 : index
          %get3A_760 = tpu.vector_load %arg23[%get3A_758, %get3A_759] {strides = array<i32>} : memref<80x128xf32, #tpu.memory_space<vmem>>, vector<16xf32>,
          %mul3A_761 = vector.broadcast %reduce_sum3A_757 : f32 to vector<16xf32>
          %mul3A_762 = arith.mulf %get3A_760, %mul3A_761 : vector<16xf32>
          %swap3A_763 = arith.index_cast %add3A_747 : i32 to index
          %swap3A_764 = arith.constant 0 : index
          %swap3A_765 = tpu.vector_load %arg23[%swap3A_763, %swap3A_764] {strides = array<i32>} : memref<80x128xf32, #tpu.memory_space<vmem>>, vector<16xf32>,
          tpu.vector_store %arg23[%swap3A_763, %swap3A_764], %mul3A_762 {strides = array<i32>} : memref<80x128xf32, #tpu.memory_space<vmem>>, vector<16xf32>,
          %get3A_766 = arith.index_cast %add3A_747 : i32 to index
          %get3A_767 = arith.constant 16 : index
          %get3A_768 = tpu.vector_load %arg23[%get3A_766, %get3A_767] {strides = array<i32>} : memref<80x128xf32, #tpu.memory_space<vmem>>, vector<16xf32>,
          %mul3A_769 = vector.broadcast %reduce_sum3A_757 : f32 to vector<16xf32>
          %mul3A_770 = arith.mulf %get3A_768, %mul3A_769 : vector<16xf32>
          %swap3A_771 = arith.index_cast %add3A_747 : i32 to index
          %swap3A_772 = arith.constant 16 : index
          %swap3A_773 = tpu.vector_load %arg23[%swap3A_771, %swap3A_772] {strides = array<i32>} : memref<80x128xf32, #tpu.memory_space<vmem>>, vector<16xf32>,
          tpu.vector_store %arg23[%swap3A_771, %swap3A_772], %mul3A_770 {strides = array<i32>} : memref<80x128xf32, #tpu.memory_space<vmem>>, vector<16xf32>,
          %get3A_774 = arith.index_cast %add3A_747 : i32 to index
          %get3A_775 = arith.constant 32 : index
          %get3A_776 = tpu.vector_load %arg23[%get3A_774, %get3A_775] {strides = array<i32>} : memref<80x128xf32, #tpu.memory_space<vmem>>, vector<16xf32>,
          %mul3A_777 = vector.broadcast %reduce_sum3A_757 : f32 to vector<16xf32>
          %mul3A_778 = arith.mulf %get3A_776, %mul3A_777 : vector<16xf32>
          %swap3A_779 = arith.index_cast %add3A_747 : i32 to index
          %swap3A_780 = arith.constant 32 : index
          %swap3A_781 = tpu.vector_load %arg23[%swap3A_779, %swap3A_780] {strides = array<i32>} : memref<80x128xf32, #tpu.memory_space<vmem>>, vector<16xf32>,
          tpu.vector_store %arg23[%swap3A_779, %swap3A_780], %mul3A_778 {strides = array<i32>} : memref<80x128xf32, #tpu.memory_space<vmem>>, vector<16xf32>,
          %get3A_782 = arith.index_cast %add3A_747 : i32 to index
          %get3A_783 = arith.constant 48 : index
          %get3A_784 = tpu.vector_load %arg23[%get3A_782, %get3A_783] {strides = array<i32>} : memref<80x128xf32, #tpu.memory_space<vmem>>, vector<16xf32>,
          %mul3A_785 = vector.broadcast %reduce_sum3A_757 : f32 to vector<16xf32>
          %mul3A_786 = arith.mulf %get3A_784, %mul3A_785 : vector<16xf32>
          %swap3A_787 = arith.index_cast %add3A_747 : i32 to index
          %swap3A_788 = arith.constant 48 : index
          %swap3A_789 = tpu.vector_load %arg23[%swap3A_787, %swap3A_788] {strides = array<i32>} : memref<80x128xf32, #tpu.memory_space<vmem>>, vector<16xf32>,
          tpu.vector_store %arg23[%swap3A_787, %swap3A_788], %mul3A_786 {strides = array<i32>} : memref<80x128xf32, #tpu.memory_space<vmem>>, vector<16xf32>,
          %get3A_790 = arith.index_cast %add3A_747 : i32 to index
          %get3A_791 = arith.constant 64 : index
          %get3A_792 = tpu.vector_load %arg23[%get3A_790, %get3A_791] {strides = array<i32>} : memref<80x128xf32, #tpu.memory_space<vmem>>, vector<16xf32>,
          %mul3A_793 = vector.broadcast %reduce_sum3A_757 : f32 to vector<16xf32>
          %mul3A_794 = arith.mulf %get3A_792, %mul3A_793 : vector<16xf32>
          %swap3A_795 = arith.index_cast %add3A_747 : i32 to index
          %swap3A_796 = arith.constant 64 : index
          %swap3A_797 = tpu.vector_load %arg23[%swap3A_795, %swap3A_796] {strides = array<i32>} : memref<80x128xf32, #tpu.memory_space<vmem>>, vector<16xf32>,
          tpu.vector_store %arg23[%swap3A_795, %swap3A_796], %mul3A_794 {strides = array<i32>} : memref<80x128xf32, #tpu.memory_space<vmem>>, vector<16xf32>,
          %get3A_798 = arith.index_cast %add3A_747 : i32 to index
          %get3A_799 = arith.constant 80 : index
          %get3A_800 = tpu.vector_load %arg23[%get3A_798, %get3A_799] {strides = array<i32>} : memref<80x128xf32, #tpu.memory_space<vmem>>, vector<16xf32>,
          %mul3A_801 = vector.broadcast %reduce_sum3A_757 : f32 to vector<16xf32>
          %mul3A_802 = arith.mulf %get3A_800, %mul3A_801 : vector<16xf32>
          %swap3A_803 = arith.index_cast %add3A_747 : i32 to index
          %swap3A_804 = arith.constant 80 : index
          %swap3A_805 = tpu.vector_load %arg23[%swap3A_803, %swap3A_804] {strides = array<i32>} : memref<80x128xf32, #tpu.memory_space<vmem>>, vector<16xf32>,
          tpu.vector_store %arg23[%swap3A_803, %swap3A_804], %mul3A_802 {strides = array<i32>} : memref<80x128xf32, #tpu.memory_space<vmem>>, vector<16xf32>,
          %get3A_806 = arith.index_cast %add3A_747 : i32 to index
          %get3A_807 = arith.constant 96 : index
          %get3A_808 = tpu.vector_load %arg23[%get3A_806, %get3A_807] {strides = array<i32>} : memref<80x128xf32, #tpu.memory_space<vmem>>, vector<16xf32>,
          %mul3A_809 = vector.broadcast %reduce_sum3A_757 : f32 to vector<16xf32>
          %mul3A_810 = arith.mulf %get3A_808, %mul3A_809 : vector<16xf32>
          %swap3A_811 = arith.index_cast %add3A_747 : i32 to index
          %swap3A_812 = arith.constant 96 : index
          %swap3A_813 = tpu.vector_load %arg23[%swap3A_811, %swap3A_812] {strides = array<i32>} : memref<80x128xf32, #tpu.memory_space<vmem>>, vector<16xf32>,
          tpu.vector_store %arg23[%swap3A_811, %swap3A_812], %mul3A_810 {strides = array<i32>} : memref<80x128xf32, #tpu.memory_space<vmem>>, vector<16xf32>,
          %get3A_814 = arith.index_cast %add3A_747 : i32 to index
          %get3A_815 = arith.constant 112 : index
          %get3A_816 = tpu.vector_load %arg23[%get3A_814, %get3A_815] {strides = array<i32>} : memref<80x128xf32, #tpu.memory_space<vmem>>, vector<16xf32>,
          %mul3A_817 = vector.broadcast %reduce_sum3A_757 : f32 to vector<16xf32>
          %mul3A_818 = arith.mulf %get3A_816, %mul3A_817 : vector<16xf32>
          %swap3A_819 = arith.index_cast %add3A_747 : i32 to index
          %swap3A_820 = arith.constant 112 : index
          %swap3A_821 = tpu.vector_load %arg23[%swap3A_819, %swap3A_820] {strides = array<i32>} : memref<80x128xf32, #tpu.memory_space<vmem>>, vector<16xf32>,
          tpu.vector_store %arg23[%swap3A_819, %swap3A_820], %mul3A_818 {strides = array<i32>} : memref<80x128xf32, #tpu.memory_space<vmem>>, vector<16xf32>,
          %mul3A_822 = arith.constant 16 : i32
          %mul3A_823 = arith.muli %scan3A_121, %mul3A_822 : i32
          %add3A_824 = arith.constant 9 : i32
          %add3A_825 = arith.addi %mul3A_823, %add3A_824 : i32
          %eq3A_826 = arith.constant 9 : i32
          %eq3A_827 = vector.broadcast %eq3A_826 : i32 to vector<16xi32>
          %eq3A_828 = arith.cmpi eq, %iota3A, %eq3A_827 : vector<16xi32>
          %jit3A_829 = arith.constant 0.000000e+00 : f32
          %broadcast_in_dim3A_830 = vector.broadcast %jit3A_829 : f32 to vector<16xf32>
          %select_n3A_831 = arith.select %eq3A_828, %get3A_125, %broadcast_in_dim3A_830 : vector<16xi1>, vector<16xf32>
          %reduce_sum3A_832 = arith.constant true
          %reduce_sum3A_833 = vector.broadcast %reduce_sum3A_832 : i1 to vector<16xi1>
          %reduce_sum3A_834 = tpu.scan <sum>, %select_n3A_831 masked %reduce_sum3A_833 : vector<16xf32>, vector<16xi1> -> vector<16xf32>
          %reduce_sum3A_835 = vector.extract %reduce_sum3A_834[15] : f32 from vector<16xf32>
          %get3A_836 = arith.index_cast %add3A_825 : i32 to index
          %get3A_837 = arith.constant 0 : index
          %get3A_838 = tpu.vector_load %arg23[%get3A_836, %get3A_837] {strides = array<i32>} : memref<80x128xf32, #tpu.memory_space<vmem>>, vector<16xf32>,
          %mul3A_839 = vector.broadcast %reduce_sum3A_835 : f32 to vector<16xf32>
          %mul3A_840 = arith.mulf %get3A_838, %mul3A_839 : vector<16xf32>
          %swap3A_841 = arith.index_cast %add3A_825 : i32 to index
          %swap3A_842 = arith.constant 0 : index
          %swap3A_843 = tpu.vector_load %arg23[%swap3A_841, %swap3A_842] {strides = array<i32>} : memref<80x128xf32, #tpu.memory_space<vmem>>, vector<16xf32>,
          tpu.vector_store %arg23[%swap3A_841, %swap3A_842], %mul3A_840 {strides = array<i32>} : memref<80x128xf32, #tpu.memory_space<vmem>>, vector<16xf32>,
          %get3A_844 = arith.index_cast %add3A_825 : i32 to index
          %get3A_845 = arith.constant 16 : index
          %get3A_846 = tpu.vector_load %arg23[%get3A_844, %get3A_845] {strides = array<i32>} : memref<80x128xf32, #tpu.memory_space<vmem>>, vector<16xf32>,
          %mul3A_847 = vector.broadcast %reduce_sum3A_835 : f32 to vector<16xf32>
          %mul3A_848 = arith.mulf %get3A_846, %mul3A_847 : vector<16xf32>
          %swap3A_849 = arith.index_cast %add3A_825 : i32 to index
          %swap3A_850 = arith.constant 16 : index
          %swap3A_851 = tpu.vector_load %arg23[%swap3A_849, %swap3A_850] {strides = array<i32>} : memref<80x128xf32, #tpu.memory_space<vmem>>, vector<16xf32>,
          tpu.vector_store %arg23[%swap3A_849, %swap3A_850], %mul3A_848 {strides = array<i32>} : memref<80x128xf32, #tpu.memory_space<vmem>>, vector<16xf32>,
          %get3A_852 = arith.index_cast %add3A_825 : i32 to index
          %get3A_853 = arith.constant 32 : index
          %get3A_854 = tpu.vector_load %arg23[%get3A_852, %get3A_853] {strides = array<i32>} : memref<80x128xf32, #tpu.memory_space<vmem>>, vector<16xf32>,
          %mul3A_855 = vector.broadcast %reduce_sum3A_835 : f32 to vector<16xf32>
          %mul3A_856 = arith.mulf %get3A_854, %mul3A_855 : vector<16xf32>
          %swap3A_857 = arith.index_cast %add3A_825 : i32 to index
          %swap3A_858 = arith.constant 32 : index
          %swap3A_859 = tpu.vector_load %arg23[%swap3A_857, %swap3A_858] {strides = array<i32>} : memref<80x128xf32, #tpu.memory_space<vmem>>, vector<16xf32>,
          tpu.vector_store %arg23[%swap3A_857, %swap3A_858], %mul3A_856 {strides = array<i32>} : memref<80x128xf32, #tpu.memory_space<vmem>>, vector<16xf32>,
          %get3A_860 = arith.index_cast %add3A_825 : i32 to index
          %get3A_861 = arith.constant 48 : index
          %get3A_862 = tpu.vector_load %arg23[%get3A_860, %get3A_861] {strides = array<i32>} : memref<80x128xf32, #tpu.memory_space<vmem>>, vector<16xf32>,
          %mul3A_863 = vector.broadcast %reduce_sum3A_835 : f32 to vector<16xf32>
          %mul3A_864 = arith.mulf %get3A_862, %mul3A_863 : vector<16xf32>
          %swap3A_865 = arith.index_cast %add3A_825 : i32 to index
          %swap3A_866 = arith.constant 48 : index
          %swap3A_867 = tpu.vector_load %arg23[%swap3A_865, %swap3A_866] {strides = array<i32>} : memref<80x128xf32, #tpu.memory_space<vmem>>, vector<16xf32>,
          tpu.vector_store %arg23[%swap3A_865, %swap3A_866], %mul3A_864 {strides = array<i32>} : memref<80x128xf32, #tpu.memory_space<vmem>>, vector<16xf32>,
          %get3A_868 = arith.index_cast %add3A_825 : i32 to index
          %get3A_869 = arith.constant 64 : index
          %get3A_870 = tpu.vector_load %arg23[%get3A_868, %get3A_869] {strides = array<i32>} : memref<80x128xf32, #tpu.memory_space<vmem>>, vector<16xf32>,
          %mul3A_871 = vector.broadcast %reduce_sum3A_835 : f32 to vector<16xf32>
          %mul3A_872 = arith.mulf %get3A_870, %mul3A_871 : vector<16xf32>
          %swap3A_873 = arith.index_cast %add3A_825 : i32 to index
          %swap3A_874 = arith.constant 64 : index
          %swap3A_875 = tpu.vector_load %arg23[%swap3A_873, %swap3A_874] {strides = array<i32>} : memref<80x128xf32, #tpu.memory_space<vmem>>, vector<16xf32>,
          tpu.vector_store %arg23[%swap3A_873, %swap3A_874], %mul3A_872 {strides = array<i32>} : memref<80x128xf32, #tpu.memory_space<vmem>>, vector<16xf32>,
          %get3A_876 = arith.index_cast %add3A_825 : i32 to index
          %get3A_877 = arith.constant 80 : index
          %get3A_878 = tpu.vector_load %arg23[%get3A_876, %get3A_877] {strides = array<i32>} : memref<80x128xf32, #tpu.memory_space<vmem>>, vector<16xf32>,
          %mul3A_879 = vector.broadcast %reduce_sum3A_835 : f32 to vector<16xf32>
          %mul3A_880 = arith.mulf %get3A_878, %mul3A_879 : vector<16xf32>
          %swap3A_881 = arith.index_cast %add3A_825 : i32 to index
          %swap3A_882 = arith.constant 80 : index
          %swap3A_883 = tpu.vector_load %arg23[%swap3A_881, %swap3A_882] {strides = array<i32>} : memref<80x128xf32, #tpu.memory_space<vmem>>, vector<16xf32>,
          tpu.vector_store %arg23[%swap3A_881, %swap3A_882], %mul3A_880 {strides = array<i32>} : memref<80x128xf32, #tpu.memory_space<vmem>>, vector<16xf32>,
          %get3A_884 = arith.index_cast %add3A_825 : i32 to index
          %get3A_885 = arith.constant 96 : index
          %get3A_886 = tpu.vector_load %arg23[%get3A_884, %get3A_885] {strides = array<i32>} : memref<80x128xf32, #tpu.memory_space<vmem>>, vector<16xf32>,
          %mul3A_887 = vector.broadcast %reduce_sum3A_835 : f32 to vector<16xf32>
          %mul3A_888 = arith.mulf %get3A_886, %mul3A_887 : vector<16xf32>
          %swap3A_889 = arith.index_cast %add3A_825 : i32 to index
          %swap3A_890 = arith.constant 96 : index
          %swap3A_891 = tpu.vector_load %arg23[%swap3A_889, %swap3A_890] {strides = array<i32>} : memref<80x128xf32, #tpu.memory_space<vmem>>, vector<16xf32>,
          tpu.vector_store %arg23[%swap3A_889, %swap3A_890], %mul3A_888 {strides = array<i32>} : memref<80x128xf32, #tpu.memory_space<vmem>>, vector<16xf32>,
          %get3A_892 = arith.index_cast %add3A_825 : i32 to index
          %get3A_893 = arith.constant 112 : index
          %get3A_894 = tpu.vector_load %arg23[%get3A_892, %get3A_893] {strides = array<i32>} : memref<80x128xf32, #tpu.memory_space<vmem>>, vector<16xf32>,
          %mul3A_895 = vector.broadcast %reduce_sum3A_835 : f32 to vector<16xf32>
          %mul3A_896 = arith.mulf %get3A_894, %mul3A_895 : vector<16xf32>
          %swap3A_897 = arith.index_cast %add3A_825 : i32 to index
          %swap3A_898 = arith.constant 112 : index
          %swap3A_899 = tpu.vector_load %arg23[%swap3A_897, %swap3A_898] {strides = array<i32>} : memref<80x128xf32, #tpu.memory_space<vmem>>, vector<16xf32>,
          tpu.vector_store %arg23[%swap3A_897, %swap3A_898], %mul3A_896 {strides = array<i32>} : memref<80x128xf32, #tpu.memory_space<vmem>>, vector<16xf32>,
          %mul3A_900 = arith.constant 16 : i32
          %mul3A_901 = arith.muli %scan3A_121, %mul3A_900 : i32
          %add3A_902 = arith.constant 10 : i32
          %add3A_903 = arith.addi %mul3A_901, %add3A_902 : i32
          %eq3A_904 = arith.constant 10 : i32
          %eq3A_905 = vector.broadcast %eq3A_904 : i32 to vector<16xi32>
          %eq3A_906 = arith.cmpi eq, %iota3A, %eq3A_905 : vector<16xi32>
          %jit3A_907 = arith.constant 0.000000e+00 : f32
          %broadcast_in_dim3A_908 = vector.broadcast %jit3A_907 : f32 to vector<16xf32>
          %select_n3A_909 = arith.select %eq3A_906, %get3A_125, %broadcast_in_dim3A_908 : vector<16xi1>, vector<16xf32>
          %reduce_sum3A_910 = arith.constant true
          %reduce_sum3A_911 = vector.broadcast %reduce_sum3A_910 : i1 to vector<16xi1>
          %reduce_sum3A_912 = tpu.scan <sum>, %select_n3A_909 masked %reduce_sum3A_911 : vector<16xf32>, vector<16xi1> -> vector<16xf32>
          %reduce_sum3A_913 = vector.extract %reduce_sum3A_912[15] : f32 from vector<16xf32>
          %get3A_914 = arith.index_cast %add3A_903 : i32 to index
          %get3A_915 = arith.constant 0 : index
          %get3A_916 = tpu.vector_load %arg23[%get3A_914, %get3A_915] {strides = array<i32>} : memref<80x128xf32, #tpu.memory_space<vmem>>, vector<16xf32>,
          %mul3A_917 = vector.broadcast %reduce_sum3A_913 : f32 to vector<16xf32>
          %mul3A_918 = arith.mulf %get3A_916, %mul3A_917 : vector<16xf32>
          %swap3A_919 = arith.index_cast %add3A_903 : i32 to index
          %swap3A_920 = arith.constant 0 : index
          %swap3A_921 = tpu.vector_load %arg23[%swap3A_919, %swap3A_920] {strides = array<i32>} : memref<80x128xf32, #tpu.memory_space<vmem>>, vector<16xf32>,
          tpu.vector_store %arg23[%swap3A_919, %swap3A_920], %mul3A_918 {strides = array<i32>} : memref<80x128xf32, #tpu.memory_space<vmem>>, vector<16xf32>,
          %get3A_922 = arith.index_cast %add3A_903 : i32 to index
          %get3A_923 = arith.constant 16 : index
          %get3A_924 = tpu.vector_load %arg23[%get3A_922, %get3A_923] {strides = array<i32>} : memref<80x128xf32, #tpu.memory_space<vmem>>, vector<16xf32>,
          %mul3A_925 = vector.broadcast %reduce_sum3A_913 : f32 to vector<16xf32>
          %mul3A_926 = arith.mulf %get3A_924, %mul3A_925 : vector<16xf32>
          %swap3A_927 = arith.index_cast %add3A_903 : i32 to index
          %swap3A_928 = arith.constant 16 : index
          %swap3A_929 = tpu.vector_load %arg23[%swap3A_927, %swap3A_928] {strides = array<i32>} : memref<80x128xf32, #tpu.memory_space<vmem>>, vector<16xf32>,
          tpu.vector_store %arg23[%swap3A_927, %swap3A_928], %mul3A_926 {strides = array<i32>} : memref<80x128xf32, #tpu.memory_space<vmem>>, vector<16xf32>,
          %get3A_930 = arith.index_cast %add3A_903 : i32 to index
          %get3A_931 = arith.constant 32 : index
          %get3A_932 = tpu.vector_load %arg23[%get3A_930, %get3A_931] {strides = array<i32>} : memref<80x128xf32, #tpu.memory_space<vmem>>, vector<16xf32>,
          %mul3A_933 = vector.broadcast %reduce_sum3A_913 : f32 to vector<16xf32>
          %mul3A_934 = arith.mulf %get3A_932, %mul3A_933 : vector<16xf32>
          %swap3A_935 = arith.index_cast %add3A_903 : i32 to index
          %swap3A_936 = arith.constant 32 : index
          %swap3A_937 = tpu.vector_load %arg23[%swap3A_935, %swap3A_936] {strides = array<i32>} : memref<80x128xf32, #tpu.memory_space<vmem>>, vector<16xf32>,
          tpu.vector_store %arg23[%swap3A_935, %swap3A_936], %mul3A_934 {strides = array<i32>} : memref<80x128xf32, #tpu.memory_space<vmem>>, vector<16xf32>,
          %get3A_938 = arith.index_cast %add3A_903 : i32 to index
          %get3A_939 = arith.constant 48 : index
          %get3A_940 = tpu.vector_load %arg23[%get3A_938, %get3A_939] {strides = array<i32>} : memref<80x128xf32, #tpu.memory_space<vmem>>, vector<16xf32>,
          %mul3A_941 = vector.broadcast %reduce_sum3A_913 : f32 to vector<16xf32>
          %mul3A_942 = arith.mulf %get3A_940, %mul3A_941 : vector<16xf32>
          %swap3A_943 = arith.index_cast %add3A_903 : i32 to index
          %swap3A_944 = arith.constant 48 : index
          %swap3A_945 = tpu.vector_load %arg23[%swap3A_943, %swap3A_944] {strides = array<i32>} : memref<80x128xf32, #tpu.memory_space<vmem>>, vector<16xf32>,
          tpu.vector_store %arg23[%swap3A_943, %swap3A_944], %mul3A_942 {strides = array<i32>} : memref<80x128xf32, #tpu.memory_space<vmem>>, vector<16xf32>,
          %get3A_946 = arith.index_cast %add3A_903 : i32 to index
          %get3A_947 = arith.constant 64 : index
          %get3A_948 = tpu.vector_load %arg23[%get3A_946, %get3A_947] {strides = array<i32>} : memref<80x128xf32, #tpu.memory_space<vmem>>, vector<16xf32>,
          %mul3A_949 = vector.broadcast %reduce_sum3A_913 : f32 to vector<16xf32>
          %mul3A_950 = arith.mulf %get3A_948, %mul3A_949 : vector<16xf32>
          %swap3A_951 = arith.index_cast %add3A_903 : i32 to index
          %swap3A_952 = arith.constant 64 : index
          %swap3A_953 = tpu.vector_load %arg23[%swap3A_951, %swap3A_952] {strides = array<i32>} : memref<80x128xf32, #tpu.memory_space<vmem>>, vector<16xf32>,
          tpu.vector_store %arg23[%swap3A_951, %swap3A_952], %mul3A_950 {strides = array<i32>} : memref<80x128xf32, #tpu.memory_space<vmem>>, vector<16xf32>,
          %get3A_954 = arith.index_cast %add3A_903 : i32 to index
          %get3A_955 = arith.constant 80 : index
          %get3A_956 = tpu.vector_load %arg23[%get3A_954, %get3A_955] {strides = array<i32>} : memref<80x128xf32, #tpu.memory_space<vmem>>, vector<16xf32>,
          %mul3A_957 = vector.broadcast %reduce_sum3A_913 : f32 to vector<16xf32>
          %mul3A_958 = arith.mulf %get3A_956, %mul3A_957 : vector<16xf32>
          %swap3A_959 = arith.index_cast %add3A_903 : i32 to index
          %swap3A_960 = arith.constant 80 : index
          %swap3A_961 = tpu.vector_load %arg23[%swap3A_959, %swap3A_960] {strides = array<i32>} : memref<80x128xf32, #tpu.memory_space<vmem>>, vector<16xf32>,
          tpu.vector_store %arg23[%swap3A_959, %swap3A_960], %mul3A_958 {strides = array<i32>} : memref<80x128xf32, #tpu.memory_space<vmem>>, vector<16xf32>,
          %get3A_962 = arith.index_cast %add3A_903 : i32 to index
          %get3A_963 = arith.constant 96 : index
          %get3A_964 = tpu.vector_load %arg23[%get3A_962, %get3A_963] {strides = array<i32>} : memref<80x128xf32, #tpu.memory_space<vmem>>, vector<16xf32>,
          %mul3A_965 = vector.broadcast %reduce_sum3A_913 : f32 to vector<16xf32>
          %mul3A_966 = arith.mulf %get3A_964, %mul3A_965 : vector<16xf32>
          %swap3A_967 = arith.index_cast %add3A_903 : i32 to index
          %swap3A_968 = arith.constant 96 : index
          %swap3A_969 = tpu.vector_load %arg23[%swap3A_967, %swap3A_968] {strides = array<i32>} : memref<80x128xf32, #tpu.memory_space<vmem>>, vector<16xf32>,
          tpu.vector_store %arg23[%swap3A_967, %swap3A_968], %mul3A_966 {strides = array<i32>} : memref<80x128xf32, #tpu.memory_space<vmem>>, vector<16xf32>,
          %get3A_970 = arith.index_cast %add3A_903 : i32 to index
          %get3A_971 = arith.constant 112 : index
          %get3A_972 = tpu.vector_load %arg23[%get3A_970, %get3A_971] {strides = array<i32>} : memref<80x128xf32, #tpu.memory_space<vmem>>, vector<16xf32>,
          %mul3A_973 = vector.broadcast %reduce_sum3A_913 : f32 to vector<16xf32>
          %mul3A_974 = arith.mulf %get3A_972, %mul3A_973 : vector<16xf32>
          %swap3A_975 = arith.index_cast %add3A_903 : i32 to index
          %swap3A_976 = arith.constant 112 : index
          %swap3A_977 = tpu.vector_load %arg23[%swap3A_975, %swap3A_976] {strides = array<i32>} : memref<80x128xf32, #tpu.memory_space<vmem>>, vector<16xf32>,
          tpu.vector_store %arg23[%swap3A_975, %swap3A_976], %mul3A_974 {strides = array<i32>} : memref<80x128xf32, #tpu.memory_space<vmem>>, vector<16xf32>,
          %mul3A_978 = arith.constant 16 : i32
          %mul3A_979 = arith.muli %scan3A_121, %mul3A_978 : i32
          %add3A_980 = arith.constant 11 : i32
          %add3A_981 = arith.addi %mul3A_979, %add3A_980 : i32
          %eq3A_982 = arith.constant 11 : i32
          %eq3A_983 = vector.broadcast %eq3A_982 : i32 to vector<16xi32>
          %eq3A_984 = arith.cmpi eq, %iota3A, %eq3A_983 : vector<16xi32>
          %jit3A_985 = arith.constant 0.000000e+00 : f32
          %broadcast_in_dim3A_986 = vector.broadcast %jit3A_985 : f32 to vector<16xf32>
          %select_n3A_987 = arith.select %eq3A_984, %get3A_125, %broadcast_in_dim3A_986 : vector<16xi1>, vector<16xf32>
          %reduce_sum3A_988 = arith.constant true
          %reduce_sum3A_989 = vector.broadcast %reduce_sum3A_988 : i1 to vector<16xi1>
          %reduce_sum3A_990 = tpu.scan <sum>, %select_n3A_987 masked %reduce_sum3A_989 : vector<16xf32>, vector<16xi1> -> vector<16xf32>
          %reduce_sum3A_991 = vector.extract %reduce_sum3A_990[15] : f32 from vector<16xf32>
          %get3A_992 = arith.index_cast %add3A_981 : i32 to index
          %get3A_993 = arith.constant 0 : index
          %get3A_994 = tpu.vector_load %arg23[%get3A_992, %get3A_993] {strides = array<i32>} : memref<80x128xf32, #tpu.memory_space<vmem>>, vector<16xf32>,
          %mul3A_995 = vector.broadcast %reduce_sum3A_991 : f32 to vector<16xf32>
          %mul3A_996 = arith.mulf %get3A_994, %mul3A_995 : vector<16xf32>
          %swap3A_997 = arith.index_cast %add3A_981 : i32 to index
          %swap3A_998 = arith.constant 0 : index
          %swap3A_999 = tpu.vector_load %arg23[%swap3A_997, %swap3A_998] {strides = array<i32>} : memref<80x128xf32, #tpu.memory_space<vmem>>, vector<16xf32>,
          tpu.vector_store %arg23[%swap3A_997, %swap3A_998], %mul3A_996 {strides = array<i32>} : memref<80x128xf32, #tpu.memory_space<vmem>>, vector<16xf32>,
          %get3A_1000 = arith.index_cast %add3A_981 : i32 to index
          %get3A_1001 = arith.constant 16 : index
          %get3A_1002 = tpu.vector_load %arg23[%get3A_1000, %get3A_1001] {strides = array<i32>} : memref<80x128xf32, #tpu.memory_space<vmem>>, vector<16xf32>,
          %mul3A_1003 = vector.broadcast %reduce_sum3A_991 : f32 to vector<16xf32>
          %mul3A_1004 = arith.mulf %get3A_1002, %mul3A_1003 : vector<16xf32>
          %swap3A_1005 = arith.index_cast %add3A_981 : i32 to index
          %swap3A_1006 = arith.constant 16 : index
          %swap3A_1007 = tpu.vector_load %arg23[%swap3A_1005, %swap3A_1006] {strides = array<i32>} : memref<80x128xf32, #tpu.memory_space<vmem>>, vector<16xf32>,
          tpu.vector_store %arg23[%swap3A_1005, %swap3A_1006], %mul3A_1004 {strides = array<i32>} : memref<80x128xf32, #tpu.memory_space<vmem>>, vector<16xf32>,
          %get3A_1008 = arith.index_cast %add3A_981 : i32 to index
          %get3A_1009 = arith.constant 32 : index
          %get3A_1010 = tpu.vector_load %arg23[%get3A_1008, %get3A_1009] {strides = array<i32>} : memref<80x128xf32, #tpu.memory_space<vmem>>, vector<16xf32>,
          %mul3A_1011 = vector.broadcast %reduce_sum3A_991 : f32 to vector<16xf32>
          %mul3A_1012 = arith.mulf %get3A_1010, %mul3A_1011 : vector<16xf32>
          %swap3A_1013 = arith.index_cast %add3A_981 : i32 to index
          %swap3A_1014 = arith.constant 32 : index
          %swap3A_1015 = tpu.vector_load %arg23[%swap3A_1013, %swap3A_1014] {strides = array<i32>} : memref<80x128xf32, #tpu.memory_space<vmem>>, vector<16xf32>,
          tpu.vector_store %arg23[%swap3A_1013, %swap3A_1014], %mul3A_1012 {strides = array<i32>} : memref<80x128xf32, #tpu.memory_space<vmem>>, vector<16xf32>,
          %get3A_1016 = arith.index_cast %add3A_981 : i32 to index
          %get3A_1017 = arith.constant 48 : index
          %get3A_1018 = tpu.vector_load %arg23[%get3A_1016, %get3A_1017] {strides = array<i32>} : memref<80x128xf32, #tpu.memory_space<vmem>>, vector<16xf32>,
          %mul3A_1019 = vector.broadcast %reduce_sum3A_991 : f32 to vector<16xf32>
          %mul3A_1020 = arith.mulf %get3A_1018, %mul3A_1019 : vector<16xf32>
          %swap3A_1021 = arith.index_cast %add3A_981 : i32 to index
          %swap3A_1022 = arith.constant 48 : index
          %swap3A_1023 = tpu.vector_load %arg23[%swap3A_1021, %swap3A_1022] {strides = array<i32>} : memref<80x128xf32, #tpu.memory_space<vmem>>, vector<16xf32>,
          tpu.vector_store %arg23[%swap3A_1021, %swap3A_1022], %mul3A_1020 {strides = array<i32>} : memref<80x128xf32, #tpu.memory_space<vmem>>, vector<16xf32>,
          %get3A_1024 = arith.index_cast %add3A_981 : i32 to index
          %get3A_1025 = arith.constant 64 : index
          %get3A_1026 = tpu.vector_load %arg23[%get3A_1024, %get3A_1025] {strides = array<i32>} : memref<80x128xf32, #tpu.memory_space<vmem>>, vector<16xf32>,
          %mul3A_1027 = vector.broadcast %reduce_sum3A_991 : f32 to vector<16xf32>
          %mul3A_1028 = arith.mulf %get3A_1026, %mul3A_1027 : vector<16xf32>
          %swap3A_1029 = arith.index_cast %add3A_981 : i32 to index
          %swap3A_1030 = arith.constant 64 : index
          %swap3A_1031 = tpu.vector_load %arg23[%swap3A_1029, %swap3A_1030] {strides = array<i32>} : memref<80x128xf32, #tpu.memory_space<vmem>>, vector<16xf32>,
          tpu.vector_store %arg23[%swap3A_1029, %swap3A_1030], %mul3A_1028 {strides = array<i32>} : memref<80x128xf32, #tpu.memory_space<vmem>>, vector<16xf32>,
          %get3A_1032 = arith.index_cast %add3A_981 : i32 to index
          %get3A_1033 = arith.constant 80 : index
          %get3A_1034 = tpu.vector_load %arg23[%get3A_1032, %get3A_1033] {strides = array<i32>} : memref<80x128xf32, #tpu.memory_space<vmem>>, vector<16xf32>,
          %mul3A_1035 = vector.broadcast %reduce_sum3A_991 : f32 to vector<16xf32>
          %mul3A_1036 = arith.mulf %get3A_1034, %mul3A_1035 : vector<16xf32>
          %swap3A_1037 = arith.index_cast %add3A_981 : i32 to index
          %swap3A_1038 = arith.constant 80 : index
          %swap3A_1039 = tpu.vector_load %arg23[%swap3A_1037, %swap3A_1038] {strides = array<i32>} : memref<80x128xf32, #tpu.memory_space<vmem>>, vector<16xf32>,
          tpu.vector_store %arg23[%swap3A_1037, %swap3A_1038], %mul3A_1036 {strides = array<i32>} : memref<80x128xf32, #tpu.memory_space<vmem>>, vector<16xf32>,
          %get3A_1040 = arith.index_cast %add3A_981 : i32 to index
          %get3A_1041 = arith.constant 96 : index
          %get3A_1042 = tpu.vector_load %arg23[%get3A_1040, %get3A_1041] {strides = array<i32>} : memref<80x128xf32, #tpu.memory_space<vmem>>, vector<16xf32>,
          %mul3A_1043 = vector.broadcast %reduce_sum3A_991 : f32 to vector<16xf32>
          %mul3A_1044 = arith.mulf %get3A_1042, %mul3A_1043 : vector<16xf32>
          %swap3A_1045 = arith.index_cast %add3A_981 : i32 to index
          %swap3A_1046 = arith.constant 96 : index
          %swap3A_1047 = tpu.vector_load %arg23[%swap3A_1045, %swap3A_1046] {strides = array<i32>} : memref<80x128xf32, #tpu.memory_space<vmem>>, vector<16xf32>,
          tpu.vector_store %arg23[%swap3A_1045, %swap3A_1046], %mul3A_1044 {strides = array<i32>} : memref<80x128xf32, #tpu.memory_space<vmem>>, vector<16xf32>,
          %get3A_1048 = arith.index_cast %add3A_981 : i32 to index
          %get3A_1049 = arith.constant 112 : index
          %get3A_1050 = tpu.vector_load %arg23[%get3A_1048, %get3A_1049] {strides = array<i32>} : memref<80x128xf32, #tpu.memory_space<vmem>>, vector<16xf32>,
          %mul3A_1051 = vector.broadcast %reduce_sum3A_991 : f32 to vector<16xf32>
          %mul3A_1052 = arith.mulf %get3A_1050, %mul3A_1051 : vector<16xf32>
          %swap3A_1053 = arith.index_cast %add3A_981 : i32 to index
          %swap3A_1054 = arith.constant 112 : index
          %swap3A_1055 = tpu.vector_load %arg23[%swap3A_1053, %swap3A_1054] {strides = array<i32>} : memref<80x128xf32, #tpu.memory_space<vmem>>, vector<16xf32>,
          tpu.vector_store %arg23[%swap3A_1053, %swap3A_1054], %mul3A_1052 {strides = array<i32>} : memref<80x128xf32, #tpu.memory_space<vmem>>, vector<16xf32>,
          %mul3A_1056 = arith.constant 16 : i32
          %mul3A_1057 = arith.muli %scan3A_121, %mul3A_1056 : i32
          %add3A_1058 = arith.constant 12 : i32
          %add3A_1059 = arith.addi %mul3A_1057, %add3A_1058 : i32
          %eq3A_1060 = arith.constant 12 : i32
          %eq3A_1061 = vector.broadcast %eq3A_1060 : i32 to vector<16xi32>
          %eq3A_1062 = arith.cmpi eq, %iota3A, %eq3A_1061 : vector<16xi32>
          %jit3A_1063 = arith.constant 0.000000e+00 : f32
          %broadcast_in_dim3A_1064 = vector.broadcast %jit3A_1063 : f32 to vector<16xf32>
          %select_n3A_1065 = arith.select %eq3A_1062, %get3A_125, %broadcast_in_dim3A_1064 : vector<16xi1>, vector<16xf32>
          %reduce_sum3A_1066 = arith.constant true
          %reduce_sum3A_1067 = vector.broadcast %reduce_sum3A_1066 : i1 to vector<16xi1>
          %reduce_sum3A_1068 = tpu.scan <sum>, %select_n3A_1065 masked %reduce_sum3A_1067 : vector<16xf32>, vector<16xi1> -> vector<16xf32>
          %reduce_sum3A_1069 = vector.extract %reduce_sum3A_1068[15] : f32 from vector<16xf32>
          %get3A_1070 = arith.index_cast %add3A_1059 : i32 to index
          %get3A_1071 = arith.constant 0 : index
          %get3A_1072 = tpu.vector_load %arg23[%get3A_1070, %get3A_1071] {strides = array<i32>} : memref<80x128xf32, #tpu.memory_space<vmem>>, vector<16xf32>,
          %mul3A_1073 = vector.broadcast %reduce_sum3A_1069 : f32 to vector<16xf32>
          %mul3A_1074 = arith.mulf %get3A_1072, %mul3A_1073 : vector<16xf32>
          %swap3A_1075 = arith.index_cast %add3A_1059 : i32 to index
          %swap3A_1076 = arith.constant 0 : index
          %swap3A_1077 = tpu.vector_load %arg23[%swap3A_1075, %swap3A_1076] {strides = array<i32>} : memref<80x128xf32, #tpu.memory_space<vmem>>, vector<16xf32>,
          tpu.vector_store %arg23[%swap3A_1075, %swap3A_1076], %mul3A_1074 {strides = array<i32>} : memref<80x128xf32, #tpu.memory_space<vmem>>, vector<16xf32>,
          %get3A_1078 = arith.index_cast %add3A_1059 : i32 to index
          %get3A_1079 = arith.constant 16 : index
          %get3A_1080 = tpu.vector_load %arg23[%get3A_1078, %get3A_1079] {strides = array<i32>} : memref<80x128xf32, #tpu.memory_space<vmem>>, vector<16xf32>,
          %mul3A_1081 = vector.broadcast %reduce_sum3A_1069 : f32 to vector<16xf32>
          %mul3A_1082 = arith.mulf %get3A_1080, %mul3A_1081 : vector<16xf32>
          %swap3A_1083 = arith.index_cast %add3A_1059 : i32 to index
          %swap3A_1084 = arith.constant 16 : index
          %swap3A_1085 = tpu.vector_load %arg23[%swap3A_1083, %swap3A_1084] {strides = array<i32>} : memref<80x128xf32, #tpu.memory_space<vmem>>, vector<16xf32>,
          tpu.vector_store %arg23[%swap3A_1083, %swap3A_1084], %mul3A_1082 {strides = array<i32>} : memref<80x128xf32, #tpu.memory_space<vmem>>, vector<16xf32>,
          %get3A_1086 = arith.index_cast %add3A_1059 : i32 to index
          %get3A_1087 = arith.constant 32 : index
          %get3A_1088 = tpu.vector_load %arg23[%get3A_1086, %get3A_1087] {strides = array<i32>} : memref<80x128xf32, #tpu.memory_space<vmem>>, vector<16xf32>,
          %mul3A_1089 = vector.broadcast %reduce_sum3A_1069 : f32 to vector<16xf32>
          %mul3A_1090 = arith.mulf %get3A_1088, %mul3A_1089 : vector<16xf32>
          %swap3A_1091 = arith.index_cast %add3A_1059 : i32 to index
          %swap3A_1092 = arith.constant 32 : index
          %swap3A_1093 = tpu.vector_load %arg23[%swap3A_1091, %swap3A_1092] {strides = array<i32>} : memref<80x128xf32, #tpu.memory_space<vmem>>, vector<16xf32>,
          tpu.vector_store %arg23[%swap3A_1091, %swap3A_1092], %mul3A_1090 {strides = array<i32>} : memref<80x128xf32, #tpu.memory_space<vmem>>, vector<16xf32>,
          %get3A_1094 = arith.index_cast %add3A_1059 : i32 to index
          %get3A_1095 = arith.constant 48 : index
          %get3A_1096 = tpu.vector_load %arg23[%get3A_1094, %get3A_1095] {strides = array<i32>} : memref<80x128xf32, #tpu.memory_space<vmem>>, vector<16xf32>,
          %mul3A_1097 = vector.broadcast %reduce_sum3A_1069 : f32 to vector<16xf32>
          %mul3A_1098 = arith.mulf %get3A_1096, %mul3A_1097 : vector<16xf32>
          %swap3A_1099 = arith.index_cast %add3A_1059 : i32 to index
          %swap3A_1100 = arith.constant 48 : index
          %swap3A_1101 = tpu.vector_load %arg23[%swap3A_1099, %swap3A_1100] {strides = array<i32>} : memref<80x128xf32, #tpu.memory_space<vmem>>, vector<16xf32>,
          tpu.vector_store %arg23[%swap3A_1099, %swap3A_1100], %mul3A_1098 {strides = array<i32>} : memref<80x128xf32, #tpu.memory_space<vmem>>, vector<16xf32>,
          %get3A_1102 = arith.index_cast %add3A_1059 : i32 to index
          %get3A_1103 = arith.constant 64 : index
          %get3A_1104 = tpu.vector_load %arg23[%get3A_1102, %get3A_1103] {strides = array<i32>} : memref<80x128xf32, #tpu.memory_space<vmem>>, vector<16xf32>,
          %mul3A_1105 = vector.broadcast %reduce_sum3A_1069 : f32 to vector<16xf32>
          %mul3A_1106 = arith.mulf %get3A_1104, %mul3A_1105 : vector<16xf32>
          %swap3A_1107 = arith.index_cast %add3A_1059 : i32 to index
          %swap3A_1108 = arith.constant 64 : index
          %swap3A_1109 = tpu.vector_load %arg23[%swap3A_1107, %swap3A_1108] {strides = array<i32>} : memref<80x128xf32, #tpu.memory_space<vmem>>, vector<16xf32>,
          tpu.vector_store %arg23[%swap3A_1107, %swap3A_1108], %mul3A_1106 {strides = array<i32>} : memref<80x128xf32, #tpu.memory_space<vmem>>, vector<16xf32>,
          %get3A_1110 = arith.index_cast %add3A_1059 : i32 to index
          %get3A_1111 = arith.constant 80 : index
          %get3A_1112 = tpu.vector_load %arg23[%get3A_1110, %get3A_1111] {strides = array<i32>} : memref<80x128xf32, #tpu.memory_space<vmem>>, vector<16xf32>,
          %mul3A_1113 = vector.broadcast %reduce_sum3A_1069 : f32 to vector<16xf32>
          %mul3A_1114 = arith.mulf %get3A_1112, %mul3A_1113 : vector<16xf32>
          %swap3A_1115 = arith.index_cast %add3A_1059 : i32 to index
          %swap3A_1116 = arith.constant 80 : index
          %swap3A_1117 = tpu.vector_load %arg23[%swap3A_1115, %swap3A_1116] {strides = array<i32>} : memref<80x128xf32, #tpu.memory_space<vmem>>, vector<16xf32>,
          tpu.vector_store %arg23[%swap3A_1115, %swap3A_1116], %mul3A_1114 {strides = array<i32>} : memref<80x128xf32, #tpu.memory_space<vmem>>, vector<16xf32>,
          %get3A_1118 = arith.index_cast %add3A_1059 : i32 to index
          %get3A_1119 = arith.constant 96 : index
          %get3A_1120 = tpu.vector_load %arg23[%get3A_1118, %get3A_1119] {strides = array<i32>} : memref<80x128xf32, #tpu.memory_space<vmem>>, vector<16xf32>,
          %mul3A_1121 = vector.broadcast %reduce_sum3A_1069 : f32 to vector<16xf32>
          %mul3A_1122 = arith.mulf %get3A_1120, %mul3A_1121 : vector<16xf32>
          %swap3A_1123 = arith.index_cast %add3A_1059 : i32 to index
          %swap3A_1124 = arith.constant 96 : index
          %swap3A_1125 = tpu.vector_load %arg23[%swap3A_1123, %swap3A_1124] {strides = array<i32>} : memref<80x128xf32, #tpu.memory_space<vmem>>, vector<16xf32>,
          tpu.vector_store %arg23[%swap3A_1123, %swap3A_1124], %mul3A_1122 {strides = array<i32>} : memref<80x128xf32, #tpu.memory_space<vmem>>, vector<16xf32>,
          %get3A_1126 = arith.index_cast %add3A_1059 : i32 to index
          %get3A_1127 = arith.constant 112 : index
          %get3A_1128 = tpu.vector_load %arg23[%get3A_1126, %get3A_1127] {strides = array<i32>} : memref<80x128xf32, #tpu.memory_space<vmem>>, vector<16xf32>,
          %mul3A_1129 = vector.broadcast %reduce_sum3A_1069 : f32 to vector<16xf32>
          %mul3A_1130 = arith.mulf %get3A_1128, %mul3A_1129 : vector<16xf32>
          %swap3A_1131 = arith.index_cast %add3A_1059 : i32 to index
          %swap3A_1132 = arith.constant 112 : index
          %swap3A_1133 = tpu.vector_load %arg23[%swap3A_1131, %swap3A_1132] {strides = array<i32>} : memref<80x128xf32, #tpu.memory_space<vmem>>, vector<16xf32>,
          tpu.vector_store %arg23[%swap3A_1131, %swap3A_1132], %mul3A_1130 {strides = array<i32>} : memref<80x128xf32, #tpu.memory_space<vmem>>, vector<16xf32>,
          %mul3A_1134 = arith.constant 16 : i32
          %mul3A_1135 = arith.muli %scan3A_121, %mul3A_1134 : i32
          %add3A_1136 = arith.constant 13 : i32
          %add3A_1137 = arith.addi %mul3A_1135, %add3A_1136 : i32
          %eq3A_1138 = arith.constant 13 : i32
          %eq3A_1139 = vector.broadcast %eq3A_1138 : i32 to vector<16xi32>
          %eq3A_1140 = arith.cmpi eq, %iota3A, %eq3A_1139 : vector<16xi32>
          %jit3A_1141 = arith.constant 0.000000e+00 : f32
          %broadcast_in_dim3A_1142 = vector.broadcast %jit3A_1141 : f32 to vector<16xf32>
          %select_n3A_1143 = arith.select %eq3A_1140, %get3A_125, %broadcast_in_dim3A_1142 : vector<16xi1>, vector<16xf32>
          %reduce_sum3A_1144 = arith.constant true
          %reduce_sum3A_1145 = vector.broadcast %reduce_sum3A_1144 : i1 to vector<16xi1>
          %reduce_sum3A_1146 = tpu.scan <sum>, %select_n3A_1143 masked %reduce_sum3A_1145 : vector<16xf32>, vector<16xi1> -> vector<16xf32>
          %reduce_sum3A_1147 = vector.extract %reduce_sum3A_1146[15] : f32 from vector<16xf32>
          %get3A_1148 = arith.index_cast %add3A_1137 : i32 to index
          %get3A_1149 = arith.constant 0 : index
          %get3A_1150 = tpu.vector_load %arg23[%get3A_1148, %get3A_1149] {strides = array<i32>} : memref<80x128xf32, #tpu.memory_space<vmem>>, vector<16xf32>,
          %mul3A_1151 = vector.broadcast %reduce_sum3A_1147 : f32 to vector<16xf32>
          %mul3A_1152 = arith.mulf %get3A_1150, %mul3A_1151 : vector<16xf32>
          %swap3A_1153 = arith.index_cast %add3A_1137 : i32 to index
          %swap3A_1154 = arith.constant 0 : index
          %swap3A_1155 = tpu.vector_load %arg23[%swap3A_1153, %swap3A_1154] {strides = array<i32>} : memref<80x128xf32, #tpu.memory_space<vmem>>, vector<16xf32>,
          tpu.vector_store %arg23[%swap3A_1153, %swap3A_1154], %mul3A_1152 {strides = array<i32>} : memref<80x128xf32, #tpu.memory_space<vmem>>, vector<16xf32>,
          %get3A_1156 = arith.index_cast %add3A_1137 : i32 to index
          %get3A_1157 = arith.constant 16 : index
          %get3A_1158 = tpu.vector_load %arg23[%get3A_1156, %get3A_1157] {strides = array<i32>} : memref<80x128xf32, #tpu.memory_space<vmem>>, vector<16xf32>,
          %mul3A_1159 = vector.broadcast %reduce_sum3A_1147 : f32 to vector<16xf32>
          %mul3A_1160 = arith.mulf %get3A_1158, %mul3A_1159 : vector<16xf32>
          %swap3A_1161 = arith.index_cast %add3A_1137 : i32 to index
          %swap3A_1162 = arith.constant 16 : index
          %swap3A_1163 = tpu.vector_load %arg23[%swap3A_1161, %swap3A_1162] {strides = array<i32>} : memref<80x128xf32, #tpu.memory_space<vmem>>, vector<16xf32>,
          tpu.vector_store %arg23[%swap3A_1161, %swap3A_1162], %mul3A_1160 {strides = array<i32>} : memref<80x128xf32, #tpu.memory_space<vmem>>, vector<16xf32>,
          %get3A_1164 = arith.index_cast %add3A_1137 : i32 to index
          %get3A_1165 = arith.constant 32 : index
          %get3A_1166 = tpu.vector_load %arg23[%get3A_1164, %get3A_1165] {strides = array<i32>} : memref<80x128xf32, #tpu.memory_space<vmem>>, vector<16xf32>,
          %mul3A_1167 = vector.broadcast %reduce_sum3A_1147 : f32 to vector<16xf32>
          %mul3A_1168 = arith.mulf %get3A_1166, %mul3A_1167 : vector<16xf32>
          %swap3A_1169 = arith.index_cast %add3A_1137 : i32 to index
          %swap3A_1170 = arith.constant 32 : index
          %swap3A_1171 = tpu.vector_load %arg23[%swap3A_1169, %swap3A_1170] {strides = array<i32>} : memref<80x128xf32, #tpu.memory_space<vmem>>, vector<16xf32>,
          tpu.vector_store %arg23[%swap3A_1169, %swap3A_1170], %mul3A_1168 {strides = array<i32>} : memref<80x128xf32, #tpu.memory_space<vmem>>, vector<16xf32>,
          %get3A_1172 = arith.index_cast %add3A_1137 : i32 to index
          %get3A_1173 = arith.constant 48 : index
          %get3A_1174 = tpu.vector_load %arg23[%get3A_1172, %get3A_1173] {strides = array<i32>} : memref<80x128xf32, #tpu.memory_space<vmem>>, vector<16xf32>,
          %mul3A_1175 = vector.broadcast %reduce_sum3A_1147 : f32 to vector<16xf32>
          %mul3A_1176 = arith.mulf %get3A_1174, %mul3A_1175 : vector<16xf32>
          %swap3A_1177 = arith.index_cast %add3A_1137 : i32 to index
          %swap3A_1178 = arith.constant 48 : index
          %swap3A_1179 = tpu.vector_load %arg23[%swap3A_1177, %swap3A_1178] {strides = array<i32>} : memref<80x128xf32, #tpu.memory_space<vmem>>, vector<16xf32>,
          tpu.vector_store %arg23[%swap3A_1177, %swap3A_1178], %mul3A_1176 {strides = array<i32>} : memref<80x128xf32, #tpu.memory_space<vmem>>, vector<16xf32>,
          %get3A_1180 = arith.index_cast %add3A_1137 : i32 to index
          %get3A_1181 = arith.constant 64 : index
          %get3A_1182 = tpu.vector_load %arg23[%get3A_1180, %get3A_1181] {strides = array<i32>} : memref<80x128xf32, #tpu.memory_space<vmem>>, vector<16xf32>,
          %mul3A_1183 = vector.broadcast %reduce_sum3A_1147 : f32 to vector<16xf32>
          %mul3A_1184 = arith.mulf %get3A_1182, %mul3A_1183 : vector<16xf32>
          %swap3A_1185 = arith.index_cast %add3A_1137 : i32 to index
          %swap3A_1186 = arith.constant 64 : index
          %swap3A_1187 = tpu.vector_load %arg23[%swap3A_1185, %swap3A_1186] {strides = array<i32>} : memref<80x128xf32, #tpu.memory_space<vmem>>, vector<16xf32>,
          tpu.vector_store %arg23[%swap3A_1185, %swap3A_1186], %mul3A_1184 {strides = array<i32>} : memref<80x128xf32, #tpu.memory_space<vmem>>, vector<16xf32>,
          %get3A_1188 = arith.index_cast %add3A_1137 : i32 to index
          %get3A_1189 = arith.constant 80 : index
          %get3A_1190 = tpu.vector_load %arg23[%get3A_1188, %get3A_1189] {strides = array<i32>} : memref<80x128xf32, #tpu.memory_space<vmem>>, vector<16xf32>,
          %mul3A_1191 = vector.broadcast %reduce_sum3A_1147 : f32 to vector<16xf32>
          %mul3A_1192 = arith.mulf %get3A_1190, %mul3A_1191 : vector<16xf32>
          %swap3A_1193 = arith.index_cast %add3A_1137 : i32 to index
          %swap3A_1194 = arith.constant 80 : index
          %swap3A_1195 = tpu.vector_load %arg23[%swap3A_1193, %swap3A_1194] {strides = array<i32>} : memref<80x128xf32, #tpu.memory_space<vmem>>, vector<16xf32>,
          tpu.vector_store %arg23[%swap3A_1193, %swap3A_1194], %mul3A_1192 {strides = array<i32>} : memref<80x128xf32, #tpu.memory_space<vmem>>, vector<16xf32>,
          %get3A_1196 = arith.index_cast %add3A_1137 : i32 to index
          %get3A_1197 = arith.constant 96 : index
          %get3A_1198 = tpu.vector_load %arg23[%get3A_1196, %get3A_1197] {strides = array<i32>} : memref<80x128xf32, #tpu.memory_space<vmem>>, vector<16xf32>,
          %mul3A_1199 = vector.broadcast %reduce_sum3A_1147 : f32 to vector<16xf32>
          %mul3A_1200 = arith.mulf %get3A_1198, %mul3A_1199 : vector<16xf32>
          %swap3A_1201 = arith.index_cast %add3A_1137 : i32 to index
          %swap3A_1202 = arith.constant 96 : index
          %swap3A_1203 = tpu.vector_load %arg23[%swap3A_1201, %swap3A_1202] {strides = array<i32>} : memref<80x128xf32, #tpu.memory_space<vmem>>, vector<16xf32>,
          tpu.vector_store %arg23[%swap3A_1201, %swap3A_1202], %mul3A_1200 {strides = array<i32>} : memref<80x128xf32, #tpu.memory_space<vmem>>, vector<16xf32>,
          %get3A_1204 = arith.index_cast %add3A_1137 : i32 to index
          %get3A_1205 = arith.constant 112 : index
          %get3A_1206 = tpu.vector_load %arg23[%get3A_1204, %get3A_1205] {strides = array<i32>} : memref<80x128xf32, #tpu.memory_space<vmem>>, vector<16xf32>,
          %mul3A_1207 = vector.broadcast %reduce_sum3A_1147 : f32 to vector<16xf32>
          %mul3A_1208 = arith.mulf %get3A_1206, %mul3A_1207 : vector<16xf32>
          %swap3A_1209 = arith.index_cast %add3A_1137 : i32 to index
          %swap3A_1210 = arith.constant 112 : index
          %swap3A_1211 = tpu.vector_load %arg23[%swap3A_1209, %swap3A_1210] {strides = array<i32>} : memref<80x128xf32, #tpu.memory_space<vmem>>, vector<16xf32>,
          tpu.vector_store %arg23[%swap3A_1209, %swap3A_1210], %mul3A_1208 {strides = array<i32>} : memref<80x128xf32, #tpu.memory_space<vmem>>, vector<16xf32>,
          %mul3A_1212 = arith.constant 16 : i32
          %mul3A_1213 = arith.muli %scan3A_121, %mul3A_1212 : i32
          %add3A_1214 = arith.constant 14 : i32
          %add3A_1215 = arith.addi %mul3A_1213, %add3A_1214 : i32
          %eq3A_1216 = arith.constant 14 : i32
          %eq3A_1217 = vector.broadcast %eq3A_1216 : i32 to vector<16xi32>
          %eq3A_1218 = arith.cmpi eq, %iota3A, %eq3A_1217 : vector<16xi32>
          %jit3A_1219 = arith.constant 0.000000e+00 : f32
          %broadcast_in_dim3A_1220 = vector.broadcast %jit3A_1219 : f32 to vector<16xf32>
          %select_n3A_1221 = arith.select %eq3A_1218, %get3A_125, %broadcast_in_dim3A_1220 : vector<16xi1>, vector<16xf32>
          %reduce_sum3A_1222 = arith.constant true
          %reduce_sum3A_1223 = vector.broadcast %reduce_sum3A_1222 : i1 to vector<16xi1>
          %reduce_sum3A_1224 = tpu.scan <sum>, %select_n3A_1221 masked %reduce_sum3A_1223 : vector<16xf32>, vector<16xi1> -> vector<16xf32>
          %reduce_sum3A_1225 = vector.extract %reduce_sum3A_1224[15] : f32 from vector<16xf32>
          %get3A_1226 = arith.index_cast %add3A_1215 : i32 to index
          %get3A_1227 = arith.constant 0 : index
          %get3A_1228 = tpu.vector_load %arg23[%get3A_1226, %get3A_1227] {strides = array<i32>} : memref<80x128xf32, #tpu.memory_space<vmem>>, vector<16xf32>,
          %mul3A_1229 = vector.broadcast %reduce_sum3A_1225 : f32 to vector<16xf32>
          %mul3A_1230 = arith.mulf %get3A_1228, %mul3A_1229 : vector<16xf32>
          %swap3A_1231 = arith.index_cast %add3A_1215 : i32 to index
          %swap3A_1232 = arith.constant 0 : index
          %swap3A_1233 = tpu.vector_load %arg23[%swap3A_1231, %swap3A_1232] {strides = array<i32>} : memref<80x128xf32, #tpu.memory_space<vmem>>, vector<16xf32>,
          tpu.vector_store %arg23[%swap3A_1231, %swap3A_1232], %mul3A_1230 {strides = array<i32>} : memref<80x128xf32, #tpu.memory_space<vmem>>, vector<16xf32>,
          %get3A_1234 = arith.index_cast %add3A_1215 : i32 to index
          %get3A_1235 = arith.constant 16 : index
          %get3A_1236 = tpu.vector_load %arg23[%get3A_1234, %get3A_1235] {strides = array<i32>} : memref<80x128xf32, #tpu.memory_space<vmem>>, vector<16xf32>,
          %mul3A_1237 = vector.broadcast %reduce_sum3A_1225 : f32 to vector<16xf32>
          %mul3A_1238 = arith.mulf %get3A_1236, %mul3A_1237 : vector<16xf32>
          %swap3A_1239 = arith.index_cast %add3A_1215 : i32 to index
          %swap3A_1240 = arith.constant 16 : index
          %swap3A_1241 = tpu.vector_load %arg23[%swap3A_1239, %swap3A_1240] {strides = array<i32>} : memref<80x128xf32, #tpu.memory_space<vmem>>, vector<16xf32>,
          tpu.vector_store %arg23[%swap3A_1239, %swap3A_1240], %mul3A_1238 {strides = array<i32>} : memref<80x128xf32, #tpu.memory_space<vmem>>, vector<16xf32>,
          %get3A_1242 = arith.index_cast %add3A_1215 : i32 to index
          %get3A_1243 = arith.constant 32 : index
          %get3A_1244 = tpu.vector_load %arg23[%get3A_1242, %get3A_1243] {strides = array<i32>} : memref<80x128xf32, #tpu.memory_space<vmem>>, vector<16xf32>,
          %mul3A_1245 = vector.broadcast %reduce_sum3A_1225 : f32 to vector<16xf32>
          %mul3A_1246 = arith.mulf %get3A_1244, %mul3A_1245 : vector<16xf32>
          %swap3A_1247 = arith.index_cast %add3A_1215 : i32 to index
          %swap3A_1248 = arith.constant 32 : index
          %swap3A_1249 = tpu.vector_load %arg23[%swap3A_1247, %swap3A_1248] {strides = array<i32>} : memref<80x128xf32, #tpu.memory_space<vmem>>, vector<16xf32>,
          tpu.vector_store %arg23[%swap3A_1247, %swap3A_1248], %mul3A_1246 {strides = array<i32>} : memref<80x128xf32, #tpu.memory_space<vmem>>, vector<16xf32>,
          %get3A_1250 = arith.index_cast %add3A_1215 : i32 to index
          %get3A_1251 = arith.constant 48 : index
          %get3A_1252 = tpu.vector_load %arg23[%get3A_1250, %get3A_1251] {strides = array<i32>} : memref<80x128xf32, #tpu.memory_space<vmem>>, vector<16xf32>,
          %mul3A_1253 = vector.broadcast %reduce_sum3A_1225 : f32 to vector<16xf32>
          %mul3A_1254 = arith.mulf %get3A_1252, %mul3A_1253 : vector<16xf32>
          %swap3A_1255 = arith.index_cast %add3A_1215 : i32 to index
          %swap3A_1256 = arith.constant 48 : index
          %swap3A_1257 = tpu.vector_load %arg23[%swap3A_1255, %swap3A_1256] {strides = array<i32>} : memref<80x128xf32, #tpu.memory_space<vmem>>, vector<16xf32>,
          tpu.vector_store %arg23[%swap3A_1255, %swap3A_1256], %mul3A_1254 {strides = array<i32>} : memref<80x128xf32, #tpu.memory_space<vmem>>, vector<16xf32>,
          %get3A_1258 = arith.index_cast %add3A_1215 : i32 to index
          %get3A_1259 = arith.constant 64 : index
          %get3A_1260 = tpu.vector_load %arg23[%get3A_1258, %get3A_1259] {strides = array<i32>} : memref<80x128xf32, #tpu.memory_space<vmem>>, vector<16xf32>,
          %mul3A_1261 = vector.broadcast %reduce_sum3A_1225 : f32 to vector<16xf32>
          %mul3A_1262 = arith.mulf %get3A_1260, %mul3A_1261 : vector<16xf32>
          %swap3A_1263 = arith.index_cast %add3A_1215 : i32 to index
          %swap3A_1264 = arith.constant 64 : index
          %swap3A_1265 = tpu.vector_load %arg23[%swap3A_1263, %swap3A_1264] {strides = array<i32>} : memref<80x128xf32, #tpu.memory_space<vmem>>, vector<16xf32>,
          tpu.vector_store %arg23[%swap3A_1263, %swap3A_1264], %mul3A_1262 {strides = array<i32>} : memref<80x128xf32, #tpu.memory_space<vmem>>, vector<16xf32>,
          %get3A_1266 = arith.index_cast %add3A_1215 : i32 to index
          %get3A_1267 = arith.constant 80 : index
          %get3A_1268 = tpu.vector_load %arg23[%get3A_1266, %get3A_1267] {strides = array<i32>} : memref<80x128xf32, #tpu.memory_space<vmem>>, vector<16xf32>,
          %mul3A_1269 = vector.broadcast %reduce_sum3A_1225 : f32 to vector<16xf32>
          %mul3A_1270 = arith.mulf %get3A_1268, %mul3A_1269 : vector<16xf32>
          %swap3A_1271 = arith.index_cast %add3A_1215 : i32 to index
          %swap3A_1272 = arith.constant 80 : index
          %swap3A_1273 = tpu.vector_load %arg23[%swap3A_1271, %swap3A_1272] {strides = array<i32>} : memref<80x128xf32, #tpu.memory_space<vmem>>, vector<16xf32>,
          tpu.vector_store %arg23[%swap3A_1271, %swap3A_1272], %mul3A_1270 {strides = array<i32>} : memref<80x128xf32, #tpu.memory_space<vmem>>, vector<16xf32>,
          %get3A_1274 = arith.index_cast %add3A_1215 : i32 to index
          %get3A_1275 = arith.constant 96 : index
          %get3A_1276 = tpu.vector_load %arg23[%get3A_1274, %get3A_1275] {strides = array<i32>} : memref<80x128xf32, #tpu.memory_space<vmem>>, vector<16xf32>,
          %mul3A_1277 = vector.broadcast %reduce_sum3A_1225 : f32 to vector<16xf32>
          %mul3A_1278 = arith.mulf %get3A_1276, %mul3A_1277 : vector<16xf32>
          %swap3A_1279 = arith.index_cast %add3A_1215 : i32 to index
          %swap3A_1280 = arith.constant 96 : index
          %swap3A_1281 = tpu.vector_load %arg23[%swap3A_1279, %swap3A_1280] {strides = array<i32>} : memref<80x128xf32, #tpu.memory_space<vmem>>, vector<16xf32>,
          tpu.vector_store %arg23[%swap3A_1279, %swap3A_1280], %mul3A_1278 {strides = array<i32>} : memref<80x128xf32, #tpu.memory_space<vmem>>, vector<16xf32>,
          %get3A_1282 = arith.index_cast %add3A_1215 : i32 to index
          %get3A_1283 = arith.constant 112 : index
          %get3A_1284 = tpu.vector_load %arg23[%get3A_1282, %get3A_1283] {strides = array<i32>} : memref<80x128xf32, #tpu.memory_space<vmem>>, vector<16xf32>,
          %mul3A_1285 = vector.broadcast %reduce_sum3A_1225 : f32 to vector<16xf32>
          %mul3A_1286 = arith.mulf %get3A_1284, %mul3A_1285 : vector<16xf32>
          %swap3A_1287 = arith.index_cast %add3A_1215 : i32 to index
          %swap3A_1288 = arith.constant 112 : index
          %swap3A_1289 = tpu.vector_load %arg23[%swap3A_1287, %swap3A_1288] {strides = array<i32>} : memref<80x128xf32, #tpu.memory_space<vmem>>, vector<16xf32>,
          tpu.vector_store %arg23[%swap3A_1287, %swap3A_1288], %mul3A_1286 {strides = array<i32>} : memref<80x128xf32, #tpu.memory_space<vmem>>, vector<16xf32>,
          %mul3A_1290 = arith.constant 16 : i32
          %mul3A_1291 = arith.muli %scan3A_121, %mul3A_1290 : i32
          %add3A_1292 = arith.constant 15 : i32
          %add3A_1293 = arith.addi %mul3A_1291, %add3A_1292 : i32
          %eq3A_1294 = arith.constant 15 : i32
          %eq3A_1295 = vector.broadcast %eq3A_1294 : i32 to vector<16xi32>
          %eq3A_1296 = arith.cmpi eq, %iota3A, %eq3A_1295 : vector<16xi32>
          %jit3A_1297 = arith.constant 0.000000e+00 : f32
          %broadcast_in_dim3A_1298 = vector.broadcast %jit3A_1297 : f32 to vector<16xf32>
          %select_n3A_1299 = arith.select %eq3A_1296, %get3A_125, %broadcast_in_dim3A_1298 : vector<16xi1>, vector<16xf32>
          %reduce_sum3A_1300 = arith.constant true
          %reduce_sum3A_1301 = vector.broadcast %reduce_sum3A_1300 : i1 to vector<16xi1>
          %reduce_sum3A_1302 = tpu.scan <sum>, %select_n3A_1299 masked %reduce_sum3A_1301 : vector<16xf32>, vector<16xi1> -> vector<16xf32>
          %reduce_sum3A_1303 = vector.extract %reduce_sum3A_1302[15] : f32 from vector<16xf32>
          %get3A_1304 = arith.index_cast %add3A_1293 : i32 to index
          %get3A_1305 = arith.constant 0 : index
          %get3A_1306 = tpu.vector_load %arg23[%get3A_1304, %get3A_1305] {strides = array<i32>} : memref<80x128xf32, #tpu.memory_space<vmem>>, vector<16xf32>,
          %mul3A_1307 = vector.broadcast %reduce_sum3A_1303 : f32 to vector<16xf32>
          %mul3A_1308 = arith.mulf %get3A_1306, %mul3A_1307 : vector<16xf32>
          %swap3A_1309 = arith.index_cast %add3A_1293 : i32 to index
          %swap3A_1310 = arith.constant 0 : index
          %swap3A_1311 = tpu.vector_load %arg23[%swap3A_1309, %swap3A_1310] {strides = array<i32>} : memref<80x128xf32, #tpu.memory_space<vmem>>, vector<16xf32>,
          tpu.vector_store %arg23[%swap3A_1309, %swap3A_1310], %mul3A_1308 {strides = array<i32>} : memref<80x128xf32, #tpu.memory_space<vmem>>, vector<16xf32>,
          %get3A_1312 = arith.index_cast %add3A_1293 : i32 to index
          %get3A_1313 = arith.constant 16 : index
          %get3A_1314 = tpu.vector_load %arg23[%get3A_1312, %get3A_1313] {strides = array<i32>} : memref<80x128xf32, #tpu.memory_space<vmem>>, vector<16xf32>,
          %mul3A_1315 = vector.broadcast %reduce_sum3A_1303 : f32 to vector<16xf32>
          %mul3A_1316 = arith.mulf %get3A_1314, %mul3A_1315 : vector<16xf32>
          %swap3A_1317 = arith.index_cast %add3A_1293 : i32 to index
          %swap3A_1318 = arith.constant 16 : index
          %swap3A_1319 = tpu.vector_load %arg23[%swap3A_1317, %swap3A_1318] {strides = array<i32>} : memref<80x128xf32, #tpu.memory_space<vmem>>, vector<16xf32>,
          tpu.vector_store %arg23[%swap3A_1317, %swap3A_1318], %mul3A_1316 {strides = array<i32>} : memref<80x128xf32, #tpu.memory_space<vmem>>, vector<16xf32>,
          %get3A_1320 = arith.index_cast %add3A_1293 : i32 to index
          %get3A_1321 = arith.constant 32 : index
          %get3A_1322 = tpu.vector_load %arg23[%get3A_1320, %get3A_1321] {strides = array<i32>} : memref<80x128xf32, #tpu.memory_space<vmem>>, vector<16xf32>,
          %mul3A_1323 = vector.broadcast %reduce_sum3A_1303 : f32 to vector<16xf32>
          %mul3A_1324 = arith.mulf %get3A_1322, %mul3A_1323 : vector<16xf32>
          %swap3A_1325 = arith.index_cast %add3A_1293 : i32 to index
          %swap3A_1326 = arith.constant 32 : index
          %swap3A_1327 = tpu.vector_load %arg23[%swap3A_1325, %swap3A_1326] {strides = array<i32>} : memref<80x128xf32, #tpu.memory_space<vmem>>, vector<16xf32>,
          tpu.vector_store %arg23[%swap3A_1325, %swap3A_1326], %mul3A_1324 {strides = array<i32>} : memref<80x128xf32, #tpu.memory_space<vmem>>, vector<16xf32>,
          %get3A_1328 = arith.index_cast %add3A_1293 : i32 to index
          %get3A_1329 = arith.constant 48 : index
          %get3A_1330 = tpu.vector_load %arg23[%get3A_1328, %get3A_1329] {strides = array<i32>} : memref<80x128xf32, #tpu.memory_space<vmem>>, vector<16xf32>,
          %mul3A_1331 = vector.broadcast %reduce_sum3A_1303 : f32 to vector<16xf32>
          %mul3A_1332 = arith.mulf %get3A_1330, %mul3A_1331 : vector<16xf32>
          %swap3A_1333 = arith.index_cast %add3A_1293 : i32 to index
          %swap3A_1334 = arith.constant 48 : index
          %swap3A_1335 = tpu.vector_load %arg23[%swap3A_1333, %swap3A_1334] {strides = array<i32>} : memref<80x128xf32, #tpu.memory_space<vmem>>, vector<16xf32>,
          tpu.vector_store %arg23[%swap3A_1333, %swap3A_1334], %mul3A_1332 {strides = array<i32>} : memref<80x128xf32, #tpu.memory_space<vmem>>, vector<16xf32>,
          %get3A_1336 = arith.index_cast %add3A_1293 : i32 to index
          %get3A_1337 = arith.constant 64 : index
          %get3A_1338 = tpu.vector_load %arg23[%get3A_1336, %get3A_1337] {strides = array<i32>} : memref<80x128xf32, #tpu.memory_space<vmem>>, vector<16xf32>,
          %mul3A_1339 = vector.broadcast %reduce_sum3A_1303 : f32 to vector<16xf32>
          %mul3A_1340 = arith.mulf %get3A_1338, %mul3A_1339 : vector<16xf32>
          %swap3A_1341 = arith.index_cast %add3A_1293 : i32 to index
          %swap3A_1342 = arith.constant 64 : index
          %swap3A_1343 = tpu.vector_load %arg23[%swap3A_1341, %swap3A_1342] {strides = array<i32>} : memref<80x128xf32, #tpu.memory_space<vmem>>, vector<16xf32>,
          tpu.vector_store %arg23[%swap3A_1341, %swap3A_1342], %mul3A_1340 {strides = array<i32>} : memref<80x128xf32, #tpu.memory_space<vmem>>, vector<16xf32>,
          %get3A_1344 = arith.index_cast %add3A_1293 : i32 to index
          %get3A_1345 = arith.constant 80 : index
          %get3A_1346 = tpu.vector_load %arg23[%get3A_1344, %get3A_1345] {strides = array<i32>} : memref<80x128xf32, #tpu.memory_space<vmem>>, vector<16xf32>,
          %mul3A_1347 = vector.broadcast %reduce_sum3A_1303 : f32 to vector<16xf32>
          %mul3A_1348 = arith.mulf %get3A_1346, %mul3A_1347 : vector<16xf32>
          %swap3A_1349 = arith.index_cast %add3A_1293 : i32 to index
          %swap3A_1350 = arith.constant 80 : index
          %swap3A_1351 = tpu.vector_load %arg23[%swap3A_1349, %swap3A_1350] {strides = array<i32>} : memref<80x128xf32, #tpu.memory_space<vmem>>, vector<16xf32>,
          tpu.vector_store %arg23[%swap3A_1349, %swap3A_1350], %mul3A_1348 {strides = array<i32>} : memref<80x128xf32, #tpu.memory_space<vmem>>, vector<16xf32>,
          %get3A_1352 = arith.index_cast %add3A_1293 : i32 to index
          %get3A_1353 = arith.constant 96 : index
          %get3A_1354 = tpu.vector_load %arg23[%get3A_1352, %get3A_1353] {strides = array<i32>} : memref<80x128xf32, #tpu.memory_space<vmem>>, vector<16xf32>,
          %mul3A_1355 = vector.broadcast %reduce_sum3A_1303 : f32 to vector<16xf32>
          %mul3A_1356 = arith.mulf %get3A_1354, %mul3A_1355 : vector<16xf32>
          %swap3A_1357 = arith.index_cast %add3A_1293 : i32 to index
          %swap3A_1358 = arith.constant 96 : index
          %swap3A_1359 = tpu.vector_load %arg23[%swap3A_1357, %swap3A_1358] {strides = array<i32>} : memref<80x128xf32, #tpu.memory_space<vmem>>, vector<16xf32>,
          tpu.vector_store %arg23[%swap3A_1357, %swap3A_1358], %mul3A_1356 {strides = array<i32>} : memref<80x128xf32, #tpu.memory_space<vmem>>, vector<16xf32>,
          %get3A_1360 = arith.index_cast %add3A_1293 : i32 to index
          %get3A_1361 = arith.constant 112 : index
          %get3A_1362 = tpu.vector_load %arg23[%get3A_1360, %get3A_1361] {strides = array<i32>} : memref<80x128xf32, #tpu.memory_space<vmem>>, vector<16xf32>,
          %mul3A_1363 = vector.broadcast %reduce_sum3A_1303 : f32 to vector<16xf32>
          %mul3A_1364 = arith.mulf %get3A_1362, %mul3A_1363 : vector<16xf32>
          %swap3A_1365 = arith.index_cast %add3A_1293 : i32 to index
          %swap3A_1366 = arith.constant 112 : index
          %swap3A_1367 = tpu.vector_load %arg23[%swap3A_1365, %swap3A_1366] {strides = array<i32>} : memref<80x128xf32, #tpu.memory_space<vmem>>, vector<16xf32>,
          tpu.vector_store %arg23[%swap3A_1365, %swap3A_1366], %mul3A_1364 {strides = array<i32>} : memref<80x128xf32, #tpu.memory_space<vmem>>, vector<16xf32>,
          %scan3A_1368 = arith.constant 0 : i32
          scf.yield %scan3A_1368 : i32
        }
        %scan3A_120 = arith.constant 5 : i32
        "tpu.region"() ({
          %run_scoped3A = tpu.sem_alloc : memref<!tpu.dma_semaphore, #tpu.memory_space<semaphore_mem>>
          %dma_start3A_121 = arith.constant 0 : i32
          %dma_start3A_122 = arith.constant 0 : i32
          %dma_start3A_123 = tpu.memref_slice %arg24[%dma_start3A_121, %dma_start3A_122] : memref<10000x128xf32, #tpu.memory_space<vmem_shared>> -> memref<10000x128xf32, #tpu.memory_space<vmem_shared>>
          tpu.enqueue_indirect_dma source(%arg23 : memref<80x128xf32, #tpu.memory_space<vmem>>) target(%dma_start3A_123 : memref<10000x128xf32, #tpu.memory_space<vmem_shared>>) offsets(%arg19 : memref<80xi32, #tpu.memory_space<vmem>>) semaphore(%run_scoped3A : memref<!tpu.dma_semaphore, #tpu.memory_space<semaphore_mem>>) {add = true}
          %dma_wait3A_124 = arith.constant 0 : i32
          %dma_wait3A_125 = arith.constant 0 : i32
          %dma_wait3A_126 = tpu.memref_slice %arg24[%dma_wait3A_124, %dma_wait3A_125] : memref<10000x128xf32, #tpu.memory_space<vmem_shared>> -> memref<10000x128xf32, #tpu.memory_space<vmem_shared>>
          tpu.wait_indirect_dma semaphore(%run_scoped3A : memref<!tpu.dma_semaphore, #tpu.memory_space<semaphore_mem>>) src(%arg23 : memref<80x128xf32, #tpu.memory_space<vmem>>) dst(%dma_wait3A_126 : memref<10000x128xf32, #tpu.memory_space<vmem_shared>>)
          tpu.yield
        }) : () -> ()
      } else {
      }
      %scan3A_108 = arith.constant 0 : i32
      scf.yield %scan3A_108 : i32
    }
    %scan3A_54 = arith.constant 63 : i32
    %barrier3A_55 = arith.constant 0 : index
    tpu.barrier barrier_id(%barrier3A_55)
    %scan3A_56 = arith.constant 0 : i32
    %scan3A_57 = arith.constant 0 : i32
    %scan3A_58 = arith.constant 8 : i32
    %scan3A_59 = arith.addi %scan3A_57, %scan3A_58 : i32
    %scan3A_60 = arith.constant 1 : i32
    %scan3A_61 = scf.for %scan3A_63 = %scan3A_57 to %scan3A_59 step %scan3A_60 iter_args(%scan3A_64 = %scan3A_56) -> (i32)  : i32 {
      %mul3A_65 = arith.constant 16 : i32
      %mul3A_66 = arith.muli %scan3A_63, %mul3A_65 : i32
      %add3A_67 = arith.addi %arg1, %mul3A_66 : i32
      %lt3A = arith.constant 125 : i32
      %lt3A_68 = arith.cmpi slt, %add3A_67, %lt3A : i32
      %convert_element_type3A = arith.extui %lt3A_68 : i1 to i32
      %cond3A = arith.constant 0 : i32
      %cond3A_69 = arith.cmpi ne, %convert_element_type3A, %cond3A : i32
      scf.if %cond3A_69 {
        %mul3A_71 = arith.constant 80 : i32
        %mul3A_72 = arith.muli %add3A_67, %mul3A_71 : i32
        %mul3A_73 = arith.constant 80 : i32
        %mul3A_74 = arith.muli %add3A_67, %mul3A_73 : i32
        "tpu.region"() ({
          %run_scoped3A = tpu.sem_alloc : memref<!tpu.dma_semaphore, #tpu.memory_space<semaphore_mem>>
          %dma_start3A_75 = arith.constant 0 : i32
          %dma_start3A_76 = tpu.memref_slice %arg7[%arg0, %mul3A_74, %dma_start3A_75] : memref<2x10000x128xf32, #tpu.memory_space<hbm>> -> memref<1x80x128xf32, #tpu.memory_space<hbm>>
          %dma_start3A_77 = tpu.memref_squeeze %dma_start3A_76 : memref<1x80x128xf32, #tpu.memory_space<hbm>> -> memref<80x128xf32, #tpu.memory_space<hbm>>
          %dma_start3A_78 = arith.constant 0 : i32
          %dma_start3A_79 = tpu.memref_slice %arg24[%mul3A_72, %dma_start3A_78] : memref<10000x128xf32, #tpu.memory_space<vmem_shared>> -> memref<80x128xf32, #tpu.memory_space<vmem_shared>>
          tpu.enqueue_dma source(%dma_start3A_79 : memref<80x128xf32, #tpu.memory_space<vmem_shared>>) target(%dma_start3A_77 : memref<80x128xf32, #tpu.memory_space<hbm>>) target_semaphore(%run_scoped3A : memref<!tpu.dma_semaphore, #tpu.memory_space<semaphore_mem>>)
          %dma_wait3A_80 = arith.constant 0 : i32
          %dma_wait3A_81 = tpu.memref_slice %arg7[%arg0, %mul3A_74, %dma_wait3A_80] : memref<2x10000x128xf32, #tpu.memory_space<hbm>> -> memref<1x80x128xf32, #tpu.memory_space<hbm>>
          %dma_wait3A_82 = tpu.memref_squeeze %dma_wait3A_81 : memref<1x80x128xf32, #tpu.memory_space<hbm>> -> memref<80x128xf32, #tpu.memory_space<hbm>>
          %dma_wait3A_83 = arith.constant 0 : i32
          %dma_wait3A_84 = tpu.memref_slice %arg24[%mul3A_72, %dma_wait3A_83] : memref<10000x128xf32, #tpu.memory_space<vmem_shared>> -> memref<80x128xf32, #tpu.memory_space<vmem_shared>>
          tpu.wait_dma2 semaphore(%run_scoped3A : memref<!tpu.dma_semaphore, #tpu.memory_space<semaphore_mem>>) src(%dma_wait3A_84 : memref<80x128xf32, #tpu.memory_space<vmem_shared>>) dst(%dma_wait3A_82 : memref<80x128xf32, #tpu.memory_space<hbm>>)
          tpu.yield
        }) : () -> ()
      } else {
      }
      %scan3A_70 = arith.constant 0 : i32
      scf.yield %scan3A_70 : i32
    }
    %scan3A_62 = arith.constant 8 : i32
    return
  }
}

module attributes {stable_mosaic.version = 14 : i64} {
  func.func @_hall_body(%arg0: i32, %arg1: i32, %arg2: memref<1000x128xf32, #tpu.memory_space<vmem>>, %arg3: memref<1x128x128xf32, #tpu.memory_space<vmem>>, %arg4: memref<1x1000x128xf32, #tpu.memory_space<vmem>>) attributes {dimension_semantics = [#tpu.dimension_semantics<arbitrary>, #tpu.dimension_semantics<arbitrary>], iteration_bounds = array<i64: 8, 10>, scalar_prefetch = 0 : i64, scratch_operands = 0 : i64, tpu.core_type = #tpu.core_type<tc>, window_params = [{transform_indices = @transform_0, window_bounds = array<i64: 1000, 128>}, {transform_indices = @transform_1, window_bounds = array<i64: 1, 128, 128>}, {transform_indices = @transform_2, window_bounds = array<i64: 1, 1000, 128>}]} {
    %get3A = arith.constant 0 : index
    %get3A_0 = arith.constant 0 : index
    %get3A_1 = vector.load %arg2[%get3A, %get3A_0] : memref<1000x128xf32, #tpu.memory_space<vmem>>, vector<1000x128xf32>
    %get3A_2 = arith.constant 0 : index
    %get3A_3 = arith.constant 0 : index
    %get3A_4 = arith.constant 0 : index
    %get3A_5 = vector.load %arg3[%get3A_2, %get3A_3, %get3A_4] : memref<1x128x128xf32, #tpu.memory_space<vmem>>, vector<1x128x128xf32>
    %get3A_6 = vector.shape_cast %get3A_5 : vector<1x128x128xf32> to vector<128x128xf32>
    %dot_general3A = arith.constant dense<0.000000e+00> : vector<1000x128xf32>
    %dot_general3A_7 = tpu.matmul %get3A_1, %get3A_6, %dot_general3A {dimension_numbers = #tpu.dot_dimension_numbers<[1], [0], [0], [1], [0, 0, 1, 1], [], []>, transpose_lhs_hint = false} : vector<1000x128xf32>, vector<128x128xf32>, vector<1000x128xf32> -> vector<1000x128xf32>
    %swap3A = arith.constant 0 : index
    %swap3A_8 = arith.constant 0 : index
    %swap3A_9 = arith.constant 0 : index
    %swap3A_10 = vector.load %arg4[%swap3A, %swap3A_8, %swap3A_9] : memref<1x1000x128xf32, #tpu.memory_space<vmem>>, vector<1x1000x128xf32>
    %swap3A_11 = vector.shape_cast %swap3A_10 : vector<1x1000x128xf32> to vector<1000x128xf32>
    %swap3A_12 = vector.shape_cast %dot_general3A_7 : vector<1000x128xf32> to vector<1x1000x128xf32>
    tpu.vector_store %arg4[%swap3A, %swap3A_8, %swap3A_9], %swap3A_12 {strides = array<i32>} : memref<1x1000x128xf32, #tpu.memory_space<vmem>>, vector<1x1000x128xf32>,
    return
  }
  func.func @transform_0(%arg0: i32, %arg1: i32) -> (i32, i32) {
    %c0_i32 = arith.constant 0 : i32
    %c0_i32_0 = arith.constant 0 : i32
    return %arg1, %c0_i32 : i32, i32
  }
  func.func @transform_1(%arg0: i32, %arg1: i32) -> (i32, i32, i32) {
    %c0_i32 = arith.constant 0 : i32
    %c0_i32_0 = arith.constant 0 : i32
    %c0_i32_1 = arith.constant 0 : i32
    return %arg0, %c0_i32, %c0_i32_0 : i32, i32, i32
  }
  func.func @transform_2(%arg0: i32, %arg1: i32) -> (i32, i32, i32) {
    %c0_i32 = arith.constant 0 : i32
    %c0_i32_0 = arith.constant 0 : i32
    return %arg0, %arg1, %c0_i32 : i32, i32, i32
  }
}

module attributes {stable_mosaic.version = 14 : i64} {
  func.func @_inv_body(%arg0: memref<32x625x128xf32, #tpu.memory_space<vmem>>, %arg1: memref<625x128xf32, #tpu.memory_space<vmem>>) attributes {dimension_semantics = [], scalar_prefetch = 0 : i64, scratch_operands = 0 : i64, tpu.core_type = #tpu.core_type<tc>} {
    %get3A = arith.constant 0 : index
    %get3A_0 = arith.constant 0 : index
    %get3A_1 = arith.constant 0 : index
    %get3A_2 = vector.load %arg0[%get3A, %get3A_0, %get3A_1] : memref<32x625x128xf32, #tpu.memory_space<vmem>>, vector<32x625x128xf32>
    %reduce_sum3A = arith.constant dense<0.000000e+00> : vector<625x128xf32>
    %reduce_sum3A_3 = vector.multi_reduction <add>, %get3A_2, %reduce_sum3A [0] : vector<32x625x128xf32> to vector<625x128xf32>
    %max3A = arith.constant 1.000000e+00 : f32
    %max3A_4 = vector.broadcast %max3A : f32 to vector<625x128xf32>
    %max3A_5 = arith.maximumf %reduce_sum3A_3, %max3A_4 : vector<625x128xf32>
    %div3A = arith.constant 1.000000e+00 : f32
    %div3A_6 = vector.broadcast %div3A : f32 to vector<625x128xf32>
    %div3A_7 = arith.divf %div3A_6, %max3A_5 : vector<625x128xf32>
    %swap3A = arith.constant 0 : index
    %swap3A_8 = arith.constant 0 : index
    %swap3A_9 = vector.load %arg1[%swap3A, %swap3A_8] : memref<625x128xf32, #tpu.memory_space<vmem>>, vector<625x128xf32>
    tpu.vector_store %arg1[%swap3A, %swap3A_8], %div3A_7 {strides = array<i32>} : memref<625x128xf32, #tpu.memory_space<vmem>>, vector<625x128xf32>,
    return
  }
}

module attributes {stable_mosaic.version = 14 : i64} {
  func.func @_final_body(%arg0: i32, %arg1: memref<2000x128xf32, #tpu.memory_space<vmem>>, %arg2: memref<128x128xf32, #tpu.memory_space<vmem>>, %arg3: memref<1x128xf32, #tpu.memory_space<vmem>>, %arg4: memref<2x2000x128xf32, #tpu.memory_space<vmem>>, %arg5: memref<2000x128xf32, #tpu.memory_space<vmem>>) attributes {dimension_semantics = [#tpu.dimension_semantics<arbitrary>], iteration_bounds = array<i64: 5>, scalar_prefetch = 0 : i64, scratch_operands = 0 : i64, tpu.core_type = #tpu.core_type<tc>, window_params = [{transform_indices = @transform_0, window_bounds = array<i64: 2000, 128>}, {pipeline_mode = #tpu.pipeline_mode<synchronous>, transform_indices = @transform_1, window_bounds = array<i64: 128, 128>}, {pipeline_mode = #tpu.pipeline_mode<synchronous>, transform_indices = @transform_2, window_bounds = array<i64: 1, 128>}, {transform_indices = @transform_3, window_bounds = array<i64: 2, 2000, 128>}, {transform_indices = @transform_4, window_bounds = array<i64: 2000, 128>}]} {
    %get3A = arith.constant 0 : index
    %get3A_0 = arith.constant 0 : index
    %get3A_1 = vector.load %arg1[%get3A, %get3A_0] : memref<2000x128xf32, #tpu.memory_space<vmem>>, vector<2000x128xf32>
    %get3A_2 = arith.constant 0 : index
    %get3A_3 = arith.constant 0 : index
    %get3A_4 = vector.load %arg2[%get3A_2, %get3A_3] : memref<128x128xf32, #tpu.memory_space<vmem>>, vector<128x128xf32>
    %dot_general3A = arith.constant dense<0.000000e+00> : vector<2000x128xf32>
    %dot_general3A_5 = tpu.matmul %get3A_1, %get3A_4, %dot_general3A {dimension_numbers = #tpu.dot_dimension_numbers<[1], [0], [0], [1], [0, 0, 1, 1], [], []>, transpose_lhs_hint = false} : vector<2000x128xf32>, vector<128x128xf32>, vector<2000x128xf32> -> vector<2000x128xf32>
    %get3A_6 = arith.constant 0 : index
    %get3A_7 = arith.constant 0 : index
    %get3A_8 = vector.load %arg3[%get3A_6, %get3A_7] : memref<1x128xf32, #tpu.memory_space<vmem>>, vector<1x128xf32>
    %add3A = vector.broadcast %get3A_8 : vector<1x128xf32> to vector<2000x128xf32>
    %add3A_9 = arith.addf %dot_general3A_5, %add3A : vector<2000x128xf32>
    %get3A_10 = arith.constant 0 : index
    %get3A_11 = arith.constant 0 : index
    %get3A_12 = arith.constant 0 : index
    %get3A_13 = vector.load %arg4[%get3A_10, %get3A_11, %get3A_12] : memref<2x2000x128xf32, #tpu.memory_space<vmem>>, vector<1x2000x128xf32>
    %get3A_14 = vector.shape_cast %get3A_13 : vector<1x2000x128xf32> to vector<2000x128xf32>
    %add3A_15 = arith.addf %add3A_9, %get3A_14 : vector<2000x128xf32>
    %get3A_16 = arith.constant 1 : index
    %get3A_17 = arith.constant 0 : index
    %get3A_18 = arith.constant 0 : index
    %get3A_19 = vector.load %arg4[%get3A_16, %get3A_17, %get3A_18] : memref<2x2000x128xf32, #tpu.memory_space<vmem>>, vector<1x2000x128xf32>
    %get3A_20 = vector.shape_cast %get3A_19 : vector<1x2000x128xf32> to vector<2000x128xf32>
    %add3A_21 = arith.addf %add3A_15, %get3A_20 : vector<2000x128xf32>
    %swap3A = arith.constant 0 : index
    %swap3A_22 = arith.constant 0 : index
    %swap3A_23 = vector.load %arg5[%swap3A, %swap3A_22] : memref<2000x128xf32, #tpu.memory_space<vmem>>, vector<2000x128xf32>
    tpu.vector_store %arg5[%swap3A, %swap3A_22], %add3A_21 {strides = array<i32>} : memref<2000x128xf32, #tpu.memory_space<vmem>>, vector<2000x128xf32>,
    return
  }
  func.func @transform_0(%arg0: i32) -> (i32, i32) {
    %c0_i32 = arith.constant 0 : i32
    %c0_i32_0 = arith.constant 0 : i32
    return %arg0, %c0_i32 : i32, i32
  }
  func.func @transform_1(%arg0: i32) -> (i32, i32) {
    %c0_i32 = arith.constant 0 : i32
    %c0_i32_0 = arith.constant 0 : i32
    %c0_i32_1 = arith.constant 0 : i32
    return %c0_i32, %c0_i32_0 : i32, i32
  }
  func.func @transform_2(%arg0: i32) -> (i32, i32) {
    %c0_i32 = arith.constant 0 : i32
    %c0_i32_0 = arith.constant 0 : i32
    %c0_i32_1 = arith.constant 0 : i32
    return %c0_i32, %c0_i32_0 : i32, i32
  }
  func.func @transform_3(%arg0: i32) -> (i32, i32, i32) {
    %c0_i32 = arith.constant 0 : i32
    %c0_i32_0 = arith.constant 0 : i32
    %c0_i32_1 = arith.constant 0 : i32
    return %c0_i32, %arg0, %c0_i32_0 : i32, i32, i32
  }
  func.func @transform_4(%arg0: i32) -> (i32, i32) {
    %c0_i32 = arith.constant 0 : i32
    %c0_i32_0 = arith.constant 0 : i32
    return %arg0, %c0_i32 : i32, i32
  }
}

</mosaic_0001>

<sc_bundles>
// kernel: kernel.10.cloned.1.call-start
scs
__scs_entry_jumppad:
0x0: {  	(pc) =	sbr.rel $0x88, $3  }
0x1: {  	(tag) =	ssettag $0x0;
	lr =	simm.s32 $0x1  }
0x2: {  	[smem:$0x3F9B] =	sst lr;
	_ =	strace $0xD0000000  }
0x3: {  	_ = 	snop  }
0x4: {  	_ = 	snop  }
0x5: {  	_ = 	snop  }
0x6: {  	_ = 	snop  }
0x7: {  	_ = 	snop  }
__scs_overlays_trampoline_lowered:
0x8: {  	[smem:$0x3FAA] =	sst s0  }
0x9: {  	[smem:$0x3FAB] =	sst s1  }
0xa: {  	[smem:$0x3FAC] =	sst s2  }
0xb: {  	[smem:$0x3FAD] =	sst s3  }
0xc: {  	[smem:$0x3FAE] =	sst s4  }
0xd: {  	[smem:$0x3FAF] =	sst s5  }
0xe: {  	[smem:$0x3FB0] =	sst s6  }
0xf: {  	[smem:$0x3FB1] =	sst s7  }
0x10: {  	[smem:$0x3FB2] =	sst s8  }
0x11: {  	[smem:$0x3FB3] =	sst s9;
	s0 =	simm.s32 @!p0 $0x0  }
0x12: {  	s1 =	sld [smem:$0x3F99];
	s0 =	simm.s32 @p0 $0x1  }
0x13: {  	[smem:$0x3FB4] =	sst s0;
	s0 =	simm.s32 @!p1 $0x0  }
0x14: {  	s2 =	sld [smem:$0x3F98];
	s0 =	simm.s32 @p1 $0x1  }
0x15: {  	[smem:$0x3FB5] =	sst s0;
	s0 =	simm.s32 @!p2 $0x0  }
0x16: {  	s3 =	sld [smem:$0x3FDB];
	s0 =	simm.s32 @p2 $0x1  }
0x17: {  	s4 =	simm.s32 $0x1BF5;
	[smem:$0x3FB7] =	sst s0  }
0x18: {  	s0 =	sld [smem:$0x3F9A];
	_ =	swait.ge [sflag:s4], $0x0  }
0x19: {  	s7 =	sld [smem:$0x3F9B]  }
0x1a: {  	s8 =	sadd.s32 $0xFFFFE003, lr  }
0x1b: {  	s9 =	sadd.s32 $0xFFFFFEF7, lr;
	s5 =	simm.s32 $0xFFFFFFFF;
	p2 =	slt.u32 s8, $0xFFFFF086  }
0x1c: {  	p1 =	slt.u32 s9, $0xF7A;
	s5 =	simm.s32 @!p2 $0x0  }
0x1d: {  	s5 =	simm.s32 @p1 $0x1;
	p0 =	seq.s32 s7, s2  }
0x1e: {  	s7 =	smul.u32 @!p0 $0xF7A, s2;
	p2 =	seq.s32 @!p0 s5, $0x0  }
0x1f: {  	s9 =	smul.u32 $0xF7A, s1;
	s8 =	simm.s32 @!p0 $0x1BF5;
	p2 =	por !p2, p0  }
0x20: {  	[sflag:s8] =	ssyncset.s32 @!p0 $0xFFFFF086;
	s6 =	sadd.s32 @!p0 s3, s7;
	s7 =	simm.s32 @!p0 $0x108  }
0x21: {  	s3 =	sadd.s32 s3, s9;
	s6 =	sadd.s32 @!p0 $0x88, s6;
	s7 =	simm.s32 @p2 $0x1082  }
0x22: {  	[simem:s7], [sflag:s8] =	dma.local @!p0 [hbm:s6], $0xF7A  }
0x23: {  	s9 =	sor.u32 $0xD0000000, s2;
	s6 =	simm.s32 $0x108;
	_ =	swait.ge @!p0 [sflag:s8], $0x0  }
0x24: {  	s3 =	sadd.s32 $0x88, s3;
	s6 =	simm.s32 @!p1 $0x1082;
	[sflag:s4] =	ssyncset.s32 $0xFFFFF086  }
0x25: {  	[simem:s6], [sflag:s4] =	dma.local [hbm:s3], $0xF7A  }
0x26: {  	[smem:$0x3F9B] =	sst s1;
	(tag) =	ssettag s2;
	_ =	strace s9  }
0x27: {  	s1 =	sld [smem:$0x3FAB]  }
0x28: {  	s2 =	sld [smem:$0x3FAC]  }
0x29: {  	s4 =	sld [smem:$0x3FAE]  }
0x2a: {  	p0 =	seq.s32 s5, $0x0;
	s5 =	sld [smem:$0x3FAF]  }
0x2b: {  	s6 =	sld [smem:$0x3FB0]  }
0x2c: {  	s7 =	sld [smem:$0x3FB1]  }
0x2d: {  	s3 =	simm.s32 $0x108;
	s8 =	sld [smem:$0x3FB2]  }
0x2e: {  	s3 =	simm.s32 @!p0 $0x1082;
	s9 =	sld [smem:$0x3FB3]  }
0x2f: {  	lr =	sadd.s32 s0, s3;
	s0 =	sld [smem:$0x3FAA]  }
0x30: {  	s3 =	sld [smem:$0x3FAD]  }
0x31: {  	[smem:$0x3FB6] =	sst s10  }
0x32: {  	s10 =	sld [smem:$0x3FB4];
	_ =	sdelay $0x3  }
0x33: {  	p0 =	seq.s32 s10, $0x1;
	s10 =	sld [smem:$0x3FB6];
	_ =	sdelay $0x3  }
0x34: {  	[smem:$0x3FB6] =	sst s10  }
0x35: {  	s10 =	sld [smem:$0x3FB5];
	_ =	sdelay $0x3  }
0x36: {  	p1 =	seq.s32 s10, $0x1;
	s10 =	sld [smem:$0x3FB6];
	_ =	sdelay $0x3  }
0x37: {  	[smem:$0x3FB6] =	sst s10  }
0x38: {  	s10 =	sld [smem:$0x3FB7]  }
0x39: {  	_ = 	snop;
	(pc) =	sbr.ind lr, $3  }
0x3a: {  	_ = 	snop  }
0x3b: {  	_ = 	snop  }
0x3c: {  	p2 =	seq.s32 s10, $0x1;
	s10 =	sld [smem:$0x3FB6]  }
0x3d: {  	_ =	shalt  }
0x3e: {  	_ =	shalt  }
0x3f: {  	_ =	shalt  }
0x40: {  	_ =	shalt  }
0x41: {  	_ =	shalt  }
0x42: {  	_ =	shalt  }
0x43: {  	_ =	shalt  }
0x44: {  	_ =	shalt  }
0x45: {  	_ =	shalt  }
0x46: {  	_ =	shalt  }
0x47: {  	_ =	shalt  }
0x48: {  	_ =	shalt  }
0x49: {  	_ =	shalt  }
0x4a: {  	_ =	shalt  }
0x4b: {  	_ =	shalt  }
0x4c: {  	_ =	shalt  }
0x4d: {  	_ =	shalt  }
0x4e: {  	_ =	shalt  }
0x4f: {  	_ =	shalt  }
0x50: {  	_ =	shalt  }
0x51: {  	_ =	shalt  }
0x52: {  	_ =	shalt  }
0x53: {  	_ =	shalt  }
0x54: {  	_ =	shalt  }
0x55: {  	_ =	shalt  }
0x56: {  	_ =	shalt  }
0x57: {  	_ =	shalt  }
0x58: {  	_ =	shalt  }
0x59: {  	_ =	shalt  }
0x5a: {  	_ =	shalt  }
0x5b: {  	_ =	shalt  }
0x5c: {  	_ =	shalt  }
0x5d: {  	_ =	shalt  }
0x5e: {  	_ =	shalt  }
0x5f: {  	_ =	shalt  }
0x60: {  	_ =	shalt  }
0x61: {  	_ =	shalt  }
0x62: {  	_ =	shalt  }
0x63: {  	_ =	shalt  }
0x64: {  	_ =	shalt  }
0x65: {  	_ =	shalt  }
0x66: {  	_ =	shalt  }
0x67: {  	_ =	shalt  }
0x68: {  	_ =	shalt  }
0x69: {  	_ =	shalt  }
0x6a: {  	_ =	shalt  }
0x6b: {  	_ =	shalt  }
0x6c: {  	_ =	shalt  }
0x6d: {  	_ =	shalt  }
0x6e: {  	_ =	shalt  }
0x6f: {  	_ =	shalt  }
0x70: {  	_ =	shalt  }
0x71: {  	_ =	shalt  }
0x72: {  	_ =	shalt  }
0x73: {  	_ =	shalt  }
0x74: {  	_ =	shalt  }
0x75: {  	_ =	shalt  }
0x76: {  	_ =	shalt  }
0x77: {  	_ =	shalt  }
0x78: {  	_ =	shalt  }
0x79: {  	_ =	shalt  }
0x7a: {  	_ =	shalt  }
0x7b: {  	_ =	shalt  }
0x7c: {  	_ =	shalt  }
0x7d: {  	_ =	shalt  }
0x7e: {  	_ =	shalt  }
0x7f: {  	_ =	shalt  }
0x80: {  	_ =	shalt  }
0x81: {  	_ =	shalt  }
0x82: {  	_ =	shalt  }
0x83: {  	_ =	shalt  }
0x84: {  	_ =	shalt  }
0x85: {  	_ =	shalt  }
0x86: {  	_ =	shalt  }
0x87: {  	_ =	shalt  }
.Lfunc_end0:
.L_simem_size_0:
called_computation.1_lowered:
.L_overlay_start_0:
0x88: {  	s2 =	sld [smem:$0x3FD9]  }
0x89: {  	s3 =	sld [smem:$0x3FFE];
	_ =	sdelay $0x1  }
0x8a: {  	s1 =	srdreg.scid  }
0x8b: {  	s0 =	sand.u32 $0x1, s1  }
0x8c: {  	s17 =	sshll.u32 s0, $0xA;
	s2 =	sadd.s32 s3, s2  }
0x8d: {  	s2 =	sadd.s32 s2, s17  }
0x8e: {  	[smem:$0x3FC2] =	sst s2  }
0x8f: {  	_ = 	snop  }
0x90: {  	s2 =	sld [smem:$0x3FC7]  }
0x91: {  	s18 =	sld [smem:$0x3FD0];
	(tm) =	ssettm $0x1  }
0x92: {  	s4 =	sld [smem:$0x3FFB];
	_ =	sdelay $0x3  }
0x93: {  	_ =	strace s4  }
0x94: {  	s4 =	sld [smem:$0x3FFC];
	_ =	sdelay $0x3  }
0x95: {  	_ =	strace s4  }
0x96: {  	s4 =	sld [smem:$0x3FFD];
	_ =	sdelay $0x3  }
0x97: {  	_ =	strace s4  }
0x98: {  	_ =	strace $0x8FFFFFFF  }
0x99: {  	s19 =	sld [smem:$0x3FDB];
	_ =	sdelay $0x1  }
0x9a: {  	s5 =	simm.s32 $_scs_section_size  }
0x9b: {  	s6 =	simm.s32 $_size__tile_overlayer_lowered;
	s7 =	simm.s32 $_tile_overlayer_lowered  }
0x9c: {  	s22 =	simm.s32 $0x1BFF;
	s21 =	sshll.u32 s7, $0x1;
	s4 =	sadd.s32 s5, s19  }
0x9d: {  	s8 =	simm.s32 $0x0;
	s20 =	sshll.u32 s6, $0x1;
	s6 =	sadd.s32 s21, s4  }
0x9e: {  	[timem:s8], [sflag:s22] =	dma.local [hbm:s6], s20  }
0x9f: {  	_ =	swait.ge [sflag:s22], s20  }
0xa0: {  	s5 =	ssub.s32 $0x0, s20;
	[sflag:s22] =	ssyncset.done $0x0  }
0xa1: {  	[sflag:s22] =	ssyncadd.s32 s5;
	_ =	sdelay $0x1  }
0xa2: {  	s23 =	simm.s32 $0x1B8B  }
0xa3: {  	_ =	swait.ge [sflag:s23], $0x1  }
0xa4: {  	[sflag:s23] =	ssyncset.done $0x0  }
0xa5: {  	s25 =	simm.s32 $0x1B8E;
	s24 =	sld [smem:$0x3FFE];
	[sflag:s23] =	ssyncadd.s32 $0xFFFFFFFF  }
0xa6: {  	s26 =	simm.s32 $execute0_lowered;
	[smem:$0x3FD2] =	sst s25  }
0xa7: {  	s6 =	sshll.u32 s26, $0x1;
	_ =	strace $0x80000049;
	[dreg:$0x1] =	wrdreg $0xFFFFFFFF  }
0xa8: {  	s28 =	simm.s32 $_size_execute0_lowered;
	s4 =	sadd.s32 s4, s6;
	[dreg:$0x0] =	wrdreg $0x0  }
0xa9: {  	s6 =	sshll.u32 s28, $0x1;
	[dreg:$0x2] =	wrdreg s4  }
0xaa: {  	[dreg:$0x3] =	wrdreg s6  }
0xab: {  	[dreg:$0x4] =	wrdreg $0xC0  }
0xac: {  	_ =	task [dreg:s8], $0x5FFFF  }
0xad: {  	[dreg:$0x1] =	wrdreg $0xFFFFFFFF  }
0xae: {  	[dreg:$0x0] =	wrdreg $0x60  }
0xaf: {  	[dreg:$0x2] =	wrdreg s24  }
0xb0: {  	[dreg:$0x3] =	wrdreg s18  }
0xb1: {  	[dreg:$0x4] =	wrdreg s2  }
0xb2: {  	[dreg:$0x5] =	wrdreg $0x57000  }
0xb3: {  	[dreg:$0x6] =	wrdreg $0x9  }
0xb4: {  	_ =	task.clear_ibuf [dreg:s8], $0x7FFFF;
	_ =	strace $0x90000049  }
0xb5: {  	s29 =	simm.s32 $0x9;
	_ =	strace $0x8000004B  }
0xb6: {  	_ =	swait.ge [sflag:s29], $0x1  }
0xb7: {  	[sflag:s29] =	ssyncadd.s32 $0xFFFFFFFF  }
0xb8: {  	_ =	strace $0x9000004B  }
0xb9: {  	_ =	sfence  }
0xba: {  	s30 =	sld [smem:$0x0];
	_ =	sdelay $0x2  }
0xbb: {  	s31 =	sshll.u32 s1, $0xD;
	s1 =	sshrl.u32 s1, $0x2  }
0xbc: {  	s3 =	sand.u32 $0x4000, s31;
	s1 =	sadd.s32 s1, s30  }
0xbd: {  	s0 =	sor.u32 s3, s0;
	s1 =	sshll.u32 s1, $0x11  }
0xbe: {  	s0 =	sor.u32 s1, s0  }
0xbf: {  	s0 =	sadd.s32 $0x8F2B, s0  }
0xc0: {  	[sflag:s0] =	ssyncadd.remote.s32 $0x1  }
0xc1: {  	_ =	sfence.sel $0xFFFF  }
0xc2: {  	[dreg:$0x0] =	wrdreg $0xFFFFFFFF;
	(pc) =	sbr.abs _section_cstart, $3  }
0xc3: {  	[dreg:$0x1] =	wrdreg $0xFFFFFFFF  }
0xc4: {  	_ =	task.clear_ibuf [dreg:s8], $0x2FFFF;
	_ =	strace $0x9FFFFFFF  }
0xc5: {  	(tm) =	ssettm $0x7FFFFFFF  }
tec
execute0_lowered:
.L_overlay_start_1:
0x0: {  	(tag) =	ssettag $0x1  }
0x1: {  	s0 =	rddreg [dreg:$0x0]  }
0x2: {  	s1 =	rddreg [dreg:$0x1]  }
0x3: {  	s2 =	rddreg [dreg:$0x2]  }
0x4: {  	s5 =	srdreg.scid;
	s24 =	stileid.u32  }
0x5: {  	s3 =	rddreg [dreg:$0x3];
	s5 =	sand.u32 $0x1, s5;
	s9 =	smul.u32 $0x2800, s24  }
0x6: {  	s4 =	simm.s32 $0x0;
	s8 =	sor.u32 $0x10, s24;
	s7 =	smul.u32 $0x138800, s5  }
0x7: {  	s28 =	simm.s32 $0x4;
	s11 =	sor.u32 $0x20, s24;
	s12 =	smul.u32 $0x2800, s8  }
0x8: {  	s29 =	simm.s32 $0x580;
	s14 =	sor.u32 $0x30, s24;
	s15 =	smul.u32 $0x2800, s11  }
0x9: {  	s30 =	simm.s32 $0x2F00;
	s18 =	sor.u32 $0x50, s24;
	s16 =	smul.u32 $0x2800, s14  }
0xa: {  	s31 =	simm.s32 $0x2;
	s21 =	sor.u32 $0x70, s24;
	s20 =	smul.u32 $0x2800, s18  }
0xb: {  	[smem:$0x7FF] =	sst s4;
	s17 =	sshll.u32 s24, $0x1;
	s23 =	smul.u32 $0x2800, s21  }
0xc: {  	s10 =	ssub.s32 $0x2, s5;
	s5 =	sor.u32 s5, s17;
	s18 =	smul.u32 $0xA000, s18  }
0xd: {  	s17 =	sor.u32 $0x60, s24;
	p0 =	sgt.u32 s21, $0x7C;
	s21 =	smul.u32 $0xA000, s21  }
0xe: {  	s6 =	sadd.s32 $0x1200, s0;
	s13 =	sshrl.u32 s10, $0x1;
	s22 =	smul.u32 $0x2800, s17  }
0xf: {  	_ =	strace $0x8000004A;
	s5 =	smul.u32 $0x2710, s5;
	s10 =	ssub.s32 s10, s13  }
0x10: {  	s13 =	sor.u32 $0x40, s24;
	s9 =	sadd.s32 s7, s9;
	s12 =	sadd.s32 s7, s12  }
0x11: {  	s15 =	sadd.s32 s7, s15;
	s16 =	sadd.s32 s7, s16;
	s19 =	smul.u32 $0x2800, s13  }
0x12: {  	s20 =	sadd.s32 s7, s20;
	s22 =	sadd.s32 s7, s22;
	s13 =	smul.u32 $0xA000, s13  }
0x13: {  	s9 =	sshrl.u32 s9, $0x3;
	s25 =	sshrl.u32 s22, $0x3;
	s22 =	smul.u32 $0xA000, s8  }
0x14: {  	s12 =	sshrl.u32 s12, $0x3;
	s20 =	sshrl.u32 s20, $0x3;
	s8 =	smul.u32 $0xA000, s24  }
0x15: {  	s19 =	sadd.s32 s7, s19;
	s7 =	sadd.s32 s7, s23;
	s23 =	sadd.s32 $0x191A00, s0  }
0x16: {  	s24 =	sadd.s32 $0xF0, s5;
	s9 =	sadd.s32 s23, s9;
	s26 =	sadd.s32 s23, s12  }
0x17: {  	s12 =	sshrl.u32 s15, $0x3;
	s15 =	sshrl.u32 s16, $0x3;
	[dreg:$0x5] =	wrdreg s9  }
0x18: {  	s16 =	sshrl.u32 s19, $0x3;
	[dreg:$0x6] =	wrdreg s26;
	s9 =	sadd.s32 s23, s12  }
0x19: {  	s7 =	sshrl.u32 s7, $0x3;
	s19 =	sadd.s32 s23, s16;
	[dreg:$0x7] =	wrdreg s9  }
0x1a: {  	s7 =	sadd.s32 s23, s7;
	s26 =	sshrl.u32 s5, $0x3;
	[dreg:$0x9] =	wrdreg s19  }
0x1b: {  	s16 =	sadd.s32 $0xB000, s0;
	s9 =	sadd.s32 s23, s15;
	[dreg:$0xc] =	wrdreg s7  }
0x1c: {  	s15 =	sadd.s32 $0x59200, s0;
	s12 =	sadd.s32 s1, s26;
	s19 =	sadd.s32 s2, s26  }
0x1d: {  	s7 =	sshrl.u32 s22, $0x2;
	s22 =	sshrl.u32 s18, $0x2;
	[dreg:$0x8] =	wrdreg s9  }
0x1e: {  	s18 =	simm.s32 $0x50;
	s9 =	sadd.s32 s23, s20;
	[dreg:$0xe] =	wrdreg s12  }
0x1f: {  	[dreg:$0xf] =	wrdreg s19;
	s20 =	sadd.s32 $0xA, s26;
	s12 =	sadd.s32 s7, s3  }
0x20: {  	s7 =	simm.s32 $0x0;
	[dreg:$0xa] =	wrdreg s9;
	s9 =	sadd.s32 s23, s25  }
0x21: {  	s25 =	sadd.s32 s6, s20;
	s0 =	sadd.s32 s2, s20;
	[dreg:$0x15] =	wrdreg s12  }
0x22: {  	s23 =	sadd.s32 $0xA0, s5;
	s12 =	simm.s32 $0x80;
	[dreg:$0xb] =	wrdreg s9  }
0x23: {  	s9 =	sadd.s32 s6, s26;
	[dreg:$0x10] =	wrdreg s25;
	s26 =	sadd.s32 s1, s20  }
0x24: {  	[dreg:$0x12] =	wrdreg s0;
	s0 =	sshrl.u32 s8, $0x2;
	s20 =	smul.u32 $0xA000, s17  }
0x25: {  	s8 =	simm.s32 $0x700;
	s17 =	simm.s32 $0x1;
	[dreg:$0xd] =	wrdreg s9  }
0x26: {  	[dreg:$0x11] =	wrdreg s26;
	s9 =	smax.u32 s10, $0x1;
	s10 =	smul.u32 $0xA000, s11  }
0x27: {  	s11 =	smul.u32 $0xA000, s14;
	s0 =	sadd.s32 s0, s3;
	[dreg:$0x13] =	wrdreg s9  }
0x28: {  	s26 =	sshrl.u32 s21, $0x2;
	s21 =	simm.s32 $0x600;
	[dreg:$0x14] =	wrdreg s0  }
0x29: {  	s0 =	sshrl.u32 s13, $0x2;
	s9 =	simm.s32 $0x5;
	s13 =	simm.s32 $0x180  }
0x2a: {  	s5 =	sshrl.u32 s10, $0x2;
	s14 =	sshrl.u32 s11, $0x2;
	s0 =	sadd.s32 s0, s3  }
0x2b: {  	s10 =	simm.s32 $0x100;
	s11 =	simm.s32 $0x200;
	s5 =	sadd.s32 s5, s3  }
0x2c: {  	v0 =	vimm.f32 $0.0e+00;
	vm0 =	vmmov $0x1;
	s19 =	sadd.s32 s14, s3;
	[dreg:$0x18] =	wrdreg s0;
	s0 =	sadd.s32 s22, s3  }
.Ltmp0:
0x2d: {  	vm1 =	vcmask $0x308;
	vm2 =	vcmask $0x70C;
	vm3 =	vcmask $0xB10;
	s14 =	simm.s32 $0x280;
	[dreg:$0x16] =	wrdreg s5;
	(pc) =	sbr.rel .LBB2_1-.Ltmp0, $4  }
0x2e: {  	vm4 =	vcmask $0xF14;
	vm5 =	vcmask $0x1318;
	vm6 =	vcmask $0x171C;
	s22 =	simm.s32 $0x3;
	[dreg:$0x17] =	wrdreg s19;
	s5 =	sshrl.u32 s20, $0x2  }
0x2f: {  	vm7 =	vcmask $0x1B20;
	vm8 =	vcmask $0x1F24;
	vm9 =	vcmask $0x2328;
	[dreg:$0x19] =	wrdreg s0;
	s0 =	sadd.s32 s26, s3;
	s19 =	simm.s32 $0x300  }
0x30: {  	vm10 =	vcmask $0x272C;
	vm11 =	vcmask $0x2B30;
	vm12 =	vcmask $0x2F34;
	s20 =	simm.s32 $0x400;
	s25 =	sadd.s32 s5, s3;
	[dreg:$0x1b] =	wrdreg s0  }
0x31: {  	vm13 =	vcmask $0x3338;
	vm14 =	vcmask $0x373C;
	vm15 =	vmmov $0x7fff;
	s26 =	simm.s32 $0x6;
	[dreg:$0x1a] =	wrdreg s25;
	s25 =	simm.s32 $0x500  }
.LBB2_14:
0x32: {  	s0 =	stileid.u32;
	[bflag:$0x0] =	sbarrier.arrive $0xFFFF  }
0x33: {  	s0 =	sshll.u32 s0, $0x6;
	s5 =	rddreg [dreg:$0x14]  }
0x34: {  	s7 =	rddreg [dreg:$0x5];
	s0 =	sor.u32 $0x1C05, s0;
	s5 =	sshrl.u32 s5, $0x3  }
0x35: {  	[hbm:s7], [sflag:s0] =	dma.local [spmem:s5], $0x500  }
0x36: {  	_ =	swait.ge [sflag:s9], $0x500  }
0x37: {  	[sflag:s9] =	ssyncset.done $0x0;
	s7 =	rddreg [dreg:$0x15]  }
0x38: {  	[sflag:s9] =	ssyncadd.s32 $0xFFFFFB00;
	s5 =	sshrl.u32 s7, $0x3;
	s7 =	rddreg [dreg:$0x6]  }
0x39: {  	[hbm:s7], [sflag:s0] =	dma.local [spmem:s5], $0x500  }
0x3a: {  	_ =	swait.ge [sflag:s9], $0x500  }
0x3b: {  	[sflag:s9] =	ssyncset.done $0x0;
	s7 =	rddreg [dreg:$0x16]  }
0x3c: {  	[sflag:s9] =	ssyncadd.s32 $0xFFFFFB00;
	s5 =	sshrl.u32 s7, $0x3;
	s7 =	rddreg [dreg:$0x7]  }
0x3d: {  	[hbm:s7], [sflag:s0] =	dma.local [spmem:s5], $0x500  }
0x3e: {  	_ =	swait.ge [sflag:s9], $0x500  }
0x3f: {  	[sflag:s9] =	ssyncset.done $0x0;
	s7 =	rddreg [dreg:$0x17]  }
0x40: {  	[sflag:s9] =	ssyncadd.s32 $0xFFFFFB00;
	s5 =	sshrl.u32 s7, $0x3;
	s7 =	rddreg [dreg:$0x8]  }
0x41: {  	[hbm:s7], [sflag:s0] =	dma.local [spmem:s5], $0x500  }
0x42: {  	_ =	swait.ge [sflag:s9], $0x500  }
0x43: {  	[sflag:s9] =	ssyncset.done $0x0;
	s7 =	rddreg [dreg:$0x18]  }
0x44: {  	[sflag:s9] =	ssyncadd.s32 $0xFFFFFB00;
	s5 =	sshrl.u32 s7, $0x3;
	s7 =	rddreg [dreg:$0x9]  }
0x45: {  	[hbm:s7], [sflag:s0] =	dma.local [spmem:s5], $0x500  }
0x46: {  	_ =	swait.ge [sflag:s9], $0x500  }
0x47: {  	[sflag:s9] =	ssyncset.done $0x0;
	s7 =	rddreg [dreg:$0x19]  }
0x48: {  	[sflag:s9] =	ssyncadd.s32 $0xFFFFFB00;
	s5 =	sshrl.u32 s7, $0x3;
	s7 =	rddreg [dreg:$0xa]  }
0x49: {  	[hbm:s7], [sflag:s0] =	dma.local [spmem:s5], $0x500  }
0x4a: {  	_ =	swait.ge [sflag:s9], $0x500  }
0x4b: {  	[sflag:s9] =	ssyncset.done $0x0;
	s7 =	rddreg [dreg:$0x1a]  }
0x4c: {  	[sflag:s9] =	ssyncadd.s32 $0xFFFFFB00;
	s5 =	sshrl.u32 s7, $0x3;
	s7 =	rddreg [dreg:$0xb]  }
0x4d: {  	[hbm:s7], [sflag:s0] =	dma.local [spmem:s5], $0x500  }
0x4e: {  	_ =	swait.ge [sflag:s9], $0x500  }
0x4f: {  	[sflag:s9] =	ssyncset.done $0x0;
	s5 =	rddreg [dreg:$0x1b]  }
0x50: {  	s7 =	rddreg [dreg:$0xc];
	[sflag:s9] =	ssyncadd.s32 $0xFFFFFB00;
	s5 =	sshrl.u32 @!p0 s5, $0x3  }
0x51: {  	[hbm:s7], [sflag:s0] =	dma.local @!p0 [spmem:s5], $0x500  }
0x52: {  	s0 =	simm.s32 @!p0 $0x5  }
0x53: {  	_ =	swait.ge @!p0 [sflag:s0], $0x500  }
0x54: {  	s5 =	rddreg [dreg:$0x1c]  }
0x55: {  	s7 =	sadd.s32 $0x1, s5;
	s5 =	rddreg [dreg:$0x13]  }
0x56: {  	p1 =	sne.s32 s7, s5  }
.Ltmp1:
0x57: {  	_ = 	snop;
	(pc) =	sbr.rel @!p1 .LBB2_15-.Ltmp1, $3  }
0x58: {  	_ =	sdelay $0x1  }
0x59: {  	[sflag:s0] =	ssyncset.done @!p0 $0x0  }
0x5a: {  	[sflag:s0] =	ssyncadd.s32 @!p0 $0xFFFFFB00  }
.LBB2_1:
0x5b: {  	[dreg:$0x1c] =	wrdreg s7;
	s0 =	simm.s32 $0x0;
	s5 =	simm.s32 $0x200  }
.LBB2_2:
0x5c: {  	p1 =	sne.s32 s5, $0x9E00;
	[tilespmem:s0+$0x770] =	vst v0  }
0x5d: {  	[tilespmem:s0+$0x700] =	vst v0  }
0x5e: {  	[tilespmem:s0+$0x710] =	vst v0  }
.Ltmp2:
0x5f: {  	[tilespmem:s0+$0x720] =	vst v0;
	(pc) =	sbr.rel @p1 .LBB2_2-.Ltmp2, $4  }
0x60: {  	[tilespmem:s0+$0x730] =	vst v0  }
0x61: {  	[tilespmem:s0+$0x740] =	vst v0  }
0x62: {  	[tilespmem:s0+$0x750] =	vst v0  }
0x63: {  	[tilespmem:s0+$0x760] =	vst v0;
	s0 =	sshra.s32 s5, $0x2;
	s5 =	sadd.s32 $0x200, s5  }
0x64: {  	[tilespmem:s0+$0x770] =	vst v0  }
0x65: {  	[tilespmem:s0+$0x700] =	vst v0  }
0x66: {  	[tilespmem:s0+$0x710] =	vst v0  }
0x67: {  	[tilespmem:s0+$0x720] =	vst v0  }
0x68: {  	[tilespmem:s0+$0x730] =	vst v0  }
0x69: {  	[tilespmem:s0+$0x740] =	vst v0  }
0x6a: {  	[tilespmem:s0+$0x750] =	vst v0  }
0x6b: {  	[tilespmem:s0+$0x760] =	vst v0;
	s5 =	rddreg [dreg:$0x14]  }
0x6c: {  	[spmem:s5] =	stream.linear.scatter [tilespmem:s8], [sflag:$0x5], $0x2800, $0x38;
	[tilespmem:$0x18F80] =	vst v63  }
0x6d: {  	_ =	swait.ge [sflag:s9], $0x2800  }
0x6e: {  	[sflag:s9] =	ssyncset.done $0x0  }
0x6f: {  	s7 =	rddreg [dreg:$0x15];
	[sflag:s9] =	ssyncadd.s32 $0xFFFFD800  }
0x70: {  	[spmem:s7] =	stream.linear.scatter [tilespmem:s8], [sflag:$0x5], $0x2800, $0x38;
	[tilespmem:$0x18F80] =	vst v63  }
0x71: {  	_ =	swait.ge [sflag:s9], $0x2800  }
0x72: {  	[sflag:s9] =	ssyncset.done $0x0  }
0x73: {  	s5 =	rddreg [dreg:$0x16];
	[sflag:s9] =	ssyncadd.s32 $0xFFFFD800  }
0x74: {  	[spmem:s5] =	stream.linear.scatter [tilespmem:s8], [sflag:$0x5], $0x2800, $0x38;
	[tilespmem:$0x18F80] =	vst v63  }
0x75: {  	_ =	swait.ge [sflag:s9], $0x2800  }
0x76: {  	[sflag:s9] =	ssyncset.done $0x0  }
0x77: {  	s7 =	rddreg [dreg:$0x17];
	[sflag:s9] =	ssyncadd.s32 $0xFFFFD800  }
0x78: {  	[spmem:s7] =	stream.linear.scatter [tilespmem:s8], [sflag:$0x5], $0x2800, $0x38;
	[tilespmem:$0x18F80] =	vst v63  }
0x79: {  	_ =	swait.ge [sflag:s9], $0x2800  }
0x7a: {  	[sflag:s9] =	ssyncset.done $0x0  }
0x7b: {  	s5 =	rddreg [dreg:$0x18];
	[sflag:s9] =	ssyncadd.s32 $0xFFFFD800  }
0x7c: {  	[spmem:s5] =	stream.linear.scatter [tilespmem:s8], [sflag:$0x5], $0x2800, $0x38;
	[tilespmem:$0x18F80] =	vst v63  }
0x7d: {  	_ =	swait.ge [sflag:s9], $0x2800  }
0x7e: {  	[sflag:s9] =	ssyncset.done $0x0  }
0x7f: {  	s7 =	rddreg [dreg:$0x19];
	[sflag:s9] =	ssyncadd.s32 $0xFFFFD800  }
0x80: {  	[spmem:s7] =	stream.linear.scatter [tilespmem:s8], [sflag:$0x5], $0x2800, $0x38;
	[tilespmem:$0x18F80] =	vst v63  }
0x81: {  	_ =	swait.ge [sflag:s9], $0x2800  }
0x82: {  	[sflag:s9] =	ssyncset.done $0x0  }
0x83: {  	s5 =	rddreg [dreg:$0x1a];
	[sflag:s9] =	ssyncadd.s32 $0xFFFFD800  }
0x84: {  	[spmem:s5] =	stream.linear.scatter [tilespmem:s8], [sflag:$0x5], $0x2800, $0x38;
	[tilespmem:$0x18F80] =	vst v63  }
0x85: {  	_ =	swait.ge [sflag:s9], $0x2800  }
0x86: {  	[sflag:s9] =	ssyncset.done $0x0  }
0x87: {  	s0 =	simm.s32 @!p0 $0x700;
	s5 =	rddreg [dreg:$0x1b];
	[sflag:s9] =	ssyncadd.s32 $0xFFFFD800  }
0x88: {  	[spmem:s5] =	stream.linear.scatter @!p0 [tilespmem:s0], [sflag:$0x5], $0x2800, $0x38;
	[tilespmem:$0x18F80] =	vst v63  }
0x89: {  	s0 =	simm.s32 @!p0 $0x5  }
0x8a: {  	_ =	swait.ge @!p0 [sflag:s0], $0x2800  }
0x8b: {  	[sflag:s0] =	ssyncset.done @!p0 $0x0  }
0x8c: {  	[sflag:s0] =	ssyncadd.s32 @!p0 $0xFFFFD800  }
0x8d: {  	[bflag:$0x0] =	sbarrier.arrive $0xFFFF  }
0x8e: {  	s0 =	simm.s32 $0x0;
	s7 =	rddreg [dreg:$0xd]  }
0x8f: {  	[tilespmem:s0], [sflag:$0x1] =	stream.linear.gather [hbm4b:s7+s0], $0x50, $0x38;
	[tilespmem:$0x18F80] =	vst v63  }
0x90: {  	s7 =	rddreg [dreg:$0xe]  }
0x91: {  	[tilespmem:s10], [sflag:$0x1] =	stream.linear.gather [hbm4b:s7+s0], $0x50, $0x38;
	[tilespmem:$0x18F80] =	vst v63  }
0x92: {  	s7 =	rddreg [dreg:$0xf]  }
0x93: {  	[tilespmem:s11], [sflag:$0x1] =	stream.linear.gather [hbm4b:s7+s0], $0x50, $0x38;
	[tilespmem:$0x18F80] =	vst v63  }
0x94: {  	s7 =	rddreg [dreg:$0x10]  }
0x95: {  	[tilespmem:s12], [sflag:$0x2] =	stream.linear.gather [hbm4b:s7+s0], $0x50, $0x38;
	[tilespmem:$0x18F80] =	vst v63  }
0x96: {  	s7 =	rddreg [dreg:$0x11]  }
0x97: {  	[tilespmem:s13], [sflag:$0x2] =	stream.linear.gather [hbm4b:s7+s0], $0x50, $0x38;
	[tilespmem:$0x18F80] =	vst v63  }
0x98: {  	s7 =	rddreg [dreg:$0x12]  }
0x99: {  	[tilespmem:s14], [sflag:$0x2] =	stream.linear.gather [hbm4b:s7+s0], $0x50, $0x38;
	[tilespmem:$0x18F80] =	vst v63  }
0x9a: {  	_ =	swait.ge [sflag:s17], $0x50  }
0x9b: {  	[sflag:s17] =	ssyncset.done $0x0  }
0x9c: {  	[sflag:s17] =	ssyncadd.s32 $0xFFFFFFB0  }
0x9d: {  	_ =	swait.ge [sflag:s17], $0x50  }
0x9e: {  	[sflag:s17] =	ssyncset.done $0x0  }
0x9f: {  	[sflag:s17] =	ssyncadd.s32 $0xFFFFFFB0  }
0xa0: {  	_ =	swait.ge [sflag:s17], $0x50  }
0xa1: {  	[sflag:s17] =	ssyncset.done $0x0  }
0xa2: {  	[sflag:s17] =	ssyncadd.s32 $0xFFFFFFB0  }
0xa3: {  	v1 =	vld [tilespmem:$0x200]  }
0xa4: {  	v2 =	vld [tilespmem:$0x0]  }
0xa5: {  	v3 =	vld [tilespmem:$0x100]  }
0xa6: {  	v4 =	vld [tilespmem:$0x210]  }
0xa7: {  	v5 =	vld [tilespmem:$0x10]  }
0xa8: {  	v7 =	vld [tilespmem:$0x110]  }
0xa9: {  	v8 =	vld [tilespmem:$0x220];
	v6 =	vmul.u32 $0x2710, v1  }
0xaa: {  	v9 =	vld [tilespmem:$0x20]  }
0xab: {  	v56 =	vld [tilespmem:$0x120];
	v55 =	vshll.u32 v3, $0x3;
	[tilespmem:$0x500] =	vst v3;
	v2 =	vadd.s32 v2, v6  }
0xac: {  	v58 =	vld [tilespmem:$0x130];
	v1 =	vadd.s32 v1, v55;
	[tilespmem:$0x300] =	vst v2;
	v2 =	vmul.u32 $0x2710, v4  }
0xad: {  	[tilespmem:$0x400] =	vst v1;
	v1 =	vld [tilespmem:$0x230]  }
0xae: {  	v3 =	vshll.u32 v7, $0x3;
	[tilespmem:$0x510] =	vst v7;
	v2 =	vadd.s32 v5, v2  }
0xaf: {  	v57 =	vld [tilespmem:$0x30];
	[tilespmem:$0x310] =	vst v2;
	v2 =	vadd.s32 v4, v3  }
0xb0: {  	v3 =	vmul.u32 $0x2710, v8;
	[tilespmem:$0x410] =	vst v2;
	v2 =	vld [tilespmem:$0x240]  }
0xb1: {  	v62 =	vld [tilespmem:$0x140];
	[tilespmem:$0x520] =	vst v56  }
0xb2: {  	v60 =	vld [tilespmem:$0x40];
	v59 =	vshll.u32 v56, $0x3;
	[tilespmem:$0x530] =	vst v58;
	v61 =	vmul.u32 $0x2710, v1;
	v3 =	vadd.s32 v9, v3  }
0xb3: {  	[tilespmem:$0x320] =	vst v3;
	v3 =	vadd.s32 v8, v59  }
0xb4: {  	[tilespmem:$0x420] =	vst v3;
	v3 =	vadd.s32 v57, v61  }
0xb5: {  	v63 =	vshll.u32 v58, $0x3;
	[tilespmem:$0x330] =	vst v3;
	v3 =	vmul.u32 $0x2710, v2  }
0xb6: {  	[tilespmem:$0x540] =	vst v62;
	v1 =	vadd.s32 v1, v63  }
0xb7: {  	[tilespmem:$0x430] =	vst v1;
	v1 =	vadd.s32 v60, v3;
	v3 =	vshll.u32 v62, $0x3  }
0xb8: {  	[tilespmem:$0x340] =	vst v1;
	v1 =	vadd.s32 v2, v3  }
0xb9: {  	[tilespmem:$0x440] =	vst v1  }
0xba: {  	[tilespmem:s8], [sflag:$0x3] =	stream.indirect.gather [hbm4b:s15+s18], $0x80, s19, s18, $0xb8;
	[tilespmem:$0x18F80] =	vst v63  }
0xbb: {  	_ = 	snop  }
0xbc: {  	[tilespmem:s21], [sflag:$0x3] =	stream.indirect.gather [hbm4b:s16+s18], $0x1, s20, s18, $0xb8;
	[tilespmem:$0x18F80] =	vst v63  }
.LBB2_4:
0xbd: {  	p1 =	seq.s32 s0, $0x3E  }
.Ltmp3:
0xbe: {  	_ = 	snop;
	(pc) =	sbr.rel @p1 .LBB2_6-.Ltmp3, $1  }
0xbf: {  	_ =	sdelay $0x3  }
0xc0: {  	s5 =	smul.u32 $0xA0, s0;
	_ =	sdelay $0x1  }
0xc1: {  	s5 =	sadd.s32 s5, s23  }
0xc2: {  	s5 =	sshrl.u32 s5, $0x3  }
0xc3: {  	s7 =	sadd.s32 s6, s5  }
0xc4: {  	[tilespmem:s4], [sflag:$0x1] =	stream.linear.gather [hbm4b:s7+s4], $0x50, $0x38;
	[tilespmem:$0x18F80] =	vst v63  }
0xc5: {  	s7 =	sadd.s32 s1, s5  }
0xc6: {  	[tilespmem:s10], [sflag:$0x1] =	stream.linear.gather [hbm4b:s7+s4], $0x50, $0x38;
	[tilespmem:$0x18F80] =	vst v63  }
0xc7: {  	s5 =	sadd.s32 s2, s5  }
0xc8: {  	[tilespmem:s11], [sflag:$0x1] =	stream.linear.gather [hbm4b:s5+s4], $0x50, $0x38;
	[tilespmem:$0x18F80] =	vst v63  }
0xc9: {  	_ =	swait.ge [sflag:s31], $0x50  }
0xca: {  	[sflag:s31] =	ssyncset.done $0x0  }
0xcb: {  	[sflag:s31] =	ssyncadd.s32 $0xFFFFFFB0  }
0xcc: {  	_ =	swait.ge [sflag:s31], $0x50  }
0xcd: {  	[sflag:s31] =	ssyncset.done $0x0  }
0xce: {  	[sflag:s31] =	ssyncadd.s32 $0xFFFFFFB0  }
0xcf: {  	_ =	swait.ge [sflag:s31], $0x50  }
0xd0: {  	[sflag:s31] =	ssyncset.done $0x0  }
0xd1: {  	[sflag:s31] =	ssyncadd.s32 $0xFFFFFFB0  }
0xd2: {  	v1 =	vld [tilespmem:$0x280]  }
0xd3: {  	v2 =	vld [tilespmem:$0x80]  }
0xd4: {  	v3 =	vld [tilespmem:$0x180]  }
0xd5: {  	v4 =	vld [tilespmem:$0x290]  }
0xd6: {  	v5 =	vld [tilespmem:$0x90]  }
0xd7: {  	v7 =	vld [tilespmem:$0x190]  }
0xd8: {  	v8 =	vld [tilespmem:$0x2A0];
	v6 =	vmul.u32 $0x2710, v1  }
0xd9: {  	v9 =	vld [tilespmem:$0xA0]  }
0xda: {  	v56 =	vld [tilespmem:$0x1A0];
	v55 =	vshll.u32 v3, $0x3;
	[tilespmem:$0x580] =	vst v3;
	v2 =	vadd.s32 v2, v6  }
0xdb: {  	v58 =	vld [tilespmem:$0x1B0];
	v1 =	vadd.s32 v1, v55;
	[tilespmem:$0x380] =	vst v2;
	v2 =	vmul.u32 $0x2710, v4  }
0xdc: {  	[tilespmem:$0x480] =	vst v1;
	v1 =	vld [tilespmem:$0x2B0]  }
0xdd: {  	v3 =	vshll.u32 v7, $0x3;
	[tilespmem:$0x590] =	vst v7;
	v2 =	vadd.s32 v5, v2  }
0xde: {  	v57 =	vld [tilespmem:$0xB0];
	[tilespmem:$0x390] =	vst v2;
	v2 =	vadd.s32 v4, v3  }
0xdf: {  	v3 =	vmul.u32 $0x2710, v8;
	[tilespmem:$0x490] =	vst v2;
	v2 =	vld [tilespmem:$0x2C0]  }
0xe0: {  	v62 =	vld [tilespmem:$0x1C0];
	[tilespmem:$0x5A0] =	vst v56  }
0xe1: {  	v60 =	vld [tilespmem:$0xC0];
	v59 =	vshll.u32 v56, $0x3;
	[tilespmem:$0x5B0] =	vst v58;
	v61 =	vmul.u32 $0x2710, v1;
	v3 =	vadd.s32 v9, v3  }
0xe2: {  	[tilespmem:$0x3A0] =	vst v3;
	v3 =	vadd.s32 v8, v59  }
0xe3: {  	[tilespmem:$0x4A0] =	vst v3;
	v3 =	vadd.s32 v57, v61  }
0xe4: {  	v63 =	vshll.u32 v58, $0x3;
	[tilespmem:$0x3B0] =	vst v3;
	v3 =	vmul.u32 $0x2710, v2  }
0xe5: {  	[tilespmem:$0x5C0] =	vst v62;
	v1 =	vadd.s32 v1, v63  }
0xe6: {  	[tilespmem:$0x4B0] =	vst v1;
	v1 =	vadd.s32 v60, v3;
	v3 =	vshll.u32 v62, $0x3  }
0xe7: {  	[tilespmem:$0x3C0] =	vst v1;
	v1 =	vadd.s32 v2, v3  }
0xe8: {  	s7 =	simm.s32 $0x380;
	[tilespmem:$0x4C0] =	vst v1  }
0xe9: {  	[tilespmem:s30], [sflag:$0x4] =	stream.indirect.gather [hbm4b:s15+s18], $0x80, s7, s18, $0xb8;
	[tilespmem:$0x18F80] =	vst v63  }
0xea: {  	s5 =	simm.s32 $0x480;
	s7 =	simm.s32 $0x680  }
0xeb: {  	[tilespmem:s7], [sflag:$0x4] =	stream.indirect.gather [hbm4b:s16+s18], $0x1, s5, s18, $0xb8;
	[tilespmem:$0x18F80] =	vst v63  }
.LBB2_6:
0xec: {  	_ =	swait.ge [sflag:s22], $0x2800  }
0xed: {  	[sflag:s22] =	ssyncset.done $0x0  }
0xee: {  	[sflag:s22] =	ssyncadd.s32 $0xFFFFD800  }
0xef: {  	_ =	swait.ge [sflag:s22], $0x50  }
0xf0: {  	[sflag:s22] =	ssyncset.done $0x0  }
0xf1: {  	s5 =	simm.s32 $0x0;
	[sflag:s22] =	ssyncadd.s32 $0xFFFFFFB0  }
.LBB2_7:
0xf2: {  	s7 =	sshll.u32 s5, $0x4  }
0xf3: {  	s7 =	sand.u32 $0x3FFFFFF0, s7  }
0xf4: {  	v1 =	vld [tilespmem:s7+$0x600];
	_ =	sdelay $0x4  }
0xf5: {  	v2 =	vnsel vm0, $0x0, v1  }
0xf6: {  	(xrf2) =	vadd.scan.msk.f32 $0xffff, v2;
	_ =	sdelay $0x5  }
0xf7: {  	s7 =	sshll.u32 s5, $0xB  }
0xf8: {  	s7 =	sand.u32 $0x3FFFF800, s7;
	v2 =	vsel vm1, $0x0, v1  }
0xf9: {  	v3 =	vld [tilespmem:s7+$0x700];
	(xrf2) =	vadd.scan.msk.f32 $0xffff, v2  }
0xfa: {  	v2 =	vld [tilespmem:s7+$0x710]  }
0xfb: {  	v5 =	vld [tilespmem:s7+$0x720];
	v4, _, _ =	vpop (xrf2)  }
0xfc: {  	v6 =	vld [tilespmem:s7+$0x730];
	v4 =	vbroadcast v4, $0xF  }
0xfd: {  	v7 =	vld [tilespmem:s7+$0x740]  }
0xfe: {  	v8 =	vld [tilespmem:s7+$0x750];
	v3 =	vmul.f32 v4, v3  }
0xff: {  	v9 =	vld [tilespmem:s7+$0x760];
	v2 =	vmul.f32 v4, v2  }
0x100: {  	v12 =	vld [tilespmem:s7+$0x770];
	v10 =	vsel vm2, $0x0, v1;
	[tilespmem:s7+$0x700] =	vst v3;
	v3 =	vmul.f32 v5, v4  }
0x101: {  	v13 =	vld [tilespmem:s7+$0x780];
	(xrf2) =	vadd.scan.msk.f32 $0xffff, v10;
	[tilespmem:s7+$0x710] =	vst v2;
	v2 =	vmul.f32 v6, v4  }
0x102: {  	v14 =	vld [tilespmem:s7+$0x790];
	[tilespmem:s7+$0x720] =	vst v3;
	v3 =	vmul.f32 v7, v4  }
0x103: {  	v16 =	vld [tilespmem:s7+$0x7A0];
	v15, _, _ =	vpop (xrf2);
	[tilespmem:s7+$0x730] =	vst v2;
	v2 =	vmul.f32 v8, v4  }
0x104: {  	v17 =	vld [tilespmem:s7+$0x7B0];
	v8 =	vbroadcast v15, $0xF;
	[tilespmem:s7+$0x740] =	vst v3;
	v3 =	vmul.f32 v9, v4  }
0x105: {  	v18 =	vld [tilespmem:s7+$0x7C0];
	[tilespmem:s7+$0x750] =	vst v2;
	v2 =	vmul.f32 v12, v4  }
0x106: {  	v19 =	vld [tilespmem:s7+$0x7D0];
	[tilespmem:s7+$0x760] =	vst v3;
	v3 =	vmul.f32 v13, v8  }
0x107: {  	v20 =	vld [tilespmem:s7+$0x7E0];
	[tilespmem:s7+$0x770] =	vst v2;
	v2 =	vmul.f32 v14, v8  }
0x108: {  	v21 =	vld [tilespmem:s7+$0x7F0];
	v22 =	vsel vm3, $0x0, v1;
	[tilespmem:s7+$0x780] =	vst v3;
	v3 =	vmul.f32 v16, v8  }
0x109: {  	v23 =	vld [tilespmem:s7+$0x800];
	(xrf2) =	vadd.scan.msk.f32 $0xffff, v22;
	[tilespmem:s7+$0x790] =	vst v2;
	v2 =	vmul.f32 v17, v8  }
0x10a: {  	v24 =	vld [tilespmem:s7+$0x810];
	[tilespmem:s7+$0x7A0] =	vst v3;
	v3 =	vmul.f32 v18, v8  }
0x10b: {  	v26 =	vld [tilespmem:s7+$0x820];
	v25, _, _ =	vpop (xrf2);
	[tilespmem:s7+$0x7B0] =	vst v2;
	v2 =	vmul.f32 v19, v8  }
0x10c: {  	v27 =	vld [tilespmem:s7+$0x830];
	v5 =	vbroadcast v25, $0xF;
	[tilespmem:s7+$0x7C0] =	vst v3;
	v3 =	vmul.f32 v20, v8  }
0x10d: {  	v28 =	vld [tilespmem:s7+$0x840];
	[tilespmem:s7+$0x7D0] =	vst v2;
	v2 =	vmul.f32 v21, v8  }
0x10e: {  	v29 =	vld [tilespmem:s7+$0x850];
	[tilespmem:s7+$0x7E0] =	vst v3;
	v3 =	vmul.f32 v23, v5  }
0x10f: {  	v30 =	vld [tilespmem:s7+$0x860];
	[tilespmem:s7+$0x7F0] =	vst v2;
	v2 =	vmul.f32 v24, v5  }
0x110: {  	v31 =	vld [tilespmem:s7+$0x870];
	v32 =	vsel vm4, $0x0, v1;
	[tilespmem:s7+$0x800] =	vst v3;
	v3 =	vmul.f32 v26, v5  }
0x111: {  	v33 =	vld [tilespmem:s7+$0x880];
	(xrf2) =	vadd.scan.msk.f32 $0xffff, v32;
	[tilespmem:s7+$0x810] =	vst v2;
	v2 =	vmul.f32 v27, v5  }
0x112: {  	v34 =	vld [tilespmem:s7+$0x890];
	[tilespmem:s7+$0x820] =	vst v3;
	v3 =	vmul.f32 v28, v5  }
0x113: {  	v36 =	vld [tilespmem:s7+$0x8A0];
	v35, _, _ =	vpop (xrf2);
	[tilespmem:s7+$0x830] =	vst v2;
	v2 =	vmul.f32 v29, v5  }
0x114: {  	v38 =	vld [tilespmem:s7+$0x8B0];
	v37 =	vbroadcast v35, $0xF;
	[tilespmem:s7+$0x840] =	vst v3;
	v3 =	vmul.f32 v30, v5  }
0x115: {  	v39 =	vld [tilespmem:s7+$0x8C0];
	[tilespmem:s7+$0x850] =	vst v2;
	v2 =	vmul.f32 v31, v5  }
0x116: {  	v40 =	vld [tilespmem:s7+$0x8D0];
	[tilespmem:s7+$0x860] =	vst v3;
	v3 =	vmul.f32 v33, v37  }
0x117: {  	v41 =	vld [tilespmem:s7+$0x8E0];
	[tilespmem:s7+$0x870] =	vst v2;
	v2 =	vmul.f32 v34, v37  }
0x118: {  	v42 =	vld [tilespmem:s7+$0x8F0];
	v43 =	vsel vm5, $0x0, v1;
	[tilespmem:s7+$0x880] =	vst v3;
	v3 =	vmul.f32 v36, v37  }
0x119: {  	v44 =	vld [tilespmem:s7+$0x900];
	(xrf2) =	vadd.scan.msk.f32 $0xffff, v43;
	[tilespmem:s7+$0x890] =	vst v2;
	v2 =	vmul.f32 v38, v37  }
0x11a: {  	v45 =	vld [tilespmem:s7+$0x910];
	[tilespmem:s7+$0x8A0] =	vst v3;
	v3 =	vmul.f32 v39, v37  }
0x11b: {  	v47 =	vld [tilespmem:s7+$0x920];
	v46, _, _ =	vpop (xrf2);
	[tilespmem:s7+$0x8B0] =	vst v2;
	v2 =	vmul.f32 v40, v37  }
0x11c: {  	v48 =	vld [tilespmem:s7+$0x930];
	v6 =	vbroadcast v46, $0xF;
	[tilespmem:s7+$0x8C0] =	vst v3;
	v3 =	vmul.f32 v41, v37  }
0x11d: {  	v49 =	vld [tilespmem:s7+$0x940];
	[tilespmem:s7+$0x8D0] =	vst v2;
	v2 =	vmul.f32 v42, v37  }
0x11e: {  	v50 =	vld [tilespmem:s7+$0x950];
	[tilespmem:s7+$0x8E0] =	vst v3;
	v3 =	vmul.f32 v44, v6  }
0x11f: {  	v51 =	vld [tilespmem:s7+$0x960];
	[tilespmem:s7+$0x8F0] =	vst v2;
	v2 =	vmul.f32 v45, v6  }
0x120: {  	v52 =	vld [tilespmem:s7+$0x970];
	v53 =	vsel vm6, $0x0, v1;
	[tilespmem:s7+$0x900] =	vst v3;
	v3 =	vmul.f32 v47, v6  }
0x121: {  	v54 =	vld [tilespmem:s7+$0x980];
	(xrf2) =	vadd.scan.msk.f32 $0xffff, v53;
	[tilespmem:s7+$0x910] =	vst v2;
	v2 =	vmul.f32 v48, v6  }
0x122: {  	v55 =	vld [tilespmem:s7+$0x990];
	[tilespmem:s7+$0x920] =	vst v3;
	v3 =	vmul.f32 v49, v6  }
0x123: {  	v57 =	vld [tilespmem:s7+$0x9A0];
	v56, _, _ =	vpop (xrf2);
	[tilespmem:s7+$0x930] =	vst v2;
	v2 =	vmul.f32 v50, v6  }
0x124: {  	v59 =	vld [tilespmem:s7+$0x9B0];
	v58 =	vbroadcast v56, $0xF;
	[tilespmem:s7+$0x940] =	vst v3;
	v3 =	vmul.f32 v51, v6  }
0x125: {  	v60 =	vld [tilespmem:s7+$0x9C0];
	[tilespmem:s7+$0x950] =	vst v2;
	v2 =	vmul.f32 v52, v6  }
0x126: {  	v61 =	vld [tilespmem:s7+$0x9D0];
	[tilespmem:s7+$0x960] =	vst v3;
	v3 =	vmul.f32 v54, v58  }
0x127: {  	v62 =	vld [tilespmem:s7+$0x9E0];
	[tilespmem:s7+$0x970] =	vst v2;
	v2 =	vmul.f32 v55, v58  }
0x128: {  	v63 =	vld [tilespmem:s7+$0x9F0];
	v12 =	vsel vm7, $0x0, v1;
	[tilespmem:s7+$0x980] =	vst v3;
	v3 =	vmul.f32 v57, v58  }
0x129: {  	v13 =	vld [tilespmem:s7+$0xA00];
	(xrf2) =	vadd.scan.msk.f32 $0xffff, v12;
	[tilespmem:s7+$0x990] =	vst v2;
	v2 =	vmul.f32 v59, v58  }
0x12a: {  	v14 =	vld [tilespmem:s7+$0xA10];
	[tilespmem:s7+$0x9A0] =	vst v3;
	v3 =	vmul.f32 v60, v58  }
0x12b: {  	v16 =	vld [tilespmem:s7+$0xA20];
	v15, _, _ =	vpop (xrf2);
	[tilespmem:s7+$0x9B0] =	vst v2;
	v2 =	vmul.f32 v61, v58  }
0x12c: {  	v18 =	vld [tilespmem:s7+$0xA30];
	v17 =	vbroadcast v15, $0xF;
	[tilespmem:s7+$0x9C0] =	vst v3;
	v3 =	vmul.f32 v62, v58  }
0x12d: {  	v19 =	vld [tilespmem:s7+$0xA40];
	[tilespmem:s7+$0x9D0] =	vst v2;
	v2 =	vmul.f32 v63, v58  }
0x12e: {  	v20 =	vld [tilespmem:s7+$0xA50];
	[tilespmem:s7+$0x9E0] =	vst v3;
	v3 =	vmul.f32 v13, v17  }
0x12f: {  	v21 =	vld [tilespmem:s7+$0xA60];
	[tilespmem:s7+$0x9F0] =	vst v2;
	v2 =	vmul.f32 v14, v17  }
0x130: {  	v22 =	vld [tilespmem:s7+$0xA70];
	v23 =	vsel vm8, $0x0, v1;
	[tilespmem:s7+$0xA00] =	vst v3;
	v3 =	vmul.f32 v16, v17  }
0x131: {  	v24 =	vld [tilespmem:s7+$0xA80];
	(xrf2) =	vadd.scan.msk.f32 $0xffff, v23;
	[tilespmem:s7+$0xA10] =	vst v2;
	v2 =	vmul.f32 v18, v17  }
0x132: {  	v25 =	vld [tilespmem:s7+$0xA90];
	[tilespmem:s7+$0xA20] =	vst v3;
	v3 =	vmul.f32 v19, v17  }
0x133: {  	v27 =	vld [tilespmem:s7+$0xAA0];
	v26, _, _ =	vpop (xrf2);
	[tilespmem:s7+$0xA30] =	vst v2;
	v2 =	vmul.f32 v20, v17  }
0x134: {  	v29 =	vld [tilespmem:s7+$0xAB0];
	v28 =	vbroadcast v26, $0xF;
	[tilespmem:s7+$0xA40] =	vst v3;
	v3 =	vmul.f32 v21, v17  }
0x135: {  	v30 =	vld [tilespmem:s7+$0xAC0];
	[tilespmem:s7+$0xA50] =	vst v2;
	v2 =	vmul.f32 v22, v17  }
0x136: {  	v31 =	vld [tilespmem:s7+$0xAD0];
	[tilespmem:s7+$0xA60] =	vst v3;
	v3 =	vmul.f32 v24, v28  }
0x137: {  	v32 =	vld [tilespmem:s7+$0xAE0];
	[tilespmem:s7+$0xA70] =	vst v2;
	v2 =	vmul.f32 v25, v28  }
0x138: {  	v33 =	vld [tilespmem:s7+$0xAF0];
	v34 =	vsel vm9, $0x0, v1;
	[tilespmem:s7+$0xA80] =	vst v3;
	v3 =	vmul.f32 v27, v28  }
0x139: {  	v35 =	vld [tilespmem:s7+$0xB00];
	(xrf2) =	vadd.scan.msk.f32 $0xffff, v34;
	[tilespmem:s7+$0xA90] =	vst v2;
	v2 =	vmul.f32 v29, v28  }
0x13a: {  	v36 =	vld [tilespmem:s7+$0xB10];
	[tilespmem:s7+$0xAA0] =	vst v3;
	v3 =	vmul.f32 v30, v28  }
0x13b: {  	v38 =	vld [tilespmem:s7+$0xB20];
	v37, _, _ =	vpop (xrf2);
	[tilespmem:s7+$0xAB0] =	vst v2;
	v2 =	vmul.f32 v31, v28  }
0x13c: {  	v40 =	vld [tilespmem:s7+$0xB30];
	v39 =	vbroadcast v37, $0xF;
	[tilespmem:s7+$0xAC0] =	vst v3;
	v3 =	vmul.f32 v32, v28  }
0x13d: {  	v41 =	vld [tilespmem:s7+$0xB40];
	[tilespmem:s7+$0xAD0] =	vst v2;
	v2 =	vmul.f32 v33, v28  }
0x13e: {  	v42 =	vld [tilespmem:s7+$0xB50];
	[tilespmem:s7+$0xAE0] =	vst v3;
	v3 =	vmul.f32 v35, v39  }
0x13f: {  	v43 =	vld [tilespmem:s7+$0xB60];
	[tilespmem:s7+$0xAF0] =	vst v2;
	v2 =	vmul.f32 v36, v39  }
0x140: {  	v44 =	vld [tilespmem:s7+$0xB70];
	v45 =	vsel vm10, $0x0, v1;
	[tilespmem:s7+$0xB00] =	vst v3;
	v3 =	vmul.f32 v38, v39  }
0x141: {  	v46 =	vld [tilespmem:s7+$0xB80];
	(xrf2) =	vadd.scan.msk.f32 $0xffff, v45;
	[tilespmem:s7+$0xB10] =	vst v2;
	v2 =	vmul.f32 v40, v39  }
0x142: {  	v47 =	vld [tilespmem:s7+$0xB90];
	[tilespmem:s7+$0xB20] =	vst v3;
	v3 =	vmul.f32 v41, v39  }
0x143: {  	v49 =	vld [tilespmem:s7+$0xBA0];
	v48, _, _ =	vpop (xrf2);
	[tilespmem:s7+$0xB30] =	vst v2;
	v2 =	vmul.f32 v42, v39  }
0x144: {  	v51 =	vld [tilespmem:s7+$0xBB0];
	v50 =	vbroadcast v48, $0xF;
	[tilespmem:s7+$0xB40] =	vst v3;
	v3 =	vmul.f32 v43, v39  }
0x145: {  	v52 =	vld [tilespmem:s7+$0xBC0];
	[tilespmem:s7+$0xB50] =	vst v2;
	v2 =	vmul.f32 v44, v39  }
0x146: {  	v53 =	vld [tilespmem:s7+$0xBD0];
	[tilespmem:s7+$0xB60] =	vst v3;
	v3 =	vmul.f32 v46, v50  }
0x147: {  	v54 =	vld [tilespmem:s7+$0xBE0];
	[tilespmem:s7+$0xB70] =	vst v2;
	v2 =	vmul.f32 v47, v50  }
0x148: {  	v56 =	vsel vm11, $0x0, v1;
	v55 =	vld [tilespmem:s7+$0xBF0];
	[tilespmem:s7+$0xB80] =	vst v3;
	v3 =	vmul.f32 v49, v50  }
0x149: {  	(xrf2) =	vadd.scan.msk.f32 $0xffff, v56;
	v57 =	vld [tilespmem:s7+$0xC00];
	[tilespmem:s7+$0xB90] =	vst v2;
	v2 =	vmul.f32 v51, v50  }
0x14a: {  	v58 =	vld [tilespmem:s7+$0xC10];
	[tilespmem:s7+$0xBA0] =	vst v3;
	v3 =	vmul.f32 v52, v50  }
0x14b: {  	v60 =	vld [tilespmem:s7+$0xC20];
	v59, _, _ =	vpop (xrf2);
	[tilespmem:s7+$0xBB0] =	vst v2;
	v2 =	vmul.f32 v53, v50  }
0x14c: {  	v62 =	vld [tilespmem:s7+$0xC30];
	v61 =	vbroadcast v59, $0xF;
	[tilespmem:s7+$0xBC0] =	vst v3;
	v3 =	vmul.f32 v54, v50  }
0x14d: {  	v63 =	vld [tilespmem:s7+$0xC40];
	[tilespmem:s7+$0xBD0] =	vst v2;
	v2 =	vmul.f32 v55, v50  }
0x14e: {  	v12 =	vld [tilespmem:s7+$0xC50];
	[tilespmem:s7+$0xBE0] =	vst v3;
	v3 =	vmul.f32 v57, v61  }
0x14f: {  	v13 =	vld [tilespmem:s7+$0xC60];
	[tilespmem:s7+$0xBF0] =	vst v2;
	v2 =	vmul.f32 v58, v61  }
0x150: {  	v15 =	vsel vm12, $0x0, v1;
	v14 =	vld [tilespmem:s7+$0xC70];
	[tilespmem:s7+$0xC00] =	vst v3;
	v3 =	vmul.f32 v60, v61  }
0x151: {  	(xrf2) =	vadd.scan.msk.f32 $0xffff, v15;
	v16 =	vld [tilespmem:s7+$0xC80];
	[tilespmem:s7+$0xC10] =	vst v2;
	v2 =	vmul.f32 v62, v61  }
0x152: {  	v17 =	vld [tilespmem:s7+$0xC90];
	[tilespmem:s7+$0xC20] =	vst v3;
	v3 =	vmul.f32 v63, v61  }
0x153: {  	v18, _, _ =	vpop (xrf2);
	v19 =	vld [tilespmem:s7+$0xCA0];
	[tilespmem:s7+$0xC30] =	vst v2;
	v2 =	vmul.f32 v12, v61  }
0x154: {  	v20 =	vbroadcast v18, $0xF;
	v21 =	vld [tilespmem:s7+$0xCB0];
	[tilespmem:s7+$0xC40] =	vst v3;
	v3 =	vmul.f32 v13, v61  }
0x155: {  	v22 =	vld [tilespmem:s7+$0xCC0];
	[tilespmem:s7+$0xC50] =	vst v2;
	v2 =	vmul.f32 v14, v61  }
0x156: {  	v23 =	vld [tilespmem:s7+$0xCD0];
	[tilespmem:s7+$0xC60] =	vst v3;
	v3 =	vmul.f32 v16, v20  }
0x157: {  	v24 =	vld [tilespmem:s7+$0xCE0];
	[tilespmem:s7+$0xC70] =	vst v2;
	v2 =	vmul.f32 v17, v20  }
0x158: {  	v26 =	vsel vm13, $0x0, v1;
	v25 =	vld [tilespmem:s7+$0xCF0];
	[tilespmem:s7+$0xC80] =	vst v3;
	v3 =	vmul.f32 v19, v20  }
0x159: {  	(xrf2) =	vadd.scan.msk.f32 $0xffff, v26;
	v27 =	vld [tilespmem:s7+$0xD00];
	[tilespmem:s7+$0xC90] =	vst v2;
	v2 =	vmul.f32 v21, v20  }
0x15a: {  	v28 =	vld [tilespmem:s7+$0xD10];
	[tilespmem:s7+$0xCA0] =	vst v3;
	v3 =	vmul.f32 v22, v20  }
0x15b: {  	v29, _, _ =	vpop (xrf2);
	v30 =	vld [tilespmem:s7+$0xD20];
	[tilespmem:s7+$0xCB0] =	vst v2;
	v2 =	vmul.f32 v23, v20  }
0x15c: {  	v31 =	vbroadcast v29, $0xF;
	v32 =	vld [tilespmem:s7+$0xD30];
	[tilespmem:s7+$0xCC0] =	vst v3;
	v3 =	vmul.f32 v24, v20  }
0x15d: {  	v33 =	vld [tilespmem:s7+$0xD40];
	[tilespmem:s7+$0xCD0] =	vst v2;
	v2 =	vmul.f32 v25, v20  }
0x15e: {  	v34 =	vld [tilespmem:s7+$0xD50];
	[tilespmem:s7+$0xCE0] =	vst v3;
	v3 =	vmul.f32 v27, v31  }
0x15f: {  	v35 =	vld [tilespmem:s7+$0xD60];
	[tilespmem:s7+$0xCF0] =	vst v2;
	v2 =	vmul.f32 v28, v31  }
0x160: {  	v37 =	vsel vm14, $0x0, v1;
	v36 =	vld [tilespmem:s7+$0xD70];
	[tilespmem:s7+$0xD00] =	vst v3;
	v3 =	vmul.f32 v30, v31  }
0x161: {  	(xrf2) =	vadd.scan.msk.f32 $0xffff, v37;
	v38 =	vld [tilespmem:s7+$0xD80];
	[tilespmem:s7+$0xD10] =	vst v2;
	v2 =	vmul.f32 v32, v31  }
0x162: {  	v39 =	vld [tilespmem:s7+$0xD90];
	[tilespmem:s7+$0xD20] =	vst v3;
	v3 =	vmul.f32 v33, v31  }
0x163: {  	v40, _, _ =	vpop (xrf2);
	v41 =	vld [tilespmem:s7+$0xDA0];
	[tilespmem:s7+$0xD30] =	vst v2;
	v2 =	vmul.f32 v34, v31  }
0x164: {  	v42 =	vbroadcast v40, $0xF;
	v43 =	vld [tilespmem:s7+$0xDB0];
	[tilespmem:s7+$0xD40] =	vst v3;
	v3 =	vmul.f32 v35, v31  }
0x165: {  	v44 =	vld [tilespmem:s7+$0xDC0];
	[tilespmem:s7+$0xD50] =	vst v2;
	v2 =	vmul.f32 v36, v31  }
0x166: {  	v45 =	vld [tilespmem:s7+$0xDD0];
	[tilespmem:s7+$0xD60] =	vst v3;
	v3 =	vmul.f32 v38, v42  }
0x167: {  	v46 =	vld [tilespmem:s7+$0xDE0];
	[tilespmem:s7+$0xD70] =	vst v2;
	v2 =	vmul.f32 v39, v42  }
0x168: {  	v1 =	vsel vm15, $0x0, v1;
	v47 =	vld [tilespmem:s7+$0xDF0];
	[tilespmem:s7+$0xD80] =	vst v3;
	v3 =	vmul.f32 v41, v42  }
0x169: {  	v48 =	vld [tilespmem:s7+$0xE00];
	(xrf2) =	vadd.scan.msk.f32 $0xffff, v1;
	[tilespmem:s7+$0xD90] =	vst v2;
	v2 =	vmul.f32 v43, v42  }
0x16a: {  	v1 =	vmul.f32 v44, v42;
	[tilespmem:s7+$0xDA0] =	vst v3;
	v3 =	vld [tilespmem:s7+$0xE10]  }
0x16b: {  	v49, _, _ =	vpop (xrf2);
	v50 =	vld [tilespmem:s7+$0xE20];
	[tilespmem:s7+$0xDB0] =	vst v2;
	v2 =	vmul.f32 v45, v42  }
0x16c: {  	v51 =	vld [tilespmem:s7+$0xE30];
	v4 =	vbroadcast v49, $0xF;
	[tilespmem:s7+$0xDC0] =	vst v1;
	v1 =	vmul.f32 v46, v42  }
0x16d: {  	v52 =	vld [tilespmem:s7+$0xE40];
	[tilespmem:s7+$0xDD0] =	vst v2;
	v2 =	vmul.f32 v47, v42  }
0x16e: {  	v53 =	vld [tilespmem:s7+$0xE50];
	[tilespmem:s7+$0xDE0] =	vst v1;
	v1 =	vmul.f32 v48, v4  }
0x16f: {  	[tilespmem:s7+$0xDF0] =	vst v2;
	v2 =	vmul.f32 v3, v4;
	v3 =	vld [tilespmem:s7+$0xE60]  }
0x170: {  	v54 =	vld [tilespmem:s7+$0xE70];
	[tilespmem:s7+$0xE00] =	vst v1;
	v1 =	vmul.f32 v50, v4  }
0x171: {  	v55 =	vld [tilespmem:s7+$0xE80];
	[tilespmem:s7+$0xE10] =	vst v2;
	v2 =	vmul.f32 v51, v4  }
0x172: {  	v56 =	vld [tilespmem:s7+$0xE90];
	[tilespmem:s7+$0xE20] =	vst v1;
	v1 =	vmul.f32 v52, v4  }
0x173: {  	v57, _, _ =	vpop (xrf2);
	v58 =	vld [tilespmem:s7+$0xEA0];
	[tilespmem:s7+$0xE30] =	vst v2;
	v2 =	vmul.f32 v53, v4  }
0x174: {  	v59 =	vld [tilespmem:s7+$0xEB0];
	[tilespmem:s7+$0xE40] =	vst v1;
	v1 =	vmul.f32 v3, v4;
	v3 =	vbroadcast v57, $0xF  }
0x175: {  	v60 =	vld [tilespmem:s7+$0xEC0];
	[tilespmem:s7+$0xE50] =	vst v2;
	v2 =	vmul.f32 v54, v4  }
0x176: {  	v61 =	vld [tilespmem:s7+$0xED0];
	[tilespmem:s7+$0xE60] =	vst v1;
	v1 =	vmul.f32 v55, v3  }
0x177: {  	v62 =	vld [tilespmem:s7+$0xEE0];
	[tilespmem:s7+$0xE70] =	vst v2;
	v2 =	vmul.f32 v56, v3  }
0x178: {  	v63 =	vld [tilespmem:s7+$0xEF0];
	[tilespmem:s7+$0xE80] =	vst v1;
	v1 =	vmul.f32 v58, v3  }
0x179: {  	[tilespmem:s7+$0xE90] =	vst v2;
	v2 =	vmul.f32 v59, v3  }
0x17a: {  	p2 =	sne.s32 s5, $0x4;
	[tilespmem:s7+$0xEA0] =	vst v1;
	v1 =	vmul.f32 v60, v3  }
.Ltmp4:
0x17b: {  	[tilespmem:s7+$0xEB0] =	vst v2;
	v2 =	vmul.f32 v61, v3;
	(pc) =	sbr.rel @p2 .LBB2_7-.Ltmp4, $4  }
0x17c: {  	[tilespmem:s7+$0xEC0] =	vst v1;
	v1 =	vmul.f32 v62, v3  }
0x17d: {  	[tilespmem:s7+$0xED0] =	vst v2;
	v2 =	vmul.f32 v63, v3  }
0x17e: {  	[tilespmem:s7+$0xEE0] =	vst v1  }
0x17f: {  	s5 =	sadd.s32 $0x1, s5;
	[tilespmem:s7+$0xEF0] =	vst v2  }
0x180: {  	p2 =	sgt.u32 s0, $0x3C  }
.Ltmp5:
0x181: {  	_ = 	snop;
	(pc) =	sbr.rel @p2 .LBB2_10-.Ltmp5, $4  }
0x182: {  	[spmem:s3] =	stream.indirect.scatter.add.f32 [tilespmem:s8], [sflag:$0x6], $0x80, s25, s18, $0xb8;
	[tilespmem:$0x18F80] =	vst v63  }
0x183: {  	_ =	swait.ge [sflag:s26], $0x2800  }
0x184: {  	[sflag:s26] =	ssyncset.done $0x0  }
0x185: {  	[sflag:s26] =	ssyncadd.s32 $0xFFFFD800  }
0x186: {  	s5 =	smul.u32 $0xA0, s0;
	_ =	sdelay $0x1  }
0x187: {  	s5 =	sadd.s32 s5, s24  }
0x188: {  	s5 =	sshrl.u32 s5, $0x3  }
0x189: {  	s7 =	sadd.s32 s6, s5  }
0x18a: {  	[tilespmem:s12], [sflag:$0x2] =	stream.linear.gather [hbm4b:s7+s4], $0x50, $0x38;
	[tilespmem:$0x18F80] =	vst v63  }
.Ltmp6:
0x18b: {  	_ = 	snop;
	(pc) =	sbr.rel .LBB2_11-.Ltmp6, $4  }
0x18c: {  	s7 =	sadd.s32 s1, s5  }
0x18d: {  	[tilespmem:s13], [sflag:$0x2] =	stream.linear.gather [hbm4b:s7+s4], $0x50, $0x38;
	[tilespmem:$0x18F80] =	vst v63  }
0x18e: {  	s5 =	sadd.s32 s2, s5  }
0x18f: {  	[tilespmem:s14], [sflag:$0x2] =	stream.linear.gather [hbm4b:s5+s4], $0x50, $0x38;
	[tilespmem:$0x18F80] =	vst v63  }
.LBB2_10:
.Ltmp7:
0x190: {  	(pc) =	sbr.rel @p1 .LBB2_14-.Ltmp7, $1  }
0x191: {  	_ =	sdelay $0x3  }
.LBB2_11:
0x192: {  	_ =	swait.ge [sflag:s17], $0x50  }
0x193: {  	[sflag:s17] =	ssyncset.done $0x0  }
0x194: {  	[sflag:s17] =	ssyncadd.s32 $0xFFFFFFB0  }
0x195: {  	_ =	swait.ge [sflag:s17], $0x50  }
0x196: {  	[sflag:s17] =	ssyncset.done $0x0  }
0x197: {  	[sflag:s17] =	ssyncadd.s32 $0xFFFFFFB0  }
0x198: {  	_ =	swait.ge [sflag:s17], $0x50  }
0x199: {  	[sflag:s17] =	ssyncset.done $0x0  }
0x19a: {  	[sflag:s17] =	ssyncadd.s32 $0xFFFFFFB0  }
0x19b: {  	v1 =	vld [tilespmem:$0x200]  }
0x19c: {  	v2 =	vld [tilespmem:$0x0]  }
0x19d: {  	v3 =	vld [tilespmem:$0x100]  }
0x19e: {  	v4 =	vld [tilespmem:$0x210]  }
0x19f: {  	v5 =	vld [tilespmem:$0x10]  }
0x1a0: {  	v7 =	vld [tilespmem:$0x110]  }
0x1a1: {  	v8 =	vld [tilespmem:$0x220];
	v6 =	vmul.u32 $0x2710, v1  }
0x1a2: {  	v9 =	vld [tilespmem:$0x20]  }
0x1a3: {  	v56 =	vld [tilespmem:$0x120];
	v55 =	vshll.u32 v3, $0x3;
	[tilespmem:$0x500] =	vst v3;
	v2 =	vadd.s32 v2, v6  }
0x1a4: {  	v58 =	vld [tilespmem:$0x130];
	v1 =	vadd.s32 v1, v55;
	[tilespmem:$0x300] =	vst v2;
	v2 =	vmul.u32 $0x2710, v4  }
0x1a5: {  	[tilespmem:$0x400] =	vst v1;
	v1 =	vld [tilespmem:$0x230]  }
0x1a6: {  	v3 =	vshll.u32 v7, $0x3;
	[tilespmem:$0x510] =	vst v7;
	v2 =	vadd.s32 v5, v2  }
0x1a7: {  	v57 =	vld [tilespmem:$0x30];
	[tilespmem:$0x310] =	vst v2;
	v2 =	vadd.s32 v4, v3  }
0x1a8: {  	v3 =	vmul.u32 $0x2710, v8;
	[tilespmem:$0x410] =	vst v2;
	v2 =	vld [tilespmem:$0x240]  }
0x1a9: {  	v62 =	vld [tilespmem:$0x140];
	[tilespmem:$0x520] =	vst v56  }
0x1aa: {  	v60 =	vld [tilespmem:$0x40];
	v59 =	vshll.u32 v56, $0x3;
	[tilespmem:$0x530] =	vst v58;
	v61 =	vmul.u32 $0x2710, v1;
	v3 =	vadd.s32 v9, v3  }
0x1ab: {  	[tilespmem:$0x320] =	vst v3;
	v3 =	vadd.s32 v8, v59  }
0x1ac: {  	[tilespmem:$0x420] =	vst v3;
	v3 =	vadd.s32 v57, v61  }
0x1ad: {  	v63 =	vshll.u32 v58, $0x3;
	[tilespmem:$0x330] =	vst v3;
	v3 =	vmul.u32 $0x2710, v2  }
0x1ae: {  	[tilespmem:$0x540] =	vst v62;
	v1 =	vadd.s32 v1, v63  }
0x1af: {  	[tilespmem:$0x430] =	vst v1;
	v1 =	vadd.s32 v60, v3;
	v3 =	vshll.u32 v62, $0x3  }
0x1b0: {  	[tilespmem:$0x340] =	vst v1;
	v1 =	vadd.s32 v2, v3  }
0x1b1: {  	[tilespmem:$0x440] =	vst v1  }
0x1b2: {  	[tilespmem:s8], [sflag:$0x3] =	stream.indirect.gather [hbm4b:s15+s18], $0x80, s19, s18, $0xb8;
	[tilespmem:$0x18F80] =	vst v63  }
0x1b3: {  	_ = 	snop  }
0x1b4: {  	[tilespmem:s21], [sflag:$0x3] =	stream.indirect.gather [hbm4b:s16+s18], $0x1, s20, s18, $0xb8;
	[tilespmem:$0x18F80] =	vst v63  }
0x1b5: {  	_ =	swait.ge [sflag:s28], $0x2800  }
0x1b6: {  	[sflag:s28] =	ssyncset.done $0x0  }
0x1b7: {  	[sflag:s28] =	ssyncadd.s32 $0xFFFFD800  }
0x1b8: {  	_ =	swait.ge [sflag:s28], $0x50  }
0x1b9: {  	[sflag:s28] =	ssyncset.done $0x0  }
0x1ba: {  	s5 =	simm.s32 $0x0;
	[sflag:s28] =	ssyncadd.s32 $0xFFFFFFB0  }
.LBB2_12:
0x1bb: {  	s7 =	sshll.u32 s5, $0x4  }
0x1bc: {  	s7 =	sand.u32 $0x3FFFFFF0, s7  }
0x1bd: {  	v1 =	vld [tilespmem:s7+$0x680];
	_ =	sdelay $0x4  }
0x1be: {  	v2 =	vnsel vm0, $0x0, v1  }
0x1bf: {  	(xrf2) =	vadd.scan.msk.f32 $0xffff, v2;
	_ =	sdelay $0x5  }
0x1c0: {  	s7 =	sshll.u32 s5, $0xB  }
0x1c1: {  	s7 =	sand.u32 $0x3FFFF800, s7;
	v2 =	vsel vm1, $0x0, v1  }
0x1c2: {  	v3 =	vld [tilespmem:s7+$0x2F00];
	(xrf2) =	vadd.scan.msk.f32 $0xffff, v2  }
0x1c3: {  	v2 =	vld [tilespmem:s7+$0x2F10]  }
0x1c4: {  	v5 =	vld [tilespmem:s7+$0x2F20];
	v4, _, _ =	vpop (xrf2)  }
0x1c5: {  	v6 =	vld [tilespmem:s7+$0x2F30];
	v4 =	vbroadcast v4, $0xF  }
0x1c6: {  	v7 =	vld [tilespmem:s7+$0x2F40]  }
0x1c7: {  	v8 =	vld [tilespmem:s7+$0x2F50];
	v3 =	vmul.f32 v4, v3  }
0x1c8: {  	v9 =	vld [tilespmem:s7+$0x2F60];
	v2 =	vmul.f32 v4, v2  }
0x1c9: {  	v12 =	vld [tilespmem:s7+$0x2F70];
	v10 =	vsel vm2, $0x0, v1;
	[tilespmem:s7+$0x2F00] =	vst v3;
	v3 =	vmul.f32 v5, v4  }
0x1ca: {  	v13 =	vld [tilespmem:s7+$0x2F80];
	(xrf2) =	vadd.scan.msk.f32 $0xffff, v10;
	[tilespmem:s7+$0x2F10] =	vst v2;
	v2 =	vmul.f32 v6, v4  }
0x1cb: {  	v14 =	vld [tilespmem:s7+$0x2F90];
	[tilespmem:s7+$0x2F20] =	vst v3;
	v3 =	vmul.f32 v7, v4  }
0x1cc: {  	v16 =	vld [tilespmem:s7+$0x2FA0];
	v15, _, _ =	vpop (xrf2);
	[tilespmem:s7+$0x2F30] =	vst v2;
	v2 =	vmul.f32 v8, v4  }
0x1cd: {  	v17 =	vld [tilespmem:s7+$0x2FB0];
	v8 =	vbroadcast v15, $0xF;
	[tilespmem:s7+$0x2F40] =	vst v3;
	v3 =	vmul.f32 v9, v4  }
0x1ce: {  	v18 =	vld [tilespmem:s7+$0x2FC0];
	[tilespmem:s7+$0x2F50] =	vst v2;
	v2 =	vmul.f32 v12, v4  }
0x1cf: {  	v19 =	vld [tilespmem:s7+$0x2FD0];
	[tilespmem:s7+$0x2F60] =	vst v3;
	v3 =	vmul.f32 v13, v8  }
0x1d0: {  	v20 =	vld [tilespmem:s7+$0x2FE0];
	[tilespmem:s7+$0x2F70] =	vst v2;
	v2 =	vmul.f32 v14, v8  }
0x1d1: {  	v21 =	vld [tilespmem:s7+$0x2FF0];
	v22 =	vsel vm3, $0x0, v1;
	[tilespmem:s7+$0x2F80] =	vst v3;
	v3 =	vmul.f32 v16, v8  }
0x1d2: {  	v23 =	vld [tilespmem:s7+$0x3000];
	(xrf2) =	vadd.scan.msk.f32 $0xffff, v22;
	[tilespmem:s7+$0x2F90] =	vst v2;
	v2 =	vmul.f32 v17, v8  }
0x1d3: {  	v24 =	vld [tilespmem:s7+$0x3010];
	[tilespmem:s7+$0x2FA0] =	vst v3;
	v3 =	vmul.f32 v18, v8  }
0x1d4: {  	v26 =	vld [tilespmem:s7+$0x3020];
	v25, _, _ =	vpop (xrf2);
	[tilespmem:s7+$0x2FB0] =	vst v2;
	v2 =	vmul.f32 v19, v8  }
0x1d5: {  	v27 =	vld [tilespmem:s7+$0x3030];
	v5 =	vbroadcast v25, $0xF;
	[tilespmem:s7+$0x2FC0] =	vst v3;
	v3 =	vmul.f32 v20, v8  }
0x1d6: {  	v28 =	vld [tilespmem:s7+$0x3040];
	[tilespmem:s7+$0x2FD0] =	vst v2;
	v2 =	vmul.f32 v21, v8  }
0x1d7: {  	v29 =	vld [tilespmem:s7+$0x3050];
	[tilespmem:s7+$0x2FE0] =	vst v3;
	v3 =	vmul.f32 v23, v5  }
0x1d8: {  	v30 =	vld [tilespmem:s7+$0x3060];
	[tilespmem:s7+$0x2FF0] =	vst v2;
	v2 =	vmul.f32 v24, v5  }
0x1d9: {  	v31 =	vld [tilespmem:s7+$0x3070];
	v32 =	vsel vm4, $0x0, v1;
	[tilespmem:s7+$0x3000] =	vst v3;
	v3 =	vmul.f32 v26, v5  }
0x1da: {  	v33 =	vld [tilespmem:s7+$0x3080];
	(xrf2) =	vadd.scan.msk.f32 $0xffff, v32;
	[tilespmem:s7+$0x3010] =	vst v2;
	v2 =	vmul.f32 v27, v5  }
0x1db: {  	v34 =	vld [tilespmem:s7+$0x3090];
	[tilespmem:s7+$0x3020] =	vst v3;
	v3 =	vmul.f32 v28, v5  }
0x1dc: {  	v36 =	vld [tilespmem:s7+$0x30A0];
	v35, _, _ =	vpop (xrf2);
	[tilespmem:s7+$0x3030] =	vst v2;
	v2 =	vmul.f32 v29, v5  }
0x1dd: {  	v38 =	vld [tilespmem:s7+$0x30B0];
	v37 =	vbroadcast v35, $0xF;
	[tilespmem:s7+$0x3040] =	vst v3;
	v3 =	vmul.f32 v30, v5  }
0x1de: {  	v39 =	vld [tilespmem:s7+$0x30C0];
	[tilespmem:s7+$0x3050] =	vst v2;
	v2 =	vmul.f32 v31, v5  }
0x1df: {  	v40 =	vld [tilespmem:s7+$0x30D0];
	[tilespmem:s7+$0x3060] =	vst v3;
	v3 =	vmul.f32 v33, v37  }
0x1e0: {  	v41 =	vld [tilespmem:s7+$0x30E0];
	[tilespmem:s7+$0x3070] =	vst v2;
	v2 =	vmul.f32 v34, v37  }
0x1e1: {  	v42 =	vld [tilespmem:s7+$0x30F0];
	v43 =	vsel vm5, $0x0, v1;
	[tilespmem:s7+$0x3080] =	vst v3;
	v3 =	vmul.f32 v36, v37  }
0x1e2: {  	v44 =	vld [tilespmem:s7+$0x3100];
	(xrf2) =	vadd.scan.msk.f32 $0xffff, v43;
	[tilespmem:s7+$0x3090] =	vst v2;
	v2 =	vmul.f32 v38, v37  }
0x1e3: {  	v45 =	vld [tilespmem:s7+$0x3110];
	[tilespmem:s7+$0x30A0] =	vst v3;
	v3 =	vmul.f32 v39, v37  }
0x1e4: {  	v47 =	vld [tilespmem:s7+$0x3120];
	v46, _, _ =	vpop (xrf2);
	[tilespmem:s7+$0x30B0] =	vst v2;
	v2 =	vmul.f32 v40, v37  }
0x1e5: {  	v48 =	vld [tilespmem:s7+$0x3130];
	v6 =	vbroadcast v46, $0xF;
	[tilespmem:s7+$0x30C0] =	vst v3;
	v3 =	vmul.f32 v41, v37  }
0x1e6: {  	v49 =	vld [tilespmem:s7+$0x3140];
	[tilespmem:s7+$0x30D0] =	vst v2;
	v2 =	vmul.f32 v42, v37  }
0x1e7: {  	v50 =	vld [tilespmem:s7+$0x3150];
	[tilespmem:s7+$0x30E0] =	vst v3;
	v3 =	vmul.f32 v44, v6  }
0x1e8: {  	v51 =	vld [tilespmem:s7+$0x3160];
	[tilespmem:s7+$0x30F0] =	vst v2;
	v2 =	vmul.f32 v45, v6  }
0x1e9: {  	v52 =	vld [tilespmem:s7+$0x3170];
	v53 =	vsel vm6, $0x0, v1;
	[tilespmem:s7+$0x3100] =	vst v3;
	v3 =	vmul.f32 v47, v6  }
0x1ea: {  	v54 =	vld [tilespmem:s7+$0x3180];
	(xrf2) =	vadd.scan.msk.f32 $0xffff, v53;
	[tilespmem:s7+$0x3110] =	vst v2;
	v2 =	vmul.f32 v48, v6  }
0x1eb: {  	v55 =	vld [tilespmem:s7+$0x3190];
	[tilespmem:s7+$0x3120] =	vst v3;
	v3 =	vmul.f32 v49, v6  }
0x1ec: {  	v57 =	vld [tilespmem:s7+$0x31A0];
	v56, _, _ =	vpop (xrf2);
	[tilespmem:s7+$0x3130] =	vst v2;
	v2 =	vmul.f32 v50, v6  }
0x1ed: {  	v59 =	vld [tilespmem:s7+$0x31B0];
	v58 =	vbroadcast v56, $0xF;
	[tilespmem:s7+$0x3140] =	vst v3;
	v3 =	vmul.f32 v51, v6  }
0x1ee: {  	v60 =	vld [tilespmem:s7+$0x31C0];
	[tilespmem:s7+$0x3150] =	vst v2;
	v2 =	vmul.f32 v52, v6  }
0x1ef: {  	v61 =	vld [tilespmem:s7+$0x31D0];
	[tilespmem:s7+$0x3160] =	vst v3;
	v3 =	vmul.f32 v54, v58  }
0x1f0: {  	v62 =	vld [tilespmem:s7+$0x31E0];
	[tilespmem:s7+$0x3170] =	vst v2;
	v2 =	vmul.f32 v55, v58  }
0x1f1: {  	v63 =	vld [tilespmem:s7+$0x31F0];
	v12 =	vsel vm7, $0x0, v1;
	[tilespmem:s7+$0x3180] =	vst v3;
	v3 =	vmul.f32 v57, v58  }
0x1f2: {  	v13 =	vld [tilespmem:s7+$0x3200];
	(xrf2) =	vadd.scan.msk.f32 $0xffff, v12;
	[tilespmem:s7+$0x3190] =	vst v2;
	v2 =	vmul.f32 v59, v58  }
0x1f3: {  	v14 =	vld [tilespmem:s7+$0x3210];
	[tilespmem:s7+$0x31A0] =	vst v3;
	v3 =	vmul.f32 v60, v58  }
0x1f4: {  	v16 =	vld [tilespmem:s7+$0x3220];
	v15, _, _ =	vpop (xrf2);
	[tilespmem:s7+$0x31B0] =	vst v2;
	v2 =	vmul.f32 v61, v58  }
0x1f5: {  	v18 =	vld [tilespmem:s7+$0x3230];
	v17 =	vbroadcast v15, $0xF;
	[tilespmem:s7+$0x31C0] =	vst v3;
	v3 =	vmul.f32 v62, v58  }
0x1f6: {  	v19 =	vld [tilespmem:s7+$0x3240];
	[tilespmem:s7+$0x31D0] =	vst v2;
	v2 =	vmul.f32 v63, v58  }
0x1f7: {  	v20 =	vld [tilespmem:s7+$0x3250];
	[tilespmem:s7+$0x31E0] =	vst v3;
	v3 =	vmul.f32 v13, v17  }
0x1f8: {  	v21 =	vld [tilespmem:s7+$0x3260];
	[tilespmem:s7+$0x31F0] =	vst v2;
	v2 =	vmul.f32 v14, v17  }
0x1f9: {  	v22 =	vld [tilespmem:s7+$0x3270];
	v23 =	vsel vm8, $0x0, v1;
	[tilespmem:s7+$0x3200] =	vst v3;
	v3 =	vmul.f32 v16, v17  }
0x1fa: {  	v24 =	vld [tilespmem:s7+$0x3280];
	(xrf2) =	vadd.scan.msk.f32 $0xffff, v23;
	[tilespmem:s7+$0x3210] =	vst v2;
	v2 =	vmul.f32 v18, v17  }
0x1fb: {  	v25 =	vld [tilespmem:s7+$0x3290];
	[tilespmem:s7+$0x3220] =	vst v3;
	v3 =	vmul.f32 v19, v17  }
0x1fc: {  	v27 =	vld [tilespmem:s7+$0x32A0];
	v26, _, _ =	vpop (xrf2);
	[tilespmem:s7+$0x3230] =	vst v2;
	v2 =	vmul.f32 v20, v17  }
0x1fd: {  	v29 =	vld [tilespmem:s7+$0x32B0];
	v28 =	vbroadcast v26, $0xF;
	[tilespmem:s7+$0x3240] =	vst v3;
	v3 =	vmul.f32 v21, v17  }
0x1fe: {  	v30 =	vld [tilespmem:s7+$0x32C0];
	[tilespmem:s7+$0x3250] =	vst v2;
	v2 =	vmul.f32 v22, v17  }
0x1ff: {  	v31 =	vld [tilespmem:s7+$0x32D0];
	[tilespmem:s7+$0x3260] =	vst v3;
	v3 =	vmul.f32 v24, v28  }
0x200: {  	v32 =	vld [tilespmem:s7+$0x32E0];
	[tilespmem:s7+$0x3270] =	vst v2;
	v2 =	vmul.f32 v25, v28  }
0x201: {  	v33 =	vld [tilespmem:s7+$0x32F0];
	v34 =	vsel vm9, $0x0, v1;
	[tilespmem:s7+$0x3280] =	vst v3;
	v3 =	vmul.f32 v27, v28  }
0x202: {  	v35 =	vld [tilespmem:s7+$0x3300];
	(xrf2) =	vadd.scan.msk.f32 $0xffff, v34;
	[tilespmem:s7+$0x3290] =	vst v2;
	v2 =	vmul.f32 v29, v28  }
0x203: {  	v36 =	vld [tilespmem:s7+$0x3310];
	[tilespmem:s7+$0x32A0] =	vst v3;
	v3 =	vmul.f32 v30, v28  }
0x204: {  	v38 =	vld [tilespmem:s7+$0x3320];
	v37, _, _ =	vpop (xrf2);
	[tilespmem:s7+$0x32B0] =	vst v2;
	v2 =	vmul.f32 v31, v28  }
0x205: {  	v40 =	vld [tilespmem:s7+$0x3330];
	v39 =	vbroadcast v37, $0xF;
	[tilespmem:s7+$0x32C0] =	vst v3;
	v3 =	vmul.f32 v32, v28  }
0x206: {  	v41 =	vld [tilespmem:s7+$0x3340];
	[tilespmem:s7+$0x32D0] =	vst v2;
	v2 =	vmul.f32 v33, v28  }
0x207: {  	v42 =	vld [tilespmem:s7+$0x3350];
	[tilespmem:s7+$0x32E0] =	vst v3;
	v3 =	vmul.f32 v35, v39  }
0x208: {  	v43 =	vld [tilespmem:s7+$0x3360];
	[tilespmem:s7+$0x32F0] =	vst v2;
	v2 =	vmul.f32 v36, v39  }
0x209: {  	v44 =	vld [tilespmem:s7+$0x3370];
	v45 =	vsel vm10, $0x0, v1;
	[tilespmem:s7+$0x3300] =	vst v3;
	v3 =	vmul.f32 v38, v39  }
0x20a: {  	v46 =	vld [tilespmem:s7+$0x3380];
	(xrf2) =	vadd.scan.msk.f32 $0xffff, v45;
	[tilespmem:s7+$0x3310] =	vst v2;
	v2 =	vmul.f32 v40, v39  }
0x20b: {  	v47 =	vld [tilespmem:s7+$0x3390];
	[tilespmem:s7+$0x3320] =	vst v3;
	v3 =	vmul.f32 v41, v39  }
0x20c: {  	v49 =	vld [tilespmem:s7+$0x33A0];
	v48, _, _ =	vpop (xrf2);
	[tilespmem:s7+$0x3330] =	vst v2;
	v2 =	vmul.f32 v42, v39  }
0x20d: {  	v51 =	vld [tilespmem:s7+$0x33B0];
	v50 =	vbroadcast v48, $0xF;
	[tilespmem:s7+$0x3340] =	vst v3;
	v3 =	vmul.f32 v43, v39  }
0x20e: {  	v52 =	vld [tilespmem:s7+$0x33C0];
	[tilespmem:s7+$0x3350] =	vst v2;
	v2 =	vmul.f32 v44, v39  }
0x20f: {  	v53 =	vld [tilespmem:s7+$0x33D0];
	[tilespmem:s7+$0x3360] =	vst v3;
	v3 =	vmul.f32 v46, v50  }
0x210: {  	v54 =	vld [tilespmem:s7+$0x33E0];
	[tilespmem:s7+$0x3370] =	vst v2;
	v2 =	vmul.f32 v47, v50  }
0x211: {  	v56 =	vsel vm11, $0x0, v1;
	v55 =	vld [tilespmem:s7+$0x33F0];
	[tilespmem:s7+$0x3380] =	vst v3;
	v3 =	vmul.f32 v49, v50  }
0x212: {  	(xrf2) =	vadd.scan.msk.f32 $0xffff, v56;
	v57 =	vld [tilespmem:s7+$0x3400];
	[tilespmem:s7+$0x3390] =	vst v2;
	v2 =	vmul.f32 v51, v50  }
0x213: {  	v58 =	vld [tilespmem:s7+$0x3410];
	[tilespmem:s7+$0x33A0] =	vst v3;
	v3 =	vmul.f32 v52, v50  }
0x214: {  	v60 =	vld [tilespmem:s7+$0x3420];
	v59, _, _ =	vpop (xrf2);
	[tilespmem:s7+$0x33B0] =	vst v2;
	v2 =	vmul.f32 v53, v50  }
0x215: {  	v62 =	vld [tilespmem:s7+$0x3430];
	v61 =	vbroadcast v59, $0xF;
	[tilespmem:s7+$0x33C0] =	vst v3;
	v3 =	vmul.f32 v54, v50  }
0x216: {  	v63 =	vld [tilespmem:s7+$0x3440];
	[tilespmem:s7+$0x33D0] =	vst v2;
	v2 =	vmul.f32 v55, v50  }
0x217: {  	v12 =	vld [tilespmem:s7+$0x3450];
	[tilespmem:s7+$0x33E0] =	vst v3;
	v3 =	vmul.f32 v57, v61  }
0x218: {  	v13 =	vld [tilespmem:s7+$0x3460];
	[tilespmem:s7+$0x33F0] =	vst v2;
	v2 =	vmul.f32 v58, v61  }
0x219: {  	v15 =	vsel vm12, $0x0, v1;
	v14 =	vld [tilespmem:s7+$0x3470];
	[tilespmem:s7+$0x3400] =	vst v3;
	v3 =	vmul.f32 v60, v61  }
0x21a: {  	(xrf2) =	vadd.scan.msk.f32 $0xffff, v15;
	v16 =	vld [tilespmem:s7+$0x3480];
	[tilespmem:s7+$0x3410] =	vst v2;
	v2 =	vmul.f32 v62, v61  }
0x21b: {  	v17 =	vld [tilespmem:s7+$0x3490];
	[tilespmem:s7+$0x3420] =	vst v3;
	v3 =	vmul.f32 v63, v61  }
0x21c: {  	v18, _, _ =	vpop (xrf2);
	v19 =	vld [tilespmem:s7+$0x34A0];
	[tilespmem:s7+$0x3430] =	vst v2;
	v2 =	vmul.f32 v12, v61  }
0x21d: {  	v20 =	vbroadcast v18, $0xF;
	v21 =	vld [tilespmem:s7+$0x34B0];
	[tilespmem:s7+$0x3440] =	vst v3;
	v3 =	vmul.f32 v13, v61  }
0x21e: {  	v22 =	vld [tilespmem:s7+$0x34C0];
	[tilespmem:s7+$0x3450] =	vst v2;
	v2 =	vmul.f32 v14, v61  }
0x21f: {  	v23 =	vld [tilespmem:s7+$0x34D0];
	[tilespmem:s7+$0x3460] =	vst v3;
	v3 =	vmul.f32 v16, v20  }
0x220: {  	v24 =	vld [tilespmem:s7+$0x34E0];
	[tilespmem:s7+$0x3470] =	vst v2;
	v2 =	vmul.f32 v17, v20  }
0x221: {  	v26 =	vsel vm13, $0x0, v1;
	v25 =	vld [tilespmem:s7+$0x34F0];
	[tilespmem:s7+$0x3480] =	vst v3;
	v3 =	vmul.f32 v19, v20  }
0x222: {  	(xrf2) =	vadd.scan.msk.f32 $0xffff, v26;
	v27 =	vld [tilespmem:s7+$0x3500];
	[tilespmem:s7+$0x3490] =	vst v2;
	v2 =	vmul.f32 v21, v20  }
0x223: {  	v28 =	vld [tilespmem:s7+$0x3510];
	[tilespmem:s7+$0x34A0] =	vst v3;
	v3 =	vmul.f32 v22, v20  }
0x224: {  	v29, _, _ =	vpop (xrf2);
	v30 =	vld [tilespmem:s7+$0x3520];
	[tilespmem:s7+$0x34B0] =	vst v2;
	v2 =	vmul.f32 v23, v20  }
0x225: {  	v31 =	vbroadcast v29, $0xF;
	v32 =	vld [tilespmem:s7+$0x3530];
	[tilespmem:s7+$0x34C0] =	vst v3;
	v3 =	vmul.f32 v24, v20  }
0x226: {  	v33 =	vld [tilespmem:s7+$0x3540];
	[tilespmem:s7+$0x34D0] =	vst v2;
	v2 =	vmul.f32 v25, v20  }
0x227: {  	v34 =	vld [tilespmem:s7+$0x3550];
	[tilespmem:s7+$0x34E0] =	vst v3;
	v3 =	vmul.f32 v27, v31  }
0x228: {  	v35 =	vld [tilespmem:s7+$0x3560];
	[tilespmem:s7+$0x34F0] =	vst v2;
	v2 =	vmul.f32 v28, v31  }
0x229: {  	v37 =	vsel vm14, $0x0, v1;
	v36 =	vld [tilespmem:s7+$0x3570];
	[tilespmem:s7+$0x3500] =	vst v3;
	v3 =	vmul.f32 v30, v31  }
0x22a: {  	(xrf2) =	vadd.scan.msk.f32 $0xffff, v37;
	v38 =	vld [tilespmem:s7+$0x3580];
	[tilespmem:s7+$0x3510] =	vst v2;
	v2 =	vmul.f32 v32, v31  }
0x22b: {  	v39 =	vld [tilespmem:s7+$0x3590];
	[tilespmem:s7+$0x3520] =	vst v3;
	v3 =	vmul.f32 v33, v31  }
0x22c: {  	v40, _, _ =	vpop (xrf2);
	v41 =	vld [tilespmem:s7+$0x35A0];
	[tilespmem:s7+$0x3530] =	vst v2;
	v2 =	vmul.f32 v34, v31  }
0x22d: {  	v42 =	vbroadcast v40, $0xF;
	v43 =	vld [tilespmem:s7+$0x35B0];
	[tilespmem:s7+$0x3540] =	vst v3;
	v3 =	vmul.f32 v35, v31  }
0x22e: {  	v44 =	vld [tilespmem:s7+$0x35C0];
	[tilespmem:s7+$0x3550] =	vst v2;
	v2 =	vmul.f32 v36, v31  }
0x22f: {  	v45 =	vld [tilespmem:s7+$0x35D0];
	[tilespmem:s7+$0x3560] =	vst v3;
	v3 =	vmul.f32 v38, v42  }
0x230: {  	v46 =	vld [tilespmem:s7+$0x35E0];
	[tilespmem:s7+$0x3570] =	vst v2;
	v2 =	vmul.f32 v39, v42  }
0x231: {  	v1 =	vsel vm15, $0x0, v1;
	v47 =	vld [tilespmem:s7+$0x35F0];
	[tilespmem:s7+$0x3580] =	vst v3;
	v3 =	vmul.f32 v41, v42  }
0x232: {  	v48 =	vld [tilespmem:s7+$0x3600];
	(xrf2) =	vadd.scan.msk.f32 $0xffff, v1;
	[tilespmem:s7+$0x3590] =	vst v2;
	v2 =	vmul.f32 v43, v42  }
0x233: {  	v1 =	vmul.f32 v44, v42;
	[tilespmem:s7+$0x35A0] =	vst v3;
	v3 =	vld [tilespmem:s7+$0x3610]  }
0x234: {  	v49, _, _ =	vpop (xrf2);
	v50 =	vld [tilespmem:s7+$0x3620];
	[tilespmem:s7+$0x35B0] =	vst v2;
	v2 =	vmul.f32 v45, v42  }
0x235: {  	v51 =	vld [tilespmem:s7+$0x3630];
	v4 =	vbroadcast v49, $0xF;
	[tilespmem:s7+$0x35C0] =	vst v1;
	v1 =	vmul.f32 v46, v42  }
0x236: {  	v52 =	vld [tilespmem:s7+$0x3640];
	[tilespmem:s7+$0x35D0] =	vst v2;
	v2 =	vmul.f32 v47, v42  }
0x237: {  	v53 =	vld [tilespmem:s7+$0x3650];
	[tilespmem:s7+$0x35E0] =	vst v1;
	v1 =	vmul.f32 v48, v4  }
0x238: {  	[tilespmem:s7+$0x35F0] =	vst v2;
	v2 =	vmul.f32 v3, v4;
	v3 =	vld [tilespmem:s7+$0x3660]  }
0x239: {  	v54 =	vld [tilespmem:s7+$0x3670];
	[tilespmem:s7+$0x3600] =	vst v1;
	v1 =	vmul.f32 v50, v4  }
0x23a: {  	v55 =	vld [tilespmem:s7+$0x3680];
	[tilespmem:s7+$0x3610] =	vst v2;
	v2 =	vmul.f32 v51, v4  }
0x23b: {  	v56 =	vld [tilespmem:s7+$0x3690];
	[tilespmem:s7+$0x3620] =	vst v1;
	v1 =	vmul.f32 v52, v4  }
0x23c: {  	v57, _, _ =	vpop (xrf2);
	v58 =	vld [tilespmem:s7+$0x36A0];
	[tilespmem:s7+$0x3630] =	vst v2;
	v2 =	vmul.f32 v53, v4  }
0x23d: {  	v59 =	vld [tilespmem:s7+$0x36B0];
	[tilespmem:s7+$0x3640] =	vst v1;
	v1 =	vmul.f32 v3, v4;
	v3 =	vbroadcast v57, $0xF  }
0x23e: {  	v60 =	vld [tilespmem:s7+$0x36C0];
	[tilespmem:s7+$0x3650] =	vst v2;
	v2 =	vmul.f32 v54, v4  }
0x23f: {  	v61 =	vld [tilespmem:s7+$0x36D0];
	[tilespmem:s7+$0x3660] =	vst v1;
	v1 =	vmul.f32 v55, v3  }
0x240: {  	v62 =	vld [tilespmem:s7+$0x36E0];
	[tilespmem:s7+$0x3670] =	vst v2;
	v2 =	vmul.f32 v56, v3  }
0x241: {  	v63 =	vld [tilespmem:s7+$0x36F0];
	[tilespmem:s7+$0x3680] =	vst v1;
	v1 =	vmul.f32 v58, v3  }
0x242: {  	[tilespmem:s7+$0x3690] =	vst v2;
	v2 =	vmul.f32 v59, v3  }
0x243: {  	p1 =	sne.s32 s5, $0x4;
	[tilespmem:s7+$0x36A0] =	vst v1;
	v1 =	vmul.f32 v60, v3  }
.Ltmp8:
0x244: {  	[tilespmem:s7+$0x36B0] =	vst v2;
	v2 =	vmul.f32 v61, v3;
	(pc) =	sbr.rel @p1 .LBB2_12-.Ltmp8, $4  }
0x245: {  	[tilespmem:s7+$0x36C0] =	vst v1;
	v1 =	vmul.f32 v62, v3  }
0x246: {  	[tilespmem:s7+$0x36D0] =	vst v2;
	v2 =	vmul.f32 v63, v3  }
0x247: {  	[tilespmem:s7+$0x36E0] =	vst v1  }
0x248: {  	s5 =	sadd.s32 $0x1, s5;
	[tilespmem:s7+$0x36F0] =	vst v2  }
.Ltmp9:
0x249: {  	(pc) =	sbr.rel .LBB2_4-.Ltmp9, $4  }
0x24a: {  	[spmem:s3] =	stream.indirect.scatter.add.f32 [tilespmem:s30], [sflag:$0x5], $0x80, s29, s18, $0xb8;
	[tilespmem:$0x18F80] =	vst v63  }
0x24b: {  	_ =	swait.ge [sflag:s9], $0x2800  }
0x24c: {  	[sflag:s9] =	ssyncset.done $0x0  }
0x24d: {  	s0 =	sadd.s32 $0x1, s0;
	[sflag:s9] =	ssyncadd.s32 $0xFFFFD800  }
.LBB2_15:
0x24e: {  	_ =	sfence.sel $0x180000  }
0x24f: {  	[bflag:$0x0] =	sbarrier.arrive $0xFFFF  }
0x250: {  	_ =	strace $0x9000004A  }
0x251: {  	s0 =	stileid.u32;
	[bflag:$0x2] =	sbarrier.arrive $0xFFFF  }
0x252: {  	p0 =	sne.s32 s0, $0x0;
	s0 =	rddreg [dreg:$0x4]  }
0x253: {  	s0 =	sadd.s32 @!p0 $0x100000, s0  }
0x254: {  	[sflag:s0] =	ssyncadd.tile.s32 @!p0 $0x1;
	_ =	shalt  }
.Lfunc_end2:
_tile_overlayer_lowered:
.L_overlay_start_2:
0x255: {  	(tag) =	ssettag $0x2  }
0x256: {  	s0 =	rddreg [dreg:$0x0];
	s2 =	stileid.u32  }
0x257: {  	s1 =	rddreg [dreg:$0x1];
	p0 =	sne.s32 s2, $0x0  }
0x258: {  	s3 =	rddreg [dreg:$0x2];
	[bflag:$0x3] =	sbarrier.arrive $0xFFFF;
	s2 =	simm.s32 @!p0 $0x1C05  }
0x259: {  	[timem:s3], [sflag:s2] =	dma.local @!p0 [hbm:s0], s1  }
0x25a: {  	s0 =	simm.s32 @!p0 $0x5  }
0x25b: {  	_ =	swait.ge @!p0 [sflag:s0], s1  }
0x25c: {  	s1 =	ssub.s32 @!p0 $0x0, s1;
	[sflag:s0] =	ssyncset.done @!p0 $0x0  }
0x25d: {  	[sflag:s0] =	ssyncadd.s32 @!p0 s1  }
0x25e: {  	[bflag:$0x3] =	sbarrier.arrive $0xFFFF  }
0x25f: {  	_ =	shalt  }

// kernel: kernel.7.cloned.1.call-start
scs
__scs_entry_jumppad:
0x0: {  	(pc) =	sbr.rel $0x88, $3  }
0x1: {  	(tag) =	ssettag $0x0;
	lr =	simm.s32 $0x1  }
0x2: {  	[smem:$0x3F9B] =	sst lr;
	_ =	strace $0xD0000000  }
0x3: {  	_ = 	snop  }
0x4: {  	_ = 	snop  }
0x5: {  	_ = 	snop  }
0x6: {  	_ = 	snop  }
0x7: {  	_ = 	snop  }
__scs_overlays_trampoline_lowered:
0x8: {  	[smem:$0x3FAA] =	sst s0  }
0x9: {  	[smem:$0x3FAB] =	sst s1  }
0xa: {  	[smem:$0x3FAC] =	sst s2  }
0xb: {  	[smem:$0x3FAD] =	sst s3  }
0xc: {  	[smem:$0x3FAE] =	sst s4  }
0xd: {  	[smem:$0x3FAF] =	sst s5  }
0xe: {  	[smem:$0x3FB0] =	sst s6  }
0xf: {  	[smem:$0x3FB1] =	sst s7  }
0x10: {  	[smem:$0x3FB2] =	sst s8  }
0x11: {  	[smem:$0x3FB3] =	sst s9;
	s0 =	simm.s32 @!p0 $0x0  }
0x12: {  	s1 =	sld [smem:$0x3F99];
	s0 =	simm.s32 @p0 $0x1  }
0x13: {  	[smem:$0x3FB4] =	sst s0;
	s0 =	simm.s32 @!p1 $0x0  }
0x14: {  	s2 =	sld [smem:$0x3F98];
	s0 =	simm.s32 @p1 $0x1  }
0x15: {  	[smem:$0x3FB5] =	sst s0;
	s0 =	simm.s32 @!p2 $0x0  }
0x16: {  	s3 =	sld [smem:$0x3FDB];
	s0 =	simm.s32 @p2 $0x1  }
0x17: {  	s4 =	simm.s32 $0x1BF5;
	[smem:$0x3FB7] =	sst s0  }
0x18: {  	s0 =	sld [smem:$0x3F9A];
	_ =	swait.ge [sflag:s4], $0x0  }
0x19: {  	s7 =	sld [smem:$0x3F9B]  }
0x1a: {  	s8 =	sadd.s32 $0xFFFFE003, lr  }
0x1b: {  	s9 =	sadd.s32 $0xFFFFFEF7, lr;
	s5 =	simm.s32 $0xFFFFFFFF;
	p2 =	slt.u32 s8, $0xFFFFF086  }
0x1c: {  	p1 =	slt.u32 s9, $0xF7A;
	s5 =	simm.s32 @!p2 $0x0  }
0x1d: {  	s5 =	simm.s32 @p1 $0x1;
	p0 =	seq.s32 s7, s2  }
0x1e: {  	s7 =	smul.u32 @!p0 $0xF7A, s2;
	p2 =	seq.s32 @!p0 s5, $0x0  }
0x1f: {  	s9 =	smul.u32 $0xF7A, s1;
	s8 =	simm.s32 @!p0 $0x1BF5;
	p2 =	por !p2, p0  }
0x20: {  	[sflag:s8] =	ssyncset.s32 @!p0 $0xFFFFF086;
	s6 =	sadd.s32 @!p0 s3, s7;
	s7 =	simm.s32 @!p0 $0x108  }
0x21: {  	s3 =	sadd.s32 s3, s9;
	s6 =	sadd.s32 @!p0 $0x88, s6;
	s7 =	simm.s32 @p2 $0x1082  }
0x22: {  	[simem:s7], [sflag:s8] =	dma.local @!p0 [hbm:s6], $0xF7A  }
0x23: {  	s9 =	sor.u32 $0xD0000000, s2;
	s6 =	simm.s32 $0x108;
	_ =	swait.ge @!p0 [sflag:s8], $0x0  }
0x24: {  	s3 =	sadd.s32 $0x88, s3;
	s6 =	simm.s32 @!p1 $0x1082;
	[sflag:s4] =	ssyncset.s32 $0xFFFFF086  }
0x25: {  	[simem:s6], [sflag:s4] =	dma.local [hbm:s3], $0xF7A  }
0x26: {  	[smem:$0x3F9B] =	sst s1;
	(tag) =	ssettag s2;
	_ =	strace s9  }
0x27: {  	s1 =	sld [smem:$0x3FAB]  }
0x28: {  	s2 =	sld [smem:$0x3FAC]  }
0x29: {  	s4 =	sld [smem:$0x3FAE]  }
0x2a: {  	p0 =	seq.s32 s5, $0x0;
	s5 =	sld [smem:$0x3FAF]  }
0x2b: {  	s6 =	sld [smem:$0x3FB0]  }
0x2c: {  	s7 =	sld [smem:$0x3FB1]  }
0x2d: {  	s3 =	simm.s32 $0x108;
	s8 =	sld [smem:$0x3FB2]  }
0x2e: {  	s3 =	simm.s32 @!p0 $0x1082;
	s9 =	sld [smem:$0x3FB3]  }
0x2f: {  	lr =	sadd.s32 s0, s3;
	s0 =	sld [smem:$0x3FAA]  }
0x30: {  	s3 =	sld [smem:$0x3FAD]  }
0x31: {  	[smem:$0x3FB6] =	sst s10  }
0x32: {  	s10 =	sld [smem:$0x3FB4];
	_ =	sdelay $0x3  }
0x33: {  	p0 =	seq.s32 s10, $0x1;
	s10 =	sld [smem:$0x3FB6];
	_ =	sdelay $0x3  }
0x34: {  	[smem:$0x3FB6] =	sst s10  }
0x35: {  	s10 =	sld [smem:$0x3FB5];
	_ =	sdelay $0x3  }
0x36: {  	p1 =	seq.s32 s10, $0x1;
	s10 =	sld [smem:$0x3FB6];
	_ =	sdelay $0x3  }
0x37: {  	[smem:$0x3FB6] =	sst s10  }
0x38: {  	s10 =	sld [smem:$0x3FB7]  }
0x39: {  	_ = 	snop;
	(pc) =	sbr.ind lr, $3  }
0x3a: {  	_ = 	snop  }
0x3b: {  	_ = 	snop  }
0x3c: {  	p2 =	seq.s32 s10, $0x1;
	s10 =	sld [smem:$0x3FB6]  }
0x3d: {  	_ =	shalt  }
0x3e: {  	_ =	shalt  }
0x3f: {  	_ =	shalt  }
0x40: {  	_ =	shalt  }
0x41: {  	_ =	shalt  }
0x42: {  	_ =	shalt  }
0x43: {  	_ =	shalt  }
0x44: {  	_ =	shalt  }
0x45: {  	_ =	shalt  }
0x46: {  	_ =	shalt  }
0x47: {  	_ =	shalt  }
0x48: {  	_ =	shalt  }
0x49: {  	_ =	shalt  }
0x4a: {  	_ =	shalt  }
0x4b: {  	_ =	shalt  }
0x4c: {  	_ =	shalt  }
0x4d: {  	_ =	shalt  }
0x4e: {  	_ =	shalt  }
0x4f: {  	_ =	shalt  }
0x50: {  	_ =	shalt  }
0x51: {  	_ =	shalt  }
0x52: {  	_ =	shalt  }
0x53: {  	_ =	shalt  }
0x54: {  	_ =	shalt  }
0x55: {  	_ =	shalt  }
0x56: {  	_ =	shalt  }
0x57: {  	_ =	shalt  }
0x58: {  	_ =	shalt  }
0x59: {  	_ =	shalt  }
0x5a: {  	_ =	shalt  }
0x5b: {  	_ =	shalt  }
0x5c: {  	_ =	shalt  }
0x5d: {  	_ =	shalt  }
0x5e: {  	_ =	shalt  }
0x5f: {  	_ =	shalt  }
0x60: {  	_ =	shalt  }
0x61: {  	_ =	shalt  }
0x62: {  	_ =	shalt  }
0x63: {  	_ =	shalt  }
0x64: {  	_ =	shalt  }
0x65: {  	_ =	shalt  }
0x66: {  	_ =	shalt  }
0x67: {  	_ =	shalt  }
0x68: {  	_ =	shalt  }
0x69: {  	_ =	shalt  }
0x6a: {  	_ =	shalt  }
0x6b: {  	_ =	shalt  }
0x6c: {  	_ =	shalt  }
0x6d: {  	_ =	shalt  }
0x6e: {  	_ =	shalt  }
0x6f: {  	_ =	shalt  }
0x70: {  	_ =	shalt  }
0x71: {  	_ =	shalt  }
0x72: {  	_ =	shalt  }
0x73: {  	_ =	shalt  }
0x74: {  	_ =	shalt  }
0x75: {  	_ =	shalt  }
0x76: {  	_ =	shalt  }
0x77: {  	_ =	shalt  }
0x78: {  	_ =	shalt  }
0x79: {  	_ =	shalt  }
0x7a: {  	_ =	shalt  }
0x7b: {  	_ =	shalt  }
0x7c: {  	_ =	shalt  }
0x7d: {  	_ =	shalt  }
0x7e: {  	_ =	shalt  }
0x7f: {  	_ =	shalt  }
0x80: {  	_ =	shalt  }
0x81: {  	_ =	shalt  }
0x82: {  	_ =	shalt  }
0x83: {  	_ =	shalt  }
0x84: {  	_ =	shalt  }
0x85: {  	_ =	shalt  }
0x86: {  	_ =	shalt  }
0x87: {  	_ =	shalt  }
.Lfunc_end0:
.L_simem_size_0:
called_computation_lowered:
.L_overlay_start_0:
0x88: {  	s2 =	sld [smem:$0x3FD9]  }
0x89: {  	s3 =	sld [smem:$0x3FFE];
	_ =	sdelay $0x1  }
0x8a: {  	s1 =	srdreg.scid  }
0x8b: {  	s0 =	sand.u32 $0x1, s1  }
0x8c: {  	s17 =	sshll.u32 s0, $0xA;
	s2 =	sadd.s32 s3, s2  }
0x8d: {  	s2 =	sadd.s32 s2, s17  }
0x8e: {  	[smem:$0x3FC2] =	sst s2  }
0x8f: {  	_ = 	snop  }
0x90: {  	s2 =	sld [smem:$0x3FC7]  }
0x91: {  	s18 =	sld [smem:$0x3FD0];
	(tm) =	ssettm $0x1  }
0x92: {  	s4 =	sld [smem:$0x3FFB];
	_ =	sdelay $0x3  }
0x93: {  	_ =	strace s4  }
0x94: {  	s4 =	sld [smem:$0x3FFC];
	_ =	sdelay $0x3  }
0x95: {  	_ =	strace s4  }
0x96: {  	s4 =	sld [smem:$0x3FFD];
	_ =	sdelay $0x3  }
0x97: {  	_ =	strace s4  }
0x98: {  	_ =	strace $0x8FFFFFFF  }
0x99: {  	s19 =	sld [smem:$0x3FDB];
	_ =	sdelay $0x1  }
0x9a: {  	s5 =	simm.s32 $_scs_section_size  }
0x9b: {  	s6 =	simm.s32 $_size__tile_overlayer_lowered;
	s7 =	simm.s32 $_tile_overlayer_lowered  }
0x9c: {  	s22 =	simm.s32 $0x1BFF;
	s21 =	sshll.u32 s7, $0x1;
	s4 =	sadd.s32 s5, s19  }
0x9d: {  	s8 =	simm.s32 $0x0;
	s20 =	sshll.u32 s6, $0x1;
	s6 =	sadd.s32 s21, s4  }
0x9e: {  	[timem:s8], [sflag:s22] =	dma.local [hbm:s6], s20  }
0x9f: {  	_ =	swait.ge [sflag:s22], s20  }
0xa0: {  	s5 =	ssub.s32 $0x0, s20;
	[sflag:s22] =	ssyncset.done $0x0  }
0xa1: {  	[sflag:s22] =	ssyncadd.s32 s5;
	_ =	sdelay $0x1  }
0xa2: {  	s23 =	simm.s32 $0x1B8B  }
0xa3: {  	_ =	swait.ge [sflag:s23], $0x1  }
0xa4: {  	[sflag:s23] =	ssyncset.done $0x0  }
0xa5: {  	s25 =	simm.s32 $0x1B8E;
	s24 =	sld [smem:$0x3FFE];
	[sflag:s23] =	ssyncadd.s32 $0xFFFFFFFF  }
0xa6: {  	s26 =	simm.s32 $execute0_lowered;
	[smem:$0x3FD2] =	sst s25  }
0xa7: {  	s6 =	sshll.u32 s26, $0x1;
	_ =	strace $0x80000046;
	[dreg:$0x1] =	wrdreg $0xFFFFFFFF  }
0xa8: {  	s28 =	simm.s32 $_size_execute0_lowered;
	s4 =	sadd.s32 s4, s6;
	[dreg:$0x0] =	wrdreg $0x0  }
0xa9: {  	s6 =	sshll.u32 s28, $0x1;
	[dreg:$0x2] =	wrdreg s4  }
0xaa: {  	[dreg:$0x3] =	wrdreg s6  }
0xab: {  	[dreg:$0x4] =	wrdreg $0xC0  }
0xac: {  	_ =	task [dreg:s8], $0x5FFFF  }
0xad: {  	[dreg:$0x1] =	wrdreg $0xFFFFFFFF  }
0xae: {  	[dreg:$0x0] =	wrdreg $0x60  }
0xaf: {  	[dreg:$0x2] =	wrdreg s18  }
0xb0: {  	[dreg:$0x3] =	wrdreg s2  }
0xb1: {  	[dreg:$0x4] =	wrdreg s24  }
0xb2: {  	[dreg:$0x5] =	wrdreg $0x9  }
0xb3: {  	_ =	task.clear_ibuf [dreg:s8], $0x6FFFF;
	_ =	strace $0x90000046  }
0xb4: {  	s29 =	simm.s32 $0x9;
	_ =	strace $0x80000048  }
0xb5: {  	_ =	swait.ge [sflag:s29], $0x1  }
0xb6: {  	[sflag:s29] =	ssyncadd.s32 $0xFFFFFFFF  }
0xb7: {  	_ =	strace $0x90000048  }
0xb8: {  	_ =	sfence  }
0xb9: {  	s30 =	sld [smem:$0x0];
	_ =	sdelay $0x2  }
0xba: {  	s31 =	sshll.u32 s1, $0xD;
	s1 =	sshrl.u32 s1, $0x2  }
0xbb: {  	s3 =	sand.u32 $0x4000, s31;
	s1 =	sadd.s32 s1, s30  }
0xbc: {  	s0 =	sor.u32 s3, s0;
	s1 =	sshll.u32 s1, $0x11  }
0xbd: {  	s0 =	sor.u32 s1, s0  }
0xbe: {  	s0 =	sadd.s32 $0x8F2B, s0  }
0xbf: {  	[sflag:s0] =	ssyncadd.remote.s32 $0x1  }
0xc0: {  	_ =	sfence.sel $0xFFFF  }
0xc1: {  	[dreg:$0x0] =	wrdreg $0xFFFFFFFF;
	(pc) =	sbr.abs _section_cstart, $3  }
0xc2: {  	[dreg:$0x1] =	wrdreg $0xFFFFFFFF  }
0xc3: {  	_ =	task.clear_ibuf [dreg:s8], $0x2FFFF;
	_ =	strace $0x9FFFFFFF  }
0xc4: {  	(tm) =	ssettm $0x7FFFFFFF  }
0xc5: {  	_ =	shalt  }
tec
execute0_lowered:
.L_overlay_start_1:
0x0: {  	(tag) =	ssettag $0x1  }
0x1: {  	s3 =	rddreg [dreg:$0x0]  }
0x2: {  	s1 =	srdreg.scid;
	s4 =	rddreg [dreg:$0x1]  }
0x3: {  	s0 =	stileid.u32;
	s6 =	rddreg [dreg:$0x2]  }
0x4: {  	s2 =	simm.s32 $0x0;
	s5 =	sand.u32 $0x1, s1;
	s30 =	sshll.u32 s0, $0x1  }
0x5: {  	s9 =	simm.s32 $0x4F00;
	s10 =	simm.s32 $0x0;
	s7 =	sor.u32 s5, s30  }
0x6: {  	s1 =	rddreg [dreg:$0x3];
	s5 =	ssub.s32 $0x2, s5;
	s8 =	smul.u32 $0x2710, s7  }
0x7: {  	[smem:$0x7FF] =	sst s2;
	s7 =	smul.u32 $0x4E2, s7;
	s31 =	sshrl.u32 s5, $0x1  }
0x8: {  	_ =	strace $0x80000047;
	s6 =	sadd.s32 s8, s6;
	s8 =	ssub.s32 s5, s31  }
0x9: {  	s3 =	sadd.s32 s3, s7;
	s4 =	sadd.s32 s4, s7;
	s7 =	simm.s32 $0x1  }
0xa: {  	v0 =	vimm.f32 $0.0e+00;
	v1 =	vimm.f32 $1.000000000e+00;
	s5 =	sadd.s32 $0xB000, s6;
	s6 =	smax.u32 s8, $0x1;
	s8 =	simm.s32 $0x2780  }
.LBB2_1:
0xb: {  	s11 =	simm.s32 $0x40;
	s12 =	simm.s32 $0x0  }
.LBB2_2:
0xc: {  	p0 =	sne.s32 s11, $0x4E1C0;
	[tilespmem:s12+$0x4F00] =	vst v0;
	s12 =	smov.u32 s11;
	s11 =	sadd.s32 $0x40, s11  }
.Ltmp0:
0xd: {  	(pc) =	sbr.rel @p0 .LBB2_2-.Ltmp0, $2  }
0xe: {  	_ =	sdelay $0x2  }
0xf: {  	s12 =	sshra.s32 s12, $0x2  }
0x10: {  	[tilespmem:s12+$0x4F00] =	vst v0;
	s11 =	simm.s32 $0x0  }
0x11: {  	[tilespmem:s11], [sflag:$0x1] =	stream.linear.gather [hbm4b:s3+s11], $0x2710, $0x38;
	[tilespmem:$0x18780] =	vst v63  }
0x12: {  	_ =	swait.ge [sflag:s7], $0x2710  }
0x13: {  	[sflag:s7] =	ssyncset.done $0x0  }
0x14: {  	[sflag:s7] =	ssyncadd.s32 $0xFFFFD8F0  }
0x15: {  	[tilespmem:s8], [sflag:$0x1] =	stream.linear.gather [hbm4b:s4+s11], $0x2710, $0x38;
	[tilespmem:$0x18780] =	vst v63  }
0x16: {  	_ =	swait.ge [sflag:s7], $0x2710  }
0x17: {  	[sflag:s7] =	ssyncset.done $0x0  }
0x18: {  	s12 =	simm.s32 $0x0;
	s11 =	simm.s32 $0x40;
	[sflag:s7] =	ssyncadd.s32 $0xFFFFD8F0  }
.LBB2_4:
0x19: {  	p0 =	sne.s32 s11, $0x9C00;
	v2 =	vld [tilespmem:s12+$0x0]  }
0x1a: {  	v3 =	vld [tilespmem:s12+$0x2780];
	_ =	sdelay $0x3  }
0x1b: {  	v2 =	vshll.u32 v2, $0x3  }
0x1c: {  	v2 =	vadd.s32 v3, v2  }
.Ltmp1:
0x1d: {  	(pc) =	sbr.rel @p0 .LBB2_4-.Ltmp1, $2  }
0x1e: {  	_ =	sdelay $0x2  }
0x1f: {  	s12 =	sshra.s32 s11, $0x2;
	s11 =	sadd.s32 $0x40, s11;
	[tilespmem:v2+s9+$0x0] =	vst.idx.add.f32.msk $0xffff, v1  }
0x20: {  	v2 =	vld [tilespmem:s12+$0x0]  }
0x21: {  	v3 =	vld [tilespmem:s12+$0x2780];
	_ =	sdelay $0x3  }
0x22: {  	v2 =	vshll.u32 v2, $0x3  }
0x23: {  	v2 =	vadd.s32 v3, v2;
	_ =	sdelay $0x2  }
0x24: {  	s10 =	sadd.s32 $0x1, s10  }
0x25: {  	p0 =	sne.s32 s10, s6  }
.Ltmp2:
0x26: {  	[tilespmem:v2+s9+$0x0] =	vst.idx.add.f32.msk $0xffff, v1;
	(pc) =	sbr.rel @p0 .LBB2_1-.Ltmp2, $4  }
0x27: {  	[hbm4b:s5+s2] =	stream.linear.scatter [tilespmem:s9], [sflag:$0x1], $0x13880, $0x38;
	[tilespmem:$0x18780] =	vst v63  }
0x28: {  	_ =	swait.ge [sflag:s7], $0x13880  }
0x29: {  	[sflag:s7] =	ssyncset.done $0x0  }
0x2a: {  	[sflag:s7] =	ssyncadd.s32 $0xFFFEC780  }
0x2b: {  	_ =	sfence.sel $0x180000  }
0x2c: {  	[bflag:$0x0] =	sbarrier.arrive $0xFFFF  }
0x2d: {  	p0 =	sne.s32 s0, $0x0;
	_ =	strace $0x90000047  }
0x2e: {  	s0 =	sadd.s32 @!p0 $0x100000, s1;
	[bflag:$0x2] =	sbarrier.arrive $0xFFFF  }
0x2f: {  	[sflag:s0] =	ssyncadd.tile.s32 @!p0 $0x1;
	_ =	shalt  }
.Lfunc_end2:
_tile_overlayer_lowered:
.L_overlay_start_2:
0x30: {  	(tag) =	ssettag $0x2  }
0x31: {  	s0 =	rddreg [dreg:$0x0];
	s2 =	stileid.u32  }
0x32: {  	s1 =	rddreg [dreg:$0x1];
	p0 =	sne.s32 s2, $0x0  }
0x33: {  	s3 =	rddreg [dreg:$0x2];
	[bflag:$0x3] =	sbarrier.arrive $0xFFFF;
	s2 =	simm.s32 @!p0 $0x1C01  }
0x34: {  	[timem:s3], [sflag:s2] =	dma.local @!p0 [hbm:s0], s1  }
0x35: {  	s0 =	simm.s32 @!p0 $0x1  }
0x36: {  	_ =	swait.ge @!p0 [sflag:s0], s1  }
0x37: {  	s1 =	ssub.s32 @!p0 $0x0, s1;
	[sflag:s0] =	ssyncset.done @!p0 $0x0  }
0x38: {  	[sflag:s0] =	ssyncadd.s32 @!p0 s1  }
0x39: {  	[bflag:$0x3] =	sbarrier.arrive $0xFFFF  }
0x3a: {  	_ =	shalt  }

</sc_bundles>
